<compile_context>
chip_gen: v7x
topology: tpu7x:2x2x1
jax: 0.10.2.dev20260603
libtpu: 0.0.44.dev20260713+nightly
codegen_flags: <defaults>
</compile_context>

<pallas_src>
import functools

import jax
import jax.numpy as jnp
from jax import lax
from jax.experimental import pallas as pl
from jax.experimental.pallas import tpu as pltpu
from jax.experimental.pallas import tpu_sc as plsc

N = 10000
E = 320000
D = 128
R = 8
RN = N * R
NC = 2
NS = 16
NW = NC * NS
EPW = E // NW
C = 80
NCH = EPW // C
NP = 10240
RPT = NP // NS
ZR = 32

_mesh = plsc.VectorSubcoreMesh(core_axis_name="c", subcore_axis_name="s")
_sc_params = pltpu.CompilerParams(needs_layout_passes=False)


def _count_body(src_hbm, dst_hbm, typ_hbm, cnt_hbm, gidx_hbm, widx_hbm,
                cntv, sbuf, dbuf, tbuf, gbuf, wbuf):
    cid = lax.axis_index("c")
    sid = lax.axis_index("s")
    wid = sid * NC + cid
    zeros = jnp.zeros((16,), jnp.float32)

    def zero(i, carry):
        for k in range(4):
            cntv[pl.ds(i * 64 + k * 16, 16)] = zeros
        return carry
    lax.fori_loop(0, RN // 64, zero, 0)

    ones = jnp.ones((16,), jnp.float32)

    def chunk(g, carry):
        base = wid * EPW + g * C
        pltpu.sync_copy(src_hbm.at[pl.ds(base, C)], sbuf)
        pltpu.sync_copy(dst_hbm.at[pl.ds(base, C)], dbuf)
        pltpu.sync_copy(typ_hbm.at[pl.ds(base, C)], tbuf)
        for i in range(C // 16):
            sl = pl.ds(i * 16, 16)
            t = tbuf[sl]
            gv = sbuf[sl] * R + t
            wv = dbuf[sl] * R + t
            gbuf[sl] = gv
            wbuf[sl] = wv
            plsc.addupdate_scatter(cntv, [wv], ones)
        pltpu.sync_copy(gbuf, gidx_hbm.at[pl.ds(base, C)])
        pltpu.sync_copy(wbuf, widx_hbm.at[pl.ds(base, C)])
        return carry
    lax.fori_loop(0, NCH, chunk, 0)
    pltpu.sync_copy(cntv, cnt_hbm.at[pl.ds(wid * RN, RN)])


_count_call = functools.partial(
    pl.kernel,
    out_type=(
        jax.ShapeDtypeStruct((NW * RN,), jnp.float32),
        jax.ShapeDtypeStruct((E,), jnp.int32),
        jax.ShapeDtypeStruct((E,), jnp.int32),
    ),
    mesh=_mesh,
    scratch_types=[
        pltpu.VMEM((RN,), jnp.float32),
        pltpu.VMEM((C,), jnp.int32),
        pltpu.VMEM((C,), jnp.int32),
        pltpu.VMEM((C,), jnp.int32),
        pltpu.VMEM((C,), jnp.int32),
        pltpu.VMEM((C,), jnp.int32),
    ],
    compiler_params=_sc_params,
)(_count_body)


CW = 400
NCHW = EPW // CW


def _wgt_body(widx_hbm, recip_hbm, w_hbm, recv, wbuf, wvals):
    cid = lax.axis_index("c")
    sid = lax.axis_index("s")
    wid = sid * NC + cid
    pltpu.sync_copy(recip_hbm, recv)

    def chunk(g, carry):
        base = wid * EPW + g * CW
        pltpu.sync_copy(widx_hbm.at[pl.ds(base, CW)], wbuf)
        for i in range(CW // 16):
            sl = pl.ds(i * 16, 16)
            wvals[sl] = plsc.load_gather(recv, [wbuf[sl]])
        pltpu.sync_copy(wvals, w_hbm.at[pl.ds(base, CW)])
        return carry
    lax.fori_loop(0, NCHW, chunk, 0)


_wgt_call = functools.partial(
    pl.kernel,
    out_type=jax.ShapeDtypeStruct((E,), jnp.float32),
    mesh=_mesh,
    scratch_types=[
        pltpu.VMEM((RN,), jnp.float32),
        pltpu.VMEM((CW,), jnp.int32),
        pltpu.VMEM((CW,), jnp.float32),
    ],
    compiler_params=_sc_params,
)(_wgt_body)


def _agg_body(gidx_hbm, w_hbm, dst_hbm, ptab_hbm, u_hbm,
              gbuf, dbuf, rows, wvals, zbuf, acc, sem):
    cid = lax.axis_index("c")
    sid = lax.axis_index("s")
    wid = sid * NC + cid

    zeros = jnp.zeros((16,), jnp.float32)
    for i in range(ZR):
        for k in range(8):
            zbuf[i, pl.ds(k * 16, 16)] = zeros

    def zero_acc(i, carry):
        pltpu.sync_copy(zbuf, acc.at[pl.ds(sid * RPT + i * ZR, ZR)])
        return carry
    lax.fori_loop(0, RPT // ZR, zero_acc, 0)
    plsc.subcore_barrier()

    def chunk(g, carry):
        base = wid * EPW + g * C
        pltpu.sync_copy(gidx_hbm.at[pl.ds(base, C)], gbuf)
        pltpu.sync_copy(w_hbm.at[pl.ds(base, C)], wvals)
        pltpu.sync_copy(dst_hbm.at[pl.ds(base, C)], dbuf)
        pltpu.async_copy(ptab_hbm.at[gbuf], rows, sem).wait()

        def scale(e, inner):
            w = plsc.load_gather(wvals, [jnp.full((16,), e, jnp.int32)])
            for k in range(8):
                csl = pl.ds(k * 16, 16)
                rows[e, csl] = rows[e, csl] * w
            return inner
        lax.fori_loop(0, C, scale, 0)
        pltpu.sync_copy(rows, acc.at[dbuf], add=True)
        return carry
    lax.fori_loop(0, NCH, chunk, 0)
    plsc.subcore_barrier()
    pltpu.sync_copy(acc.at[pl.ds(sid * RPT, RPT)],
                    u_hbm.at[cid, pl.ds(sid * RPT, RPT)])


_agg_call = functools.partial(
    pl.kernel,
    out_type=jax.ShapeDtypeStruct((NC, NP, D), jnp.float32),
    mesh=_mesh,
    scratch_types=[
        pltpu.VMEM((C,), jnp.int32),
        pltpu.VMEM((C,), jnp.int32),
        pltpu.VMEM((C, D), jnp.float32),
        pltpu.VMEM((C,), jnp.float32),
        pltpu.VMEM((ZR, D), jnp.float32),
        pltpu.VMEM_SHARED((NP, D), jnp.float32),
        pltpu.SemaphoreType.DMA,
    ],
    compiler_params=_sc_params,
)(_agg_body)


NB = 10
BR = N // NB


def _recip_body(cnt_ref, out_ref):
    c = jnp.sum(cnt_ref[...], axis=0)
    out_ref[...] = 1.0 / jnp.maximum(c, 1.0)


def _recip_call(cnt):
    return pl.pallas_call(
        _recip_body,
        out_shape=jax.ShapeDtypeStruct((RN // D, D), jnp.float32),
    )(cnt.reshape(NW, RN // D, D))


def _tca_body(x_ref, w1_ref, b1_ref, wstk_ref, wroot_ref, brg_ref,
              p_ref, root_ref):
    h = jnp.dot(x_ref[...], w1_ref[...].T,
                preferred_element_type=jnp.float32) + b1_ref[...]
    h = jnp.where(h >= 0, h, 0.01 * h)
    p_ref[...] = jnp.dot(h, wstk_ref[...], preferred_element_type=jnp.float32)
    root_ref[...] = jnp.dot(h, wroot_ref[...],
                            preferred_element_type=jnp.float32) + brg_ref[...]


def _tca_call(x, W1, b1, wstk, wroot, brg):
    full = lambda s: pl.BlockSpec(s, lambda i: (0, 0))
    return pl.pallas_call(
        _tca_body,
        grid=(NB,),
        in_specs=[
            pl.BlockSpec((BR, D), lambda i: (i, 0)),
            full((D, D)), full((1, D)), full((D, R * D)), full((D, D)),
            full((1, D)),
        ],
        out_specs=[
            pl.BlockSpec((BR, R * D), lambda i: (i, 0)),
            pl.BlockSpec((BR, D), lambda i: (i, 0)),
        ],
        out_shape=[
            jax.ShapeDtypeStruct((N, R * D), jnp.float32),
            jax.ShapeDtypeStruct((N, D), jnp.float32),
        ],
    )(x, W1, b1.reshape(1, D), wstk, wroot, brg.reshape(1, D))


def _tcb_body(root_ref, u_ref, wstk_ref, wroot_ref, brg_ref,
              p_ref, root2_ref):
    h = root_ref[...] + u_ref[0] + u_ref[1]
    p_ref[...] = jnp.dot(h, wstk_ref[...], preferred_element_type=jnp.float32)
    root2_ref[...] = jnp.dot(h, wroot_ref[...],
                             preferred_element_type=jnp.float32) + brg_ref[...]


def _tcb_call(root, u, wstk, wroot, brg):
    full = lambda s: pl.BlockSpec(s, lambda i: (0, 0))
    return pl.pallas_call(
        _tcb_body,
        grid=(NB,),
        in_specs=[
            pl.BlockSpec((BR, D), lambda i: (i, 0)),
            pl.BlockSpec((NC, BR, D), lambda i: (0, i, 0)),
            full((D, R * D)), full((D, D)), full((1, D)),
        ],
        out_specs=[
            pl.BlockSpec((BR, R * D), lambda i: (i, 0)),
            pl.BlockSpec((BR, D), lambda i: (i, 0)),
        ],
        out_shape=[
            jax.ShapeDtypeStruct((N, R * D), jnp.float32),
            jax.ShapeDtypeStruct((N, D), jnp.float32),
        ],
    )(root, u, wstk, wroot, brg.reshape(1, D))


def _tcc_body(root_ref, u_ref, w2_ref, b2_ref, y_ref):
    h = root_ref[...] + u_ref[0] + u_ref[1]
    y = jnp.dot(h, w2_ref[...].T,
                preferred_element_type=jnp.float32) + b2_ref[...]
    y_ref[...] = jnp.where(y >= 0, y, 0.01 * y)


def _tcc_call(root, u, W2, b2):
    full = lambda s: pl.BlockSpec(s, lambda i: (0, 0))
    return pl.pallas_call(
        _tcc_body,
        grid=(NB,),
        in_specs=[
            pl.BlockSpec((BR, D), lambda i: (i, 0)),
            pl.BlockSpec((NC, BR, D), lambda i: (0, i, 0)),
            full((D, D)), full((1, D)),
        ],
        out_specs=pl.BlockSpec((BR, D), lambda i: (i, 0)),
        out_shape=jax.ShapeDtypeStruct((N, D), jnp.float32),
    )(root, u, W2, b2.reshape(1, D))


def kernel(x, edge_index, edge_type, W1, b1, Wrel1, Wroot1, brg1,
           Wrel2, Wroot2, brg2, W2, b2):
    src = edge_index[0]
    dst = edge_index[1]
    cnt, gidx, widx = _count_call(src, dst, edge_type)
    recip = _recip_call(cnt).reshape(RN)
    w = _wgt_call(widx, recip)
    wstk1 = jnp.transpose(Wrel1, (1, 0, 2)).reshape(D, R * D)
    wstk2 = jnp.transpose(Wrel2, (1, 0, 2)).reshape(D, R * D)
    p1, root1 = _tca_call(x, W1, b1, wstk1, Wroot1, brg1)
    u1 = _agg_call(gidx, w, dst, p1.reshape(RN, D))[:, :N]
    p2, root2 = _tcb_call(root1, u1, wstk2, Wroot2, brg2)
    u2 = _agg_call(gidx, w, dst, p2.reshape(RN, D))[:, :N]
    return _tcc_call(root2, u2, W2, b2)

# --- scband reference (transcript-rebuilt; emitter-appended) ---
"""Pipeline reference for scband-rgcn-18013092839754 (READ-ONLY COPY).

The authoritative reference and input builder live on the scoring server;
editing this copy changes nothing except your own understanding.
"""

import jax, jax.numpy as jnp
import numpy as np

N = 10000
E = 320000
D_IN = 128
D_HID = 128
D_OUT = 128
R = 8


def leaky_relu(x, slope=0.01):
    return jnp.where(x >= 0, x, slope * x)


def rgcn_conv(x, edge_index, edge_type, Wrel, Wroot, bias):
    # Faithful to PyG RGCNConv defaults: per-relation mean aggregation,
    # root weight, bias. out = x @ Wroot + bias + sum_r mean_{j in N_r(i)} x_j @ Wrel[r]
    src = edge_index[0]
    dst = edge_index[1]
    xj = x[src]  # gather, [E, D]
    out = x @ Wroot + bias
    for r in range(R):
        mask = (edge_type == r)
        msg = jnp.where(mask[:, None], xj @ Wrel[r], 0.0)
        s = jax.ops.segment_sum(msg, dst, num_segments=N)
        c = jax.ops.segment_sum(mask.astype(jnp.float32), dst, num_segments=N)
        out = out + s / jnp.maximum(c, 1.0)[:, None]
    return out


def setup_inputs(seed: int = 0) -> dict:
    key = jax.random.key(seed)
    ks = jax.random.split(key, 16)
    x = jax.random.normal(ks[0], (N, D_IN), dtype=jnp.float32)
    edge_index = jax.random.randint(ks[1], (2, E), 0, N, dtype=jnp.int32)
    edge_type = jax.random.randint(ks[2], (E,), 0, R, dtype=jnp.int32)
    s_in = 1.0 / np.sqrt(D_IN)
    s_h = 1.0 / np.sqrt(D_HID)
    # linear1: in -> hidden  (stored as [out, in] like torch)
    W1 = jax.random.uniform(ks[3], (D_HID, D_IN), jnp.float32, -s_in, s_in)
    b1 = jax.random.uniform(ks[4], (D_HID,), jnp.float32, -s_in, s_in)
    # RGCNConv 1
    Wrel1 = jax.random.uniform(ks[5], (R, D_HID, D_HID), jnp.float32, -s_h, s_h)
    Wroot1 = jax.random.uniform(ks[6], (D_HID, D_HID), jnp.float32, -s_h, s_h)
    brg1 = jnp.zeros((D_HID,), dtype=jnp.float32)
    # RGCNConv 2
    Wrel2 = jax.random.uniform(ks[7], (R, D_HID, D_HID), jnp.float32, -s_h, s_h)
    Wroot2 = jax.random.uniform(ks[8], (D_HID, D_HID), jnp.float32, -s_h, s_h)
    brg2 = jnp.zeros((D_HID,), dtype=jnp.float32)
    # linear2: hidden -> out
    W2 = jax.random.uniform(ks[9], (D_OUT, D_HID), jnp.float32, -s_h, s_h)
    b2 = jax.random.uniform(ks[10], (D_OUT,), jnp.float32, -s_h, s_h)
    return {
        'x': x, 'edge_index': edge_index, 'edge_type': edge_type,
        'W1': W1, 'b1': b1,
        'Wrel1': Wrel1, 'Wroot1': Wroot1, 'brg1': brg1,
        'Wrel2': Wrel2, 'Wroot2': Wroot2, 'brg2': brg2,
        'W2': W2, 'b2': b2,
    }


def reference(x, edge_index, edge_type, W1, b1, Wrel1, Wroot1, brg1, Wrel2, Wroot2, brg2, W2, b2):
    h = leaky_relu(x @ W1.T + b1)
    h = rgcn_conv(h, edge_index, edge_type, Wrel1, Wroot1, brg1)
    # dropout is identity in eval mode
    h = rgcn_conv(h, edge_index, edge_type, Wrel2, Wroot2, brg2)
    h = leaky_relu(h @ W2.T + b2)
    return h

if __name__ == "__main__":
    import jax
    _d = setup_inputs()
    print(jax.jit(kernel)(*tuple(_d.values())))

</pallas_src>

<mosaic_0001>
#map = affine_map<(d0, d1) -> (0)>
#map1 = affine_map<(d0, d1) -> (0, 0)>
#map2 = affine_map<(d0, d1) -> (0, 0, 0)>
module attributes {stable_mosaic.version = 14 : i64} {
  func.func @_agg_body(%arg0: i32, %arg1: i32, %arg2: memref<320000xi32, #tpu.memory_space<hbm>>, %arg3: memref<320000xf32, #tpu.memory_space<hbm>>, %arg4: memref<320000xi32, #tpu.memory_space<hbm>>, %arg5: memref<80000x128xf32, #tpu.memory_space<hbm>>, %arg6: memref<2x10240x128xf32, #tpu.memory_space<hbm>>, %arg7: memref<80xi32, #tpu.memory_space<vmem>>, %arg8: memref<80xi32, #tpu.memory_space<vmem>>, %arg9: memref<80x128xf32, #tpu.memory_space<vmem>>, %arg10: memref<80xf32, #tpu.memory_space<vmem>>, %arg11: memref<32x128xf32, #tpu.memory_space<vmem>>, %arg12: memref<10240x128xf32, #tpu.memory_space<vmem_shared>>, %arg13: memref<!tpu.dma_semaphore, #tpu.memory_space<semaphore_mem>>) attributes {dimension_semantics = [#tpu.dimension_semantics<core_parallel>, #tpu.dimension_semantics<subcore_parallel>], iteration_bounds = array<i64: 2, 16>, scalar_prefetch = 0 : i64, scratch_operands = 7 : i64, tpu.core_type = #tpu.core_type<sc_vector_subcore>, window_params = [{transform_indices = #map}, {transform_indices = #map}, {transform_indices = #map}, {transform_indices = #map1}, {transform_indices = #map2}]} {
    %mul3A = arith.constant 2 : i32
    %mul3A_0 = arith.muli %arg1, %mul3A : i32
    %add3A = arith.addi %mul3A_0, %arg0 : i32
    %broadcast_in_dim3A = arith.constant 0.000000e+00 : f32
    %broadcast_in_dim3A_1 = vector.broadcast %broadcast_in_dim3A : f32 to vector<16xf32>
    %swap3A = arith.constant 0 : i32
    %swap3A_2 = arith.index_cast %swap3A : i32 to index
    %swap3A_3 = arith.constant 0 : index
    %swap3A_4 = tpu.vector_load %arg11[%swap3A_2, %swap3A_3] {strides = array<i32>} : memref<32x128xf32, #tpu.memory_space<vmem>>, vector<16xf32>,
    tpu.vector_store %arg11[%swap3A_2, %swap3A_3], %broadcast_in_dim3A_1 {strides = array<i32>} : memref<32x128xf32, #tpu.memory_space<vmem>>, vector<16xf32>,
    %swap3A_5 = arith.constant 0 : i32
    %swap3A_6 = arith.index_cast %swap3A_5 : i32 to index
    %swap3A_7 = arith.constant 16 : index
    %swap3A_8 = tpu.vector_load %arg11[%swap3A_6, %swap3A_7] {strides = array<i32>} : memref<32x128xf32, #tpu.memory_space<vmem>>, vector<16xf32>,
    tpu.vector_store %arg11[%swap3A_6, %swap3A_7], %broadcast_in_dim3A_1 {strides = array<i32>} : memref<32x128xf32, #tpu.memory_space<vmem>>, vector<16xf32>,
    %swap3A_9 = arith.constant 0 : i32
    %swap3A_10 = arith.index_cast %swap3A_9 : i32 to index
    %swap3A_11 = arith.constant 32 : index
    %swap3A_12 = tpu.vector_load %arg11[%swap3A_10, %swap3A_11] {strides = array<i32>} : memref<32x128xf32, #tpu.memory_space<vmem>>, vector<16xf32>,
    tpu.vector_store %arg11[%swap3A_10, %swap3A_11], %broadcast_in_dim3A_1 {strides = array<i32>} : memref<32x128xf32, #tpu.memory_space<vmem>>, vector<16xf32>,
    %swap3A_13 = arith.constant 0 : i32
    %swap3A_14 = arith.index_cast %swap3A_13 : i32 to index
    %swap3A_15 = arith.constant 48 : index
    %swap3A_16 = tpu.vector_load %arg11[%swap3A_14, %swap3A_15] {strides = array<i32>} : memref<32x128xf32, #tpu.memory_space<vmem>>, vector<16xf32>,
    tpu.vector_store %arg11[%swap3A_14, %swap3A_15], %broadcast_in_dim3A_1 {strides = array<i32>} : memref<32x128xf32, #tpu.memory_space<vmem>>, vector<16xf32>,
    %swap3A_17 = arith.constant 0 : i32
    %swap3A_18 = arith.index_cast %swap3A_17 : i32 to index
    %swap3A_19 = arith.constant 64 : index
    %swap3A_20 = tpu.vector_load %arg11[%swap3A_18, %swap3A_19] {strides = array<i32>} : memref<32x128xf32, #tpu.memory_space<vmem>>, vector<16xf32>,
    tpu.vector_store %arg11[%swap3A_18, %swap3A_19], %broadcast_in_dim3A_1 {strides = array<i32>} : memref<32x128xf32, #tpu.memory_space<vmem>>, vector<16xf32>,
    %swap3A_21 = arith.constant 0 : i32
    %swap3A_22 = arith.index_cast %swap3A_21 : i32 to index
    %swap3A_23 = arith.constant 80 : index
    %swap3A_24 = tpu.vector_load %arg11[%swap3A_22, %swap3A_23] {strides = array<i32>} : memref<32x128xf32, #tpu.memory_space<vmem>>, vector<16xf32>,
    tpu.vector_store %arg11[%swap3A_22, %swap3A_23], %broadcast_in_dim3A_1 {strides = array<i32>} : memref<32x128xf32, #tpu.memory_space<vmem>>, vector<16xf32>,
    %swap3A_25 = arith.constant 0 : i32
    %swap3A_26 = arith.index_cast %swap3A_25 : i32 to index
    %swap3A_27 = arith.constant 96 : index
    %swap3A_28 = tpu.vector_load %arg11[%swap3A_26, %swap3A_27] {strides = array<i32>} : memref<32x128xf32, #tpu.memory_space<vmem>>, vector<16xf32>,
    tpu.vector_store %arg11[%swap3A_26, %swap3A_27], %broadcast_in_dim3A_1 {strides = array<i32>} : memref<32x128xf32, #tpu.memory_space<vmem>>, vector<16xf32>,
    %swap3A_29 = arith.constant 0 : i32
    %swap3A_30 = arith.index_cast %swap3A_29 : i32 to index
    %swap3A_31 = arith.constant 112 : index
    %swap3A_32 = tpu.vector_load %arg11[%swap3A_30, %swap3A_31] {strides = array<i32>} : memref<32x128xf32, #tpu.memory_space<vmem>>, vector<16xf32>,
    tpu.vector_store %arg11[%swap3A_30, %swap3A_31], %broadcast_in_dim3A_1 {strides = array<i32>} : memref<32x128xf32, #tpu.memory_space<vmem>>, vector<16xf32>,
    %swap3A_33 = arith.constant 1 : i32
    %swap3A_34 = arith.index_cast %swap3A_33 : i32 to index
    %swap3A_35 = arith.constant 0 : index
    %swap3A_36 = tpu.vector_load %arg11[%swap3A_34, %swap3A_35] {strides = array<i32>} : memref<32x128xf32, #tpu.memory_space<vmem>>, vector<16xf32>,
    tpu.vector_store %arg11[%swap3A_34, %swap3A_35], %broadcast_in_dim3A_1 {strides = array<i32>} : memref<32x128xf32, #tpu.memory_space<vmem>>, vector<16xf32>,
    %swap3A_37 = arith.constant 1 : i32
    %swap3A_38 = arith.index_cast %swap3A_37 : i32 to index
    %swap3A_39 = arith.constant 16 : index
    %swap3A_40 = tpu.vector_load %arg11[%swap3A_38, %swap3A_39] {strides = array<i32>} : memref<32x128xf32, #tpu.memory_space<vmem>>, vector<16xf32>,
    tpu.vector_store %arg11[%swap3A_38, %swap3A_39], %broadcast_in_dim3A_1 {strides = array<i32>} : memref<32x128xf32, #tpu.memory_space<vmem>>, vector<16xf32>,
    %swap3A_41 = arith.constant 1 : i32
    %swap3A_42 = arith.index_cast %swap3A_41 : i32 to index
    %swap3A_43 = arith.constant 32 : index
    %swap3A_44 = tpu.vector_load %arg11[%swap3A_42, %swap3A_43] {strides = array<i32>} : memref<32x128xf32, #tpu.memory_space<vmem>>, vector<16xf32>,
    tpu.vector_store %arg11[%swap3A_42, %swap3A_43], %broadcast_in_dim3A_1 {strides = array<i32>} : memref<32x128xf32, #tpu.memory_space<vmem>>, vector<16xf32>,
    %swap3A_45 = arith.constant 1 : i32
    %swap3A_46 = arith.index_cast %swap3A_45 : i32 to index
    %swap3A_47 = arith.constant 48 : index
    %swap3A_48 = tpu.vector_load %arg11[%swap3A_46, %swap3A_47] {strides = array<i32>} : memref<32x128xf32, #tpu.memory_space<vmem>>, vector<16xf32>,
    tpu.vector_store %arg11[%swap3A_46, %swap3A_47], %broadcast_in_dim3A_1 {strides = array<i32>} : memref<32x128xf32, #tpu.memory_space<vmem>>, vector<16xf32>,
    %swap3A_49 = arith.constant 1 : i32
    %swap3A_50 = arith.index_cast %swap3A_49 : i32 to index
    %swap3A_51 = arith.constant 64 : index
    %swap3A_52 = tpu.vector_load %arg11[%swap3A_50, %swap3A_51] {strides = array<i32>} : memref<32x128xf32, #tpu.memory_space<vmem>>, vector<16xf32>,
    tpu.vector_store %arg11[%swap3A_50, %swap3A_51], %broadcast_in_dim3A_1 {strides = array<i32>} : memref<32x128xf32, #tpu.memory_space<vmem>>, vector<16xf32>,
    %swap3A_53 = arith.constant 1 : i32
    %swap3A_54 = arith.index_cast %swap3A_53 : i32 to index
    %swap3A_55 = arith.constant 80 : index
    %swap3A_56 = tpu.vector_load %arg11[%swap3A_54, %swap3A_55] {strides = array<i32>} : memref<32x128xf32, #tpu.memory_space<vmem>>, vector<16xf32>,
    tpu.vector_store %arg11[%swap3A_54, %swap3A_55], %broadcast_in_dim3A_1 {strides = array<i32>} : memref<32x128xf32, #tpu.memory_space<vmem>>, vector<16xf32>,
    %swap3A_57 = arith.constant 1 : i32
    %swap3A_58 = arith.index_cast %swap3A_57 : i32 to index
    %swap3A_59 = arith.constant 96 : index
    %swap3A_60 = tpu.vector_load %arg11[%swap3A_58, %swap3A_59] {strides = array<i32>} : memref<32x128xf32, #tpu.memory_space<vmem>>, vector<16xf32>,
    tpu.vector_store %arg11[%swap3A_58, %swap3A_59], %broadcast_in_dim3A_1 {strides = array<i32>} : memref<32x128xf32, #tpu.memory_space<vmem>>, vector<16xf32>,
    %swap3A_61 = arith.constant 1 : i32
    %swap3A_62 = arith.index_cast %swap3A_61 : i32 to index
    %swap3A_63 = arith.constant 112 : index
    %swap3A_64 = tpu.vector_load %arg11[%swap3A_62, %swap3A_63] {strides = array<i32>} : memref<32x128xf32, #tpu.memory_space<vmem>>, vector<16xf32>,
    tpu.vector_store %arg11[%swap3A_62, %swap3A_63], %broadcast_in_dim3A_1 {strides = array<i32>} : memref<32x128xf32, #tpu.memory_space<vmem>>, vector<16xf32>,
    %swap3A_65 = arith.constant 2 : i32
    %swap3A_66 = arith.index_cast %swap3A_65 : i32 to index
    %swap3A_67 = arith.constant 0 : index
    %swap3A_68 = tpu.vector_load %arg11[%swap3A_66, %swap3A_67] {strides = array<i32>} : memref<32x128xf32, #tpu.memory_space<vmem>>, vector<16xf32>,
    tpu.vector_store %arg11[%swap3A_66, %swap3A_67], %broadcast_in_dim3A_1 {strides = array<i32>} : memref<32x128xf32, #tpu.memory_space<vmem>>, vector<16xf32>,
    %swap3A_69 = arith.constant 2 : i32
    %swap3A_70 = arith.index_cast %swap3A_69 : i32 to index
    %swap3A_71 = arith.constant 16 : index
    %swap3A_72 = tpu.vector_load %arg11[%swap3A_70, %swap3A_71] {strides = array<i32>} : memref<32x128xf32, #tpu.memory_space<vmem>>, vector<16xf32>,
    tpu.vector_store %arg11[%swap3A_70, %swap3A_71], %broadcast_in_dim3A_1 {strides = array<i32>} : memref<32x128xf32, #tpu.memory_space<vmem>>, vector<16xf32>,
    %swap3A_73 = arith.constant 2 : i32
    %swap3A_74 = arith.index_cast %swap3A_73 : i32 to index
    %swap3A_75 = arith.constant 32 : index
    %swap3A_76 = tpu.vector_load %arg11[%swap3A_74, %swap3A_75] {strides = array<i32>} : memref<32x128xf32, #tpu.memory_space<vmem>>, vector<16xf32>,
    tpu.vector_store %arg11[%swap3A_74, %swap3A_75], %broadcast_in_dim3A_1 {strides = array<i32>} : memref<32x128xf32, #tpu.memory_space<vmem>>, vector<16xf32>,
    %swap3A_77 = arith.constant 2 : i32
    %swap3A_78 = arith.index_cast %swap3A_77 : i32 to index
    %swap3A_79 = arith.constant 48 : index
    %swap3A_80 = tpu.vector_load %arg11[%swap3A_78, %swap3A_79] {strides = array<i32>} : memref<32x128xf32, #tpu.memory_space<vmem>>, vector<16xf32>,
    tpu.vector_store %arg11[%swap3A_78, %swap3A_79], %broadcast_in_dim3A_1 {strides = array<i32>} : memref<32x128xf32, #tpu.memory_space<vmem>>, vector<16xf32>,
    %swap3A_81 = arith.constant 2 : i32
    %swap3A_82 = arith.index_cast %swap3A_81 : i32 to index
    %swap3A_83 = arith.constant 64 : index
    %swap3A_84 = tpu.vector_load %arg11[%swap3A_82, %swap3A_83] {strides = array<i32>} : memref<32x128xf32, #tpu.memory_space<vmem>>, vector<16xf32>,
    tpu.vector_store %arg11[%swap3A_82, %swap3A_83], %broadcast_in_dim3A_1 {strides = array<i32>} : memref<32x128xf32, #tpu.memory_space<vmem>>, vector<16xf32>,
    %swap3A_85 = arith.constant 2 : i32
    %swap3A_86 = arith.index_cast %swap3A_85 : i32 to index
    %swap3A_87 = arith.constant 80 : index
    %swap3A_88 = tpu.vector_load %arg11[%swap3A_86, %swap3A_87] {strides = array<i32>} : memref<32x128xf32, #tpu.memory_space<vmem>>, vector<16xf32>,
    tpu.vector_store %arg11[%swap3A_86, %swap3A_87], %broadcast_in_dim3A_1 {strides = array<i32>} : memref<32x128xf32, #tpu.memory_space<vmem>>, vector<16xf32>,
    %swap3A_89 = arith.constant 2 : i32
    %swap3A_90 = arith.index_cast %swap3A_89 : i32 to index
    %swap3A_91 = arith.constant 96 : index
    %swap3A_92 = tpu.vector_load %arg11[%swap3A_90, %swap3A_91] {strides = array<i32>} : memref<32x128xf32, #tpu.memory_space<vmem>>, vector<16xf32>,
    tpu.vector_store %arg11[%swap3A_90, %swap3A_91], %broadcast_in_dim3A_1 {strides = array<i32>} : memref<32x128xf32, #tpu.memory_space<vmem>>, vector<16xf32>,
    %swap3A_93 = arith.constant 2 : i32
    %swap3A_94 = arith.index_cast %swap3A_93 : i32 to index
    %swap3A_95 = arith.constant 112 : index
    %swap3A_96 = tpu.vector_load %arg11[%swap3A_94, %swap3A_95] {strides = array<i32>} : memref<32x128xf32, #tpu.memory_space<vmem>>, vector<16xf32>,
    tpu.vector_store %arg11[%swap3A_94, %swap3A_95], %broadcast_in_dim3A_1 {strides = array<i32>} : memref<32x128xf32, #tpu.memory_space<vmem>>, vector<16xf32>,
    %swap3A_97 = arith.constant 3 : i32
    %swap3A_98 = arith.index_cast %swap3A_97 : i32 to index
    %swap3A_99 = arith.constant 0 : index
    %swap3A_100 = tpu.vector_load %arg11[%swap3A_98, %swap3A_99] {strides = array<i32>} : memref<32x128xf32, #tpu.memory_space<vmem>>, vector<16xf32>,
    tpu.vector_store %arg11[%swap3A_98, %swap3A_99], %broadcast_in_dim3A_1 {strides = array<i32>} : memref<32x128xf32, #tpu.memory_space<vmem>>, vector<16xf32>,
    %swap3A_101 = arith.constant 3 : i32
    %swap3A_102 = arith.index_cast %swap3A_101 : i32 to index
    %swap3A_103 = arith.constant 16 : index
    %swap3A_104 = tpu.vector_load %arg11[%swap3A_102, %swap3A_103] {strides = array<i32>} : memref<32x128xf32, #tpu.memory_space<vmem>>, vector<16xf32>,
    tpu.vector_store %arg11[%swap3A_102, %swap3A_103], %broadcast_in_dim3A_1 {strides = array<i32>} : memref<32x128xf32, #tpu.memory_space<vmem>>, vector<16xf32>,
    %swap3A_105 = arith.constant 3 : i32
    %swap3A_106 = arith.index_cast %swap3A_105 : i32 to index
    %swap3A_107 = arith.constant 32 : index
    %swap3A_108 = tpu.vector_load %arg11[%swap3A_106, %swap3A_107] {strides = array<i32>} : memref<32x128xf32, #tpu.memory_space<vmem>>, vector<16xf32>,
    tpu.vector_store %arg11[%swap3A_106, %swap3A_107], %broadcast_in_dim3A_1 {strides = array<i32>} : memref<32x128xf32, #tpu.memory_space<vmem>>, vector<16xf32>,
    %swap3A_109 = arith.constant 3 : i32
    %swap3A_110 = arith.index_cast %swap3A_109 : i32 to index
    %swap3A_111 = arith.constant 48 : index
    %swap3A_112 = tpu.vector_load %arg11[%swap3A_110, %swap3A_111] {strides = array<i32>} : memref<32x128xf32, #tpu.memory_space<vmem>>, vector<16xf32>,
    tpu.vector_store %arg11[%swap3A_110, %swap3A_111], %broadcast_in_dim3A_1 {strides = array<i32>} : memref<32x128xf32, #tpu.memory_space<vmem>>, vector<16xf32>,
    %swap3A_113 = arith.constant 3 : i32
    %swap3A_114 = arith.index_cast %swap3A_113 : i32 to index
    %swap3A_115 = arith.constant 64 : index
    %swap3A_116 = tpu.vector_load %arg11[%swap3A_114, %swap3A_115] {strides = array<i32>} : memref<32x128xf32, #tpu.memory_space<vmem>>, vector<16xf32>,
    tpu.vector_store %arg11[%swap3A_114, %swap3A_115], %broadcast_in_dim3A_1 {strides = array<i32>} : memref<32x128xf32, #tpu.memory_space<vmem>>, vector<16xf32>,
    %swap3A_117 = arith.constant 3 : i32
    %swap3A_118 = arith.index_cast %swap3A_117 : i32 to index
    %swap3A_119 = arith.constant 80 : index
    %swap3A_120 = tpu.vector_load %arg11[%swap3A_118, %swap3A_119] {strides = array<i32>} : memref<32x128xf32, #tpu.memory_space<vmem>>, vector<16xf32>,
    tpu.vector_store %arg11[%swap3A_118, %swap3A_119], %broadcast_in_dim3A_1 {strides = array<i32>} : memref<32x128xf32, #tpu.memory_space<vmem>>, vector<16xf32>,
    %swap3A_121 = arith.constant 3 : i32
    %swap3A_122 = arith.index_cast %swap3A_121 : i32 to index
    %swap3A_123 = arith.constant 96 : index
    %swap3A_124 = tpu.vector_load %arg11[%swap3A_122, %swap3A_123] {strides = array<i32>} : memref<32x128xf32, #tpu.memory_space<vmem>>, vector<16xf32>,
    tpu.vector_store %arg11[%swap3A_122, %swap3A_123], %broadcast_in_dim3A_1 {strides = array<i32>} : memref<32x128xf32, #tpu.memory_space<vmem>>, vector<16xf32>,
    %swap3A_125 = arith.constant 3 : i32
    %swap3A_126 = arith.index_cast %swap3A_125 : i32 to index
    %swap3A_127 = arith.constant 112 : index
    %swap3A_128 = tpu.vector_load %arg11[%swap3A_126, %swap3A_127] {strides = array<i32>} : memref<32x128xf32, #tpu.memory_space<vmem>>, vector<16xf32>,
    tpu.vector_store %arg11[%swap3A_126, %swap3A_127], %broadcast_in_dim3A_1 {strides = array<i32>} : memref<32x128xf32, #tpu.memory_space<vmem>>, vector<16xf32>,
    %swap3A_129 = arith.constant 4 : i32
    %swap3A_130 = arith.index_cast %swap3A_129 : i32 to index
    %swap3A_131 = arith.constant 0 : index
    %swap3A_132 = tpu.vector_load %arg11[%swap3A_130, %swap3A_131] {strides = array<i32>} : memref<32x128xf32, #tpu.memory_space<vmem>>, vector<16xf32>,
    tpu.vector_store %arg11[%swap3A_130, %swap3A_131], %broadcast_in_dim3A_1 {strides = array<i32>} : memref<32x128xf32, #tpu.memory_space<vmem>>, vector<16xf32>,
    %swap3A_133 = arith.constant 4 : i32
    %swap3A_134 = arith.index_cast %swap3A_133 : i32 to index
    %swap3A_135 = arith.constant 16 : index
    %swap3A_136 = tpu.vector_load %arg11[%swap3A_134, %swap3A_135] {strides = array<i32>} : memref<32x128xf32, #tpu.memory_space<vmem>>, vector<16xf32>,
    tpu.vector_store %arg11[%swap3A_134, %swap3A_135], %broadcast_in_dim3A_1 {strides = array<i32>} : memref<32x128xf32, #tpu.memory_space<vmem>>, vector<16xf32>,
    %swap3A_137 = arith.constant 4 : i32
    %swap3A_138 = arith.index_cast %swap3A_137 : i32 to index
    %swap3A_139 = arith.constant 32 : index
    %swap3A_140 = tpu.vector_load %arg11[%swap3A_138, %swap3A_139] {strides = array<i32>} : memref<32x128xf32, #tpu.memory_space<vmem>>, vector<16xf32>,
    tpu.vector_store %arg11[%swap3A_138, %swap3A_139], %broadcast_in_dim3A_1 {strides = array<i32>} : memref<32x128xf32, #tpu.memory_space<vmem>>, vector<16xf32>,
    %swap3A_141 = arith.constant 4 : i32
    %swap3A_142 = arith.index_cast %swap3A_141 : i32 to index
    %swap3A_143 = arith.constant 48 : index
    %swap3A_144 = tpu.vector_load %arg11[%swap3A_142, %swap3A_143] {strides = array<i32>} : memref<32x128xf32, #tpu.memory_space<vmem>>, vector<16xf32>,
    tpu.vector_store %arg11[%swap3A_142, %swap3A_143], %broadcast_in_dim3A_1 {strides = array<i32>} : memref<32x128xf32, #tpu.memory_space<vmem>>, vector<16xf32>,
    %swap3A_145 = arith.constant 4 : i32
    %swap3A_146 = arith.index_cast %swap3A_145 : i32 to index
    %swap3A_147 = arith.constant 64 : index
    %swap3A_148 = tpu.vector_load %arg11[%swap3A_146, %swap3A_147] {strides = array<i32>} : memref<32x128xf32, #tpu.memory_space<vmem>>, vector<16xf32>,
    tpu.vector_store %arg11[%swap3A_146, %swap3A_147], %broadcast_in_dim3A_1 {strides = array<i32>} : memref<32x128xf32, #tpu.memory_space<vmem>>, vector<16xf32>,
    %swap3A_149 = arith.constant 4 : i32
    %swap3A_150 = arith.index_cast %swap3A_149 : i32 to index
    %swap3A_151 = arith.constant 80 : index
    %swap3A_152 = tpu.vector_load %arg11[%swap3A_150, %swap3A_151] {strides = array<i32>} : memref<32x128xf32, #tpu.memory_space<vmem>>, vector<16xf32>,
    tpu.vector_store %arg11[%swap3A_150, %swap3A_151], %broadcast_in_dim3A_1 {strides = array<i32>} : memref<32x128xf32, #tpu.memory_space<vmem>>, vector<16xf32>,
    %swap3A_153 = arith.constant 4 : i32
    %swap3A_154 = arith.index_cast %swap3A_153 : i32 to index
    %swap3A_155 = arith.constant 96 : index
    %swap3A_156 = tpu.vector_load %arg11[%swap3A_154, %swap3A_155] {strides = array<i32>} : memref<32x128xf32, #tpu.memory_space<vmem>>, vector<16xf32>,
    tpu.vector_store %arg11[%swap3A_154, %swap3A_155], %broadcast_in_dim3A_1 {strides = array<i32>} : memref<32x128xf32, #tpu.memory_space<vmem>>, vector<16xf32>,
    %swap3A_157 = arith.constant 4 : i32
    %swap3A_158 = arith.index_cast %swap3A_157 : i32 to index
    %swap3A_159 = arith.constant 112 : index
    %swap3A_160 = tpu.vector_load %arg11[%swap3A_158, %swap3A_159] {strides = array<i32>} : memref<32x128xf32, #tpu.memory_space<vmem>>, vector<16xf32>,
    tpu.vector_store %arg11[%swap3A_158, %swap3A_159], %broadcast_in_dim3A_1 {strides = array<i32>} : memref<32x128xf32, #tpu.memory_space<vmem>>, vector<16xf32>,
    %swap3A_161 = arith.constant 5 : i32
    %swap3A_162 = arith.index_cast %swap3A_161 : i32 to index
    %swap3A_163 = arith.constant 0 : index
    %swap3A_164 = tpu.vector_load %arg11[%swap3A_162, %swap3A_163] {strides = array<i32>} : memref<32x128xf32, #tpu.memory_space<vmem>>, vector<16xf32>,
    tpu.vector_store %arg11[%swap3A_162, %swap3A_163], %broadcast_in_dim3A_1 {strides = array<i32>} : memref<32x128xf32, #tpu.memory_space<vmem>>, vector<16xf32>,
    %swap3A_165 = arith.constant 5 : i32
    %swap3A_166 = arith.index_cast %swap3A_165 : i32 to index
    %swap3A_167 = arith.constant 16 : index
    %swap3A_168 = tpu.vector_load %arg11[%swap3A_166, %swap3A_167] {strides = array<i32>} : memref<32x128xf32, #tpu.memory_space<vmem>>, vector<16xf32>,
    tpu.vector_store %arg11[%swap3A_166, %swap3A_167], %broadcast_in_dim3A_1 {strides = array<i32>} : memref<32x128xf32, #tpu.memory_space<vmem>>, vector<16xf32>,
    %swap3A_169 = arith.constant 5 : i32
    %swap3A_170 = arith.index_cast %swap3A_169 : i32 to index
    %swap3A_171 = arith.constant 32 : index
    %swap3A_172 = tpu.vector_load %arg11[%swap3A_170, %swap3A_171] {strides = array<i32>} : memref<32x128xf32, #tpu.memory_space<vmem>>, vector<16xf32>,
    tpu.vector_store %arg11[%swap3A_170, %swap3A_171], %broadcast_in_dim3A_1 {strides = array<i32>} : memref<32x128xf32, #tpu.memory_space<vmem>>, vector<16xf32>,
    %swap3A_173 = arith.constant 5 : i32
    %swap3A_174 = arith.index_cast %swap3A_173 : i32 to index
    %swap3A_175 = arith.constant 48 : index
    %swap3A_176 = tpu.vector_load %arg11[%swap3A_174, %swap3A_175] {strides = array<i32>} : memref<32x128xf32, #tpu.memory_space<vmem>>, vector<16xf32>,
    tpu.vector_store %arg11[%swap3A_174, %swap3A_175], %broadcast_in_dim3A_1 {strides = array<i32>} : memref<32x128xf32, #tpu.memory_space<vmem>>, vector<16xf32>,
    %swap3A_177 = arith.constant 5 : i32
    %swap3A_178 = arith.index_cast %swap3A_177 : i32 to index
    %swap3A_179 = arith.constant 64 : index
    %swap3A_180 = tpu.vector_load %arg11[%swap3A_178, %swap3A_179] {strides = array<i32>} : memref<32x128xf32, #tpu.memory_space<vmem>>, vector<16xf32>,
    tpu.vector_store %arg11[%swap3A_178, %swap3A_179], %broadcast_in_dim3A_1 {strides = array<i32>} : memref<32x128xf32, #tpu.memory_space<vmem>>, vector<16xf32>,
    %swap3A_181 = arith.constant 5 : i32
    %swap3A_182 = arith.index_cast %swap3A_181 : i32 to index
    %swap3A_183 = arith.constant 80 : index
    %swap3A_184 = tpu.vector_load %arg11[%swap3A_182, %swap3A_183] {strides = array<i32>} : memref<32x128xf32, #tpu.memory_space<vmem>>, vector<16xf32>,
    tpu.vector_store %arg11[%swap3A_182, %swap3A_183], %broadcast_in_dim3A_1 {strides = array<i32>} : memref<32x128xf32, #tpu.memory_space<vmem>>, vector<16xf32>,
    %swap3A_185 = arith.constant 5 : i32
    %swap3A_186 = arith.index_cast %swap3A_185 : i32 to index
    %swap3A_187 = arith.constant 96 : index
    %swap3A_188 = tpu.vector_load %arg11[%swap3A_186, %swap3A_187] {strides = array<i32>} : memref<32x128xf32, #tpu.memory_space<vmem>>, vector<16xf32>,
    tpu.vector_store %arg11[%swap3A_186, %swap3A_187], %broadcast_in_dim3A_1 {strides = array<i32>} : memref<32x128xf32, #tpu.memory_space<vmem>>, vector<16xf32>,
    %swap3A_189 = arith.constant 5 : i32
    %swap3A_190 = arith.index_cast %swap3A_189 : i32 to index
    %swap3A_191 = arith.constant 112 : index
    %swap3A_192 = tpu.vector_load %arg11[%swap3A_190, %swap3A_191] {strides = array<i32>} : memref<32x128xf32, #tpu.memory_space<vmem>>, vector<16xf32>,
    tpu.vector_store %arg11[%swap3A_190, %swap3A_191], %broadcast_in_dim3A_1 {strides = array<i32>} : memref<32x128xf32, #tpu.memory_space<vmem>>, vector<16xf32>,
    %swap3A_193 = arith.constant 6 : i32
    %swap3A_194 = arith.index_cast %swap3A_193 : i32 to index
    %swap3A_195 = arith.constant 0 : index
    %swap3A_196 = tpu.vector_load %arg11[%swap3A_194, %swap3A_195] {strides = array<i32>} : memref<32x128xf32, #tpu.memory_space<vmem>>, vector<16xf32>,
    tpu.vector_store %arg11[%swap3A_194, %swap3A_195], %broadcast_in_dim3A_1 {strides = array<i32>} : memref<32x128xf32, #tpu.memory_space<vmem>>, vector<16xf32>,
    %swap3A_197 = arith.constant 6 : i32
    %swap3A_198 = arith.index_cast %swap3A_197 : i32 to index
    %swap3A_199 = arith.constant 16 : index
    %swap3A_200 = tpu.vector_load %arg11[%swap3A_198, %swap3A_199] {strides = array<i32>} : memref<32x128xf32, #tpu.memory_space<vmem>>, vector<16xf32>,
    tpu.vector_store %arg11[%swap3A_198, %swap3A_199], %broadcast_in_dim3A_1 {strides = array<i32>} : memref<32x128xf32, #tpu.memory_space<vmem>>, vector<16xf32>,
    %swap3A_201 = arith.constant 6 : i32
    %swap3A_202 = arith.index_cast %swap3A_201 : i32 to index
    %swap3A_203 = arith.constant 32 : index
    %swap3A_204 = tpu.vector_load %arg11[%swap3A_202, %swap3A_203] {strides = array<i32>} : memref<32x128xf32, #tpu.memory_space<vmem>>, vector<16xf32>,
    tpu.vector_store %arg11[%swap3A_202, %swap3A_203], %broadcast_in_dim3A_1 {strides = array<i32>} : memref<32x128xf32, #tpu.memory_space<vmem>>, vector<16xf32>,
    %swap3A_205 = arith.constant 6 : i32
    %swap3A_206 = arith.index_cast %swap3A_205 : i32 to index
    %swap3A_207 = arith.constant 48 : index
    %swap3A_208 = tpu.vector_load %arg11[%swap3A_206, %swap3A_207] {strides = array<i32>} : memref<32x128xf32, #tpu.memory_space<vmem>>, vector<16xf32>,
    tpu.vector_store %arg11[%swap3A_206, %swap3A_207], %broadcast_in_dim3A_1 {strides = array<i32>} : memref<32x128xf32, #tpu.memory_space<vmem>>, vector<16xf32>,
    %swap3A_209 = arith.constant 6 : i32
    %swap3A_210 = arith.index_cast %swap3A_209 : i32 to index
    %swap3A_211 = arith.constant 64 : index
    %swap3A_212 = tpu.vector_load %arg11[%swap3A_210, %swap3A_211] {strides = array<i32>} : memref<32x128xf32, #tpu.memory_space<vmem>>, vector<16xf32>,
    tpu.vector_store %arg11[%swap3A_210, %swap3A_211], %broadcast_in_dim3A_1 {strides = array<i32>} : memref<32x128xf32, #tpu.memory_space<vmem>>, vector<16xf32>,
    %swap3A_213 = arith.constant 6 : i32
    %swap3A_214 = arith.index_cast %swap3A_213 : i32 to index
    %swap3A_215 = arith.constant 80 : index
    %swap3A_216 = tpu.vector_load %arg11[%swap3A_214, %swap3A_215] {strides = array<i32>} : memref<32x128xf32, #tpu.memory_space<vmem>>, vector<16xf32>,
    tpu.vector_store %arg11[%swap3A_214, %swap3A_215], %broadcast_in_dim3A_1 {strides = array<i32>} : memref<32x128xf32, #tpu.memory_space<vmem>>, vector<16xf32>,
    %swap3A_217 = arith.constant 6 : i32
    %swap3A_218 = arith.index_cast %swap3A_217 : i32 to index
    %swap3A_219 = arith.constant 96 : index
    %swap3A_220 = tpu.vector_load %arg11[%swap3A_218, %swap3A_219] {strides = array<i32>} : memref<32x128xf32, #tpu.memory_space<vmem>>, vector<16xf32>,
    tpu.vector_store %arg11[%swap3A_218, %swap3A_219], %broadcast_in_dim3A_1 {strides = array<i32>} : memref<32x128xf32, #tpu.memory_space<vmem>>, vector<16xf32>,
    %swap3A_221 = arith.constant 6 : i32
    %swap3A_222 = arith.index_cast %swap3A_221 : i32 to index
    %swap3A_223 = arith.constant 112 : index
    %swap3A_224 = tpu.vector_load %arg11[%swap3A_222, %swap3A_223] {strides = array<i32>} : memref<32x128xf32, #tpu.memory_space<vmem>>, vector<16xf32>,
    tpu.vector_store %arg11[%swap3A_222, %swap3A_223], %broadcast_in_dim3A_1 {strides = array<i32>} : memref<32x128xf32, #tpu.memory_space<vmem>>, vector<16xf32>,
    %swap3A_225 = arith.constant 7 : i32
    %swap3A_226 = arith.index_cast %swap3A_225 : i32 to index
    %swap3A_227 = arith.constant 0 : index
    %swap3A_228 = tpu.vector_load %arg11[%swap3A_226, %swap3A_227] {strides = array<i32>} : memref<32x128xf32, #tpu.memory_space<vmem>>, vector<16xf32>,
    tpu.vector_store %arg11[%swap3A_226, %swap3A_227], %broadcast_in_dim3A_1 {strides = array<i32>} : memref<32x128xf32, #tpu.memory_space<vmem>>, vector<16xf32>,
    %swap3A_229 = arith.constant 7 : i32
    %swap3A_230 = arith.index_cast %swap3A_229 : i32 to index
    %swap3A_231 = arith.constant 16 : index
    %swap3A_232 = tpu.vector_load %arg11[%swap3A_230, %swap3A_231] {strides = array<i32>} : memref<32x128xf32, #tpu.memory_space<vmem>>, vector<16xf32>,
    tpu.vector_store %arg11[%swap3A_230, %swap3A_231], %broadcast_in_dim3A_1 {strides = array<i32>} : memref<32x128xf32, #tpu.memory_space<vmem>>, vector<16xf32>,
    %swap3A_233 = arith.constant 7 : i32
    %swap3A_234 = arith.index_cast %swap3A_233 : i32 to index
    %swap3A_235 = arith.constant 32 : index
    %swap3A_236 = tpu.vector_load %arg11[%swap3A_234, %swap3A_235] {strides = array<i32>} : memref<32x128xf32, #tpu.memory_space<vmem>>, vector<16xf32>,
    tpu.vector_store %arg11[%swap3A_234, %swap3A_235], %broadcast_in_dim3A_1 {strides = array<i32>} : memref<32x128xf32, #tpu.memory_space<vmem>>, vector<16xf32>,
    %swap3A_237 = arith.constant 7 : i32
    %swap3A_238 = arith.index_cast %swap3A_237 : i32 to index
    %swap3A_239 = arith.constant 48 : index
    %swap3A_240 = tpu.vector_load %arg11[%swap3A_238, %swap3A_239] {strides = array<i32>} : memref<32x128xf32, #tpu.memory_space<vmem>>, vector<16xf32>,
    tpu.vector_store %arg11[%swap3A_238, %swap3A_239], %broadcast_in_dim3A_1 {strides = array<i32>} : memref<32x128xf32, #tpu.memory_space<vmem>>, vector<16xf32>,
    %swap3A_241 = arith.constant 7 : i32
    %swap3A_242 = arith.index_cast %swap3A_241 : i32 to index
    %swap3A_243 = arith.constant 64 : index
    %swap3A_244 = tpu.vector_load %arg11[%swap3A_242, %swap3A_243] {strides = array<i32>} : memref<32x128xf32, #tpu.memory_space<vmem>>, vector<16xf32>,
    tpu.vector_store %arg11[%swap3A_242, %swap3A_243], %broadcast_in_dim3A_1 {strides = array<i32>} : memref<32x128xf32, #tpu.memory_space<vmem>>, vector<16xf32>,
    %swap3A_245 = arith.constant 7 : i32
    %swap3A_246 = arith.index_cast %swap3A_245 : i32 to index
    %swap3A_247 = arith.constant 80 : index
    %swap3A_248 = tpu.vector_load %arg11[%swap3A_246, %swap3A_247] {strides = array<i32>} : memref<32x128xf32, #tpu.memory_space<vmem>>, vector<16xf32>,
    tpu.vector_store %arg11[%swap3A_246, %swap3A_247], %broadcast_in_dim3A_1 {strides = array<i32>} : memref<32x128xf32, #tpu.memory_space<vmem>>, vector<16xf32>,
    %swap3A_249 = arith.constant 7 : i32
    %swap3A_250 = arith.index_cast %swap3A_249 : i32 to index
    %swap3A_251 = arith.constant 96 : index
    %swap3A_252 = tpu.vector_load %arg11[%swap3A_250, %swap3A_251] {strides = array<i32>} : memref<32x128xf32, #tpu.memory_space<vmem>>, vector<16xf32>,
    tpu.vector_store %arg11[%swap3A_250, %swap3A_251], %broadcast_in_dim3A_1 {strides = array<i32>} : memref<32x128xf32, #tpu.memory_space<vmem>>, vector<16xf32>,
    %swap3A_253 = arith.constant 7 : i32
    %swap3A_254 = arith.index_cast %swap3A_253 : i32 to index
    %swap3A_255 = arith.constant 112 : index
    %swap3A_256 = tpu.vector_load %arg11[%swap3A_254, %swap3A_255] {strides = array<i32>} : memref<32x128xf32, #tpu.memory_space<vmem>>, vector<16xf32>,
    tpu.vector_store %arg11[%swap3A_254, %swap3A_255], %broadcast_in_dim3A_1 {strides = array<i32>} : memref<32x128xf32, #tpu.memory_space<vmem>>, vector<16xf32>,
    %swap3A_257 = arith.constant 8 : i32
    %swap3A_258 = arith.index_cast %swap3A_257 : i32 to index
    %swap3A_259 = arith.constant 0 : index
    %swap3A_260 = tpu.vector_load %arg11[%swap3A_258, %swap3A_259] {strides = array<i32>} : memref<32x128xf32, #tpu.memory_space<vmem>>, vector<16xf32>,
    tpu.vector_store %arg11[%swap3A_258, %swap3A_259], %broadcast_in_dim3A_1 {strides = array<i32>} : memref<32x128xf32, #tpu.memory_space<vmem>>, vector<16xf32>,
    %swap3A_261 = arith.constant 8 : i32
    %swap3A_262 = arith.index_cast %swap3A_261 : i32 to index
    %swap3A_263 = arith.constant 16 : index
    %swap3A_264 = tpu.vector_load %arg11[%swap3A_262, %swap3A_263] {strides = array<i32>} : memref<32x128xf32, #tpu.memory_space<vmem>>, vector<16xf32>,
    tpu.vector_store %arg11[%swap3A_262, %swap3A_263], %broadcast_in_dim3A_1 {strides = array<i32>} : memref<32x128xf32, #tpu.memory_space<vmem>>, vector<16xf32>,
    %swap3A_265 = arith.constant 8 : i32
    %swap3A_266 = arith.index_cast %swap3A_265 : i32 to index
    %swap3A_267 = arith.constant 32 : index
    %swap3A_268 = tpu.vector_load %arg11[%swap3A_266, %swap3A_267] {strides = array<i32>} : memref<32x128xf32, #tpu.memory_space<vmem>>, vector<16xf32>,
    tpu.vector_store %arg11[%swap3A_266, %swap3A_267], %broadcast_in_dim3A_1 {strides = array<i32>} : memref<32x128xf32, #tpu.memory_space<vmem>>, vector<16xf32>,
    %swap3A_269 = arith.constant 8 : i32
    %swap3A_270 = arith.index_cast %swap3A_269 : i32 to index
    %swap3A_271 = arith.constant 48 : index
    %swap3A_272 = tpu.vector_load %arg11[%swap3A_270, %swap3A_271] {strides = array<i32>} : memref<32x128xf32, #tpu.memory_space<vmem>>, vector<16xf32>,
    tpu.vector_store %arg11[%swap3A_270, %swap3A_271], %broadcast_in_dim3A_1 {strides = array<i32>} : memref<32x128xf32, #tpu.memory_space<vmem>>, vector<16xf32>,
    %swap3A_273 = arith.constant 8 : i32
    %swap3A_274 = arith.index_cast %swap3A_273 : i32 to index
    %swap3A_275 = arith.constant 64 : index
    %swap3A_276 = tpu.vector_load %arg11[%swap3A_274, %swap3A_275] {strides = array<i32>} : memref<32x128xf32, #tpu.memory_space<vmem>>, vector<16xf32>,
    tpu.vector_store %arg11[%swap3A_274, %swap3A_275], %broadcast_in_dim3A_1 {strides = array<i32>} : memref<32x128xf32, #tpu.memory_space<vmem>>, vector<16xf32>,
    %swap3A_277 = arith.constant 8 : i32
    %swap3A_278 = arith.index_cast %swap3A_277 : i32 to index
    %swap3A_279 = arith.constant 80 : index
    %swap3A_280 = tpu.vector_load %arg11[%swap3A_278, %swap3A_279] {strides = array<i32>} : memref<32x128xf32, #tpu.memory_space<vmem>>, vector<16xf32>,
    tpu.vector_store %arg11[%swap3A_278, %swap3A_279], %broadcast_in_dim3A_1 {strides = array<i32>} : memref<32x128xf32, #tpu.memory_space<vmem>>, vector<16xf32>,
    %swap3A_281 = arith.constant 8 : i32
    %swap3A_282 = arith.index_cast %swap3A_281 : i32 to index
    %swap3A_283 = arith.constant 96 : index
    %swap3A_284 = tpu.vector_load %arg11[%swap3A_282, %swap3A_283] {strides = array<i32>} : memref<32x128xf32, #tpu.memory_space<vmem>>, vector<16xf32>,
    tpu.vector_store %arg11[%swap3A_282, %swap3A_283], %broadcast_in_dim3A_1 {strides = array<i32>} : memref<32x128xf32, #tpu.memory_space<vmem>>, vector<16xf32>,
    %swap3A_285 = arith.constant 8 : i32
    %swap3A_286 = arith.index_cast %swap3A_285 : i32 to index
    %swap3A_287 = arith.constant 112 : index
    %swap3A_288 = tpu.vector_load %arg11[%swap3A_286, %swap3A_287] {strides = array<i32>} : memref<32x128xf32, #tpu.memory_space<vmem>>, vector<16xf32>,
    tpu.vector_store %arg11[%swap3A_286, %swap3A_287], %broadcast_in_dim3A_1 {strides = array<i32>} : memref<32x128xf32, #tpu.memory_space<vmem>>, vector<16xf32>,
    %swap3A_289 = arith.constant 9 : i32
    %swap3A_290 = arith.index_cast %swap3A_289 : i32 to index
    %swap3A_291 = arith.constant 0 : index
    %swap3A_292 = tpu.vector_load %arg11[%swap3A_290, %swap3A_291] {strides = array<i32>} : memref<32x128xf32, #tpu.memory_space<vmem>>, vector<16xf32>,
    tpu.vector_store %arg11[%swap3A_290, %swap3A_291], %broadcast_in_dim3A_1 {strides = array<i32>} : memref<32x128xf32, #tpu.memory_space<vmem>>, vector<16xf32>,
    %swap3A_293 = arith.constant 9 : i32
    %swap3A_294 = arith.index_cast %swap3A_293 : i32 to index
    %swap3A_295 = arith.constant 16 : index
    %swap3A_296 = tpu.vector_load %arg11[%swap3A_294, %swap3A_295] {strides = array<i32>} : memref<32x128xf32, #tpu.memory_space<vmem>>, vector<16xf32>,
    tpu.vector_store %arg11[%swap3A_294, %swap3A_295], %broadcast_in_dim3A_1 {strides = array<i32>} : memref<32x128xf32, #tpu.memory_space<vmem>>, vector<16xf32>,
    %swap3A_297 = arith.constant 9 : i32
    %swap3A_298 = arith.index_cast %swap3A_297 : i32 to index
    %swap3A_299 = arith.constant 32 : index
    %swap3A_300 = tpu.vector_load %arg11[%swap3A_298, %swap3A_299] {strides = array<i32>} : memref<32x128xf32, #tpu.memory_space<vmem>>, vector<16xf32>,
    tpu.vector_store %arg11[%swap3A_298, %swap3A_299], %broadcast_in_dim3A_1 {strides = array<i32>} : memref<32x128xf32, #tpu.memory_space<vmem>>, vector<16xf32>,
    %swap3A_301 = arith.constant 9 : i32
    %swap3A_302 = arith.index_cast %swap3A_301 : i32 to index
    %swap3A_303 = arith.constant 48 : index
    %swap3A_304 = tpu.vector_load %arg11[%swap3A_302, %swap3A_303] {strides = array<i32>} : memref<32x128xf32, #tpu.memory_space<vmem>>, vector<16xf32>,
    tpu.vector_store %arg11[%swap3A_302, %swap3A_303], %broadcast_in_dim3A_1 {strides = array<i32>} : memref<32x128xf32, #tpu.memory_space<vmem>>, vector<16xf32>,
    %swap3A_305 = arith.constant 9 : i32
    %swap3A_306 = arith.index_cast %swap3A_305 : i32 to index
    %swap3A_307 = arith.constant 64 : index
    %swap3A_308 = tpu.vector_load %arg11[%swap3A_306, %swap3A_307] {strides = array<i32>} : memref<32x128xf32, #tpu.memory_space<vmem>>, vector<16xf32>,
    tpu.vector_store %arg11[%swap3A_306, %swap3A_307], %broadcast_in_dim3A_1 {strides = array<i32>} : memref<32x128xf32, #tpu.memory_space<vmem>>, vector<16xf32>,
    %swap3A_309 = arith.constant 9 : i32
    %swap3A_310 = arith.index_cast %swap3A_309 : i32 to index
    %swap3A_311 = arith.constant 80 : index
    %swap3A_312 = tpu.vector_load %arg11[%swap3A_310, %swap3A_311] {strides = array<i32>} : memref<32x128xf32, #tpu.memory_space<vmem>>, vector<16xf32>,
    tpu.vector_store %arg11[%swap3A_310, %swap3A_311], %broadcast_in_dim3A_1 {strides = array<i32>} : memref<32x128xf32, #tpu.memory_space<vmem>>, vector<16xf32>,
    %swap3A_313 = arith.constant 9 : i32
    %swap3A_314 = arith.index_cast %swap3A_313 : i32 to index
    %swap3A_315 = arith.constant 96 : index
    %swap3A_316 = tpu.vector_load %arg11[%swap3A_314, %swap3A_315] {strides = array<i32>} : memref<32x128xf32, #tpu.memory_space<vmem>>, vector<16xf32>,
    tpu.vector_store %arg11[%swap3A_314, %swap3A_315], %broadcast_in_dim3A_1 {strides = array<i32>} : memref<32x128xf32, #tpu.memory_space<vmem>>, vector<16xf32>,
    %swap3A_317 = arith.constant 9 : i32
    %swap3A_318 = arith.index_cast %swap3A_317 : i32 to index
    %swap3A_319 = arith.constant 112 : index
    %swap3A_320 = tpu.vector_load %arg11[%swap3A_318, %swap3A_319] {strides = array<i32>} : memref<32x128xf32, #tpu.memory_space<vmem>>, vector<16xf32>,
    tpu.vector_store %arg11[%swap3A_318, %swap3A_319], %broadcast_in_dim3A_1 {strides = array<i32>} : memref<32x128xf32, #tpu.memory_space<vmem>>, vector<16xf32>,
    %swap3A_321 = arith.constant 10 : i32
    %swap3A_322 = arith.index_cast %swap3A_321 : i32 to index
    %swap3A_323 = arith.constant 0 : index
    %swap3A_324 = tpu.vector_load %arg11[%swap3A_322, %swap3A_323] {strides = array<i32>} : memref<32x128xf32, #tpu.memory_space<vmem>>, vector<16xf32>,
    tpu.vector_store %arg11[%swap3A_322, %swap3A_323], %broadcast_in_dim3A_1 {strides = array<i32>} : memref<32x128xf32, #tpu.memory_space<vmem>>, vector<16xf32>,
    %swap3A_325 = arith.constant 10 : i32
    %swap3A_326 = arith.index_cast %swap3A_325 : i32 to index
    %swap3A_327 = arith.constant 16 : index
    %swap3A_328 = tpu.vector_load %arg11[%swap3A_326, %swap3A_327] {strides = array<i32>} : memref<32x128xf32, #tpu.memory_space<vmem>>, vector<16xf32>,
    tpu.vector_store %arg11[%swap3A_326, %swap3A_327], %broadcast_in_dim3A_1 {strides = array<i32>} : memref<32x128xf32, #tpu.memory_space<vmem>>, vector<16xf32>,
    %swap3A_329 = arith.constant 10 : i32
    %swap3A_330 = arith.index_cast %swap3A_329 : i32 to index
    %swap3A_331 = arith.constant 32 : index
    %swap3A_332 = tpu.vector_load %arg11[%swap3A_330, %swap3A_331] {strides = array<i32>} : memref<32x128xf32, #tpu.memory_space<vmem>>, vector<16xf32>,
    tpu.vector_store %arg11[%swap3A_330, %swap3A_331], %broadcast_in_dim3A_1 {strides = array<i32>} : memref<32x128xf32, #tpu.memory_space<vmem>>, vector<16xf32>,
    %swap3A_333 = arith.constant 10 : i32
    %swap3A_334 = arith.index_cast %swap3A_333 : i32 to index
    %swap3A_335 = arith.constant 48 : index
    %swap3A_336 = tpu.vector_load %arg11[%swap3A_334, %swap3A_335] {strides = array<i32>} : memref<32x128xf32, #tpu.memory_space<vmem>>, vector<16xf32>,
    tpu.vector_store %arg11[%swap3A_334, %swap3A_335], %broadcast_in_dim3A_1 {strides = array<i32>} : memref<32x128xf32, #tpu.memory_space<vmem>>, vector<16xf32>,
    %swap3A_337 = arith.constant 10 : i32
    %swap3A_338 = arith.index_cast %swap3A_337 : i32 to index
    %swap3A_339 = arith.constant 64 : index
    %swap3A_340 = tpu.vector_load %arg11[%swap3A_338, %swap3A_339] {strides = array<i32>} : memref<32x128xf32, #tpu.memory_space<vmem>>, vector<16xf32>,
    tpu.vector_store %arg11[%swap3A_338, %swap3A_339], %broadcast_in_dim3A_1 {strides = array<i32>} : memref<32x128xf32, #tpu.memory_space<vmem>>, vector<16xf32>,
    %swap3A_341 = arith.constant 10 : i32
    %swap3A_342 = arith.index_cast %swap3A_341 : i32 to index
    %swap3A_343 = arith.constant 80 : index
    %swap3A_344 = tpu.vector_load %arg11[%swap3A_342, %swap3A_343] {strides = array<i32>} : memref<32x128xf32, #tpu.memory_space<vmem>>, vector<16xf32>,
    tpu.vector_store %arg11[%swap3A_342, %swap3A_343], %broadcast_in_dim3A_1 {strides = array<i32>} : memref<32x128xf32, #tpu.memory_space<vmem>>, vector<16xf32>,
    %swap3A_345 = arith.constant 10 : i32
    %swap3A_346 = arith.index_cast %swap3A_345 : i32 to index
    %swap3A_347 = arith.constant 96 : index
    %swap3A_348 = tpu.vector_load %arg11[%swap3A_346, %swap3A_347] {strides = array<i32>} : memref<32x128xf32, #tpu.memory_space<vmem>>, vector<16xf32>,
    tpu.vector_store %arg11[%swap3A_346, %swap3A_347], %broadcast_in_dim3A_1 {strides = array<i32>} : memref<32x128xf32, #tpu.memory_space<vmem>>, vector<16xf32>,
    %swap3A_349 = arith.constant 10 : i32
    %swap3A_350 = arith.index_cast %swap3A_349 : i32 to index
    %swap3A_351 = arith.constant 112 : index
    %swap3A_352 = tpu.vector_load %arg11[%swap3A_350, %swap3A_351] {strides = array<i32>} : memref<32x128xf32, #tpu.memory_space<vmem>>, vector<16xf32>,
    tpu.vector_store %arg11[%swap3A_350, %swap3A_351], %broadcast_in_dim3A_1 {strides = array<i32>} : memref<32x128xf32, #tpu.memory_space<vmem>>, vector<16xf32>,
    %swap3A_353 = arith.constant 11 : i32
    %swap3A_354 = arith.index_cast %swap3A_353 : i32 to index
    %swap3A_355 = arith.constant 0 : index
    %swap3A_356 = tpu.vector_load %arg11[%swap3A_354, %swap3A_355] {strides = array<i32>} : memref<32x128xf32, #tpu.memory_space<vmem>>, vector<16xf32>,
    tpu.vector_store %arg11[%swap3A_354, %swap3A_355], %broadcast_in_dim3A_1 {strides = array<i32>} : memref<32x128xf32, #tpu.memory_space<vmem>>, vector<16xf32>,
    %swap3A_357 = arith.constant 11 : i32
    %swap3A_358 = arith.index_cast %swap3A_357 : i32 to index
    %swap3A_359 = arith.constant 16 : index
    %swap3A_360 = tpu.vector_load %arg11[%swap3A_358, %swap3A_359] {strides = array<i32>} : memref<32x128xf32, #tpu.memory_space<vmem>>, vector<16xf32>,
    tpu.vector_store %arg11[%swap3A_358, %swap3A_359], %broadcast_in_dim3A_1 {strides = array<i32>} : memref<32x128xf32, #tpu.memory_space<vmem>>, vector<16xf32>,
    %swap3A_361 = arith.constant 11 : i32
    %swap3A_362 = arith.index_cast %swap3A_361 : i32 to index
    %swap3A_363 = arith.constant 32 : index
    %swap3A_364 = tpu.vector_load %arg11[%swap3A_362, %swap3A_363] {strides = array<i32>} : memref<32x128xf32, #tpu.memory_space<vmem>>, vector<16xf32>,
    tpu.vector_store %arg11[%swap3A_362, %swap3A_363], %broadcast_in_dim3A_1 {strides = array<i32>} : memref<32x128xf32, #tpu.memory_space<vmem>>, vector<16xf32>,
    %swap3A_365 = arith.constant 11 : i32
    %swap3A_366 = arith.index_cast %swap3A_365 : i32 to index
    %swap3A_367 = arith.constant 48 : index
    %swap3A_368 = tpu.vector_load %arg11[%swap3A_366, %swap3A_367] {strides = array<i32>} : memref<32x128xf32, #tpu.memory_space<vmem>>, vector<16xf32>,
    tpu.vector_store %arg11[%swap3A_366, %swap3A_367], %broadcast_in_dim3A_1 {strides = array<i32>} : memref<32x128xf32, #tpu.memory_space<vmem>>, vector<16xf32>,
    %swap3A_369 = arith.constant 11 : i32
    %swap3A_370 = arith.index_cast %swap3A_369 : i32 to index
    %swap3A_371 = arith.constant 64 : index
    %swap3A_372 = tpu.vector_load %arg11[%swap3A_370, %swap3A_371] {strides = array<i32>} : memref<32x128xf32, #tpu.memory_space<vmem>>, vector<16xf32>,
    tpu.vector_store %arg11[%swap3A_370, %swap3A_371], %broadcast_in_dim3A_1 {strides = array<i32>} : memref<32x128xf32, #tpu.memory_space<vmem>>, vector<16xf32>,
    %swap3A_373 = arith.constant 11 : i32
    %swap3A_374 = arith.index_cast %swap3A_373 : i32 to index
    %swap3A_375 = arith.constant 80 : index
    %swap3A_376 = tpu.vector_load %arg11[%swap3A_374, %swap3A_375] {strides = array<i32>} : memref<32x128xf32, #tpu.memory_space<vmem>>, vector<16xf32>,
    tpu.vector_store %arg11[%swap3A_374, %swap3A_375], %broadcast_in_dim3A_1 {strides = array<i32>} : memref<32x128xf32, #tpu.memory_space<vmem>>, vector<16xf32>,
    %swap3A_377 = arith.constant 11 : i32
    %swap3A_378 = arith.index_cast %swap3A_377 : i32 to index
    %swap3A_379 = arith.constant 96 : index
    %swap3A_380 = tpu.vector_load %arg11[%swap3A_378, %swap3A_379] {strides = array<i32>} : memref<32x128xf32, #tpu.memory_space<vmem>>, vector<16xf32>,
    tpu.vector_store %arg11[%swap3A_378, %swap3A_379], %broadcast_in_dim3A_1 {strides = array<i32>} : memref<32x128xf32, #tpu.memory_space<vmem>>, vector<16xf32>,
    %swap3A_381 = arith.constant 11 : i32
    %swap3A_382 = arith.index_cast %swap3A_381 : i32 to index
    %swap3A_383 = arith.constant 112 : index
    %swap3A_384 = tpu.vector_load %arg11[%swap3A_382, %swap3A_383] {strides = array<i32>} : memref<32x128xf32, #tpu.memory_space<vmem>>, vector<16xf32>,
    tpu.vector_store %arg11[%swap3A_382, %swap3A_383], %broadcast_in_dim3A_1 {strides = array<i32>} : memref<32x128xf32, #tpu.memory_space<vmem>>, vector<16xf32>,
    %swap3A_385 = arith.constant 12 : i32
    %swap3A_386 = arith.index_cast %swap3A_385 : i32 to index
    %swap3A_387 = arith.constant 0 : index
    %swap3A_388 = tpu.vector_load %arg11[%swap3A_386, %swap3A_387] {strides = array<i32>} : memref<32x128xf32, #tpu.memory_space<vmem>>, vector<16xf32>,
    tpu.vector_store %arg11[%swap3A_386, %swap3A_387], %broadcast_in_dim3A_1 {strides = array<i32>} : memref<32x128xf32, #tpu.memory_space<vmem>>, vector<16xf32>,
    %swap3A_389 = arith.constant 12 : i32
    %swap3A_390 = arith.index_cast %swap3A_389 : i32 to index
    %swap3A_391 = arith.constant 16 : index
    %swap3A_392 = tpu.vector_load %arg11[%swap3A_390, %swap3A_391] {strides = array<i32>} : memref<32x128xf32, #tpu.memory_space<vmem>>, vector<16xf32>,
    tpu.vector_store %arg11[%swap3A_390, %swap3A_391], %broadcast_in_dim3A_1 {strides = array<i32>} : memref<32x128xf32, #tpu.memory_space<vmem>>, vector<16xf32>,
    %swap3A_393 = arith.constant 12 : i32
    %swap3A_394 = arith.index_cast %swap3A_393 : i32 to index
    %swap3A_395 = arith.constant 32 : index
    %swap3A_396 = tpu.vector_load %arg11[%swap3A_394, %swap3A_395] {strides = array<i32>} : memref<32x128xf32, #tpu.memory_space<vmem>>, vector<16xf32>,
    tpu.vector_store %arg11[%swap3A_394, %swap3A_395], %broadcast_in_dim3A_1 {strides = array<i32>} : memref<32x128xf32, #tpu.memory_space<vmem>>, vector<16xf32>,
    %swap3A_397 = arith.constant 12 : i32
    %swap3A_398 = arith.index_cast %swap3A_397 : i32 to index
    %swap3A_399 = arith.constant 48 : index
    %swap3A_400 = tpu.vector_load %arg11[%swap3A_398, %swap3A_399] {strides = array<i32>} : memref<32x128xf32, #tpu.memory_space<vmem>>, vector<16xf32>,
    tpu.vector_store %arg11[%swap3A_398, %swap3A_399], %broadcast_in_dim3A_1 {strides = array<i32>} : memref<32x128xf32, #tpu.memory_space<vmem>>, vector<16xf32>,
    %swap3A_401 = arith.constant 12 : i32
    %swap3A_402 = arith.index_cast %swap3A_401 : i32 to index
    %swap3A_403 = arith.constant 64 : index
    %swap3A_404 = tpu.vector_load %arg11[%swap3A_402, %swap3A_403] {strides = array<i32>} : memref<32x128xf32, #tpu.memory_space<vmem>>, vector<16xf32>,
    tpu.vector_store %arg11[%swap3A_402, %swap3A_403], %broadcast_in_dim3A_1 {strides = array<i32>} : memref<32x128xf32, #tpu.memory_space<vmem>>, vector<16xf32>,
    %swap3A_405 = arith.constant 12 : i32
    %swap3A_406 = arith.index_cast %swap3A_405 : i32 to index
    %swap3A_407 = arith.constant 80 : index
    %swap3A_408 = tpu.vector_load %arg11[%swap3A_406, %swap3A_407] {strides = array<i32>} : memref<32x128xf32, #tpu.memory_space<vmem>>, vector<16xf32>,
    tpu.vector_store %arg11[%swap3A_406, %swap3A_407], %broadcast_in_dim3A_1 {strides = array<i32>} : memref<32x128xf32, #tpu.memory_space<vmem>>, vector<16xf32>,
    %swap3A_409 = arith.constant 12 : i32
    %swap3A_410 = arith.index_cast %swap3A_409 : i32 to index
    %swap3A_411 = arith.constant 96 : index
    %swap3A_412 = tpu.vector_load %arg11[%swap3A_410, %swap3A_411] {strides = array<i32>} : memref<32x128xf32, #tpu.memory_space<vmem>>, vector<16xf32>,
    tpu.vector_store %arg11[%swap3A_410, %swap3A_411], %broadcast_in_dim3A_1 {strides = array<i32>} : memref<32x128xf32, #tpu.memory_space<vmem>>, vector<16xf32>,
    %swap3A_413 = arith.constant 12 : i32
    %swap3A_414 = arith.index_cast %swap3A_413 : i32 to index
    %swap3A_415 = arith.constant 112 : index
    %swap3A_416 = tpu.vector_load %arg11[%swap3A_414, %swap3A_415] {strides = array<i32>} : memref<32x128xf32, #tpu.memory_space<vmem>>, vector<16xf32>,
    tpu.vector_store %arg11[%swap3A_414, %swap3A_415], %broadcast_in_dim3A_1 {strides = array<i32>} : memref<32x128xf32, #tpu.memory_space<vmem>>, vector<16xf32>,
    %swap3A_417 = arith.constant 13 : i32
    %swap3A_418 = arith.index_cast %swap3A_417 : i32 to index
    %swap3A_419 = arith.constant 0 : index
    %swap3A_420 = tpu.vector_load %arg11[%swap3A_418, %swap3A_419] {strides = array<i32>} : memref<32x128xf32, #tpu.memory_space<vmem>>, vector<16xf32>,
    tpu.vector_store %arg11[%swap3A_418, %swap3A_419], %broadcast_in_dim3A_1 {strides = array<i32>} : memref<32x128xf32, #tpu.memory_space<vmem>>, vector<16xf32>,
    %swap3A_421 = arith.constant 13 : i32
    %swap3A_422 = arith.index_cast %swap3A_421 : i32 to index
    %swap3A_423 = arith.constant 16 : index
    %swap3A_424 = tpu.vector_load %arg11[%swap3A_422, %swap3A_423] {strides = array<i32>} : memref<32x128xf32, #tpu.memory_space<vmem>>, vector<16xf32>,
    tpu.vector_store %arg11[%swap3A_422, %swap3A_423], %broadcast_in_dim3A_1 {strides = array<i32>} : memref<32x128xf32, #tpu.memory_space<vmem>>, vector<16xf32>,
    %swap3A_425 = arith.constant 13 : i32
    %swap3A_426 = arith.index_cast %swap3A_425 : i32 to index
    %swap3A_427 = arith.constant 32 : index
    %swap3A_428 = tpu.vector_load %arg11[%swap3A_426, %swap3A_427] {strides = array<i32>} : memref<32x128xf32, #tpu.memory_space<vmem>>, vector<16xf32>,
    tpu.vector_store %arg11[%swap3A_426, %swap3A_427], %broadcast_in_dim3A_1 {strides = array<i32>} : memref<32x128xf32, #tpu.memory_space<vmem>>, vector<16xf32>,
    %swap3A_429 = arith.constant 13 : i32
    %swap3A_430 = arith.index_cast %swap3A_429 : i32 to index
    %swap3A_431 = arith.constant 48 : index
    %swap3A_432 = tpu.vector_load %arg11[%swap3A_430, %swap3A_431] {strides = array<i32>} : memref<32x128xf32, #tpu.memory_space<vmem>>, vector<16xf32>,
    tpu.vector_store %arg11[%swap3A_430, %swap3A_431], %broadcast_in_dim3A_1 {strides = array<i32>} : memref<32x128xf32, #tpu.memory_space<vmem>>, vector<16xf32>,
    %swap3A_433 = arith.constant 13 : i32
    %swap3A_434 = arith.index_cast %swap3A_433 : i32 to index
    %swap3A_435 = arith.constant 64 : index
    %swap3A_436 = tpu.vector_load %arg11[%swap3A_434, %swap3A_435] {strides = array<i32>} : memref<32x128xf32, #tpu.memory_space<vmem>>, vector<16xf32>,
    tpu.vector_store %arg11[%swap3A_434, %swap3A_435], %broadcast_in_dim3A_1 {strides = array<i32>} : memref<32x128xf32, #tpu.memory_space<vmem>>, vector<16xf32>,
    %swap3A_437 = arith.constant 13 : i32
    %swap3A_438 = arith.index_cast %swap3A_437 : i32 to index
    %swap3A_439 = arith.constant 80 : index
    %swap3A_440 = tpu.vector_load %arg11[%swap3A_438, %swap3A_439] {strides = array<i32>} : memref<32x128xf32, #tpu.memory_space<vmem>>, vector<16xf32>,
    tpu.vector_store %arg11[%swap3A_438, %swap3A_439], %broadcast_in_dim3A_1 {strides = array<i32>} : memref<32x128xf32, #tpu.memory_space<vmem>>, vector<16xf32>,
    %swap3A_441 = arith.constant 13 : i32
    %swap3A_442 = arith.index_cast %swap3A_441 : i32 to index
    %swap3A_443 = arith.constant 96 : index
    %swap3A_444 = tpu.vector_load %arg11[%swap3A_442, %swap3A_443] {strides = array<i32>} : memref<32x128xf32, #tpu.memory_space<vmem>>, vector<16xf32>,
    tpu.vector_store %arg11[%swap3A_442, %swap3A_443], %broadcast_in_dim3A_1 {strides = array<i32>} : memref<32x128xf32, #tpu.memory_space<vmem>>, vector<16xf32>,
    %swap3A_445 = arith.constant 13 : i32
    %swap3A_446 = arith.index_cast %swap3A_445 : i32 to index
    %swap3A_447 = arith.constant 112 : index
    %swap3A_448 = tpu.vector_load %arg11[%swap3A_446, %swap3A_447] {strides = array<i32>} : memref<32x128xf32, #tpu.memory_space<vmem>>, vector<16xf32>,
    tpu.vector_store %arg11[%swap3A_446, %swap3A_447], %broadcast_in_dim3A_1 {strides = array<i32>} : memref<32x128xf32, #tpu.memory_space<vmem>>, vector<16xf32>,
    %swap3A_449 = arith.constant 14 : i32
    %swap3A_450 = arith.index_cast %swap3A_449 : i32 to index
    %swap3A_451 = arith.constant 0 : index
    %swap3A_452 = tpu.vector_load %arg11[%swap3A_450, %swap3A_451] {strides = array<i32>} : memref<32x128xf32, #tpu.memory_space<vmem>>, vector<16xf32>,
    tpu.vector_store %arg11[%swap3A_450, %swap3A_451], %broadcast_in_dim3A_1 {strides = array<i32>} : memref<32x128xf32, #tpu.memory_space<vmem>>, vector<16xf32>,
    %swap3A_453 = arith.constant 14 : i32
    %swap3A_454 = arith.index_cast %swap3A_453 : i32 to index
    %swap3A_455 = arith.constant 16 : index
    %swap3A_456 = tpu.vector_load %arg11[%swap3A_454, %swap3A_455] {strides = array<i32>} : memref<32x128xf32, #tpu.memory_space<vmem>>, vector<16xf32>,
    tpu.vector_store %arg11[%swap3A_454, %swap3A_455], %broadcast_in_dim3A_1 {strides = array<i32>} : memref<32x128xf32, #tpu.memory_space<vmem>>, vector<16xf32>,
    %swap3A_457 = arith.constant 14 : i32
    %swap3A_458 = arith.index_cast %swap3A_457 : i32 to index
    %swap3A_459 = arith.constant 32 : index
    %swap3A_460 = tpu.vector_load %arg11[%swap3A_458, %swap3A_459] {strides = array<i32>} : memref<32x128xf32, #tpu.memory_space<vmem>>, vector<16xf32>,
    tpu.vector_store %arg11[%swap3A_458, %swap3A_459], %broadcast_in_dim3A_1 {strides = array<i32>} : memref<32x128xf32, #tpu.memory_space<vmem>>, vector<16xf32>,
    %swap3A_461 = arith.constant 14 : i32
    %swap3A_462 = arith.index_cast %swap3A_461 : i32 to index
    %swap3A_463 = arith.constant 48 : index
    %swap3A_464 = tpu.vector_load %arg11[%swap3A_462, %swap3A_463] {strides = array<i32>} : memref<32x128xf32, #tpu.memory_space<vmem>>, vector<16xf32>,
    tpu.vector_store %arg11[%swap3A_462, %swap3A_463], %broadcast_in_dim3A_1 {strides = array<i32>} : memref<32x128xf32, #tpu.memory_space<vmem>>, vector<16xf32>,
    %swap3A_465 = arith.constant 14 : i32
    %swap3A_466 = arith.index_cast %swap3A_465 : i32 to index
    %swap3A_467 = arith.constant 64 : index
    %swap3A_468 = tpu.vector_load %arg11[%swap3A_466, %swap3A_467] {strides = array<i32>} : memref<32x128xf32, #tpu.memory_space<vmem>>, vector<16xf32>,
    tpu.vector_store %arg11[%swap3A_466, %swap3A_467], %broadcast_in_dim3A_1 {strides = array<i32>} : memref<32x128xf32, #tpu.memory_space<vmem>>, vector<16xf32>,
    %swap3A_469 = arith.constant 14 : i32
    %swap3A_470 = arith.index_cast %swap3A_469 : i32 to index
    %swap3A_471 = arith.constant 80 : index
    %swap3A_472 = tpu.vector_load %arg11[%swap3A_470, %swap3A_471] {strides = array<i32>} : memref<32x128xf32, #tpu.memory_space<vmem>>, vector<16xf32>,
    tpu.vector_store %arg11[%swap3A_470, %swap3A_471], %broadcast_in_dim3A_1 {strides = array<i32>} : memref<32x128xf32, #tpu.memory_space<vmem>>, vector<16xf32>,
    %swap3A_473 = arith.constant 14 : i32
    %swap3A_474 = arith.index_cast %swap3A_473 : i32 to index
    %swap3A_475 = arith.constant 96 : index
    %swap3A_476 = tpu.vector_load %arg11[%swap3A_474, %swap3A_475] {strides = array<i32>} : memref<32x128xf32, #tpu.memory_space<vmem>>, vector<16xf32>,
    tpu.vector_store %arg11[%swap3A_474, %swap3A_475], %broadcast_in_dim3A_1 {strides = array<i32>} : memref<32x128xf32, #tpu.memory_space<vmem>>, vector<16xf32>,
    %swap3A_477 = arith.constant 14 : i32
    %swap3A_478 = arith.index_cast %swap3A_477 : i32 to index
    %swap3A_479 = arith.constant 112 : index
    %swap3A_480 = tpu.vector_load %arg11[%swap3A_478, %swap3A_479] {strides = array<i32>} : memref<32x128xf32, #tpu.memory_space<vmem>>, vector<16xf32>,
    tpu.vector_store %arg11[%swap3A_478, %swap3A_479], %broadcast_in_dim3A_1 {strides = array<i32>} : memref<32x128xf32, #tpu.memory_space<vmem>>, vector<16xf32>,
    %swap3A_481 = arith.constant 15 : i32
    %swap3A_482 = arith.index_cast %swap3A_481 : i32 to index
    %swap3A_483 = arith.constant 0 : index
    %swap3A_484 = tpu.vector_load %arg11[%swap3A_482, %swap3A_483] {strides = array<i32>} : memref<32x128xf32, #tpu.memory_space<vmem>>, vector<16xf32>,
    tpu.vector_store %arg11[%swap3A_482, %swap3A_483], %broadcast_in_dim3A_1 {strides = array<i32>} : memref<32x128xf32, #tpu.memory_space<vmem>>, vector<16xf32>,
    %swap3A_485 = arith.constant 15 : i32
    %swap3A_486 = arith.index_cast %swap3A_485 : i32 to index
    %swap3A_487 = arith.constant 16 : index
    %swap3A_488 = tpu.vector_load %arg11[%swap3A_486, %swap3A_487] {strides = array<i32>} : memref<32x128xf32, #tpu.memory_space<vmem>>, vector<16xf32>,
    tpu.vector_store %arg11[%swap3A_486, %swap3A_487], %broadcast_in_dim3A_1 {strides = array<i32>} : memref<32x128xf32, #tpu.memory_space<vmem>>, vector<16xf32>,
    %swap3A_489 = arith.constant 15 : i32
    %swap3A_490 = arith.index_cast %swap3A_489 : i32 to index
    %swap3A_491 = arith.constant 32 : index
    %swap3A_492 = tpu.vector_load %arg11[%swap3A_490, %swap3A_491] {strides = array<i32>} : memref<32x128xf32, #tpu.memory_space<vmem>>, vector<16xf32>,
    tpu.vector_store %arg11[%swap3A_490, %swap3A_491], %broadcast_in_dim3A_1 {strides = array<i32>} : memref<32x128xf32, #tpu.memory_space<vmem>>, vector<16xf32>,
    %swap3A_493 = arith.constant 15 : i32
    %swap3A_494 = arith.index_cast %swap3A_493 : i32 to index
    %swap3A_495 = arith.constant 48 : index
    %swap3A_496 = tpu.vector_load %arg11[%swap3A_494, %swap3A_495] {strides = array<i32>} : memref<32x128xf32, #tpu.memory_space<vmem>>, vector<16xf32>,
    tpu.vector_store %arg11[%swap3A_494, %swap3A_495], %broadcast_in_dim3A_1 {strides = array<i32>} : memref<32x128xf32, #tpu.memory_space<vmem>>, vector<16xf32>,
    %swap3A_497 = arith.constant 15 : i32
    %swap3A_498 = arith.index_cast %swap3A_497 : i32 to index
    %swap3A_499 = arith.constant 64 : index
    %swap3A_500 = tpu.vector_load %arg11[%swap3A_498, %swap3A_499] {strides = array<i32>} : memref<32x128xf32, #tpu.memory_space<vmem>>, vector<16xf32>,
    tpu.vector_store %arg11[%swap3A_498, %swap3A_499], %broadcast_in_dim3A_1 {strides = array<i32>} : memref<32x128xf32, #tpu.memory_space<vmem>>, vector<16xf32>,
    %swap3A_501 = arith.constant 15 : i32
    %swap3A_502 = arith.index_cast %swap3A_501 : i32 to index
    %swap3A_503 = arith.constant 80 : index
    %swap3A_504 = tpu.vector_load %arg11[%swap3A_502, %swap3A_503] {strides = array<i32>} : memref<32x128xf32, #tpu.memory_space<vmem>>, vector<16xf32>,
    tpu.vector_store %arg11[%swap3A_502, %swap3A_503], %broadcast_in_dim3A_1 {strides = array<i32>} : memref<32x128xf32, #tpu.memory_space<vmem>>, vector<16xf32>,
    %swap3A_505 = arith.constant 15 : i32
    %swap3A_506 = arith.index_cast %swap3A_505 : i32 to index
    %swap3A_507 = arith.constant 96 : index
    %swap3A_508 = tpu.vector_load %arg11[%swap3A_506, %swap3A_507] {strides = array<i32>} : memref<32x128xf32, #tpu.memory_space<vmem>>, vector<16xf32>,
    tpu.vector_store %arg11[%swap3A_506, %swap3A_507], %broadcast_in_dim3A_1 {strides = array<i32>} : memref<32x128xf32, #tpu.memory_space<vmem>>, vector<16xf32>,
    %swap3A_509 = arith.constant 15 : i32
    %swap3A_510 = arith.index_cast %swap3A_509 : i32 to index
    %swap3A_511 = arith.constant 112 : index
    %swap3A_512 = tpu.vector_load %arg11[%swap3A_510, %swap3A_511] {strides = array<i32>} : memref<32x128xf32, #tpu.memory_space<vmem>>, vector<16xf32>,
    tpu.vector_store %arg11[%swap3A_510, %swap3A_511], %broadcast_in_dim3A_1 {strides = array<i32>} : memref<32x128xf32, #tpu.memory_space<vmem>>, vector<16xf32>,
    %swap3A_513 = arith.constant 16 : i32
    %swap3A_514 = arith.index_cast %swap3A_513 : i32 to index
    %swap3A_515 = arith.constant 0 : index
    %swap3A_516 = tpu.vector_load %arg11[%swap3A_514, %swap3A_515] {strides = array<i32>} : memref<32x128xf32, #tpu.memory_space<vmem>>, vector<16xf32>,
    tpu.vector_store %arg11[%swap3A_514, %swap3A_515], %broadcast_in_dim3A_1 {strides = array<i32>} : memref<32x128xf32, #tpu.memory_space<vmem>>, vector<16xf32>,
    %swap3A_517 = arith.constant 16 : i32
    %swap3A_518 = arith.index_cast %swap3A_517 : i32 to index
    %swap3A_519 = arith.constant 16 : index
    %swap3A_520 = tpu.vector_load %arg11[%swap3A_518, %swap3A_519] {strides = array<i32>} : memref<32x128xf32, #tpu.memory_space<vmem>>, vector<16xf32>,
    tpu.vector_store %arg11[%swap3A_518, %swap3A_519], %broadcast_in_dim3A_1 {strides = array<i32>} : memref<32x128xf32, #tpu.memory_space<vmem>>, vector<16xf32>,
    %swap3A_521 = arith.constant 16 : i32
    %swap3A_522 = arith.index_cast %swap3A_521 : i32 to index
    %swap3A_523 = arith.constant 32 : index
    %swap3A_524 = tpu.vector_load %arg11[%swap3A_522, %swap3A_523] {strides = array<i32>} : memref<32x128xf32, #tpu.memory_space<vmem>>, vector<16xf32>,
    tpu.vector_store %arg11[%swap3A_522, %swap3A_523], %broadcast_in_dim3A_1 {strides = array<i32>} : memref<32x128xf32, #tpu.memory_space<vmem>>, vector<16xf32>,
    %swap3A_525 = arith.constant 16 : i32
    %swap3A_526 = arith.index_cast %swap3A_525 : i32 to index
    %swap3A_527 = arith.constant 48 : index
    %swap3A_528 = tpu.vector_load %arg11[%swap3A_526, %swap3A_527] {strides = array<i32>} : memref<32x128xf32, #tpu.memory_space<vmem>>, vector<16xf32>,
    tpu.vector_store %arg11[%swap3A_526, %swap3A_527], %broadcast_in_dim3A_1 {strides = array<i32>} : memref<32x128xf32, #tpu.memory_space<vmem>>, vector<16xf32>,
    %swap3A_529 = arith.constant 16 : i32
    %swap3A_530 = arith.index_cast %swap3A_529 : i32 to index
    %swap3A_531 = arith.constant 64 : index
    %swap3A_532 = tpu.vector_load %arg11[%swap3A_530, %swap3A_531] {strides = array<i32>} : memref<32x128xf32, #tpu.memory_space<vmem>>, vector<16xf32>,
    tpu.vector_store %arg11[%swap3A_530, %swap3A_531], %broadcast_in_dim3A_1 {strides = array<i32>} : memref<32x128xf32, #tpu.memory_space<vmem>>, vector<16xf32>,
    %swap3A_533 = arith.constant 16 : i32
    %swap3A_534 = arith.index_cast %swap3A_533 : i32 to index
    %swap3A_535 = arith.constant 80 : index
    %swap3A_536 = tpu.vector_load %arg11[%swap3A_534, %swap3A_535] {strides = array<i32>} : memref<32x128xf32, #tpu.memory_space<vmem>>, vector<16xf32>,
    tpu.vector_store %arg11[%swap3A_534, %swap3A_535], %broadcast_in_dim3A_1 {strides = array<i32>} : memref<32x128xf32, #tpu.memory_space<vmem>>, vector<16xf32>,
    %swap3A_537 = arith.constant 16 : i32
    %swap3A_538 = arith.index_cast %swap3A_537 : i32 to index
    %swap3A_539 = arith.constant 96 : index
    %swap3A_540 = tpu.vector_load %arg11[%swap3A_538, %swap3A_539] {strides = array<i32>} : memref<32x128xf32, #tpu.memory_space<vmem>>, vector<16xf32>,
    tpu.vector_store %arg11[%swap3A_538, %swap3A_539], %broadcast_in_dim3A_1 {strides = array<i32>} : memref<32x128xf32, #tpu.memory_space<vmem>>, vector<16xf32>,
    %swap3A_541 = arith.constant 16 : i32
    %swap3A_542 = arith.index_cast %swap3A_541 : i32 to index
    %swap3A_543 = arith.constant 112 : index
    %swap3A_544 = tpu.vector_load %arg11[%swap3A_542, %swap3A_543] {strides = array<i32>} : memref<32x128xf32, #tpu.memory_space<vmem>>, vector<16xf32>,
    tpu.vector_store %arg11[%swap3A_542, %swap3A_543], %broadcast_in_dim3A_1 {strides = array<i32>} : memref<32x128xf32, #tpu.memory_space<vmem>>, vector<16xf32>,
    %swap3A_545 = arith.constant 17 : i32
    %swap3A_546 = arith.index_cast %swap3A_545 : i32 to index
    %swap3A_547 = arith.constant 0 : index
    %swap3A_548 = tpu.vector_load %arg11[%swap3A_546, %swap3A_547] {strides = array<i32>} : memref<32x128xf32, #tpu.memory_space<vmem>>, vector<16xf32>,
    tpu.vector_store %arg11[%swap3A_546, %swap3A_547], %broadcast_in_dim3A_1 {strides = array<i32>} : memref<32x128xf32, #tpu.memory_space<vmem>>, vector<16xf32>,
    %swap3A_549 = arith.constant 17 : i32
    %swap3A_550 = arith.index_cast %swap3A_549 : i32 to index
    %swap3A_551 = arith.constant 16 : index
    %swap3A_552 = tpu.vector_load %arg11[%swap3A_550, %swap3A_551] {strides = array<i32>} : memref<32x128xf32, #tpu.memory_space<vmem>>, vector<16xf32>,
    tpu.vector_store %arg11[%swap3A_550, %swap3A_551], %broadcast_in_dim3A_1 {strides = array<i32>} : memref<32x128xf32, #tpu.memory_space<vmem>>, vector<16xf32>,
    %swap3A_553 = arith.constant 17 : i32
    %swap3A_554 = arith.index_cast %swap3A_553 : i32 to index
    %swap3A_555 = arith.constant 32 : index
    %swap3A_556 = tpu.vector_load %arg11[%swap3A_554, %swap3A_555] {strides = array<i32>} : memref<32x128xf32, #tpu.memory_space<vmem>>, vector<16xf32>,
    tpu.vector_store %arg11[%swap3A_554, %swap3A_555], %broadcast_in_dim3A_1 {strides = array<i32>} : memref<32x128xf32, #tpu.memory_space<vmem>>, vector<16xf32>,
    %swap3A_557 = arith.constant 17 : i32
    %swap3A_558 = arith.index_cast %swap3A_557 : i32 to index
    %swap3A_559 = arith.constant 48 : index
    %swap3A_560 = tpu.vector_load %arg11[%swap3A_558, %swap3A_559] {strides = array<i32>} : memref<32x128xf32, #tpu.memory_space<vmem>>, vector<16xf32>,
    tpu.vector_store %arg11[%swap3A_558, %swap3A_559], %broadcast_in_dim3A_1 {strides = array<i32>} : memref<32x128xf32, #tpu.memory_space<vmem>>, vector<16xf32>,
    %swap3A_561 = arith.constant 17 : i32
    %swap3A_562 = arith.index_cast %swap3A_561 : i32 to index
    %swap3A_563 = arith.constant 64 : index
    %swap3A_564 = tpu.vector_load %arg11[%swap3A_562, %swap3A_563] {strides = array<i32>} : memref<32x128xf32, #tpu.memory_space<vmem>>, vector<16xf32>,
    tpu.vector_store %arg11[%swap3A_562, %swap3A_563], %broadcast_in_dim3A_1 {strides = array<i32>} : memref<32x128xf32, #tpu.memory_space<vmem>>, vector<16xf32>,
    %swap3A_565 = arith.constant 17 : i32
    %swap3A_566 = arith.index_cast %swap3A_565 : i32 to index
    %swap3A_567 = arith.constant 80 : index
    %swap3A_568 = tpu.vector_load %arg11[%swap3A_566, %swap3A_567] {strides = array<i32>} : memref<32x128xf32, #tpu.memory_space<vmem>>, vector<16xf32>,
    tpu.vector_store %arg11[%swap3A_566, %swap3A_567], %broadcast_in_dim3A_1 {strides = array<i32>} : memref<32x128xf32, #tpu.memory_space<vmem>>, vector<16xf32>,
    %swap3A_569 = arith.constant 17 : i32
    %swap3A_570 = arith.index_cast %swap3A_569 : i32 to index
    %swap3A_571 = arith.constant 96 : index
    %swap3A_572 = tpu.vector_load %arg11[%swap3A_570, %swap3A_571] {strides = array<i32>} : memref<32x128xf32, #tpu.memory_space<vmem>>, vector<16xf32>,
    tpu.vector_store %arg11[%swap3A_570, %swap3A_571], %broadcast_in_dim3A_1 {strides = array<i32>} : memref<32x128xf32, #tpu.memory_space<vmem>>, vector<16xf32>,
    %swap3A_573 = arith.constant 17 : i32
    %swap3A_574 = arith.index_cast %swap3A_573 : i32 to index
    %swap3A_575 = arith.constant 112 : index
    %swap3A_576 = tpu.vector_load %arg11[%swap3A_574, %swap3A_575] {strides = array<i32>} : memref<32x128xf32, #tpu.memory_space<vmem>>, vector<16xf32>,
    tpu.vector_store %arg11[%swap3A_574, %swap3A_575], %broadcast_in_dim3A_1 {strides = array<i32>} : memref<32x128xf32, #tpu.memory_space<vmem>>, vector<16xf32>,
    %swap3A_577 = arith.constant 18 : i32
    %swap3A_578 = arith.index_cast %swap3A_577 : i32 to index
    %swap3A_579 = arith.constant 0 : index
    %swap3A_580 = tpu.vector_load %arg11[%swap3A_578, %swap3A_579] {strides = array<i32>} : memref<32x128xf32, #tpu.memory_space<vmem>>, vector<16xf32>,
    tpu.vector_store %arg11[%swap3A_578, %swap3A_579], %broadcast_in_dim3A_1 {strides = array<i32>} : memref<32x128xf32, #tpu.memory_space<vmem>>, vector<16xf32>,
    %swap3A_581 = arith.constant 18 : i32
    %swap3A_582 = arith.index_cast %swap3A_581 : i32 to index
    %swap3A_583 = arith.constant 16 : index
    %swap3A_584 = tpu.vector_load %arg11[%swap3A_582, %swap3A_583] {strides = array<i32>} : memref<32x128xf32, #tpu.memory_space<vmem>>, vector<16xf32>,
    tpu.vector_store %arg11[%swap3A_582, %swap3A_583], %broadcast_in_dim3A_1 {strides = array<i32>} : memref<32x128xf32, #tpu.memory_space<vmem>>, vector<16xf32>,
    %swap3A_585 = arith.constant 18 : i32
    %swap3A_586 = arith.index_cast %swap3A_585 : i32 to index
    %swap3A_587 = arith.constant 32 : index
    %swap3A_588 = tpu.vector_load %arg11[%swap3A_586, %swap3A_587] {strides = array<i32>} : memref<32x128xf32, #tpu.memory_space<vmem>>, vector<16xf32>,
    tpu.vector_store %arg11[%swap3A_586, %swap3A_587], %broadcast_in_dim3A_1 {strides = array<i32>} : memref<32x128xf32, #tpu.memory_space<vmem>>, vector<16xf32>,
    %swap3A_589 = arith.constant 18 : i32
    %swap3A_590 = arith.index_cast %swap3A_589 : i32 to index
    %swap3A_591 = arith.constant 48 : index
    %swap3A_592 = tpu.vector_load %arg11[%swap3A_590, %swap3A_591] {strides = array<i32>} : memref<32x128xf32, #tpu.memory_space<vmem>>, vector<16xf32>,
    tpu.vector_store %arg11[%swap3A_590, %swap3A_591], %broadcast_in_dim3A_1 {strides = array<i32>} : memref<32x128xf32, #tpu.memory_space<vmem>>, vector<16xf32>,
    %swap3A_593 = arith.constant 18 : i32
    %swap3A_594 = arith.index_cast %swap3A_593 : i32 to index
    %swap3A_595 = arith.constant 64 : index
    %swap3A_596 = tpu.vector_load %arg11[%swap3A_594, %swap3A_595] {strides = array<i32>} : memref<32x128xf32, #tpu.memory_space<vmem>>, vector<16xf32>,
    tpu.vector_store %arg11[%swap3A_594, %swap3A_595], %broadcast_in_dim3A_1 {strides = array<i32>} : memref<32x128xf32, #tpu.memory_space<vmem>>, vector<16xf32>,
    %swap3A_597 = arith.constant 18 : i32
    %swap3A_598 = arith.index_cast %swap3A_597 : i32 to index
    %swap3A_599 = arith.constant 80 : index
    %swap3A_600 = tpu.vector_load %arg11[%swap3A_598, %swap3A_599] {strides = array<i32>} : memref<32x128xf32, #tpu.memory_space<vmem>>, vector<16xf32>,
    tpu.vector_store %arg11[%swap3A_598, %swap3A_599], %broadcast_in_dim3A_1 {strides = array<i32>} : memref<32x128xf32, #tpu.memory_space<vmem>>, vector<16xf32>,
    %swap3A_601 = arith.constant 18 : i32
    %swap3A_602 = arith.index_cast %swap3A_601 : i32 to index
    %swap3A_603 = arith.constant 96 : index
    %swap3A_604 = tpu.vector_load %arg11[%swap3A_602, %swap3A_603] {strides = array<i32>} : memref<32x128xf32, #tpu.memory_space<vmem>>, vector<16xf32>,
    tpu.vector_store %arg11[%swap3A_602, %swap3A_603], %broadcast_in_dim3A_1 {strides = array<i32>} : memref<32x128xf32, #tpu.memory_space<vmem>>, vector<16xf32>,
    %swap3A_605 = arith.constant 18 : i32
    %swap3A_606 = arith.index_cast %swap3A_605 : i32 to index
    %swap3A_607 = arith.constant 112 : index
    %swap3A_608 = tpu.vector_load %arg11[%swap3A_606, %swap3A_607] {strides = array<i32>} : memref<32x128xf32, #tpu.memory_space<vmem>>, vector<16xf32>,
    tpu.vector_store %arg11[%swap3A_606, %swap3A_607], %broadcast_in_dim3A_1 {strides = array<i32>} : memref<32x128xf32, #tpu.memory_space<vmem>>, vector<16xf32>,
    %swap3A_609 = arith.constant 19 : i32
    %swap3A_610 = arith.index_cast %swap3A_609 : i32 to index
    %swap3A_611 = arith.constant 0 : index
    %swap3A_612 = tpu.vector_load %arg11[%swap3A_610, %swap3A_611] {strides = array<i32>} : memref<32x128xf32, #tpu.memory_space<vmem>>, vector<16xf32>,
    tpu.vector_store %arg11[%swap3A_610, %swap3A_611], %broadcast_in_dim3A_1 {strides = array<i32>} : memref<32x128xf32, #tpu.memory_space<vmem>>, vector<16xf32>,
    %swap3A_613 = arith.constant 19 : i32
    %swap3A_614 = arith.index_cast %swap3A_613 : i32 to index
    %swap3A_615 = arith.constant 16 : index
    %swap3A_616 = tpu.vector_load %arg11[%swap3A_614, %swap3A_615] {strides = array<i32>} : memref<32x128xf32, #tpu.memory_space<vmem>>, vector<16xf32>,
    tpu.vector_store %arg11[%swap3A_614, %swap3A_615], %broadcast_in_dim3A_1 {strides = array<i32>} : memref<32x128xf32, #tpu.memory_space<vmem>>, vector<16xf32>,
    %swap3A_617 = arith.constant 19 : i32
    %swap3A_618 = arith.index_cast %swap3A_617 : i32 to index
    %swap3A_619 = arith.constant 32 : index
    %swap3A_620 = tpu.vector_load %arg11[%swap3A_618, %swap3A_619] {strides = array<i32>} : memref<32x128xf32, #tpu.memory_space<vmem>>, vector<16xf32>,
    tpu.vector_store %arg11[%swap3A_618, %swap3A_619], %broadcast_in_dim3A_1 {strides = array<i32>} : memref<32x128xf32, #tpu.memory_space<vmem>>, vector<16xf32>,
    %swap3A_621 = arith.constant 19 : i32
    %swap3A_622 = arith.index_cast %swap3A_621 : i32 to index
    %swap3A_623 = arith.constant 48 : index
    %swap3A_624 = tpu.vector_load %arg11[%swap3A_622, %swap3A_623] {strides = array<i32>} : memref<32x128xf32, #tpu.memory_space<vmem>>, vector<16xf32>,
    tpu.vector_store %arg11[%swap3A_622, %swap3A_623], %broadcast_in_dim3A_1 {strides = array<i32>} : memref<32x128xf32, #tpu.memory_space<vmem>>, vector<16xf32>,
    %swap3A_625 = arith.constant 19 : i32
    %swap3A_626 = arith.index_cast %swap3A_625 : i32 to index
    %swap3A_627 = arith.constant 64 : index
    %swap3A_628 = tpu.vector_load %arg11[%swap3A_626, %swap3A_627] {strides = array<i32>} : memref<32x128xf32, #tpu.memory_space<vmem>>, vector<16xf32>,
    tpu.vector_store %arg11[%swap3A_626, %swap3A_627], %broadcast_in_dim3A_1 {strides = array<i32>} : memref<32x128xf32, #tpu.memory_space<vmem>>, vector<16xf32>,
    %swap3A_629 = arith.constant 19 : i32
    %swap3A_630 = arith.index_cast %swap3A_629 : i32 to index
    %swap3A_631 = arith.constant 80 : index
    %swap3A_632 = tpu.vector_load %arg11[%swap3A_630, %swap3A_631] {strides = array<i32>} : memref<32x128xf32, #tpu.memory_space<vmem>>, vector<16xf32>,
    tpu.vector_store %arg11[%swap3A_630, %swap3A_631], %broadcast_in_dim3A_1 {strides = array<i32>} : memref<32x128xf32, #tpu.memory_space<vmem>>, vector<16xf32>,
    %swap3A_633 = arith.constant 19 : i32
    %swap3A_634 = arith.index_cast %swap3A_633 : i32 to index
    %swap3A_635 = arith.constant 96 : index
    %swap3A_636 = tpu.vector_load %arg11[%swap3A_634, %swap3A_635] {strides = array<i32>} : memref<32x128xf32, #tpu.memory_space<vmem>>, vector<16xf32>,
    tpu.vector_store %arg11[%swap3A_634, %swap3A_635], %broadcast_in_dim3A_1 {strides = array<i32>} : memref<32x128xf32, #tpu.memory_space<vmem>>, vector<16xf32>,
    %swap3A_637 = arith.constant 19 : i32
    %swap3A_638 = arith.index_cast %swap3A_637 : i32 to index
    %swap3A_639 = arith.constant 112 : index
    %swap3A_640 = tpu.vector_load %arg11[%swap3A_638, %swap3A_639] {strides = array<i32>} : memref<32x128xf32, #tpu.memory_space<vmem>>, vector<16xf32>,
    tpu.vector_store %arg11[%swap3A_638, %swap3A_639], %broadcast_in_dim3A_1 {strides = array<i32>} : memref<32x128xf32, #tpu.memory_space<vmem>>, vector<16xf32>,
    %swap3A_641 = arith.constant 20 : i32
    %swap3A_642 = arith.index_cast %swap3A_641 : i32 to index
    %swap3A_643 = arith.constant 0 : index
    %swap3A_644 = tpu.vector_load %arg11[%swap3A_642, %swap3A_643] {strides = array<i32>} : memref<32x128xf32, #tpu.memory_space<vmem>>, vector<16xf32>,
    tpu.vector_store %arg11[%swap3A_642, %swap3A_643], %broadcast_in_dim3A_1 {strides = array<i32>} : memref<32x128xf32, #tpu.memory_space<vmem>>, vector<16xf32>,
    %swap3A_645 = arith.constant 20 : i32
    %swap3A_646 = arith.index_cast %swap3A_645 : i32 to index
    %swap3A_647 = arith.constant 16 : index
    %swap3A_648 = tpu.vector_load %arg11[%swap3A_646, %swap3A_647] {strides = array<i32>} : memref<32x128xf32, #tpu.memory_space<vmem>>, vector<16xf32>,
    tpu.vector_store %arg11[%swap3A_646, %swap3A_647], %broadcast_in_dim3A_1 {strides = array<i32>} : memref<32x128xf32, #tpu.memory_space<vmem>>, vector<16xf32>,
    %swap3A_649 = arith.constant 20 : i32
    %swap3A_650 = arith.index_cast %swap3A_649 : i32 to index
    %swap3A_651 = arith.constant 32 : index
    %swap3A_652 = tpu.vector_load %arg11[%swap3A_650, %swap3A_651] {strides = array<i32>} : memref<32x128xf32, #tpu.memory_space<vmem>>, vector<16xf32>,
    tpu.vector_store %arg11[%swap3A_650, %swap3A_651], %broadcast_in_dim3A_1 {strides = array<i32>} : memref<32x128xf32, #tpu.memory_space<vmem>>, vector<16xf32>,
    %swap3A_653 = arith.constant 20 : i32
    %swap3A_654 = arith.index_cast %swap3A_653 : i32 to index
    %swap3A_655 = arith.constant 48 : index
    %swap3A_656 = tpu.vector_load %arg11[%swap3A_654, %swap3A_655] {strides = array<i32>} : memref<32x128xf32, #tpu.memory_space<vmem>>, vector<16xf32>,
    tpu.vector_store %arg11[%swap3A_654, %swap3A_655], %broadcast_in_dim3A_1 {strides = array<i32>} : memref<32x128xf32, #tpu.memory_space<vmem>>, vector<16xf32>,
    %swap3A_657 = arith.constant 20 : i32
    %swap3A_658 = arith.index_cast %swap3A_657 : i32 to index
    %swap3A_659 = arith.constant 64 : index
    %swap3A_660 = tpu.vector_load %arg11[%swap3A_658, %swap3A_659] {strides = array<i32>} : memref<32x128xf32, #tpu.memory_space<vmem>>, vector<16xf32>,
    tpu.vector_store %arg11[%swap3A_658, %swap3A_659], %broadcast_in_dim3A_1 {strides = array<i32>} : memref<32x128xf32, #tpu.memory_space<vmem>>, vector<16xf32>,
    %swap3A_661 = arith.constant 20 : i32
    %swap3A_662 = arith.index_cast %swap3A_661 : i32 to index
    %swap3A_663 = arith.constant 80 : index
    %swap3A_664 = tpu.vector_load %arg11[%swap3A_662, %swap3A_663] {strides = array<i32>} : memref<32x128xf32, #tpu.memory_space<vmem>>, vector<16xf32>,
    tpu.vector_store %arg11[%swap3A_662, %swap3A_663], %broadcast_in_dim3A_1 {strides = array<i32>} : memref<32x128xf32, #tpu.memory_space<vmem>>, vector<16xf32>,
    %swap3A_665 = arith.constant 20 : i32
    %swap3A_666 = arith.index_cast %swap3A_665 : i32 to index
    %swap3A_667 = arith.constant 96 : index
    %swap3A_668 = tpu.vector_load %arg11[%swap3A_666, %swap3A_667] {strides = array<i32>} : memref<32x128xf32, #tpu.memory_space<vmem>>, vector<16xf32>,
    tpu.vector_store %arg11[%swap3A_666, %swap3A_667], %broadcast_in_dim3A_1 {strides = array<i32>} : memref<32x128xf32, #tpu.memory_space<vmem>>, vector<16xf32>,
    %swap3A_669 = arith.constant 20 : i32
    %swap3A_670 = arith.index_cast %swap3A_669 : i32 to index
    %swap3A_671 = arith.constant 112 : index
    %swap3A_672 = tpu.vector_load %arg11[%swap3A_670, %swap3A_671] {strides = array<i32>} : memref<32x128xf32, #tpu.memory_space<vmem>>, vector<16xf32>,
    tpu.vector_store %arg11[%swap3A_670, %swap3A_671], %broadcast_in_dim3A_1 {strides = array<i32>} : memref<32x128xf32, #tpu.memory_space<vmem>>, vector<16xf32>,
    %swap3A_673 = arith.constant 21 : i32
    %swap3A_674 = arith.index_cast %swap3A_673 : i32 to index
    %swap3A_675 = arith.constant 0 : index
    %swap3A_676 = tpu.vector_load %arg11[%swap3A_674, %swap3A_675] {strides = array<i32>} : memref<32x128xf32, #tpu.memory_space<vmem>>, vector<16xf32>,
    tpu.vector_store %arg11[%swap3A_674, %swap3A_675], %broadcast_in_dim3A_1 {strides = array<i32>} : memref<32x128xf32, #tpu.memory_space<vmem>>, vector<16xf32>,
    %swap3A_677 = arith.constant 21 : i32
    %swap3A_678 = arith.index_cast %swap3A_677 : i32 to index
    %swap3A_679 = arith.constant 16 : index
    %swap3A_680 = tpu.vector_load %arg11[%swap3A_678, %swap3A_679] {strides = array<i32>} : memref<32x128xf32, #tpu.memory_space<vmem>>, vector<16xf32>,
    tpu.vector_store %arg11[%swap3A_678, %swap3A_679], %broadcast_in_dim3A_1 {strides = array<i32>} : memref<32x128xf32, #tpu.memory_space<vmem>>, vector<16xf32>,
    %swap3A_681 = arith.constant 21 : i32
    %swap3A_682 = arith.index_cast %swap3A_681 : i32 to index
    %swap3A_683 = arith.constant 32 : index
    %swap3A_684 = tpu.vector_load %arg11[%swap3A_682, %swap3A_683] {strides = array<i32>} : memref<32x128xf32, #tpu.memory_space<vmem>>, vector<16xf32>,
    tpu.vector_store %arg11[%swap3A_682, %swap3A_683], %broadcast_in_dim3A_1 {strides = array<i32>} : memref<32x128xf32, #tpu.memory_space<vmem>>, vector<16xf32>,
    %swap3A_685 = arith.constant 21 : i32
    %swap3A_686 = arith.index_cast %swap3A_685 : i32 to index
    %swap3A_687 = arith.constant 48 : index
    %swap3A_688 = tpu.vector_load %arg11[%swap3A_686, %swap3A_687] {strides = array<i32>} : memref<32x128xf32, #tpu.memory_space<vmem>>, vector<16xf32>,
    tpu.vector_store %arg11[%swap3A_686, %swap3A_687], %broadcast_in_dim3A_1 {strides = array<i32>} : memref<32x128xf32, #tpu.memory_space<vmem>>, vector<16xf32>,
    %swap3A_689 = arith.constant 21 : i32
    %swap3A_690 = arith.index_cast %swap3A_689 : i32 to index
    %swap3A_691 = arith.constant 64 : index
    %swap3A_692 = tpu.vector_load %arg11[%swap3A_690, %swap3A_691] {strides = array<i32>} : memref<32x128xf32, #tpu.memory_space<vmem>>, vector<16xf32>,
    tpu.vector_store %arg11[%swap3A_690, %swap3A_691], %broadcast_in_dim3A_1 {strides = array<i32>} : memref<32x128xf32, #tpu.memory_space<vmem>>, vector<16xf32>,
    %swap3A_693 = arith.constant 21 : i32
    %swap3A_694 = arith.index_cast %swap3A_693 : i32 to index
    %swap3A_695 = arith.constant 80 : index
    %swap3A_696 = tpu.vector_load %arg11[%swap3A_694, %swap3A_695] {strides = array<i32>} : memref<32x128xf32, #tpu.memory_space<vmem>>, vector<16xf32>,
    tpu.vector_store %arg11[%swap3A_694, %swap3A_695], %broadcast_in_dim3A_1 {strides = array<i32>} : memref<32x128xf32, #tpu.memory_space<vmem>>, vector<16xf32>,
    %swap3A_697 = arith.constant 21 : i32
    %swap3A_698 = arith.index_cast %swap3A_697 : i32 to index
    %swap3A_699 = arith.constant 96 : index
    %swap3A_700 = tpu.vector_load %arg11[%swap3A_698, %swap3A_699] {strides = array<i32>} : memref<32x128xf32, #tpu.memory_space<vmem>>, vector<16xf32>,
    tpu.vector_store %arg11[%swap3A_698, %swap3A_699], %broadcast_in_dim3A_1 {strides = array<i32>} : memref<32x128xf32, #tpu.memory_space<vmem>>, vector<16xf32>,
    %swap3A_701 = arith.constant 21 : i32
    %swap3A_702 = arith.index_cast %swap3A_701 : i32 to index
    %swap3A_703 = arith.constant 112 : index
    %swap3A_704 = tpu.vector_load %arg11[%swap3A_702, %swap3A_703] {strides = array<i32>} : memref<32x128xf32, #tpu.memory_space<vmem>>, vector<16xf32>,
    tpu.vector_store %arg11[%swap3A_702, %swap3A_703], %broadcast_in_dim3A_1 {strides = array<i32>} : memref<32x128xf32, #tpu.memory_space<vmem>>, vector<16xf32>,
    %swap3A_705 = arith.constant 22 : i32
    %swap3A_706 = arith.index_cast %swap3A_705 : i32 to index
    %swap3A_707 = arith.constant 0 : index
    %swap3A_708 = tpu.vector_load %arg11[%swap3A_706, %swap3A_707] {strides = array<i32>} : memref<32x128xf32, #tpu.memory_space<vmem>>, vector<16xf32>,
    tpu.vector_store %arg11[%swap3A_706, %swap3A_707], %broadcast_in_dim3A_1 {strides = array<i32>} : memref<32x128xf32, #tpu.memory_space<vmem>>, vector<16xf32>,
    %swap3A_709 = arith.constant 22 : i32
    %swap3A_710 = arith.index_cast %swap3A_709 : i32 to index
    %swap3A_711 = arith.constant 16 : index
    %swap3A_712 = tpu.vector_load %arg11[%swap3A_710, %swap3A_711] {strides = array<i32>} : memref<32x128xf32, #tpu.memory_space<vmem>>, vector<16xf32>,
    tpu.vector_store %arg11[%swap3A_710, %swap3A_711], %broadcast_in_dim3A_1 {strides = array<i32>} : memref<32x128xf32, #tpu.memory_space<vmem>>, vector<16xf32>,
    %swap3A_713 = arith.constant 22 : i32
    %swap3A_714 = arith.index_cast %swap3A_713 : i32 to index
    %swap3A_715 = arith.constant 32 : index
    %swap3A_716 = tpu.vector_load %arg11[%swap3A_714, %swap3A_715] {strides = array<i32>} : memref<32x128xf32, #tpu.memory_space<vmem>>, vector<16xf32>,
    tpu.vector_store %arg11[%swap3A_714, %swap3A_715], %broadcast_in_dim3A_1 {strides = array<i32>} : memref<32x128xf32, #tpu.memory_space<vmem>>, vector<16xf32>,
    %swap3A_717 = arith.constant 22 : i32
    %swap3A_718 = arith.index_cast %swap3A_717 : i32 to index
    %swap3A_719 = arith.constant 48 : index
    %swap3A_720 = tpu.vector_load %arg11[%swap3A_718, %swap3A_719] {strides = array<i32>} : memref<32x128xf32, #tpu.memory_space<vmem>>, vector<16xf32>,
    tpu.vector_store %arg11[%swap3A_718, %swap3A_719], %broadcast_in_dim3A_1 {strides = array<i32>} : memref<32x128xf32, #tpu.memory_space<vmem>>, vector<16xf32>,
    %swap3A_721 = arith.constant 22 : i32
    %swap3A_722 = arith.index_cast %swap3A_721 : i32 to index
    %swap3A_723 = arith.constant 64 : index
    %swap3A_724 = tpu.vector_load %arg11[%swap3A_722, %swap3A_723] {strides = array<i32>} : memref<32x128xf32, #tpu.memory_space<vmem>>, vector<16xf32>,
    tpu.vector_store %arg11[%swap3A_722, %swap3A_723], %broadcast_in_dim3A_1 {strides = array<i32>} : memref<32x128xf32, #tpu.memory_space<vmem>>, vector<16xf32>,
    %swap3A_725 = arith.constant 22 : i32
    %swap3A_726 = arith.index_cast %swap3A_725 : i32 to index
    %swap3A_727 = arith.constant 80 : index
    %swap3A_728 = tpu.vector_load %arg11[%swap3A_726, %swap3A_727] {strides = array<i32>} : memref<32x128xf32, #tpu.memory_space<vmem>>, vector<16xf32>,
    tpu.vector_store %arg11[%swap3A_726, %swap3A_727], %broadcast_in_dim3A_1 {strides = array<i32>} : memref<32x128xf32, #tpu.memory_space<vmem>>, vector<16xf32>,
    %swap3A_729 = arith.constant 22 : i32
    %swap3A_730 = arith.index_cast %swap3A_729 : i32 to index
    %swap3A_731 = arith.constant 96 : index
    %swap3A_732 = tpu.vector_load %arg11[%swap3A_730, %swap3A_731] {strides = array<i32>} : memref<32x128xf32, #tpu.memory_space<vmem>>, vector<16xf32>,
    tpu.vector_store %arg11[%swap3A_730, %swap3A_731], %broadcast_in_dim3A_1 {strides = array<i32>} : memref<32x128xf32, #tpu.memory_space<vmem>>, vector<16xf32>,
    %swap3A_733 = arith.constant 22 : i32
    %swap3A_734 = arith.index_cast %swap3A_733 : i32 to index
    %swap3A_735 = arith.constant 112 : index
    %swap3A_736 = tpu.vector_load %arg11[%swap3A_734, %swap3A_735] {strides = array<i32>} : memref<32x128xf32, #tpu.memory_space<vmem>>, vector<16xf32>,
    tpu.vector_store %arg11[%swap3A_734, %swap3A_735], %broadcast_in_dim3A_1 {strides = array<i32>} : memref<32x128xf32, #tpu.memory_space<vmem>>, vector<16xf32>,
    %swap3A_737 = arith.constant 23 : i32
    %swap3A_738 = arith.index_cast %swap3A_737 : i32 to index
    %swap3A_739 = arith.constant 0 : index
    %swap3A_740 = tpu.vector_load %arg11[%swap3A_738, %swap3A_739] {strides = array<i32>} : memref<32x128xf32, #tpu.memory_space<vmem>>, vector<16xf32>,
    tpu.vector_store %arg11[%swap3A_738, %swap3A_739], %broadcast_in_dim3A_1 {strides = array<i32>} : memref<32x128xf32, #tpu.memory_space<vmem>>, vector<16xf32>,
    %swap3A_741 = arith.constant 23 : i32
    %swap3A_742 = arith.index_cast %swap3A_741 : i32 to index
    %swap3A_743 = arith.constant 16 : index
    %swap3A_744 = tpu.vector_load %arg11[%swap3A_742, %swap3A_743] {strides = array<i32>} : memref<32x128xf32, #tpu.memory_space<vmem>>, vector<16xf32>,
    tpu.vector_store %arg11[%swap3A_742, %swap3A_743], %broadcast_in_dim3A_1 {strides = array<i32>} : memref<32x128xf32, #tpu.memory_space<vmem>>, vector<16xf32>,
    %swap3A_745 = arith.constant 23 : i32
    %swap3A_746 = arith.index_cast %swap3A_745 : i32 to index
    %swap3A_747 = arith.constant 32 : index
    %swap3A_748 = tpu.vector_load %arg11[%swap3A_746, %swap3A_747] {strides = array<i32>} : memref<32x128xf32, #tpu.memory_space<vmem>>, vector<16xf32>,
    tpu.vector_store %arg11[%swap3A_746, %swap3A_747], %broadcast_in_dim3A_1 {strides = array<i32>} : memref<32x128xf32, #tpu.memory_space<vmem>>, vector<16xf32>,
    %swap3A_749 = arith.constant 23 : i32
    %swap3A_750 = arith.index_cast %swap3A_749 : i32 to index
    %swap3A_751 = arith.constant 48 : index
    %swap3A_752 = tpu.vector_load %arg11[%swap3A_750, %swap3A_751] {strides = array<i32>} : memref<32x128xf32, #tpu.memory_space<vmem>>, vector<16xf32>,
    tpu.vector_store %arg11[%swap3A_750, %swap3A_751], %broadcast_in_dim3A_1 {strides = array<i32>} : memref<32x128xf32, #tpu.memory_space<vmem>>, vector<16xf32>,
    %swap3A_753 = arith.constant 23 : i32
    %swap3A_754 = arith.index_cast %swap3A_753 : i32 to index
    %swap3A_755 = arith.constant 64 : index
    %swap3A_756 = tpu.vector_load %arg11[%swap3A_754, %swap3A_755] {strides = array<i32>} : memref<32x128xf32, #tpu.memory_space<vmem>>, vector<16xf32>,
    tpu.vector_store %arg11[%swap3A_754, %swap3A_755], %broadcast_in_dim3A_1 {strides = array<i32>} : memref<32x128xf32, #tpu.memory_space<vmem>>, vector<16xf32>,
    %swap3A_757 = arith.constant 23 : i32
    %swap3A_758 = arith.index_cast %swap3A_757 : i32 to index
    %swap3A_759 = arith.constant 80 : index
    %swap3A_760 = tpu.vector_load %arg11[%swap3A_758, %swap3A_759] {strides = array<i32>} : memref<32x128xf32, #tpu.memory_space<vmem>>, vector<16xf32>,
    tpu.vector_store %arg11[%swap3A_758, %swap3A_759], %broadcast_in_dim3A_1 {strides = array<i32>} : memref<32x128xf32, #tpu.memory_space<vmem>>, vector<16xf32>,
    %swap3A_761 = arith.constant 23 : i32
    %swap3A_762 = arith.index_cast %swap3A_761 : i32 to index
    %swap3A_763 = arith.constant 96 : index
    %swap3A_764 = tpu.vector_load %arg11[%swap3A_762, %swap3A_763] {strides = array<i32>} : memref<32x128xf32, #tpu.memory_space<vmem>>, vector<16xf32>,
    tpu.vector_store %arg11[%swap3A_762, %swap3A_763], %broadcast_in_dim3A_1 {strides = array<i32>} : memref<32x128xf32, #tpu.memory_space<vmem>>, vector<16xf32>,
    %swap3A_765 = arith.constant 23 : i32
    %swap3A_766 = arith.index_cast %swap3A_765 : i32 to index
    %swap3A_767 = arith.constant 112 : index
    %swap3A_768 = tpu.vector_load %arg11[%swap3A_766, %swap3A_767] {strides = array<i32>} : memref<32x128xf32, #tpu.memory_space<vmem>>, vector<16xf32>,
    tpu.vector_store %arg11[%swap3A_766, %swap3A_767], %broadcast_in_dim3A_1 {strides = array<i32>} : memref<32x128xf32, #tpu.memory_space<vmem>>, vector<16xf32>,
    %swap3A_769 = arith.constant 24 : i32
    %swap3A_770 = arith.index_cast %swap3A_769 : i32 to index
    %swap3A_771 = arith.constant 0 : index
    %swap3A_772 = tpu.vector_load %arg11[%swap3A_770, %swap3A_771] {strides = array<i32>} : memref<32x128xf32, #tpu.memory_space<vmem>>, vector<16xf32>,
    tpu.vector_store %arg11[%swap3A_770, %swap3A_771], %broadcast_in_dim3A_1 {strides = array<i32>} : memref<32x128xf32, #tpu.memory_space<vmem>>, vector<16xf32>,
    %swap3A_773 = arith.constant 24 : i32
    %swap3A_774 = arith.index_cast %swap3A_773 : i32 to index
    %swap3A_775 = arith.constant 16 : index
    %swap3A_776 = tpu.vector_load %arg11[%swap3A_774, %swap3A_775] {strides = array<i32>} : memref<32x128xf32, #tpu.memory_space<vmem>>, vector<16xf32>,
    tpu.vector_store %arg11[%swap3A_774, %swap3A_775], %broadcast_in_dim3A_1 {strides = array<i32>} : memref<32x128xf32, #tpu.memory_space<vmem>>, vector<16xf32>,
    %swap3A_777 = arith.constant 24 : i32
    %swap3A_778 = arith.index_cast %swap3A_777 : i32 to index
    %swap3A_779 = arith.constant 32 : index
    %swap3A_780 = tpu.vector_load %arg11[%swap3A_778, %swap3A_779] {strides = array<i32>} : memref<32x128xf32, #tpu.memory_space<vmem>>, vector<16xf32>,
    tpu.vector_store %arg11[%swap3A_778, %swap3A_779], %broadcast_in_dim3A_1 {strides = array<i32>} : memref<32x128xf32, #tpu.memory_space<vmem>>, vector<16xf32>,
    %swap3A_781 = arith.constant 24 : i32
    %swap3A_782 = arith.index_cast %swap3A_781 : i32 to index
    %swap3A_783 = arith.constant 48 : index
    %swap3A_784 = tpu.vector_load %arg11[%swap3A_782, %swap3A_783] {strides = array<i32>} : memref<32x128xf32, #tpu.memory_space<vmem>>, vector<16xf32>,
    tpu.vector_store %arg11[%swap3A_782, %swap3A_783], %broadcast_in_dim3A_1 {strides = array<i32>} : memref<32x128xf32, #tpu.memory_space<vmem>>, vector<16xf32>,
    %swap3A_785 = arith.constant 24 : i32
    %swap3A_786 = arith.index_cast %swap3A_785 : i32 to index
    %swap3A_787 = arith.constant 64 : index
    %swap3A_788 = tpu.vector_load %arg11[%swap3A_786, %swap3A_787] {strides = array<i32>} : memref<32x128xf32, #tpu.memory_space<vmem>>, vector<16xf32>,
    tpu.vector_store %arg11[%swap3A_786, %swap3A_787], %broadcast_in_dim3A_1 {strides = array<i32>} : memref<32x128xf32, #tpu.memory_space<vmem>>, vector<16xf32>,
    %swap3A_789 = arith.constant 24 : i32
    %swap3A_790 = arith.index_cast %swap3A_789 : i32 to index
    %swap3A_791 = arith.constant 80 : index
    %swap3A_792 = tpu.vector_load %arg11[%swap3A_790, %swap3A_791] {strides = array<i32>} : memref<32x128xf32, #tpu.memory_space<vmem>>, vector<16xf32>,
    tpu.vector_store %arg11[%swap3A_790, %swap3A_791], %broadcast_in_dim3A_1 {strides = array<i32>} : memref<32x128xf32, #tpu.memory_space<vmem>>, vector<16xf32>,
    %swap3A_793 = arith.constant 24 : i32
    %swap3A_794 = arith.index_cast %swap3A_793 : i32 to index
    %swap3A_795 = arith.constant 96 : index
    %swap3A_796 = tpu.vector_load %arg11[%swap3A_794, %swap3A_795] {strides = array<i32>} : memref<32x128xf32, #tpu.memory_space<vmem>>, vector<16xf32>,
    tpu.vector_store %arg11[%swap3A_794, %swap3A_795], %broadcast_in_dim3A_1 {strides = array<i32>} : memref<32x128xf32, #tpu.memory_space<vmem>>, vector<16xf32>,
    %swap3A_797 = arith.constant 24 : i32
    %swap3A_798 = arith.index_cast %swap3A_797 : i32 to index
    %swap3A_799 = arith.constant 112 : index
    %swap3A_800 = tpu.vector_load %arg11[%swap3A_798, %swap3A_799] {strides = array<i32>} : memref<32x128xf32, #tpu.memory_space<vmem>>, vector<16xf32>,
    tpu.vector_store %arg11[%swap3A_798, %swap3A_799], %broadcast_in_dim3A_1 {strides = array<i32>} : memref<32x128xf32, #tpu.memory_space<vmem>>, vector<16xf32>,
    %swap3A_801 = arith.constant 25 : i32
    %swap3A_802 = arith.index_cast %swap3A_801 : i32 to index
    %swap3A_803 = arith.constant 0 : index
    %swap3A_804 = tpu.vector_load %arg11[%swap3A_802, %swap3A_803] {strides = array<i32>} : memref<32x128xf32, #tpu.memory_space<vmem>>, vector<16xf32>,
    tpu.vector_store %arg11[%swap3A_802, %swap3A_803], %broadcast_in_dim3A_1 {strides = array<i32>} : memref<32x128xf32, #tpu.memory_space<vmem>>, vector<16xf32>,
    %swap3A_805 = arith.constant 25 : i32
    %swap3A_806 = arith.index_cast %swap3A_805 : i32 to index
    %swap3A_807 = arith.constant 16 : index
    %swap3A_808 = tpu.vector_load %arg11[%swap3A_806, %swap3A_807] {strides = array<i32>} : memref<32x128xf32, #tpu.memory_space<vmem>>, vector<16xf32>,
    tpu.vector_store %arg11[%swap3A_806, %swap3A_807], %broadcast_in_dim3A_1 {strides = array<i32>} : memref<32x128xf32, #tpu.memory_space<vmem>>, vector<16xf32>,
    %swap3A_809 = arith.constant 25 : i32
    %swap3A_810 = arith.index_cast %swap3A_809 : i32 to index
    %swap3A_811 = arith.constant 32 : index
    %swap3A_812 = tpu.vector_load %arg11[%swap3A_810, %swap3A_811] {strides = array<i32>} : memref<32x128xf32, #tpu.memory_space<vmem>>, vector<16xf32>,
    tpu.vector_store %arg11[%swap3A_810, %swap3A_811], %broadcast_in_dim3A_1 {strides = array<i32>} : memref<32x128xf32, #tpu.memory_space<vmem>>, vector<16xf32>,
    %swap3A_813 = arith.constant 25 : i32
    %swap3A_814 = arith.index_cast %swap3A_813 : i32 to index
    %swap3A_815 = arith.constant 48 : index
    %swap3A_816 = tpu.vector_load %arg11[%swap3A_814, %swap3A_815] {strides = array<i32>} : memref<32x128xf32, #tpu.memory_space<vmem>>, vector<16xf32>,
    tpu.vector_store %arg11[%swap3A_814, %swap3A_815], %broadcast_in_dim3A_1 {strides = array<i32>} : memref<32x128xf32, #tpu.memory_space<vmem>>, vector<16xf32>,
    %swap3A_817 = arith.constant 25 : i32
    %swap3A_818 = arith.index_cast %swap3A_817 : i32 to index
    %swap3A_819 = arith.constant 64 : index
    %swap3A_820 = tpu.vector_load %arg11[%swap3A_818, %swap3A_819] {strides = array<i32>} : memref<32x128xf32, #tpu.memory_space<vmem>>, vector<16xf32>,
    tpu.vector_store %arg11[%swap3A_818, %swap3A_819], %broadcast_in_dim3A_1 {strides = array<i32>} : memref<32x128xf32, #tpu.memory_space<vmem>>, vector<16xf32>,
    %swap3A_821 = arith.constant 25 : i32
    %swap3A_822 = arith.index_cast %swap3A_821 : i32 to index
    %swap3A_823 = arith.constant 80 : index
    %swap3A_824 = tpu.vector_load %arg11[%swap3A_822, %swap3A_823] {strides = array<i32>} : memref<32x128xf32, #tpu.memory_space<vmem>>, vector<16xf32>,
    tpu.vector_store %arg11[%swap3A_822, %swap3A_823], %broadcast_in_dim3A_1 {strides = array<i32>} : memref<32x128xf32, #tpu.memory_space<vmem>>, vector<16xf32>,
    %swap3A_825 = arith.constant 25 : i32
    %swap3A_826 = arith.index_cast %swap3A_825 : i32 to index
    %swap3A_827 = arith.constant 96 : index
    %swap3A_828 = tpu.vector_load %arg11[%swap3A_826, %swap3A_827] {strides = array<i32>} : memref<32x128xf32, #tpu.memory_space<vmem>>, vector<16xf32>,
    tpu.vector_store %arg11[%swap3A_826, %swap3A_827], %broadcast_in_dim3A_1 {strides = array<i32>} : memref<32x128xf32, #tpu.memory_space<vmem>>, vector<16xf32>,
    %swap3A_829 = arith.constant 25 : i32
    %swap3A_830 = arith.index_cast %swap3A_829 : i32 to index
    %swap3A_831 = arith.constant 112 : index
    %swap3A_832 = tpu.vector_load %arg11[%swap3A_830, %swap3A_831] {strides = array<i32>} : memref<32x128xf32, #tpu.memory_space<vmem>>, vector<16xf32>,
    tpu.vector_store %arg11[%swap3A_830, %swap3A_831], %broadcast_in_dim3A_1 {strides = array<i32>} : memref<32x128xf32, #tpu.memory_space<vmem>>, vector<16xf32>,
    %swap3A_833 = arith.constant 26 : i32
    %swap3A_834 = arith.index_cast %swap3A_833 : i32 to index
    %swap3A_835 = arith.constant 0 : index
    %swap3A_836 = tpu.vector_load %arg11[%swap3A_834, %swap3A_835] {strides = array<i32>} : memref<32x128xf32, #tpu.memory_space<vmem>>, vector<16xf32>,
    tpu.vector_store %arg11[%swap3A_834, %swap3A_835], %broadcast_in_dim3A_1 {strides = array<i32>} : memref<32x128xf32, #tpu.memory_space<vmem>>, vector<16xf32>,
    %swap3A_837 = arith.constant 26 : i32
    %swap3A_838 = arith.index_cast %swap3A_837 : i32 to index
    %swap3A_839 = arith.constant 16 : index
    %swap3A_840 = tpu.vector_load %arg11[%swap3A_838, %swap3A_839] {strides = array<i32>} : memref<32x128xf32, #tpu.memory_space<vmem>>, vector<16xf32>,
    tpu.vector_store %arg11[%swap3A_838, %swap3A_839], %broadcast_in_dim3A_1 {strides = array<i32>} : memref<32x128xf32, #tpu.memory_space<vmem>>, vector<16xf32>,
    %swap3A_841 = arith.constant 26 : i32
    %swap3A_842 = arith.index_cast %swap3A_841 : i32 to index
    %swap3A_843 = arith.constant 32 : index
    %swap3A_844 = tpu.vector_load %arg11[%swap3A_842, %swap3A_843] {strides = array<i32>} : memref<32x128xf32, #tpu.memory_space<vmem>>, vector<16xf32>,
    tpu.vector_store %arg11[%swap3A_842, %swap3A_843], %broadcast_in_dim3A_1 {strides = array<i32>} : memref<32x128xf32, #tpu.memory_space<vmem>>, vector<16xf32>,
    %swap3A_845 = arith.constant 26 : i32
    %swap3A_846 = arith.index_cast %swap3A_845 : i32 to index
    %swap3A_847 = arith.constant 48 : index
    %swap3A_848 = tpu.vector_load %arg11[%swap3A_846, %swap3A_847] {strides = array<i32>} : memref<32x128xf32, #tpu.memory_space<vmem>>, vector<16xf32>,
    tpu.vector_store %arg11[%swap3A_846, %swap3A_847], %broadcast_in_dim3A_1 {strides = array<i32>} : memref<32x128xf32, #tpu.memory_space<vmem>>, vector<16xf32>,
    %swap3A_849 = arith.constant 26 : i32
    %swap3A_850 = arith.index_cast %swap3A_849 : i32 to index
    %swap3A_851 = arith.constant 64 : index
    %swap3A_852 = tpu.vector_load %arg11[%swap3A_850, %swap3A_851] {strides = array<i32>} : memref<32x128xf32, #tpu.memory_space<vmem>>, vector<16xf32>,
    tpu.vector_store %arg11[%swap3A_850, %swap3A_851], %broadcast_in_dim3A_1 {strides = array<i32>} : memref<32x128xf32, #tpu.memory_space<vmem>>, vector<16xf32>,
    %swap3A_853 = arith.constant 26 : i32
    %swap3A_854 = arith.index_cast %swap3A_853 : i32 to index
    %swap3A_855 = arith.constant 80 : index
    %swap3A_856 = tpu.vector_load %arg11[%swap3A_854, %swap3A_855] {strides = array<i32>} : memref<32x128xf32, #tpu.memory_space<vmem>>, vector<16xf32>,
    tpu.vector_store %arg11[%swap3A_854, %swap3A_855], %broadcast_in_dim3A_1 {strides = array<i32>} : memref<32x128xf32, #tpu.memory_space<vmem>>, vector<16xf32>,
    %swap3A_857 = arith.constant 26 : i32
    %swap3A_858 = arith.index_cast %swap3A_857 : i32 to index
    %swap3A_859 = arith.constant 96 : index
    %swap3A_860 = tpu.vector_load %arg11[%swap3A_858, %swap3A_859] {strides = array<i32>} : memref<32x128xf32, #tpu.memory_space<vmem>>, vector<16xf32>,
    tpu.vector_store %arg11[%swap3A_858, %swap3A_859], %broadcast_in_dim3A_1 {strides = array<i32>} : memref<32x128xf32, #tpu.memory_space<vmem>>, vector<16xf32>,
    %swap3A_861 = arith.constant 26 : i32
    %swap3A_862 = arith.index_cast %swap3A_861 : i32 to index
    %swap3A_863 = arith.constant 112 : index
    %swap3A_864 = tpu.vector_load %arg11[%swap3A_862, %swap3A_863] {strides = array<i32>} : memref<32x128xf32, #tpu.memory_space<vmem>>, vector<16xf32>,
    tpu.vector_store %arg11[%swap3A_862, %swap3A_863], %broadcast_in_dim3A_1 {strides = array<i32>} : memref<32x128xf32, #tpu.memory_space<vmem>>, vector<16xf32>,
    %swap3A_865 = arith.constant 27 : i32
    %swap3A_866 = arith.index_cast %swap3A_865 : i32 to index
    %swap3A_867 = arith.constant 0 : index
    %swap3A_868 = tpu.vector_load %arg11[%swap3A_866, %swap3A_867] {strides = array<i32>} : memref<32x128xf32, #tpu.memory_space<vmem>>, vector<16xf32>,
    tpu.vector_store %arg11[%swap3A_866, %swap3A_867], %broadcast_in_dim3A_1 {strides = array<i32>} : memref<32x128xf32, #tpu.memory_space<vmem>>, vector<16xf32>,
    %swap3A_869 = arith.constant 27 : i32
    %swap3A_870 = arith.index_cast %swap3A_869 : i32 to index
    %swap3A_871 = arith.constant 16 : index
    %swap3A_872 = tpu.vector_load %arg11[%swap3A_870, %swap3A_871] {strides = array<i32>} : memref<32x128xf32, #tpu.memory_space<vmem>>, vector<16xf32>,
    tpu.vector_store %arg11[%swap3A_870, %swap3A_871], %broadcast_in_dim3A_1 {strides = array<i32>} : memref<32x128xf32, #tpu.memory_space<vmem>>, vector<16xf32>,
    %swap3A_873 = arith.constant 27 : i32
    %swap3A_874 = arith.index_cast %swap3A_873 : i32 to index
    %swap3A_875 = arith.constant 32 : index
    %swap3A_876 = tpu.vector_load %arg11[%swap3A_874, %swap3A_875] {strides = array<i32>} : memref<32x128xf32, #tpu.memory_space<vmem>>, vector<16xf32>,
    tpu.vector_store %arg11[%swap3A_874, %swap3A_875], %broadcast_in_dim3A_1 {strides = array<i32>} : memref<32x128xf32, #tpu.memory_space<vmem>>, vector<16xf32>,
    %swap3A_877 = arith.constant 27 : i32
    %swap3A_878 = arith.index_cast %swap3A_877 : i32 to index
    %swap3A_879 = arith.constant 48 : index
    %swap3A_880 = tpu.vector_load %arg11[%swap3A_878, %swap3A_879] {strides = array<i32>} : memref<32x128xf32, #tpu.memory_space<vmem>>, vector<16xf32>,
    tpu.vector_store %arg11[%swap3A_878, %swap3A_879], %broadcast_in_dim3A_1 {strides = array<i32>} : memref<32x128xf32, #tpu.memory_space<vmem>>, vector<16xf32>,
    %swap3A_881 = arith.constant 27 : i32
    %swap3A_882 = arith.index_cast %swap3A_881 : i32 to index
    %swap3A_883 = arith.constant 64 : index
    %swap3A_884 = tpu.vector_load %arg11[%swap3A_882, %swap3A_883] {strides = array<i32>} : memref<32x128xf32, #tpu.memory_space<vmem>>, vector<16xf32>,
    tpu.vector_store %arg11[%swap3A_882, %swap3A_883], %broadcast_in_dim3A_1 {strides = array<i32>} : memref<32x128xf32, #tpu.memory_space<vmem>>, vector<16xf32>,
    %swap3A_885 = arith.constant 27 : i32
    %swap3A_886 = arith.index_cast %swap3A_885 : i32 to index
    %swap3A_887 = arith.constant 80 : index
    %swap3A_888 = tpu.vector_load %arg11[%swap3A_886, %swap3A_887] {strides = array<i32>} : memref<32x128xf32, #tpu.memory_space<vmem>>, vector<16xf32>,
    tpu.vector_store %arg11[%swap3A_886, %swap3A_887], %broadcast_in_dim3A_1 {strides = array<i32>} : memref<32x128xf32, #tpu.memory_space<vmem>>, vector<16xf32>,
    %swap3A_889 = arith.constant 27 : i32
    %swap3A_890 = arith.index_cast %swap3A_889 : i32 to index
    %swap3A_891 = arith.constant 96 : index
    %swap3A_892 = tpu.vector_load %arg11[%swap3A_890, %swap3A_891] {strides = array<i32>} : memref<32x128xf32, #tpu.memory_space<vmem>>, vector<16xf32>,
    tpu.vector_store %arg11[%swap3A_890, %swap3A_891], %broadcast_in_dim3A_1 {strides = array<i32>} : memref<32x128xf32, #tpu.memory_space<vmem>>, vector<16xf32>,
    %swap3A_893 = arith.constant 27 : i32
    %swap3A_894 = arith.index_cast %swap3A_893 : i32 to index
    %swap3A_895 = arith.constant 112 : index
    %swap3A_896 = tpu.vector_load %arg11[%swap3A_894, %swap3A_895] {strides = array<i32>} : memref<32x128xf32, #tpu.memory_space<vmem>>, vector<16xf32>,
    tpu.vector_store %arg11[%swap3A_894, %swap3A_895], %broadcast_in_dim3A_1 {strides = array<i32>} : memref<32x128xf32, #tpu.memory_space<vmem>>, vector<16xf32>,
    %swap3A_897 = arith.constant 28 : i32
    %swap3A_898 = arith.index_cast %swap3A_897 : i32 to index
    %swap3A_899 = arith.constant 0 : index
    %swap3A_900 = tpu.vector_load %arg11[%swap3A_898, %swap3A_899] {strides = array<i32>} : memref<32x128xf32, #tpu.memory_space<vmem>>, vector<16xf32>,
    tpu.vector_store %arg11[%swap3A_898, %swap3A_899], %broadcast_in_dim3A_1 {strides = array<i32>} : memref<32x128xf32, #tpu.memory_space<vmem>>, vector<16xf32>,
    %swap3A_901 = arith.constant 28 : i32
    %swap3A_902 = arith.index_cast %swap3A_901 : i32 to index
    %swap3A_903 = arith.constant 16 : index
    %swap3A_904 = tpu.vector_load %arg11[%swap3A_902, %swap3A_903] {strides = array<i32>} : memref<32x128xf32, #tpu.memory_space<vmem>>, vector<16xf32>,
    tpu.vector_store %arg11[%swap3A_902, %swap3A_903], %broadcast_in_dim3A_1 {strides = array<i32>} : memref<32x128xf32, #tpu.memory_space<vmem>>, vector<16xf32>,
    %swap3A_905 = arith.constant 28 : i32
    %swap3A_906 = arith.index_cast %swap3A_905 : i32 to index
    %swap3A_907 = arith.constant 32 : index
    %swap3A_908 = tpu.vector_load %arg11[%swap3A_906, %swap3A_907] {strides = array<i32>} : memref<32x128xf32, #tpu.memory_space<vmem>>, vector<16xf32>,
    tpu.vector_store %arg11[%swap3A_906, %swap3A_907], %broadcast_in_dim3A_1 {strides = array<i32>} : memref<32x128xf32, #tpu.memory_space<vmem>>, vector<16xf32>,
    %swap3A_909 = arith.constant 28 : i32
    %swap3A_910 = arith.index_cast %swap3A_909 : i32 to index
    %swap3A_911 = arith.constant 48 : index
    %swap3A_912 = tpu.vector_load %arg11[%swap3A_910, %swap3A_911] {strides = array<i32>} : memref<32x128xf32, #tpu.memory_space<vmem>>, vector<16xf32>,
    tpu.vector_store %arg11[%swap3A_910, %swap3A_911], %broadcast_in_dim3A_1 {strides = array<i32>} : memref<32x128xf32, #tpu.memory_space<vmem>>, vector<16xf32>,
    %swap3A_913 = arith.constant 28 : i32
    %swap3A_914 = arith.index_cast %swap3A_913 : i32 to index
    %swap3A_915 = arith.constant 64 : index
    %swap3A_916 = tpu.vector_load %arg11[%swap3A_914, %swap3A_915] {strides = array<i32>} : memref<32x128xf32, #tpu.memory_space<vmem>>, vector<16xf32>,
    tpu.vector_store %arg11[%swap3A_914, %swap3A_915], %broadcast_in_dim3A_1 {strides = array<i32>} : memref<32x128xf32, #tpu.memory_space<vmem>>, vector<16xf32>,
    %swap3A_917 = arith.constant 28 : i32
    %swap3A_918 = arith.index_cast %swap3A_917 : i32 to index
    %swap3A_919 = arith.constant 80 : index
    %swap3A_920 = tpu.vector_load %arg11[%swap3A_918, %swap3A_919] {strides = array<i32>} : memref<32x128xf32, #tpu.memory_space<vmem>>, vector<16xf32>,
    tpu.vector_store %arg11[%swap3A_918, %swap3A_919], %broadcast_in_dim3A_1 {strides = array<i32>} : memref<32x128xf32, #tpu.memory_space<vmem>>, vector<16xf32>,
    %swap3A_921 = arith.constant 28 : i32
    %swap3A_922 = arith.index_cast %swap3A_921 : i32 to index
    %swap3A_923 = arith.constant 96 : index
    %swap3A_924 = tpu.vector_load %arg11[%swap3A_922, %swap3A_923] {strides = array<i32>} : memref<32x128xf32, #tpu.memory_space<vmem>>, vector<16xf32>,
    tpu.vector_store %arg11[%swap3A_922, %swap3A_923], %broadcast_in_dim3A_1 {strides = array<i32>} : memref<32x128xf32, #tpu.memory_space<vmem>>, vector<16xf32>,
    %swap3A_925 = arith.constant 28 : i32
    %swap3A_926 = arith.index_cast %swap3A_925 : i32 to index
    %swap3A_927 = arith.constant 112 : index
    %swap3A_928 = tpu.vector_load %arg11[%swap3A_926, %swap3A_927] {strides = array<i32>} : memref<32x128xf32, #tpu.memory_space<vmem>>, vector<16xf32>,
    tpu.vector_store %arg11[%swap3A_926, %swap3A_927], %broadcast_in_dim3A_1 {strides = array<i32>} : memref<32x128xf32, #tpu.memory_space<vmem>>, vector<16xf32>,
    %swap3A_929 = arith.constant 29 : i32
    %swap3A_930 = arith.index_cast %swap3A_929 : i32 to index
    %swap3A_931 = arith.constant 0 : index
    %swap3A_932 = tpu.vector_load %arg11[%swap3A_930, %swap3A_931] {strides = array<i32>} : memref<32x128xf32, #tpu.memory_space<vmem>>, vector<16xf32>,
    tpu.vector_store %arg11[%swap3A_930, %swap3A_931], %broadcast_in_dim3A_1 {strides = array<i32>} : memref<32x128xf32, #tpu.memory_space<vmem>>, vector<16xf32>,
    %swap3A_933 = arith.constant 29 : i32
    %swap3A_934 = arith.index_cast %swap3A_933 : i32 to index
    %swap3A_935 = arith.constant 16 : index
    %swap3A_936 = tpu.vector_load %arg11[%swap3A_934, %swap3A_935] {strides = array<i32>} : memref<32x128xf32, #tpu.memory_space<vmem>>, vector<16xf32>,
    tpu.vector_store %arg11[%swap3A_934, %swap3A_935], %broadcast_in_dim3A_1 {strides = array<i32>} : memref<32x128xf32, #tpu.memory_space<vmem>>, vector<16xf32>,
    %swap3A_937 = arith.constant 29 : i32
    %swap3A_938 = arith.index_cast %swap3A_937 : i32 to index
    %swap3A_939 = arith.constant 32 : index
    %swap3A_940 = tpu.vector_load %arg11[%swap3A_938, %swap3A_939] {strides = array<i32>} : memref<32x128xf32, #tpu.memory_space<vmem>>, vector<16xf32>,
    tpu.vector_store %arg11[%swap3A_938, %swap3A_939], %broadcast_in_dim3A_1 {strides = array<i32>} : memref<32x128xf32, #tpu.memory_space<vmem>>, vector<16xf32>,
    %swap3A_941 = arith.constant 29 : i32
    %swap3A_942 = arith.index_cast %swap3A_941 : i32 to index
    %swap3A_943 = arith.constant 48 : index
    %swap3A_944 = tpu.vector_load %arg11[%swap3A_942, %swap3A_943] {strides = array<i32>} : memref<32x128xf32, #tpu.memory_space<vmem>>, vector<16xf32>,
    tpu.vector_store %arg11[%swap3A_942, %swap3A_943], %broadcast_in_dim3A_1 {strides = array<i32>} : memref<32x128xf32, #tpu.memory_space<vmem>>, vector<16xf32>,
    %swap3A_945 = arith.constant 29 : i32
    %swap3A_946 = arith.index_cast %swap3A_945 : i32 to index
    %swap3A_947 = arith.constant 64 : index
    %swap3A_948 = tpu.vector_load %arg11[%swap3A_946, %swap3A_947] {strides = array<i32>} : memref<32x128xf32, #tpu.memory_space<vmem>>, vector<16xf32>,
    tpu.vector_store %arg11[%swap3A_946, %swap3A_947], %broadcast_in_dim3A_1 {strides = array<i32>} : memref<32x128xf32, #tpu.memory_space<vmem>>, vector<16xf32>,
    %swap3A_949 = arith.constant 29 : i32
    %swap3A_950 = arith.index_cast %swap3A_949 : i32 to index
    %swap3A_951 = arith.constant 80 : index
    %swap3A_952 = tpu.vector_load %arg11[%swap3A_950, %swap3A_951] {strides = array<i32>} : memref<32x128xf32, #tpu.memory_space<vmem>>, vector<16xf32>,
    tpu.vector_store %arg11[%swap3A_950, %swap3A_951], %broadcast_in_dim3A_1 {strides = array<i32>} : memref<32x128xf32, #tpu.memory_space<vmem>>, vector<16xf32>,
    %swap3A_953 = arith.constant 29 : i32
    %swap3A_954 = arith.index_cast %swap3A_953 : i32 to index
    %swap3A_955 = arith.constant 96 : index
    %swap3A_956 = tpu.vector_load %arg11[%swap3A_954, %swap3A_955] {strides = array<i32>} : memref<32x128xf32, #tpu.memory_space<vmem>>, vector<16xf32>,
    tpu.vector_store %arg11[%swap3A_954, %swap3A_955], %broadcast_in_dim3A_1 {strides = array<i32>} : memref<32x128xf32, #tpu.memory_space<vmem>>, vector<16xf32>,
    %swap3A_957 = arith.constant 29 : i32
    %swap3A_958 = arith.index_cast %swap3A_957 : i32 to index
    %swap3A_959 = arith.constant 112 : index
    %swap3A_960 = tpu.vector_load %arg11[%swap3A_958, %swap3A_959] {strides = array<i32>} : memref<32x128xf32, #tpu.memory_space<vmem>>, vector<16xf32>,
    tpu.vector_store %arg11[%swap3A_958, %swap3A_959], %broadcast_in_dim3A_1 {strides = array<i32>} : memref<32x128xf32, #tpu.memory_space<vmem>>, vector<16xf32>,
    %swap3A_961 = arith.constant 30 : i32
    %swap3A_962 = arith.index_cast %swap3A_961 : i32 to index
    %swap3A_963 = arith.constant 0 : index
    %swap3A_964 = tpu.vector_load %arg11[%swap3A_962, %swap3A_963] {strides = array<i32>} : memref<32x128xf32, #tpu.memory_space<vmem>>, vector<16xf32>,
    tpu.vector_store %arg11[%swap3A_962, %swap3A_963], %broadcast_in_dim3A_1 {strides = array<i32>} : memref<32x128xf32, #tpu.memory_space<vmem>>, vector<16xf32>,
    %swap3A_965 = arith.constant 30 : i32
    %swap3A_966 = arith.index_cast %swap3A_965 : i32 to index
    %swap3A_967 = arith.constant 16 : index
    %swap3A_968 = tpu.vector_load %arg11[%swap3A_966, %swap3A_967] {strides = array<i32>} : memref<32x128xf32, #tpu.memory_space<vmem>>, vector<16xf32>,
    tpu.vector_store %arg11[%swap3A_966, %swap3A_967], %broadcast_in_dim3A_1 {strides = array<i32>} : memref<32x128xf32, #tpu.memory_space<vmem>>, vector<16xf32>,
    %swap3A_969 = arith.constant 30 : i32
    %swap3A_970 = arith.index_cast %swap3A_969 : i32 to index
    %swap3A_971 = arith.constant 32 : index
    %swap3A_972 = tpu.vector_load %arg11[%swap3A_970, %swap3A_971] {strides = array<i32>} : memref<32x128xf32, #tpu.memory_space<vmem>>, vector<16xf32>,
    tpu.vector_store %arg11[%swap3A_970, %swap3A_971], %broadcast_in_dim3A_1 {strides = array<i32>} : memref<32x128xf32, #tpu.memory_space<vmem>>, vector<16xf32>,
    %swap3A_973 = arith.constant 30 : i32
    %swap3A_974 = arith.index_cast %swap3A_973 : i32 to index
    %swap3A_975 = arith.constant 48 : index
    %swap3A_976 = tpu.vector_load %arg11[%swap3A_974, %swap3A_975] {strides = array<i32>} : memref<32x128xf32, #tpu.memory_space<vmem>>, vector<16xf32>,
    tpu.vector_store %arg11[%swap3A_974, %swap3A_975], %broadcast_in_dim3A_1 {strides = array<i32>} : memref<32x128xf32, #tpu.memory_space<vmem>>, vector<16xf32>,
    %swap3A_977 = arith.constant 30 : i32
    %swap3A_978 = arith.index_cast %swap3A_977 : i32 to index
    %swap3A_979 = arith.constant 64 : index
    %swap3A_980 = tpu.vector_load %arg11[%swap3A_978, %swap3A_979] {strides = array<i32>} : memref<32x128xf32, #tpu.memory_space<vmem>>, vector<16xf32>,
    tpu.vector_store %arg11[%swap3A_978, %swap3A_979], %broadcast_in_dim3A_1 {strides = array<i32>} : memref<32x128xf32, #tpu.memory_space<vmem>>, vector<16xf32>,
    %swap3A_981 = arith.constant 30 : i32
    %swap3A_982 = arith.index_cast %swap3A_981 : i32 to index
    %swap3A_983 = arith.constant 80 : index
    %swap3A_984 = tpu.vector_load %arg11[%swap3A_982, %swap3A_983] {strides = array<i32>} : memref<32x128xf32, #tpu.memory_space<vmem>>, vector<16xf32>,
    tpu.vector_store %arg11[%swap3A_982, %swap3A_983], %broadcast_in_dim3A_1 {strides = array<i32>} : memref<32x128xf32, #tpu.memory_space<vmem>>, vector<16xf32>,
    %swap3A_985 = arith.constant 30 : i32
    %swap3A_986 = arith.index_cast %swap3A_985 : i32 to index
    %swap3A_987 = arith.constant 96 : index
    %swap3A_988 = tpu.vector_load %arg11[%swap3A_986, %swap3A_987] {strides = array<i32>} : memref<32x128xf32, #tpu.memory_space<vmem>>, vector<16xf32>,
    tpu.vector_store %arg11[%swap3A_986, %swap3A_987], %broadcast_in_dim3A_1 {strides = array<i32>} : memref<32x128xf32, #tpu.memory_space<vmem>>, vector<16xf32>,
    %swap3A_989 = arith.constant 30 : i32
    %swap3A_990 = arith.index_cast %swap3A_989 : i32 to index
    %swap3A_991 = arith.constant 112 : index
    %swap3A_992 = tpu.vector_load %arg11[%swap3A_990, %swap3A_991] {strides = array<i32>} : memref<32x128xf32, #tpu.memory_space<vmem>>, vector<16xf32>,
    tpu.vector_store %arg11[%swap3A_990, %swap3A_991], %broadcast_in_dim3A_1 {strides = array<i32>} : memref<32x128xf32, #tpu.memory_space<vmem>>, vector<16xf32>,
    %swap3A_993 = arith.constant 31 : i32
    %swap3A_994 = arith.index_cast %swap3A_993 : i32 to index
    %swap3A_995 = arith.constant 0 : index
    %swap3A_996 = tpu.vector_load %arg11[%swap3A_994, %swap3A_995] {strides = array<i32>} : memref<32x128xf32, #tpu.memory_space<vmem>>, vector<16xf32>,
    tpu.vector_store %arg11[%swap3A_994, %swap3A_995], %broadcast_in_dim3A_1 {strides = array<i32>} : memref<32x128xf32, #tpu.memory_space<vmem>>, vector<16xf32>,
    %swap3A_997 = arith.constant 31 : i32
    %swap3A_998 = arith.index_cast %swap3A_997 : i32 to index
    %swap3A_999 = arith.constant 16 : index
    %swap3A_1000 = tpu.vector_load %arg11[%swap3A_998, %swap3A_999] {strides = array<i32>} : memref<32x128xf32, #tpu.memory_space<vmem>>, vector<16xf32>,
    tpu.vector_store %arg11[%swap3A_998, %swap3A_999], %broadcast_in_dim3A_1 {strides = array<i32>} : memref<32x128xf32, #tpu.memory_space<vmem>>, vector<16xf32>,
    %swap3A_1001 = arith.constant 31 : i32
    %swap3A_1002 = arith.index_cast %swap3A_1001 : i32 to index
    %swap3A_1003 = arith.constant 32 : index
    %swap3A_1004 = tpu.vector_load %arg11[%swap3A_1002, %swap3A_1003] {strides = array<i32>} : memref<32x128xf32, #tpu.memory_space<vmem>>, vector<16xf32>,
    tpu.vector_store %arg11[%swap3A_1002, %swap3A_1003], %broadcast_in_dim3A_1 {strides = array<i32>} : memref<32x128xf32, #tpu.memory_space<vmem>>, vector<16xf32>,
    %swap3A_1005 = arith.constant 31 : i32
    %swap3A_1006 = arith.index_cast %swap3A_1005 : i32 to index
    %swap3A_1007 = arith.constant 48 : index
    %swap3A_1008 = tpu.vector_load %arg11[%swap3A_1006, %swap3A_1007] {strides = array<i32>} : memref<32x128xf32, #tpu.memory_space<vmem>>, vector<16xf32>,
    tpu.vector_store %arg11[%swap3A_1006, %swap3A_1007], %broadcast_in_dim3A_1 {strides = array<i32>} : memref<32x128xf32, #tpu.memory_space<vmem>>, vector<16xf32>,
    %swap3A_1009 = arith.constant 31 : i32
    %swap3A_1010 = arith.index_cast %swap3A_1009 : i32 to index
    %swap3A_1011 = arith.constant 64 : index
    %swap3A_1012 = tpu.vector_load %arg11[%swap3A_1010, %swap3A_1011] {strides = array<i32>} : memref<32x128xf32, #tpu.memory_space<vmem>>, vector<16xf32>,
    tpu.vector_store %arg11[%swap3A_1010, %swap3A_1011], %broadcast_in_dim3A_1 {strides = array<i32>} : memref<32x128xf32, #tpu.memory_space<vmem>>, vector<16xf32>,
    %swap3A_1013 = arith.constant 31 : i32
    %swap3A_1014 = arith.index_cast %swap3A_1013 : i32 to index
    %swap3A_1015 = arith.constant 80 : index
    %swap3A_1016 = tpu.vector_load %arg11[%swap3A_1014, %swap3A_1015] {strides = array<i32>} : memref<32x128xf32, #tpu.memory_space<vmem>>, vector<16xf32>,
    tpu.vector_store %arg11[%swap3A_1014, %swap3A_1015], %broadcast_in_dim3A_1 {strides = array<i32>} : memref<32x128xf32, #tpu.memory_space<vmem>>, vector<16xf32>,
    %swap3A_1017 = arith.constant 31 : i32
    %swap3A_1018 = arith.index_cast %swap3A_1017 : i32 to index
    %swap3A_1019 = arith.constant 96 : index
    %swap3A_1020 = tpu.vector_load %arg11[%swap3A_1018, %swap3A_1019] {strides = array<i32>} : memref<32x128xf32, #tpu.memory_space<vmem>>, vector<16xf32>,
    tpu.vector_store %arg11[%swap3A_1018, %swap3A_1019], %broadcast_in_dim3A_1 {strides = array<i32>} : memref<32x128xf32, #tpu.memory_space<vmem>>, vector<16xf32>,
    %swap3A_1021 = arith.constant 31 : i32
    %swap3A_1022 = arith.index_cast %swap3A_1021 : i32 to index
    %swap3A_1023 = arith.constant 112 : index
    %swap3A_1024 = tpu.vector_load %arg11[%swap3A_1022, %swap3A_1023] {strides = array<i32>} : memref<32x128xf32, #tpu.memory_space<vmem>>, vector<16xf32>,
    tpu.vector_store %arg11[%swap3A_1022, %swap3A_1023], %broadcast_in_dim3A_1 {strides = array<i32>} : memref<32x128xf32, #tpu.memory_space<vmem>>, vector<16xf32>,
    %scan3A = arith.constant 0 : i32
    %scan3A_1025 = arith.constant 0 : i32
    %scan3A_1026 = arith.constant 20 : i32
    %scan3A_1027 = arith.addi %scan3A_1025, %scan3A_1026 : i32
    %scan3A_1028 = arith.constant 1 : i32
    scf.for %scan3A_1041 = %scan3A_1025 to %scan3A_1027 step %scan3A_1028  : i32 {
      %mul3A_1042 = arith.constant 640 : i32
      %mul3A_1043 = arith.muli %arg1, %mul3A_1042 : i32
      %mul3A_1044 = arith.constant 32 : i32
      %mul3A_1045 = arith.muli %scan3A_1041, %mul3A_1044 : i32
      %add3A_1046 = arith.addi %mul3A_1043, %mul3A_1045 : i32
      "tpu.region"() ({
        %run_scoped3A = tpu.sem_alloc : memref<!tpu.dma_semaphore, #tpu.memory_space<semaphore_mem>>
        %dma_start3A = arith.constant 0 : i32
        %dma_start3A_1047 = tpu.memref_slice %arg12[%add3A_1046, %dma_start3A] : memref<10240x128xf32, #tpu.memory_space<vmem_shared>> -> memref<32x128xf32, #tpu.memory_space<vmem_shared>>
        %dma_start3A_1048 = arith.constant 0 : i32
        %dma_start3A_1049 = tpu.memref_slice %arg12[%add3A_1046, %dma_start3A_1048] : memref<10240x128xf32, #tpu.memory_space<vmem_shared>> -> memref<32x128xf32, #tpu.memory_space<vmem_shared>>
        tpu.enqueue_dma source(%arg11 : memref<32x128xf32, #tpu.memory_space<vmem>>) target(%dma_start3A_1049 : memref<32x128xf32, #tpu.memory_space<vmem_shared>>) target_semaphore(%run_scoped3A : memref<!tpu.dma_semaphore, #tpu.memory_space<semaphore_mem>>)
        %dma_wait3A = arith.constant 0 : i32
        %dma_wait3A_1050 = tpu.memref_slice %arg12[%add3A_1046, %dma_wait3A] : memref<10240x128xf32, #tpu.memory_space<vmem_shared>> -> memref<32x128xf32, #tpu.memory_space<vmem_shared>>
        %dma_wait3A_1051 = arith.constant 0 : i32
        %dma_wait3A_1052 = tpu.memref_slice %arg12[%add3A_1046, %dma_wait3A_1051] : memref<10240x128xf32, #tpu.memory_space<vmem_shared>> -> memref<32x128xf32, #tpu.memory_space<vmem_shared>>
        tpu.wait_dma2 semaphore(%run_scoped3A : memref<!tpu.dma_semaphore, #tpu.memory_space<semaphore_mem>>) src(%arg11 : memref<32x128xf32, #tpu.memory_space<vmem>>) dst(%dma_wait3A_1052 : memref<32x128xf32, #tpu.memory_space<vmem_shared>>)
        tpu.yield
      }) : () -> ()
    }
    %scan3A_1029 = arith.constant 20 : i32
    %barrier3A = arith.constant 0 : index
    tpu.barrier barrier_id(%barrier3A)
    %scan3A_1030 = arith.constant 0 : i32
    %scan3A_1031 = arith.constant 0 : i32
    %scan3A_1032 = arith.constant 125 : i32
    %scan3A_1033 = arith.addi %scan3A_1031, %scan3A_1032 : i32
    %scan3A_1034 = arith.constant 1 : i32
    scf.for %scan3A_1041 = %scan3A_1031 to %scan3A_1033 step %scan3A_1034  : i32 {
      %mul3A_1042 = arith.constant 10000 : i32
      %mul3A_1043 = arith.muli %add3A, %mul3A_1042 : i32
      %mul3A_1044 = arith.constant 80 : i32
      %mul3A_1045 = arith.muli %scan3A_1041, %mul3A_1044 : i32
      %add3A_1046 = arith.addi %mul3A_1043, %mul3A_1045 : i32
      "tpu.region"() ({
        %run_scoped3A = tpu.sem_alloc : memref<!tpu.dma_semaphore, #tpu.memory_space<semaphore_mem>>
        %dma_start3A_1057 = tpu.memref_slice %arg2[%add3A_1046] : memref<320000xi32, #tpu.memory_space<hbm>> -> memref<80xi32, #tpu.memory_space<hbm>>
        %dma_start3A_1058 = tpu.memref_slice %arg2[%add3A_1046] : memref<320000xi32, #tpu.memory_space<hbm>> -> memref<80xi32, #tpu.memory_space<hbm>>
        tpu.enqueue_dma source(%dma_start3A_1058 : memref<80xi32, #tpu.memory_space<hbm>>) target(%arg7 : memref<80xi32, #tpu.memory_space<vmem>>) target_semaphore(%run_scoped3A : memref<!tpu.dma_semaphore, #tpu.memory_space<semaphore_mem>>)
        %dma_wait3A_1059 = tpu.memref_slice %arg2[%add3A_1046] : memref<320000xi32, #tpu.memory_space<hbm>> -> memref<80xi32, #tpu.memory_space<hbm>>
        %dma_wait3A_1060 = tpu.memref_slice %arg2[%add3A_1046] : memref<320000xi32, #tpu.memory_space<hbm>> -> memref<80xi32, #tpu.memory_space<hbm>>
        tpu.wait_dma2 semaphore(%run_scoped3A : memref<!tpu.dma_semaphore, #tpu.memory_space<semaphore_mem>>) src(%dma_wait3A_1060 : memref<80xi32, #tpu.memory_space<hbm>>) dst(%arg7 : memref<80xi32, #tpu.memory_space<vmem>>)
        tpu.yield
      }) : () -> ()
      "tpu.region"() ({
        %run_scoped3A = tpu.sem_alloc : memref<!tpu.dma_semaphore, #tpu.memory_space<semaphore_mem>>
        %dma_start3A_1057 = tpu.memref_slice %arg3[%add3A_1046] : memref<320000xf32, #tpu.memory_space<hbm>> -> memref<80xf32, #tpu.memory_space<hbm>>
        %dma_start3A_1058 = tpu.memref_slice %arg3[%add3A_1046] : memref<320000xf32, #tpu.memory_space<hbm>> -> memref<80xf32, #tpu.memory_space<hbm>>
        tpu.enqueue_dma source(%dma_start3A_1058 : memref<80xf32, #tpu.memory_space<hbm>>) target(%arg10 : memref<80xf32, #tpu.memory_space<vmem>>) target_semaphore(%run_scoped3A : memref<!tpu.dma_semaphore, #tpu.memory_space<semaphore_mem>>)
        %dma_wait3A_1059 = tpu.memref_slice %arg3[%add3A_1046] : memref<320000xf32, #tpu.memory_space<hbm>> -> memref<80xf32, #tpu.memory_space<hbm>>
        %dma_wait3A_1060 = tpu.memref_slice %arg3[%add3A_1046] : memref<320000xf32, #tpu.memory_space<hbm>> -> memref<80xf32, #tpu.memory_space<hbm>>
        tpu.wait_dma2 semaphore(%run_scoped3A : memref<!tpu.dma_semaphore, #tpu.memory_space<semaphore_mem>>) src(%dma_wait3A_1060 : memref<80xf32, #tpu.memory_space<hbm>>) dst(%arg10 : memref<80xf32, #tpu.memory_space<vmem>>)
        tpu.yield
      }) : () -> ()
      "tpu.region"() ({
        %run_scoped3A = tpu.sem_alloc : memref<!tpu.dma_semaphore, #tpu.memory_space<semaphore_mem>>
        %dma_start3A_1057 = tpu.memref_slice %arg4[%add3A_1046] : memref<320000xi32, #tpu.memory_space<hbm>> -> memref<80xi32, #tpu.memory_space<hbm>>
        %dma_start3A_1058 = tpu.memref_slice %arg4[%add3A_1046] : memref<320000xi32, #tpu.memory_space<hbm>> -> memref<80xi32, #tpu.memory_space<hbm>>
        tpu.enqueue_dma source(%dma_start3A_1058 : memref<80xi32, #tpu.memory_space<hbm>>) target(%arg8 : memref<80xi32, #tpu.memory_space<vmem>>) target_semaphore(%run_scoped3A : memref<!tpu.dma_semaphore, #tpu.memory_space<semaphore_mem>>)
        %dma_wait3A_1059 = tpu.memref_slice %arg4[%add3A_1046] : memref<320000xi32, #tpu.memory_space<hbm>> -> memref<80xi32, #tpu.memory_space<hbm>>
        %dma_wait3A_1060 = tpu.memref_slice %arg4[%add3A_1046] : memref<320000xi32, #tpu.memory_space<hbm>> -> memref<80xi32, #tpu.memory_space<hbm>>
        tpu.wait_dma2 semaphore(%run_scoped3A : memref<!tpu.dma_semaphore, #tpu.memory_space<semaphore_mem>>) src(%dma_wait3A_1060 : memref<80xi32, #tpu.memory_space<hbm>>) dst(%arg8 : memref<80xi32, #tpu.memory_space<vmem>>)
        tpu.yield
      }) : () -> ()
      %dma_start3A = arith.constant 0 : i32
      %dma_start3A_1047 = arith.constant 0 : i32
      %dma_start3A_1048 = tpu.memref_slice %arg5[%dma_start3A, %dma_start3A_1047] : memref<80000x128xf32, #tpu.memory_space<hbm>> -> memref<80000x128xf32, #tpu.memory_space<hbm>>
      tpu.enqueue_indirect_dma source(%dma_start3A_1048 : memref<80000x128xf32, #tpu.memory_space<hbm>>) target(%arg9 : memref<80x128xf32, #tpu.memory_space<vmem>>) offsets(%arg7 : memref<80xi32, #tpu.memory_space<vmem>>) semaphore(%arg13 : memref<!tpu.dma_semaphore, #tpu.memory_space<semaphore_mem>>)
      %dma_wait3A = arith.constant 0 : i32
      %dma_wait3A_1049 = arith.constant 0 : i32
      %dma_wait3A_1050 = tpu.memref_slice %arg5[%dma_wait3A, %dma_wait3A_1049] : memref<80000x128xf32, #tpu.memory_space<hbm>> -> memref<80000x128xf32, #tpu.memory_space<hbm>>
      tpu.wait_indirect_dma semaphore(%arg13 : memref<!tpu.dma_semaphore, #tpu.memory_space<semaphore_mem>>) src(%dma_wait3A_1050 : memref<80000x128xf32, #tpu.memory_space<hbm>>) dst(%arg9 : memref<80x128xf32, #tpu.memory_space<vmem>>)
      %scan3A_1051 = arith.constant 0 : i32
      %scan3A_1052 = arith.constant 0 : i32
      %scan3A_1053 = arith.constant 80 : i32
      %scan3A_1054 = arith.addi %scan3A_1052, %scan3A_1053 : i32
      %scan3A_1055 = arith.constant 1 : i32
      scf.for %scan3A_1057 = %scan3A_1052 to %scan3A_1054 step %scan3A_1055  : i32 {
        %broadcast_in_dim3A_1058 = vector.broadcast %scan3A_1057 : i32 to vector<16xi32>
        %gather3A = tpu.vector_load_idx %arg10[%broadcast_in_dim3A_1058] : memref<80xf32, #tpu.memory_space<vmem>>[vector<16xi32>], vector<16xf32>,
        %get3A = arith.index_cast %scan3A_1057 : i32 to index
        %get3A_1059 = arith.constant 0 : index
        %get3A_1060 = tpu.vector_load %arg9[%get3A, %get3A_1059] {strides = array<i32>} : memref<80x128xf32, #tpu.memory_space<vmem>>, vector<16xf32>,
        %mul3A_1061 = arith.mulf %get3A_1060, %gather3A : vector<16xf32>
        %swap3A_1062 = arith.index_cast %scan3A_1057 : i32 to index
        %swap3A_1063 = arith.constant 0 : index
        %swap3A_1064 = tpu.vector_load %arg9[%swap3A_1062, %swap3A_1063] {strides = array<i32>} : memref<80x128xf32, #tpu.memory_space<vmem>>, vector<16xf32>,
        tpu.vector_store %arg9[%swap3A_1062, %swap3A_1063], %mul3A_1061 {strides = array<i32>} : memref<80x128xf32, #tpu.memory_space<vmem>>, vector<16xf32>,
        %get3A_1065 = arith.index_cast %scan3A_1057 : i32 to index
        %get3A_1066 = arith.constant 16 : index
        %get3A_1067 = tpu.vector_load %arg9[%get3A_1065, %get3A_1066] {strides = array<i32>} : memref<80x128xf32, #tpu.memory_space<vmem>>, vector<16xf32>,
        %mul3A_1068 = arith.mulf %get3A_1067, %gather3A : vector<16xf32>
        %swap3A_1069 = arith.index_cast %scan3A_1057 : i32 to index
        %swap3A_1070 = arith.constant 16 : index
        %swap3A_1071 = tpu.vector_load %arg9[%swap3A_1069, %swap3A_1070] {strides = array<i32>} : memref<80x128xf32, #tpu.memory_space<vmem>>, vector<16xf32>,
        tpu.vector_store %arg9[%swap3A_1069, %swap3A_1070], %mul3A_1068 {strides = array<i32>} : memref<80x128xf32, #tpu.memory_space<vmem>>, vector<16xf32>,
        %get3A_1072 = arith.index_cast %scan3A_1057 : i32 to index
        %get3A_1073 = arith.constant 32 : index
        %get3A_1074 = tpu.vector_load %arg9[%get3A_1072, %get3A_1073] {strides = array<i32>} : memref<80x128xf32, #tpu.memory_space<vmem>>, vector<16xf32>,
        %mul3A_1075 = arith.mulf %get3A_1074, %gather3A : vector<16xf32>
        %swap3A_1076 = arith.index_cast %scan3A_1057 : i32 to index
        %swap3A_1077 = arith.constant 32 : index
        %swap3A_1078 = tpu.vector_load %arg9[%swap3A_1076, %swap3A_1077] {strides = array<i32>} : memref<80x128xf32, #tpu.memory_space<vmem>>, vector<16xf32>,
        tpu.vector_store %arg9[%swap3A_1076, %swap3A_1077], %mul3A_1075 {strides = array<i32>} : memref<80x128xf32, #tpu.memory_space<vmem>>, vector<16xf32>,
        %get3A_1079 = arith.index_cast %scan3A_1057 : i32 to index
        %get3A_1080 = arith.constant 48 : index
        %get3A_1081 = tpu.vector_load %arg9[%get3A_1079, %get3A_1080] {strides = array<i32>} : memref<80x128xf32, #tpu.memory_space<vmem>>, vector<16xf32>,
        %mul3A_1082 = arith.mulf %get3A_1081, %gather3A : vector<16xf32>
        %swap3A_1083 = arith.index_cast %scan3A_1057 : i32 to index
        %swap3A_1084 = arith.constant 48 : index
        %swap3A_1085 = tpu.vector_load %arg9[%swap3A_1083, %swap3A_1084] {strides = array<i32>} : memref<80x128xf32, #tpu.memory_space<vmem>>, vector<16xf32>,
        tpu.vector_store %arg9[%swap3A_1083, %swap3A_1084], %mul3A_1082 {strides = array<i32>} : memref<80x128xf32, #tpu.memory_space<vmem>>, vector<16xf32>,
        %get3A_1086 = arith.index_cast %scan3A_1057 : i32 to index
        %get3A_1087 = arith.constant 64 : index
        %get3A_1088 = tpu.vector_load %arg9[%get3A_1086, %get3A_1087] {strides = array<i32>} : memref<80x128xf32, #tpu.memory_space<vmem>>, vector<16xf32>,
        %mul3A_1089 = arith.mulf %get3A_1088, %gather3A : vector<16xf32>
        %swap3A_1090 = arith.index_cast %scan3A_1057 : i32 to index
        %swap3A_1091 = arith.constant 64 : index
        %swap3A_1092 = tpu.vector_load %arg9[%swap3A_1090, %swap3A_1091] {strides = array<i32>} : memref<80x128xf32, #tpu.memory_space<vmem>>, vector<16xf32>,
        tpu.vector_store %arg9[%swap3A_1090, %swap3A_1091], %mul3A_1089 {strides = array<i32>} : memref<80x128xf32, #tpu.memory_space<vmem>>, vector<16xf32>,
        %get3A_1093 = arith.index_cast %scan3A_1057 : i32 to index
        %get3A_1094 = arith.constant 80 : index
        %get3A_1095 = tpu.vector_load %arg9[%get3A_1093, %get3A_1094] {strides = array<i32>} : memref<80x128xf32, #tpu.memory_space<vmem>>, vector<16xf32>,
        %mul3A_1096 = arith.mulf %get3A_1095, %gather3A : vector<16xf32>
        %swap3A_1097 = arith.index_cast %scan3A_1057 : i32 to index
        %swap3A_1098 = arith.constant 80 : index
        %swap3A_1099 = tpu.vector_load %arg9[%swap3A_1097, %swap3A_1098] {strides = array<i32>} : memref<80x128xf32, #tpu.memory_space<vmem>>, vector<16xf32>,
        tpu.vector_store %arg9[%swap3A_1097, %swap3A_1098], %mul3A_1096 {strides = array<i32>} : memref<80x128xf32, #tpu.memory_space<vmem>>, vector<16xf32>,
        %get3A_1100 = arith.index_cast %scan3A_1057 : i32 to index
        %get3A_1101 = arith.constant 96 : index
        %get3A_1102 = tpu.vector_load %arg9[%get3A_1100, %get3A_1101] {strides = array<i32>} : memref<80x128xf32, #tpu.memory_space<vmem>>, vector<16xf32>,
        %mul3A_1103 = arith.mulf %get3A_1102, %gather3A : vector<16xf32>
        %swap3A_1104 = arith.index_cast %scan3A_1057 : i32 to index
        %swap3A_1105 = arith.constant 96 : index
        %swap3A_1106 = tpu.vector_load %arg9[%swap3A_1104, %swap3A_1105] {strides = array<i32>} : memref<80x128xf32, #tpu.memory_space<vmem>>, vector<16xf32>,
        tpu.vector_store %arg9[%swap3A_1104, %swap3A_1105], %mul3A_1103 {strides = array<i32>} : memref<80x128xf32, #tpu.memory_space<vmem>>, vector<16xf32>,
        %get3A_1107 = arith.index_cast %scan3A_1057 : i32 to index
        %get3A_1108 = arith.constant 112 : index
        %get3A_1109 = tpu.vector_load %arg9[%get3A_1107, %get3A_1108] {strides = array<i32>} : memref<80x128xf32, #tpu.memory_space<vmem>>, vector<16xf32>,
        %mul3A_1110 = arith.mulf %get3A_1109, %gather3A : vector<16xf32>
        %swap3A_1111 = arith.index_cast %scan3A_1057 : i32 to index
        %swap3A_1112 = arith.constant 112 : index
        %swap3A_1113 = tpu.vector_load %arg9[%swap3A_1111, %swap3A_1112] {strides = array<i32>} : memref<80x128xf32, #tpu.memory_space<vmem>>, vector<16xf32>,
        tpu.vector_store %arg9[%swap3A_1111, %swap3A_1112], %mul3A_1110 {strides = array<i32>} : memref<80x128xf32, #tpu.memory_space<vmem>>, vector<16xf32>,
      }
      %scan3A_1056 = arith.constant 80 : i32
      "tpu.region"() ({
        %run_scoped3A = tpu.sem_alloc : memref<!tpu.dma_semaphore, #tpu.memory_space<semaphore_mem>>
        %dma_start3A_1057 = arith.constant 0 : i32
        %dma_start3A_1058 = arith.constant 0 : i32
        %dma_start3A_1059 = tpu.memref_slice %arg12[%dma_start3A_1057, %dma_start3A_1058] : memref<10240x128xf32, #tpu.memory_space<vmem_shared>> -> memref<10240x128xf32, #tpu.memory_space<vmem_shared>>
        tpu.enqueue_indirect_dma source(%arg9 : memref<80x128xf32, #tpu.memory_space<vmem>>) target(%dma_start3A_1059 : memref<10240x128xf32, #tpu.memory_space<vmem_shared>>) offsets(%arg8 : memref<80xi32, #tpu.memory_space<vmem>>) semaphore(%run_scoped3A : memref<!tpu.dma_semaphore, #tpu.memory_space<semaphore_mem>>) {add = true}
        %dma_wait3A_1060 = arith.constant 0 : i32
        %dma_wait3A_1061 = arith.constant 0 : i32
        %dma_wait3A_1062 = tpu.memref_slice %arg12[%dma_wait3A_1060, %dma_wait3A_1061] : memref<10240x128xf32, #tpu.memory_space<vmem_shared>> -> memref<10240x128xf32, #tpu.memory_space<vmem_shared>>
        tpu.wait_indirect_dma semaphore(%run_scoped3A : memref<!tpu.dma_semaphore, #tpu.memory_space<semaphore_mem>>) src(%arg9 : memref<80x128xf32, #tpu.memory_space<vmem>>) dst(%dma_wait3A_1062 : memref<10240x128xf32, #tpu.memory_space<vmem_shared>>)
        tpu.yield
      }) : () -> ()
    }
    %scan3A_1035 = arith.constant 125 : i32
    %barrier3A_1036 = arith.constant 0 : index
    tpu.barrier barrier_id(%barrier3A_1036)
    %mul3A_1037 = arith.constant 640 : i32
    %mul3A_1038 = arith.muli %arg1, %mul3A_1037 : i32
    %mul3A_1039 = arith.constant 640 : i32
    %mul3A_1040 = arith.muli %arg1, %mul3A_1039 : i32
    "tpu.region"() ({
      %run_scoped3A = tpu.sem_alloc : memref<!tpu.dma_semaphore, #tpu.memory_space<semaphore_mem>>
      %dma_start3A = arith.constant 0 : i32
      %dma_start3A_1041 = tpu.memref_slice %arg6[%arg0, %mul3A_1040, %dma_start3A] : memref<2x10240x128xf32, #tpu.memory_space<hbm>> -> memref<1x640x128xf32, #tpu.memory_space<hbm>>
      %dma_start3A_1042 = tpu.memref_squeeze %dma_start3A_1041 : memref<1x640x128xf32, #tpu.memory_space<hbm>> -> memref<640x128xf32, #tpu.memory_space<hbm>>
      %dma_start3A_1043 = arith.constant 0 : i32
      %dma_start3A_1044 = tpu.memref_slice %arg12[%mul3A_1038, %dma_start3A_1043] : memref<10240x128xf32, #tpu.memory_space<vmem_shared>> -> memref<640x128xf32, #tpu.memory_space<vmem_shared>>
      tpu.enqueue_dma source(%dma_start3A_1044 : memref<640x128xf32, #tpu.memory_space<vmem_shared>>) target(%dma_start3A_1042 : memref<640x128xf32, #tpu.memory_space<hbm>>) target_semaphore(%run_scoped3A : memref<!tpu.dma_semaphore, #tpu.memory_space<semaphore_mem>>)
      %dma_wait3A = arith.constant 0 : i32
      %dma_wait3A_1045 = tpu.memref_slice %arg6[%arg0, %mul3A_1040, %dma_wait3A] : memref<2x10240x128xf32, #tpu.memory_space<hbm>> -> memref<1x640x128xf32, #tpu.memory_space<hbm>>
      %dma_wait3A_1046 = tpu.memref_squeeze %dma_wait3A_1045 : memref<1x640x128xf32, #tpu.memory_space<hbm>> -> memref<640x128xf32, #tpu.memory_space<hbm>>
      %dma_wait3A_1047 = arith.constant 0 : i32
      %dma_wait3A_1048 = tpu.memref_slice %arg12[%mul3A_1038, %dma_wait3A_1047] : memref<10240x128xf32, #tpu.memory_space<vmem_shared>> -> memref<640x128xf32, #tpu.memory_space<vmem_shared>>
      tpu.wait_dma2 semaphore(%run_scoped3A : memref<!tpu.dma_semaphore, #tpu.memory_space<semaphore_mem>>) src(%dma_wait3A_1048 : memref<640x128xf32, #tpu.memory_space<vmem_shared>>) dst(%dma_wait3A_1046 : memref<640x128xf32, #tpu.memory_space<hbm>>)
      tpu.yield
    }) : () -> ()
    return
  }
}

#map = affine_map<(d0, d1) -> (0)>
module attributes {stable_mosaic.version = 14 : i64} {
  func.func @_count_body(%arg0: i32, %arg1: i32, %arg2: memref<320000xi32, #tpu.memory_space<hbm>>, %arg3: memref<320000xi32, #tpu.memory_space<hbm>>, %arg4: memref<320000xi32, #tpu.memory_space<hbm>>, %arg5: memref<2560000xf32, #tpu.memory_space<hbm>>, %arg6: memref<320000xi32, #tpu.memory_space<hbm>>, %arg7: memref<320000xi32, #tpu.memory_space<hbm>>, %arg8: memref<80000xf32, #tpu.memory_space<vmem>>, %arg9: memref<80xi32, #tpu.memory_space<vmem>>, %arg10: memref<80xi32, #tpu.memory_space<vmem>>, %arg11: memref<80xi32, #tpu.memory_space<vmem>>, %arg12: memref<80xi32, #tpu.memory_space<vmem>>, %arg13: memref<80xi32, #tpu.memory_space<vmem>>) attributes {dimension_semantics = [#tpu.dimension_semantics<core_parallel>, #tpu.dimension_semantics<subcore_parallel>], iteration_bounds = array<i64: 2, 16>, scalar_prefetch = 0 : i64, scratch_operands = 6 : i64, tpu.core_type = #tpu.core_type<sc_vector_subcore>, window_params = [{transform_indices = #map}, {transform_indices = #map}, {transform_indices = #map}, {transform_indices = #map}, {transform_indices = #map}, {transform_indices = #map}]} {
    %mul3A = arith.constant 2 : i32
    %mul3A_0 = arith.muli %arg1, %mul3A : i32
    %add3A = arith.addi %mul3A_0, %arg0 : i32
    %broadcast_in_dim3A = arith.constant 0.000000e+00 : f32
    %broadcast_in_dim3A_1 = vector.broadcast %broadcast_in_dim3A : f32 to vector<16xf32>
    %scan3A = arith.constant 0 : i32
    %scan3A_2 = arith.constant 0 : i32
    %scan3A_3 = arith.constant 1250 : i32
    %scan3A_4 = arith.addi %scan3A_2, %scan3A_3 : i32
    %scan3A_5 = arith.constant 1 : i32
    scf.for %scan3A_17 = %scan3A_2 to %scan3A_4 step %scan3A_5  : i32 {
      %mul3A_18 = arith.constant 64 : i32
      %mul3A_19 = arith.muli %scan3A_17, %mul3A_18 : i32
      %add3A_20 = arith.constant 0 : i32
      %add3A_21 = arith.addi %mul3A_19, %add3A_20 : i32
      %swap3A = arith.index_cast %add3A_21 : i32 to index
      %swap3A_22 = tpu.vector_load %arg8[%swap3A] {strides = array<i32>} : memref<80000xf32, #tpu.memory_space<vmem>>, vector<16xf32>,
      tpu.vector_store %arg8[%swap3A], %broadcast_in_dim3A_1 {strides = array<i32>} : memref<80000xf32, #tpu.memory_space<vmem>>, vector<16xf32>,
      %mul3A_23 = arith.constant 64 : i32
      %mul3A_24 = arith.muli %scan3A_17, %mul3A_23 : i32
      %add3A_25 = arith.constant 16 : i32
      %add3A_26 = arith.addi %mul3A_24, %add3A_25 : i32
      %swap3A_27 = arith.index_cast %add3A_26 : i32 to index
      %swap3A_28 = tpu.vector_load %arg8[%swap3A_27] {strides = array<i32>} : memref<80000xf32, #tpu.memory_space<vmem>>, vector<16xf32>,
      tpu.vector_store %arg8[%swap3A_27], %broadcast_in_dim3A_1 {strides = array<i32>} : memref<80000xf32, #tpu.memory_space<vmem>>, vector<16xf32>,
      %mul3A_29 = arith.constant 64 : i32
      %mul3A_30 = arith.muli %scan3A_17, %mul3A_29 : i32
      %add3A_31 = arith.constant 32 : i32
      %add3A_32 = arith.addi %mul3A_30, %add3A_31 : i32
      %swap3A_33 = arith.index_cast %add3A_32 : i32 to index
      %swap3A_34 = tpu.vector_load %arg8[%swap3A_33] {strides = array<i32>} : memref<80000xf32, #tpu.memory_space<vmem>>, vector<16xf32>,
      tpu.vector_store %arg8[%swap3A_33], %broadcast_in_dim3A_1 {strides = array<i32>} : memref<80000xf32, #tpu.memory_space<vmem>>, vector<16xf32>,
      %mul3A_35 = arith.constant 64 : i32
      %mul3A_36 = arith.muli %scan3A_17, %mul3A_35 : i32
      %add3A_37 = arith.constant 48 : i32
      %add3A_38 = arith.addi %mul3A_36, %add3A_37 : i32
      %swap3A_39 = arith.index_cast %add3A_38 : i32 to index
      %swap3A_40 = tpu.vector_load %arg8[%swap3A_39] {strides = array<i32>} : memref<80000xf32, #tpu.memory_space<vmem>>, vector<16xf32>,
      tpu.vector_store %arg8[%swap3A_39], %broadcast_in_dim3A_1 {strides = array<i32>} : memref<80000xf32, #tpu.memory_space<vmem>>, vector<16xf32>,
    }
    %scan3A_6 = arith.constant 1250 : i32
    %broadcast_in_dim3A_7 = arith.constant 1.000000e+00 : f32
    %broadcast_in_dim3A_8 = vector.broadcast %broadcast_in_dim3A_7 : f32 to vector<16xf32>
    %scan3A_9 = arith.constant 0 : i32
    %scan3A_10 = arith.constant 0 : i32
    %scan3A_11 = arith.constant 125 : i32
    %scan3A_12 = arith.addi %scan3A_10, %scan3A_11 : i32
    %scan3A_13 = arith.constant 1 : i32
    scf.for %scan3A_17 = %scan3A_10 to %scan3A_12 step %scan3A_13  : i32 {
      %mul3A_18 = arith.constant 10000 : i32
      %mul3A_19 = arith.muli %add3A, %mul3A_18 : i32
      %mul3A_20 = arith.constant 80 : i32
      %mul3A_21 = arith.muli %scan3A_17, %mul3A_20 : i32
      %add3A_22 = arith.addi %mul3A_19, %mul3A_21 : i32
      "tpu.region"() ({
        %run_scoped3A = tpu.sem_alloc : memref<!tpu.dma_semaphore, #tpu.memory_space<semaphore_mem>>
        %dma_start3A = tpu.memref_slice %arg2[%add3A_22] : memref<320000xi32, #tpu.memory_space<hbm>> -> memref<80xi32, #tpu.memory_space<hbm>>
        %dma_start3A_111 = tpu.memref_slice %arg2[%add3A_22] : memref<320000xi32, #tpu.memory_space<hbm>> -> memref<80xi32, #tpu.memory_space<hbm>>
        tpu.enqueue_dma source(%dma_start3A_111 : memref<80xi32, #tpu.memory_space<hbm>>) target(%arg9 : memref<80xi32, #tpu.memory_space<vmem>>) target_semaphore(%run_scoped3A : memref<!tpu.dma_semaphore, #tpu.memory_space<semaphore_mem>>)
        %dma_wait3A = tpu.memref_slice %arg2[%add3A_22] : memref<320000xi32, #tpu.memory_space<hbm>> -> memref<80xi32, #tpu.memory_space<hbm>>
        %dma_wait3A_112 = tpu.memref_slice %arg2[%add3A_22] : memref<320000xi32, #tpu.memory_space<hbm>> -> memref<80xi32, #tpu.memory_space<hbm>>
        tpu.wait_dma2 semaphore(%run_scoped3A : memref<!tpu.dma_semaphore, #tpu.memory_space<semaphore_mem>>) src(%dma_wait3A_112 : memref<80xi32, #tpu.memory_space<hbm>>) dst(%arg9 : memref<80xi32, #tpu.memory_space<vmem>>)
        tpu.yield
      }) : () -> ()
      "tpu.region"() ({
        %run_scoped3A = tpu.sem_alloc : memref<!tpu.dma_semaphore, #tpu.memory_space<semaphore_mem>>
        %dma_start3A = tpu.memref_slice %arg3[%add3A_22] : memref<320000xi32, #tpu.memory_space<hbm>> -> memref<80xi32, #tpu.memory_space<hbm>>
        %dma_start3A_111 = tpu.memref_slice %arg3[%add3A_22] : memref<320000xi32, #tpu.memory_space<hbm>> -> memref<80xi32, #tpu.memory_space<hbm>>
        tpu.enqueue_dma source(%dma_start3A_111 : memref<80xi32, #tpu.memory_space<hbm>>) target(%arg10 : memref<80xi32, #tpu.memory_space<vmem>>) target_semaphore(%run_scoped3A : memref<!tpu.dma_semaphore, #tpu.memory_space<semaphore_mem>>)
        %dma_wait3A = tpu.memref_slice %arg3[%add3A_22] : memref<320000xi32, #tpu.memory_space<hbm>> -> memref<80xi32, #tpu.memory_space<hbm>>
        %dma_wait3A_112 = tpu.memref_slice %arg3[%add3A_22] : memref<320000xi32, #tpu.memory_space<hbm>> -> memref<80xi32, #tpu.memory_space<hbm>>
        tpu.wait_dma2 semaphore(%run_scoped3A : memref<!tpu.dma_semaphore, #tpu.memory_space<semaphore_mem>>) src(%dma_wait3A_112 : memref<80xi32, #tpu.memory_space<hbm>>) dst(%arg10 : memref<80xi32, #tpu.memory_space<vmem>>)
        tpu.yield
      }) : () -> ()
      "tpu.region"() ({
        %run_scoped3A = tpu.sem_alloc : memref<!tpu.dma_semaphore, #tpu.memory_space<semaphore_mem>>
        %dma_start3A = tpu.memref_slice %arg4[%add3A_22] : memref<320000xi32, #tpu.memory_space<hbm>> -> memref<80xi32, #tpu.memory_space<hbm>>
        %dma_start3A_111 = tpu.memref_slice %arg4[%add3A_22] : memref<320000xi32, #tpu.memory_space<hbm>> -> memref<80xi32, #tpu.memory_space<hbm>>
        tpu.enqueue_dma source(%dma_start3A_111 : memref<80xi32, #tpu.memory_space<hbm>>) target(%arg11 : memref<80xi32, #tpu.memory_space<vmem>>) target_semaphore(%run_scoped3A : memref<!tpu.dma_semaphore, #tpu.memory_space<semaphore_mem>>)
        %dma_wait3A = tpu.memref_slice %arg4[%add3A_22] : memref<320000xi32, #tpu.memory_space<hbm>> -> memref<80xi32, #tpu.memory_space<hbm>>
        %dma_wait3A_112 = tpu.memref_slice %arg4[%add3A_22] : memref<320000xi32, #tpu.memory_space<hbm>> -> memref<80xi32, #tpu.memory_space<hbm>>
        tpu.wait_dma2 semaphore(%run_scoped3A : memref<!tpu.dma_semaphore, #tpu.memory_space<semaphore_mem>>) src(%dma_wait3A_112 : memref<80xi32, #tpu.memory_space<hbm>>) dst(%arg11 : memref<80xi32, #tpu.memory_space<vmem>>)
        tpu.yield
      }) : () -> ()
      %get3A = arith.constant 0 : index
      %get3A_23 = tpu.vector_load %arg11[%get3A] {strides = array<i32>} : memref<80xi32, #tpu.memory_space<vmem>>, vector<16xi32>,
      %get3A_24 = arith.constant 0 : index
      %get3A_25 = tpu.vector_load %arg9[%get3A_24] {strides = array<i32>} : memref<80xi32, #tpu.memory_space<vmem>>, vector<16xi32>,
      %mul3A_26 = arith.constant 8 : i32
      %mul3A_27 = vector.broadcast %mul3A_26 : i32 to vector<16xi32>
      %mul3A_28 = arith.muli %get3A_25, %mul3A_27 : vector<16xi32>
      %add3A_29 = arith.addi %mul3A_28, %get3A_23 : vector<16xi32>
      %get3A_30 = arith.constant 0 : index
      %get3A_31 = tpu.vector_load %arg10[%get3A_30] {strides = array<i32>} : memref<80xi32, #tpu.memory_space<vmem>>, vector<16xi32>,
      %mul3A_32 = arith.constant 8 : i32
      %mul3A_33 = vector.broadcast %mul3A_32 : i32 to vector<16xi32>
      %mul3A_34 = arith.muli %get3A_31, %mul3A_33 : vector<16xi32>
      %add3A_35 = arith.addi %mul3A_34, %get3A_23 : vector<16xi32>
      %swap3A = arith.constant 0 : index
      %swap3A_36 = tpu.vector_load %arg12[%swap3A] {strides = array<i32>} : memref<80xi32, #tpu.memory_space<vmem>>, vector<16xi32>,
      tpu.vector_store %arg12[%swap3A], %add3A_29 {strides = array<i32>} : memref<80xi32, #tpu.memory_space<vmem>>, vector<16xi32>,
      %swap3A_37 = arith.constant 0 : index
      %swap3A_38 = tpu.vector_load %arg13[%swap3A_37] {strides = array<i32>} : memref<80xi32, #tpu.memory_space<vmem>>, vector<16xi32>,
      tpu.vector_store %arg13[%swap3A_37], %add3A_35 {strides = array<i32>} : memref<80xi32, #tpu.memory_space<vmem>>, vector<16xi32>,
      tpu.vector_store_idx %arg8[%add3A_35], %broadcast_in_dim3A_8 {add = true} : memref<80000xf32, #tpu.memory_space<vmem>>[vector<16xi32>], vector<16xf32>,
      %get3A_39 = arith.constant 16 : index
      %get3A_40 = tpu.vector_load %arg11[%get3A_39] {strides = array<i32>} : memref<80xi32, #tpu.memory_space<vmem>>, vector<16xi32>,
      %get3A_41 = arith.constant 16 : index
      %get3A_42 = tpu.vector_load %arg9[%get3A_41] {strides = array<i32>} : memref<80xi32, #tpu.memory_space<vmem>>, vector<16xi32>,
      %mul3A_43 = arith.constant 8 : i32
      %mul3A_44 = vector.broadcast %mul3A_43 : i32 to vector<16xi32>
      %mul3A_45 = arith.muli %get3A_42, %mul3A_44 : vector<16xi32>
      %add3A_46 = arith.addi %mul3A_45, %get3A_40 : vector<16xi32>
      %get3A_47 = arith.constant 16 : index
      %get3A_48 = tpu.vector_load %arg10[%get3A_47] {strides = array<i32>} : memref<80xi32, #tpu.memory_space<vmem>>, vector<16xi32>,
      %mul3A_49 = arith.constant 8 : i32
      %mul3A_50 = vector.broadcast %mul3A_49 : i32 to vector<16xi32>
      %mul3A_51 = arith.muli %get3A_48, %mul3A_50 : vector<16xi32>
      %add3A_52 = arith.addi %mul3A_51, %get3A_40 : vector<16xi32>
      %swap3A_53 = arith.constant 16 : index
      %swap3A_54 = tpu.vector_load %arg12[%swap3A_53] {strides = array<i32>} : memref<80xi32, #tpu.memory_space<vmem>>, vector<16xi32>,
      tpu.vector_store %arg12[%swap3A_53], %add3A_46 {strides = array<i32>} : memref<80xi32, #tpu.memory_space<vmem>>, vector<16xi32>,
      %swap3A_55 = arith.constant 16 : index
      %swap3A_56 = tpu.vector_load %arg13[%swap3A_55] {strides = array<i32>} : memref<80xi32, #tpu.memory_space<vmem>>, vector<16xi32>,
      tpu.vector_store %arg13[%swap3A_55], %add3A_52 {strides = array<i32>} : memref<80xi32, #tpu.memory_space<vmem>>, vector<16xi32>,
      tpu.vector_store_idx %arg8[%add3A_52], %broadcast_in_dim3A_8 {add = true} : memref<80000xf32, #tpu.memory_space<vmem>>[vector<16xi32>], vector<16xf32>,
      %get3A_57 = arith.constant 32 : index
      %get3A_58 = tpu.vector_load %arg11[%get3A_57] {strides = array<i32>} : memref<80xi32, #tpu.memory_space<vmem>>, vector<16xi32>,
      %get3A_59 = arith.constant 32 : index
      %get3A_60 = tpu.vector_load %arg9[%get3A_59] {strides = array<i32>} : memref<80xi32, #tpu.memory_space<vmem>>, vector<16xi32>,
      %mul3A_61 = arith.constant 8 : i32
      %mul3A_62 = vector.broadcast %mul3A_61 : i32 to vector<16xi32>
      %mul3A_63 = arith.muli %get3A_60, %mul3A_62 : vector<16xi32>
      %add3A_64 = arith.addi %mul3A_63, %get3A_58 : vector<16xi32>
      %get3A_65 = arith.constant 32 : index
      %get3A_66 = tpu.vector_load %arg10[%get3A_65] {strides = array<i32>} : memref<80xi32, #tpu.memory_space<vmem>>, vector<16xi32>,
      %mul3A_67 = arith.constant 8 : i32
      %mul3A_68 = vector.broadcast %mul3A_67 : i32 to vector<16xi32>
      %mul3A_69 = arith.muli %get3A_66, %mul3A_68 : vector<16xi32>
      %add3A_70 = arith.addi %mul3A_69, %get3A_58 : vector<16xi32>
      %swap3A_71 = arith.constant 32 : index
      %swap3A_72 = tpu.vector_load %arg12[%swap3A_71] {strides = array<i32>} : memref<80xi32, #tpu.memory_space<vmem>>, vector<16xi32>,
      tpu.vector_store %arg12[%swap3A_71], %add3A_64 {strides = array<i32>} : memref<80xi32, #tpu.memory_space<vmem>>, vector<16xi32>,
      %swap3A_73 = arith.constant 32 : index
      %swap3A_74 = tpu.vector_load %arg13[%swap3A_73] {strides = array<i32>} : memref<80xi32, #tpu.memory_space<vmem>>, vector<16xi32>,
      tpu.vector_store %arg13[%swap3A_73], %add3A_70 {strides = array<i32>} : memref<80xi32, #tpu.memory_space<vmem>>, vector<16xi32>,
      tpu.vector_store_idx %arg8[%add3A_70], %broadcast_in_dim3A_8 {add = true} : memref<80000xf32, #tpu.memory_space<vmem>>[vector<16xi32>], vector<16xf32>,
      %get3A_75 = arith.constant 48 : index
      %get3A_76 = tpu.vector_load %arg11[%get3A_75] {strides = array<i32>} : memref<80xi32, #tpu.memory_space<vmem>>, vector<16xi32>,
      %get3A_77 = arith.constant 48 : index
      %get3A_78 = tpu.vector_load %arg9[%get3A_77] {strides = array<i32>} : memref<80xi32, #tpu.memory_space<vmem>>, vector<16xi32>,
      %mul3A_79 = arith.constant 8 : i32
      %mul3A_80 = vector.broadcast %mul3A_79 : i32 to vector<16xi32>
      %mul3A_81 = arith.muli %get3A_78, %mul3A_80 : vector<16xi32>
      %add3A_82 = arith.addi %mul3A_81, %get3A_76 : vector<16xi32>
      %get3A_83 = arith.constant 48 : index
      %get3A_84 = tpu.vector_load %arg10[%get3A_83] {strides = array<i32>} : memref<80xi32, #tpu.memory_space<vmem>>, vector<16xi32>,
      %mul3A_85 = arith.constant 8 : i32
      %mul3A_86 = vector.broadcast %mul3A_85 : i32 to vector<16xi32>
      %mul3A_87 = arith.muli %get3A_84, %mul3A_86 : vector<16xi32>
      %add3A_88 = arith.addi %mul3A_87, %get3A_76 : vector<16xi32>
      %swap3A_89 = arith.constant 48 : index
      %swap3A_90 = tpu.vector_load %arg12[%swap3A_89] {strides = array<i32>} : memref<80xi32, #tpu.memory_space<vmem>>, vector<16xi32>,
      tpu.vector_store %arg12[%swap3A_89], %add3A_82 {strides = array<i32>} : memref<80xi32, #tpu.memory_space<vmem>>, vector<16xi32>,
      %swap3A_91 = arith.constant 48 : index
      %swap3A_92 = tpu.vector_load %arg13[%swap3A_91] {strides = array<i32>} : memref<80xi32, #tpu.memory_space<vmem>>, vector<16xi32>,
      tpu.vector_store %arg13[%swap3A_91], %add3A_88 {strides = array<i32>} : memref<80xi32, #tpu.memory_space<vmem>>, vector<16xi32>,
      tpu.vector_store_idx %arg8[%add3A_88], %broadcast_in_dim3A_8 {add = true} : memref<80000xf32, #tpu.memory_space<vmem>>[vector<16xi32>], vector<16xf32>,
      %get3A_93 = arith.constant 64 : index
      %get3A_94 = tpu.vector_load %arg11[%get3A_93] {strides = array<i32>} : memref<80xi32, #tpu.memory_space<vmem>>, vector<16xi32>,
      %get3A_95 = arith.constant 64 : index
      %get3A_96 = tpu.vector_load %arg9[%get3A_95] {strides = array<i32>} : memref<80xi32, #tpu.memory_space<vmem>>, vector<16xi32>,
      %mul3A_97 = arith.constant 8 : i32
      %mul3A_98 = vector.broadcast %mul3A_97 : i32 to vector<16xi32>
      %mul3A_99 = arith.muli %get3A_96, %mul3A_98 : vector<16xi32>
      %add3A_100 = arith.addi %mul3A_99, %get3A_94 : vector<16xi32>
      %get3A_101 = arith.constant 64 : index
      %get3A_102 = tpu.vector_load %arg10[%get3A_101] {strides = array<i32>} : memref<80xi32, #tpu.memory_space<vmem>>, vector<16xi32>,
      %mul3A_103 = arith.constant 8 : i32
      %mul3A_104 = vector.broadcast %mul3A_103 : i32 to vector<16xi32>
      %mul3A_105 = arith.muli %get3A_102, %mul3A_104 : vector<16xi32>
      %add3A_106 = arith.addi %mul3A_105, %get3A_94 : vector<16xi32>
      %swap3A_107 = arith.constant 64 : index
      %swap3A_108 = tpu.vector_load %arg12[%swap3A_107] {strides = array<i32>} : memref<80xi32, #tpu.memory_space<vmem>>, vector<16xi32>,
      tpu.vector_store %arg12[%swap3A_107], %add3A_100 {strides = array<i32>} : memref<80xi32, #tpu.memory_space<vmem>>, vector<16xi32>,
      %swap3A_109 = arith.constant 64 : index
      %swap3A_110 = tpu.vector_load %arg13[%swap3A_109] {strides = array<i32>} : memref<80xi32, #tpu.memory_space<vmem>>, vector<16xi32>,
      tpu.vector_store %arg13[%swap3A_109], %add3A_106 {strides = array<i32>} : memref<80xi32, #tpu.memory_space<vmem>>, vector<16xi32>,
      tpu.vector_store_idx %arg8[%add3A_106], %broadcast_in_dim3A_8 {add = true} : memref<80000xf32, #tpu.memory_space<vmem>>[vector<16xi32>], vector<16xf32>,
      "tpu.region"() ({
        %run_scoped3A = tpu.sem_alloc : memref<!tpu.dma_semaphore, #tpu.memory_space<semaphore_mem>>
        %dma_start3A = tpu.memref_slice %arg6[%add3A_22] : memref<320000xi32, #tpu.memory_space<hbm>> -> memref<80xi32, #tpu.memory_space<hbm>>
        %dma_start3A_111 = tpu.memref_slice %arg6[%add3A_22] : memref<320000xi32, #tpu.memory_space<hbm>> -> memref<80xi32, #tpu.memory_space<hbm>>
        tpu.enqueue_dma source(%arg12 : memref<80xi32, #tpu.memory_space<vmem>>) target(%dma_start3A_111 : memref<80xi32, #tpu.memory_space<hbm>>) target_semaphore(%run_scoped3A : memref<!tpu.dma_semaphore, #tpu.memory_space<semaphore_mem>>)
        %dma_wait3A = tpu.memref_slice %arg6[%add3A_22] : memref<320000xi32, #tpu.memory_space<hbm>> -> memref<80xi32, #tpu.memory_space<hbm>>
        %dma_wait3A_112 = tpu.memref_slice %arg6[%add3A_22] : memref<320000xi32, #tpu.memory_space<hbm>> -> memref<80xi32, #tpu.memory_space<hbm>>
        tpu.wait_dma2 semaphore(%run_scoped3A : memref<!tpu.dma_semaphore, #tpu.memory_space<semaphore_mem>>) src(%arg12 : memref<80xi32, #tpu.memory_space<vmem>>) dst(%dma_wait3A_112 : memref<80xi32, #tpu.memory_space<hbm>>)
        tpu.yield
      }) : () -> ()
      "tpu.region"() ({
        %run_scoped3A = tpu.sem_alloc : memref<!tpu.dma_semaphore, #tpu.memory_space<semaphore_mem>>
        %dma_start3A = tpu.memref_slice %arg7[%add3A_22] : memref<320000xi32, #tpu.memory_space<hbm>> -> memref<80xi32, #tpu.memory_space<hbm>>
        %dma_start3A_111 = tpu.memref_slice %arg7[%add3A_22] : memref<320000xi32, #tpu.memory_space<hbm>> -> memref<80xi32, #tpu.memory_space<hbm>>
        tpu.enqueue_dma source(%arg13 : memref<80xi32, #tpu.memory_space<vmem>>) target(%dma_start3A_111 : memref<80xi32, #tpu.memory_space<hbm>>) target_semaphore(%run_scoped3A : memref<!tpu.dma_semaphore, #tpu.memory_space<semaphore_mem>>)
        %dma_wait3A = tpu.memref_slice %arg7[%add3A_22] : memref<320000xi32, #tpu.memory_space<hbm>> -> memref<80xi32, #tpu.memory_space<hbm>>
        %dma_wait3A_112 = tpu.memref_slice %arg7[%add3A_22] : memref<320000xi32, #tpu.memory_space<hbm>> -> memref<80xi32, #tpu.memory_space<hbm>>
        tpu.wait_dma2 semaphore(%run_scoped3A : memref<!tpu.dma_semaphore, #tpu.memory_space<semaphore_mem>>) src(%arg13 : memref<80xi32, #tpu.memory_space<vmem>>) dst(%dma_wait3A_112 : memref<80xi32, #tpu.memory_space<hbm>>)
        tpu.yield
      }) : () -> ()
    }
    %scan3A_14 = arith.constant 125 : i32
    %mul3A_15 = arith.constant 80000 : i32
    %mul3A_16 = arith.muli %add3A, %mul3A_15 : i32
    "tpu.region"() ({
      %run_scoped3A = tpu.sem_alloc : memref<!tpu.dma_semaphore, #tpu.memory_space<semaphore_mem>>
      %dma_start3A = tpu.memref_slice %arg5[%mul3A_16] : memref<2560000xf32, #tpu.memory_space<hbm>> -> memref<80000xf32, #tpu.memory_space<hbm>>
      %dma_start3A_17 = tpu.memref_slice %arg5[%mul3A_16] : memref<2560000xf32, #tpu.memory_space<hbm>> -> memref<80000xf32, #tpu.memory_space<hbm>>
      tpu.enqueue_dma source(%arg8 : memref<80000xf32, #tpu.memory_space<vmem>>) target(%dma_start3A_17 : memref<80000xf32, #tpu.memory_space<hbm>>) target_semaphore(%run_scoped3A : memref<!tpu.dma_semaphore, #tpu.memory_space<semaphore_mem>>)
      %dma_wait3A = tpu.memref_slice %arg5[%mul3A_16] : memref<2560000xf32, #tpu.memory_space<hbm>> -> memref<80000xf32, #tpu.memory_space<hbm>>
      %dma_wait3A_18 = tpu.memref_slice %arg5[%mul3A_16] : memref<2560000xf32, #tpu.memory_space<hbm>> -> memref<80000xf32, #tpu.memory_space<hbm>>
      tpu.wait_dma2 semaphore(%run_scoped3A : memref<!tpu.dma_semaphore, #tpu.memory_space<semaphore_mem>>) src(%arg8 : memref<80000xf32, #tpu.memory_space<vmem>>) dst(%dma_wait3A_18 : memref<80000xf32, #tpu.memory_space<hbm>>)
      tpu.yield
    }) : () -> ()
    return
  }
}

#map = affine_map<(d0, d1) -> (0)>
module attributes {stable_mosaic.version = 14 : i64} {
  func.func @_wgt_body(%arg0: i32, %arg1: i32, %arg2: memref<320000xi32, #tpu.memory_space<hbm>>, %arg3: memref<80000xf32, #tpu.memory_space<hbm>>, %arg4: memref<320000xf32, #tpu.memory_space<hbm>>, %arg5: memref<80000xf32, #tpu.memory_space<vmem>>, %arg6: memref<400xi32, #tpu.memory_space<vmem>>, %arg7: memref<400xf32, #tpu.memory_space<vmem>>) attributes {dimension_semantics = [#tpu.dimension_semantics<core_parallel>, #tpu.dimension_semantics<subcore_parallel>], iteration_bounds = array<i64: 2, 16>, scalar_prefetch = 0 : i64, scratch_operands = 3 : i64, tpu.core_type = #tpu.core_type<sc_vector_subcore>, window_params = [{transform_indices = #map}, {transform_indices = #map}, {transform_indices = #map}]} {
    %mul3A = arith.constant 2 : i32
    %mul3A_0 = arith.muli %arg1, %mul3A : i32
    %add3A = arith.addi %mul3A_0, %arg0 : i32
    "tpu.region"() ({
      %run_scoped3A = tpu.sem_alloc : memref<!tpu.dma_semaphore, #tpu.memory_space<semaphore_mem>>
      tpu.enqueue_dma source(%arg3 : memref<80000xf32, #tpu.memory_space<hbm>>) target(%arg5 : memref<80000xf32, #tpu.memory_space<vmem>>) target_semaphore(%run_scoped3A : memref<!tpu.dma_semaphore, #tpu.memory_space<semaphore_mem>>)
      tpu.wait_dma2 semaphore(%run_scoped3A : memref<!tpu.dma_semaphore, #tpu.memory_space<semaphore_mem>>) src(%arg3 : memref<80000xf32, #tpu.memory_space<hbm>>) dst(%arg5 : memref<80000xf32, #tpu.memory_space<vmem>>)
      tpu.yield
    }) : () -> ()
    %scan3A = arith.constant 0 : i32
    %scan3A_1 = arith.constant 0 : i32
    %scan3A_2 = arith.constant 25 : i32
    %scan3A_3 = arith.addi %scan3A_1, %scan3A_2 : i32
    %scan3A_4 = arith.constant 1 : i32
    scf.for %scan3A_6 = %scan3A_1 to %scan3A_3 step %scan3A_4  : i32 {
      %mul3A_7 = arith.constant 10000 : i32
      %mul3A_8 = arith.muli %add3A, %mul3A_7 : i32
      %mul3A_9 = arith.constant 400 : i32
      %mul3A_10 = arith.muli %scan3A_6, %mul3A_9 : i32
      %add3A_11 = arith.addi %mul3A_8, %mul3A_10 : i32
      "tpu.region"() ({
        %run_scoped3A = tpu.sem_alloc : memref<!tpu.dma_semaphore, #tpu.memory_space<semaphore_mem>>
        %dma_start3A = tpu.memref_slice %arg2[%add3A_11] : memref<320000xi32, #tpu.memory_space<hbm>> -> memref<400xi32, #tpu.memory_space<hbm>>
        %dma_start3A_134 = tpu.memref_slice %arg2[%add3A_11] : memref<320000xi32, #tpu.memory_space<hbm>> -> memref<400xi32, #tpu.memory_space<hbm>>
        tpu.enqueue_dma source(%dma_start3A_134 : memref<400xi32, #tpu.memory_space<hbm>>) target(%arg6 : memref<400xi32, #tpu.memory_space<vmem>>) target_semaphore(%run_scoped3A : memref<!tpu.dma_semaphore, #tpu.memory_space<semaphore_mem>>)
        %dma_wait3A = tpu.memref_slice %arg2[%add3A_11] : memref<320000xi32, #tpu.memory_space<hbm>> -> memref<400xi32, #tpu.memory_space<hbm>>
        %dma_wait3A_135 = tpu.memref_slice %arg2[%add3A_11] : memref<320000xi32, #tpu.memory_space<hbm>> -> memref<400xi32, #tpu.memory_space<hbm>>
        tpu.wait_dma2 semaphore(%run_scoped3A : memref<!tpu.dma_semaphore, #tpu.memory_space<semaphore_mem>>) src(%dma_wait3A_135 : memref<400xi32, #tpu.memory_space<hbm>>) dst(%arg6 : memref<400xi32, #tpu.memory_space<vmem>>)
        tpu.yield
      }) : () -> ()
      %get3A = arith.constant 0 : index
      %get3A_12 = tpu.vector_load %arg6[%get3A] {strides = array<i32>} : memref<400xi32, #tpu.memory_space<vmem>>, vector<16xi32>,
      %gather3A = tpu.vector_load_idx %arg5[%get3A_12] : memref<80000xf32, #tpu.memory_space<vmem>>[vector<16xi32>], vector<16xf32>,
      %swap3A = arith.constant 0 : index
      %swap3A_13 = tpu.vector_load %arg7[%swap3A] {strides = array<i32>} : memref<400xf32, #tpu.memory_space<vmem>>, vector<16xf32>,
      tpu.vector_store %arg7[%swap3A], %gather3A {strides = array<i32>} : memref<400xf32, #tpu.memory_space<vmem>>, vector<16xf32>,
      %get3A_14 = arith.constant 16 : index
      %get3A_15 = tpu.vector_load %arg6[%get3A_14] {strides = array<i32>} : memref<400xi32, #tpu.memory_space<vmem>>, vector<16xi32>,
      %gather3A_16 = tpu.vector_load_idx %arg5[%get3A_15] : memref<80000xf32, #tpu.memory_space<vmem>>[vector<16xi32>], vector<16xf32>,
      %swap3A_17 = arith.constant 16 : index
      %swap3A_18 = tpu.vector_load %arg7[%swap3A_17] {strides = array<i32>} : memref<400xf32, #tpu.memory_space<vmem>>, vector<16xf32>,
      tpu.vector_store %arg7[%swap3A_17], %gather3A_16 {strides = array<i32>} : memref<400xf32, #tpu.memory_space<vmem>>, vector<16xf32>,
      %get3A_19 = arith.constant 32 : index
      %get3A_20 = tpu.vector_load %arg6[%get3A_19] {strides = array<i32>} : memref<400xi32, #tpu.memory_space<vmem>>, vector<16xi32>,
      %gather3A_21 = tpu.vector_load_idx %arg5[%get3A_20] : memref<80000xf32, #tpu.memory_space<vmem>>[vector<16xi32>], vector<16xf32>,
      %swap3A_22 = arith.constant 32 : index
      %swap3A_23 = tpu.vector_load %arg7[%swap3A_22] {strides = array<i32>} : memref<400xf32, #tpu.memory_space<vmem>>, vector<16xf32>,
      tpu.vector_store %arg7[%swap3A_22], %gather3A_21 {strides = array<i32>} : memref<400xf32, #tpu.memory_space<vmem>>, vector<16xf32>,
      %get3A_24 = arith.constant 48 : index
      %get3A_25 = tpu.vector_load %arg6[%get3A_24] {strides = array<i32>} : memref<400xi32, #tpu.memory_space<vmem>>, vector<16xi32>,
      %gather3A_26 = tpu.vector_load_idx %arg5[%get3A_25] : memref<80000xf32, #tpu.memory_space<vmem>>[vector<16xi32>], vector<16xf32>,
      %swap3A_27 = arith.constant 48 : index
      %swap3A_28 = tpu.vector_load %arg7[%swap3A_27] {strides = array<i32>} : memref<400xf32, #tpu.memory_space<vmem>>, vector<16xf32>,
      tpu.vector_store %arg7[%swap3A_27], %gather3A_26 {strides = array<i32>} : memref<400xf32, #tpu.memory_space<vmem>>, vector<16xf32>,
      %get3A_29 = arith.constant 64 : index
      %get3A_30 = tpu.vector_load %arg6[%get3A_29] {strides = array<i32>} : memref<400xi32, #tpu.memory_space<vmem>>, vector<16xi32>,
      %gather3A_31 = tpu.vector_load_idx %arg5[%get3A_30] : memref<80000xf32, #tpu.memory_space<vmem>>[vector<16xi32>], vector<16xf32>,
      %swap3A_32 = arith.constant 64 : index
      %swap3A_33 = tpu.vector_load %arg7[%swap3A_32] {strides = array<i32>} : memref<400xf32, #tpu.memory_space<vmem>>, vector<16xf32>,
      tpu.vector_store %arg7[%swap3A_32], %gather3A_31 {strides = array<i32>} : memref<400xf32, #tpu.memory_space<vmem>>, vector<16xf32>,
      %get3A_34 = arith.constant 80 : index
      %get3A_35 = tpu.vector_load %arg6[%get3A_34] {strides = array<i32>} : memref<400xi32, #tpu.memory_space<vmem>>, vector<16xi32>,
      %gather3A_36 = tpu.vector_load_idx %arg5[%get3A_35] : memref<80000xf32, #tpu.memory_space<vmem>>[vector<16xi32>], vector<16xf32>,
      %swap3A_37 = arith.constant 80 : index
      %swap3A_38 = tpu.vector_load %arg7[%swap3A_37] {strides = array<i32>} : memref<400xf32, #tpu.memory_space<vmem>>, vector<16xf32>,
      tpu.vector_store %arg7[%swap3A_37], %gather3A_36 {strides = array<i32>} : memref<400xf32, #tpu.memory_space<vmem>>, vector<16xf32>,
      %get3A_39 = arith.constant 96 : index
      %get3A_40 = tpu.vector_load %arg6[%get3A_39] {strides = array<i32>} : memref<400xi32, #tpu.memory_space<vmem>>, vector<16xi32>,
      %gather3A_41 = tpu.vector_load_idx %arg5[%get3A_40] : memref<80000xf32, #tpu.memory_space<vmem>>[vector<16xi32>], vector<16xf32>,
      %swap3A_42 = arith.constant 96 : index
      %swap3A_43 = tpu.vector_load %arg7[%swap3A_42] {strides = array<i32>} : memref<400xf32, #tpu.memory_space<vmem>>, vector<16xf32>,
      tpu.vector_store %arg7[%swap3A_42], %gather3A_41 {strides = array<i32>} : memref<400xf32, #tpu.memory_space<vmem>>, vector<16xf32>,
      %get3A_44 = arith.constant 112 : index
      %get3A_45 = tpu.vector_load %arg6[%get3A_44] {strides = array<i32>} : memref<400xi32, #tpu.memory_space<vmem>>, vector<16xi32>,
      %gather3A_46 = tpu.vector_load_idx %arg5[%get3A_45] : memref<80000xf32, #tpu.memory_space<vmem>>[vector<16xi32>], vector<16xf32>,
      %swap3A_47 = arith.constant 112 : index
      %swap3A_48 = tpu.vector_load %arg7[%swap3A_47] {strides = array<i32>} : memref<400xf32, #tpu.memory_space<vmem>>, vector<16xf32>,
      tpu.vector_store %arg7[%swap3A_47], %gather3A_46 {strides = array<i32>} : memref<400xf32, #tpu.memory_space<vmem>>, vector<16xf32>,
      %get3A_49 = arith.constant 128 : index
      %get3A_50 = tpu.vector_load %arg6[%get3A_49] {strides = array<i32>} : memref<400xi32, #tpu.memory_space<vmem>>, vector<16xi32>,
      %gather3A_51 = tpu.vector_load_idx %arg5[%get3A_50] : memref<80000xf32, #tpu.memory_space<vmem>>[vector<16xi32>], vector<16xf32>,
      %swap3A_52 = arith.constant 128 : index
      %swap3A_53 = tpu.vector_load %arg7[%swap3A_52] {strides = array<i32>} : memref<400xf32, #tpu.memory_space<vmem>>, vector<16xf32>,
      tpu.vector_store %arg7[%swap3A_52], %gather3A_51 {strides = array<i32>} : memref<400xf32, #tpu.memory_space<vmem>>, vector<16xf32>,
      %get3A_54 = arith.constant 144 : index
      %get3A_55 = tpu.vector_load %arg6[%get3A_54] {strides = array<i32>} : memref<400xi32, #tpu.memory_space<vmem>>, vector<16xi32>,
      %gather3A_56 = tpu.vector_load_idx %arg5[%get3A_55] : memref<80000xf32, #tpu.memory_space<vmem>>[vector<16xi32>], vector<16xf32>,
      %swap3A_57 = arith.constant 144 : index
      %swap3A_58 = tpu.vector_load %arg7[%swap3A_57] {strides = array<i32>} : memref<400xf32, #tpu.memory_space<vmem>>, vector<16xf32>,
      tpu.vector_store %arg7[%swap3A_57], %gather3A_56 {strides = array<i32>} : memref<400xf32, #tpu.memory_space<vmem>>, vector<16xf32>,
      %get3A_59 = arith.constant 160 : index
      %get3A_60 = tpu.vector_load %arg6[%get3A_59] {strides = array<i32>} : memref<400xi32, #tpu.memory_space<vmem>>, vector<16xi32>,
      %gather3A_61 = tpu.vector_load_idx %arg5[%get3A_60] : memref<80000xf32, #tpu.memory_space<vmem>>[vector<16xi32>], vector<16xf32>,
      %swap3A_62 = arith.constant 160 : index
      %swap3A_63 = tpu.vector_load %arg7[%swap3A_62] {strides = array<i32>} : memref<400xf32, #tpu.memory_space<vmem>>, vector<16xf32>,
      tpu.vector_store %arg7[%swap3A_62], %gather3A_61 {strides = array<i32>} : memref<400xf32, #tpu.memory_space<vmem>>, vector<16xf32>,
      %get3A_64 = arith.constant 176 : index
      %get3A_65 = tpu.vector_load %arg6[%get3A_64] {strides = array<i32>} : memref<400xi32, #tpu.memory_space<vmem>>, vector<16xi32>,
      %gather3A_66 = tpu.vector_load_idx %arg5[%get3A_65] : memref<80000xf32, #tpu.memory_space<vmem>>[vector<16xi32>], vector<16xf32>,
      %swap3A_67 = arith.constant 176 : index
      %swap3A_68 = tpu.vector_load %arg7[%swap3A_67] {strides = array<i32>} : memref<400xf32, #tpu.memory_space<vmem>>, vector<16xf32>,
      tpu.vector_store %arg7[%swap3A_67], %gather3A_66 {strides = array<i32>} : memref<400xf32, #tpu.memory_space<vmem>>, vector<16xf32>,
      %get3A_69 = arith.constant 192 : index
      %get3A_70 = tpu.vector_load %arg6[%get3A_69] {strides = array<i32>} : memref<400xi32, #tpu.memory_space<vmem>>, vector<16xi32>,
      %gather3A_71 = tpu.vector_load_idx %arg5[%get3A_70] : memref<80000xf32, #tpu.memory_space<vmem>>[vector<16xi32>], vector<16xf32>,
      %swap3A_72 = arith.constant 192 : index
      %swap3A_73 = tpu.vector_load %arg7[%swap3A_72] {strides = array<i32>} : memref<400xf32, #tpu.memory_space<vmem>>, vector<16xf32>,
      tpu.vector_store %arg7[%swap3A_72], %gather3A_71 {strides = array<i32>} : memref<400xf32, #tpu.memory_space<vmem>>, vector<16xf32>,
      %get3A_74 = arith.constant 208 : index
      %get3A_75 = tpu.vector_load %arg6[%get3A_74] {strides = array<i32>} : memref<400xi32, #tpu.memory_space<vmem>>, vector<16xi32>,
      %gather3A_76 = tpu.vector_load_idx %arg5[%get3A_75] : memref<80000xf32, #tpu.memory_space<vmem>>[vector<16xi32>], vector<16xf32>,
      %swap3A_77 = arith.constant 208 : index
      %swap3A_78 = tpu.vector_load %arg7[%swap3A_77] {strides = array<i32>} : memref<400xf32, #tpu.memory_space<vmem>>, vector<16xf32>,
      tpu.vector_store %arg7[%swap3A_77], %gather3A_76 {strides = array<i32>} : memref<400xf32, #tpu.memory_space<vmem>>, vector<16xf32>,
      %get3A_79 = arith.constant 224 : index
      %get3A_80 = tpu.vector_load %arg6[%get3A_79] {strides = array<i32>} : memref<400xi32, #tpu.memory_space<vmem>>, vector<16xi32>,
      %gather3A_81 = tpu.vector_load_idx %arg5[%get3A_80] : memref<80000xf32, #tpu.memory_space<vmem>>[vector<16xi32>], vector<16xf32>,
      %swap3A_82 = arith.constant 224 : index
      %swap3A_83 = tpu.vector_load %arg7[%swap3A_82] {strides = array<i32>} : memref<400xf32, #tpu.memory_space<vmem>>, vector<16xf32>,
      tpu.vector_store %arg7[%swap3A_82], %gather3A_81 {strides = array<i32>} : memref<400xf32, #tpu.memory_space<vmem>>, vector<16xf32>,
      %get3A_84 = arith.constant 240 : index
      %get3A_85 = tpu.vector_load %arg6[%get3A_84] {strides = array<i32>} : memref<400xi32, #tpu.memory_space<vmem>>, vector<16xi32>,
      %gather3A_86 = tpu.vector_load_idx %arg5[%get3A_85] : memref<80000xf32, #tpu.memory_space<vmem>>[vector<16xi32>], vector<16xf32>,
      %swap3A_87 = arith.constant 240 : index
      %swap3A_88 = tpu.vector_load %arg7[%swap3A_87] {strides = array<i32>} : memref<400xf32, #tpu.memory_space<vmem>>, vector<16xf32>,
      tpu.vector_store %arg7[%swap3A_87], %gather3A_86 {strides = array<i32>} : memref<400xf32, #tpu.memory_space<vmem>>, vector<16xf32>,
      %get3A_89 = arith.constant 256 : index
      %get3A_90 = tpu.vector_load %arg6[%get3A_89] {strides = array<i32>} : memref<400xi32, #tpu.memory_space<vmem>>, vector<16xi32>,
      %gather3A_91 = tpu.vector_load_idx %arg5[%get3A_90] : memref<80000xf32, #tpu.memory_space<vmem>>[vector<16xi32>], vector<16xf32>,
      %swap3A_92 = arith.constant 256 : index
      %swap3A_93 = tpu.vector_load %arg7[%swap3A_92] {strides = array<i32>} : memref<400xf32, #tpu.memory_space<vmem>>, vector<16xf32>,
      tpu.vector_store %arg7[%swap3A_92], %gather3A_91 {strides = array<i32>} : memref<400xf32, #tpu.memory_space<vmem>>, vector<16xf32>,
      %get3A_94 = arith.constant 272 : index
      %get3A_95 = tpu.vector_load %arg6[%get3A_94] {strides = array<i32>} : memref<400xi32, #tpu.memory_space<vmem>>, vector<16xi32>,
      %gather3A_96 = tpu.vector_load_idx %arg5[%get3A_95] : memref<80000xf32, #tpu.memory_space<vmem>>[vector<16xi32>], vector<16xf32>,
      %swap3A_97 = arith.constant 272 : index
      %swap3A_98 = tpu.vector_load %arg7[%swap3A_97] {strides = array<i32>} : memref<400xf32, #tpu.memory_space<vmem>>, vector<16xf32>,
      tpu.vector_store %arg7[%swap3A_97], %gather3A_96 {strides = array<i32>} : memref<400xf32, #tpu.memory_space<vmem>>, vector<16xf32>,
      %get3A_99 = arith.constant 288 : index
      %get3A_100 = tpu.vector_load %arg6[%get3A_99] {strides = array<i32>} : memref<400xi32, #tpu.memory_space<vmem>>, vector<16xi32>,
      %gather3A_101 = tpu.vector_load_idx %arg5[%get3A_100] : memref<80000xf32, #tpu.memory_space<vmem>>[vector<16xi32>], vector<16xf32>,
      %swap3A_102 = arith.constant 288 : index
      %swap3A_103 = tpu.vector_load %arg7[%swap3A_102] {strides = array<i32>} : memref<400xf32, #tpu.memory_space<vmem>>, vector<16xf32>,
      tpu.vector_store %arg7[%swap3A_102], %gather3A_101 {strides = array<i32>} : memref<400xf32, #tpu.memory_space<vmem>>, vector<16xf32>,
      %get3A_104 = arith.constant 304 : index
      %get3A_105 = tpu.vector_load %arg6[%get3A_104] {strides = array<i32>} : memref<400xi32, #tpu.memory_space<vmem>>, vector<16xi32>,
      %gather3A_106 = tpu.vector_load_idx %arg5[%get3A_105] : memref<80000xf32, #tpu.memory_space<vmem>>[vector<16xi32>], vector<16xf32>,
      %swap3A_107 = arith.constant 304 : index
      %swap3A_108 = tpu.vector_load %arg7[%swap3A_107] {strides = array<i32>} : memref<400xf32, #tpu.memory_space<vmem>>, vector<16xf32>,
      tpu.vector_store %arg7[%swap3A_107], %gather3A_106 {strides = array<i32>} : memref<400xf32, #tpu.memory_space<vmem>>, vector<16xf32>,
      %get3A_109 = arith.constant 320 : index
      %get3A_110 = tpu.vector_load %arg6[%get3A_109] {strides = array<i32>} : memref<400xi32, #tpu.memory_space<vmem>>, vector<16xi32>,
      %gather3A_111 = tpu.vector_load_idx %arg5[%get3A_110] : memref<80000xf32, #tpu.memory_space<vmem>>[vector<16xi32>], vector<16xf32>,
      %swap3A_112 = arith.constant 320 : index
      %swap3A_113 = tpu.vector_load %arg7[%swap3A_112] {strides = array<i32>} : memref<400xf32, #tpu.memory_space<vmem>>, vector<16xf32>,
      tpu.vector_store %arg7[%swap3A_112], %gather3A_111 {strides = array<i32>} : memref<400xf32, #tpu.memory_space<vmem>>, vector<16xf32>,
      %get3A_114 = arith.constant 336 : index
      %get3A_115 = tpu.vector_load %arg6[%get3A_114] {strides = array<i32>} : memref<400xi32, #tpu.memory_space<vmem>>, vector<16xi32>,
      %gather3A_116 = tpu.vector_load_idx %arg5[%get3A_115] : memref<80000xf32, #tpu.memory_space<vmem>>[vector<16xi32>], vector<16xf32>,
      %swap3A_117 = arith.constant 336 : index
      %swap3A_118 = tpu.vector_load %arg7[%swap3A_117] {strides = array<i32>} : memref<400xf32, #tpu.memory_space<vmem>>, vector<16xf32>,
      tpu.vector_store %arg7[%swap3A_117], %gather3A_116 {strides = array<i32>} : memref<400xf32, #tpu.memory_space<vmem>>, vector<16xf32>,
      %get3A_119 = arith.constant 352 : index
      %get3A_120 = tpu.vector_load %arg6[%get3A_119] {strides = array<i32>} : memref<400xi32, #tpu.memory_space<vmem>>, vector<16xi32>,
      %gather3A_121 = tpu.vector_load_idx %arg5[%get3A_120] : memref<80000xf32, #tpu.memory_space<vmem>>[vector<16xi32>], vector<16xf32>,
      %swap3A_122 = arith.constant 352 : index
      %swap3A_123 = tpu.vector_load %arg7[%swap3A_122] {strides = array<i32>} : memref<400xf32, #tpu.memory_space<vmem>>, vector<16xf32>,
      tpu.vector_store %arg7[%swap3A_122], %gather3A_121 {strides = array<i32>} : memref<400xf32, #tpu.memory_space<vmem>>, vector<16xf32>,
      %get3A_124 = arith.constant 368 : index
      %get3A_125 = tpu.vector_load %arg6[%get3A_124] {strides = array<i32>} : memref<400xi32, #tpu.memory_space<vmem>>, vector<16xi32>,
      %gather3A_126 = tpu.vector_load_idx %arg5[%get3A_125] : memref<80000xf32, #tpu.memory_space<vmem>>[vector<16xi32>], vector<16xf32>,
      %swap3A_127 = arith.constant 368 : index
      %swap3A_128 = tpu.vector_load %arg7[%swap3A_127] {strides = array<i32>} : memref<400xf32, #tpu.memory_space<vmem>>, vector<16xf32>,
      tpu.vector_store %arg7[%swap3A_127], %gather3A_126 {strides = array<i32>} : memref<400xf32, #tpu.memory_space<vmem>>, vector<16xf32>,
      %get3A_129 = arith.constant 384 : index
      %get3A_130 = tpu.vector_load %arg6[%get3A_129] {strides = array<i32>} : memref<400xi32, #tpu.memory_space<vmem>>, vector<16xi32>,
      %gather3A_131 = tpu.vector_load_idx %arg5[%get3A_130] : memref<80000xf32, #tpu.memory_space<vmem>>[vector<16xi32>], vector<16xf32>,
      %swap3A_132 = arith.constant 384 : index
      %swap3A_133 = tpu.vector_load %arg7[%swap3A_132] {strides = array<i32>} : memref<400xf32, #tpu.memory_space<vmem>>, vector<16xf32>,
      tpu.vector_store %arg7[%swap3A_132], %gather3A_131 {strides = array<i32>} : memref<400xf32, #tpu.memory_space<vmem>>, vector<16xf32>,
      "tpu.region"() ({
        %run_scoped3A = tpu.sem_alloc : memref<!tpu.dma_semaphore, #tpu.memory_space<semaphore_mem>>
        %dma_start3A = tpu.memref_slice %arg4[%add3A_11] : memref<320000xf32, #tpu.memory_space<hbm>> -> memref<400xf32, #tpu.memory_space<hbm>>
        %dma_start3A_134 = tpu.memref_slice %arg4[%add3A_11] : memref<320000xf32, #tpu.memory_space<hbm>> -> memref<400xf32, #tpu.memory_space<hbm>>
        tpu.enqueue_dma source(%arg7 : memref<400xf32, #tpu.memory_space<vmem>>) target(%dma_start3A_134 : memref<400xf32, #tpu.memory_space<hbm>>) target_semaphore(%run_scoped3A : memref<!tpu.dma_semaphore, #tpu.memory_space<semaphore_mem>>)
        %dma_wait3A = tpu.memref_slice %arg4[%add3A_11] : memref<320000xf32, #tpu.memory_space<hbm>> -> memref<400xf32, #tpu.memory_space<hbm>>
        %dma_wait3A_135 = tpu.memref_slice %arg4[%add3A_11] : memref<320000xf32, #tpu.memory_space<hbm>> -> memref<400xf32, #tpu.memory_space<hbm>>
        tpu.wait_dma2 semaphore(%run_scoped3A : memref<!tpu.dma_semaphore, #tpu.memory_space<semaphore_mem>>) src(%arg7 : memref<400xf32, #tpu.memory_space<vmem>>) dst(%dma_wait3A_135 : memref<400xf32, #tpu.memory_space<hbm>>)
        tpu.yield
      }) : () -> ()
    }
    %scan3A_5 = arith.constant 25 : i32
    return
  }
}

#map = affine_map<(d0, d1) -> (0)>
#map1 = affine_map<(d0, d1) -> (0, 0)>
#map2 = affine_map<(d0, d1) -> (0, 0, 0)>
module attributes {stable_mosaic.version = 14 : i64} {
  func.func @_agg_body(%arg0: i32, %arg1: i32, %arg2: memref<320000xi32, #tpu.memory_space<hbm>>, %arg3: memref<320000xf32, #tpu.memory_space<hbm>>, %arg4: memref<320000xi32, #tpu.memory_space<hbm>>, %arg5: memref<80000x128xf32, #tpu.memory_space<hbm>>, %arg6: memref<2x10240x128xf32, #tpu.memory_space<hbm>>, %arg7: memref<80xi32, #tpu.memory_space<vmem>>, %arg8: memref<80xi32, #tpu.memory_space<vmem>>, %arg9: memref<80x128xf32, #tpu.memory_space<vmem>>, %arg10: memref<80xf32, #tpu.memory_space<vmem>>, %arg11: memref<32x128xf32, #tpu.memory_space<vmem>>, %arg12: memref<10240x128xf32, #tpu.memory_space<vmem_shared>>, %arg13: memref<!tpu.dma_semaphore, #tpu.memory_space<semaphore_mem>>) attributes {dimension_semantics = [#tpu.dimension_semantics<core_parallel>, #tpu.dimension_semantics<subcore_parallel>], iteration_bounds = array<i64: 2, 16>, scalar_prefetch = 0 : i64, scratch_operands = 7 : i64, tpu.core_type = #tpu.core_type<sc_vector_subcore>, window_params = [{transform_indices = #map}, {transform_indices = #map}, {transform_indices = #map}, {transform_indices = #map1}, {transform_indices = #map2}]} {
    %mul3A = arith.constant 2 : i32
    %mul3A_0 = arith.muli %arg1, %mul3A : i32
    %add3A = arith.addi %mul3A_0, %arg0 : i32
    %broadcast_in_dim3A = arith.constant 0.000000e+00 : f32
    %broadcast_in_dim3A_1 = vector.broadcast %broadcast_in_dim3A : f32 to vector<16xf32>
    %swap3A = arith.constant 0 : i32
    %swap3A_2 = arith.index_cast %swap3A : i32 to index
    %swap3A_3 = arith.constant 0 : index
    %swap3A_4 = tpu.vector_load %arg11[%swap3A_2, %swap3A_3] {strides = array<i32>} : memref<32x128xf32, #tpu.memory_space<vmem>>, vector<16xf32>,
    tpu.vector_store %arg11[%swap3A_2, %swap3A_3], %broadcast_in_dim3A_1 {strides = array<i32>} : memref<32x128xf32, #tpu.memory_space<vmem>>, vector<16xf32>,
    %swap3A_5 = arith.constant 0 : i32
    %swap3A_6 = arith.index_cast %swap3A_5 : i32 to index
    %swap3A_7 = arith.constant 16 : index
    %swap3A_8 = tpu.vector_load %arg11[%swap3A_6, %swap3A_7] {strides = array<i32>} : memref<32x128xf32, #tpu.memory_space<vmem>>, vector<16xf32>,
    tpu.vector_store %arg11[%swap3A_6, %swap3A_7], %broadcast_in_dim3A_1 {strides = array<i32>} : memref<32x128xf32, #tpu.memory_space<vmem>>, vector<16xf32>,
    %swap3A_9 = arith.constant 0 : i32
    %swap3A_10 = arith.index_cast %swap3A_9 : i32 to index
    %swap3A_11 = arith.constant 32 : index
    %swap3A_12 = tpu.vector_load %arg11[%swap3A_10, %swap3A_11] {strides = array<i32>} : memref<32x128xf32, #tpu.memory_space<vmem>>, vector<16xf32>,
    tpu.vector_store %arg11[%swap3A_10, %swap3A_11], %broadcast_in_dim3A_1 {strides = array<i32>} : memref<32x128xf32, #tpu.memory_space<vmem>>, vector<16xf32>,
    %swap3A_13 = arith.constant 0 : i32
    %swap3A_14 = arith.index_cast %swap3A_13 : i32 to index
    %swap3A_15 = arith.constant 48 : index
    %swap3A_16 = tpu.vector_load %arg11[%swap3A_14, %swap3A_15] {strides = array<i32>} : memref<32x128xf32, #tpu.memory_space<vmem>>, vector<16xf32>,
    tpu.vector_store %arg11[%swap3A_14, %swap3A_15], %broadcast_in_dim3A_1 {strides = array<i32>} : memref<32x128xf32, #tpu.memory_space<vmem>>, vector<16xf32>,
    %swap3A_17 = arith.constant 0 : i32
    %swap3A_18 = arith.index_cast %swap3A_17 : i32 to index
    %swap3A_19 = arith.constant 64 : index
    %swap3A_20 = tpu.vector_load %arg11[%swap3A_18, %swap3A_19] {strides = array<i32>} : memref<32x128xf32, #tpu.memory_space<vmem>>, vector<16xf32>,
    tpu.vector_store %arg11[%swap3A_18, %swap3A_19], %broadcast_in_dim3A_1 {strides = array<i32>} : memref<32x128xf32, #tpu.memory_space<vmem>>, vector<16xf32>,
    %swap3A_21 = arith.constant 0 : i32
    %swap3A_22 = arith.index_cast %swap3A_21 : i32 to index
    %swap3A_23 = arith.constant 80 : index
    %swap3A_24 = tpu.vector_load %arg11[%swap3A_22, %swap3A_23] {strides = array<i32>} : memref<32x128xf32, #tpu.memory_space<vmem>>, vector<16xf32>,
    tpu.vector_store %arg11[%swap3A_22, %swap3A_23], %broadcast_in_dim3A_1 {strides = array<i32>} : memref<32x128xf32, #tpu.memory_space<vmem>>, vector<16xf32>,
    %swap3A_25 = arith.constant 0 : i32
    %swap3A_26 = arith.index_cast %swap3A_25 : i32 to index
    %swap3A_27 = arith.constant 96 : index
    %swap3A_28 = tpu.vector_load %arg11[%swap3A_26, %swap3A_27] {strides = array<i32>} : memref<32x128xf32, #tpu.memory_space<vmem>>, vector<16xf32>,
    tpu.vector_store %arg11[%swap3A_26, %swap3A_27], %broadcast_in_dim3A_1 {strides = array<i32>} : memref<32x128xf32, #tpu.memory_space<vmem>>, vector<16xf32>,
    %swap3A_29 = arith.constant 0 : i32
    %swap3A_30 = arith.index_cast %swap3A_29 : i32 to index
    %swap3A_31 = arith.constant 112 : index
    %swap3A_32 = tpu.vector_load %arg11[%swap3A_30, %swap3A_31] {strides = array<i32>} : memref<32x128xf32, #tpu.memory_space<vmem>>, vector<16xf32>,
    tpu.vector_store %arg11[%swap3A_30, %swap3A_31], %broadcast_in_dim3A_1 {strides = array<i32>} : memref<32x128xf32, #tpu.memory_space<vmem>>, vector<16xf32>,
    %swap3A_33 = arith.constant 1 : i32
    %swap3A_34 = arith.index_cast %swap3A_33 : i32 to index
    %swap3A_35 = arith.constant 0 : index
    %swap3A_36 = tpu.vector_load %arg11[%swap3A_34, %swap3A_35] {strides = array<i32>} : memref<32x128xf32, #tpu.memory_space<vmem>>, vector<16xf32>,
    tpu.vector_store %arg11[%swap3A_34, %swap3A_35], %broadcast_in_dim3A_1 {strides = array<i32>} : memref<32x128xf32, #tpu.memory_space<vmem>>, vector<16xf32>,
    %swap3A_37 = arith.constant 1 : i32
    %swap3A_38 = arith.index_cast %swap3A_37 : i32 to index
    %swap3A_39 = arith.constant 16 : index
    %swap3A_40 = tpu.vector_load %arg11[%swap3A_38, %swap3A_39] {strides = array<i32>} : memref<32x128xf32, #tpu.memory_space<vmem>>, vector<16xf32>,
    tpu.vector_store %arg11[%swap3A_38, %swap3A_39], %broadcast_in_dim3A_1 {strides = array<i32>} : memref<32x128xf32, #tpu.memory_space<vmem>>, vector<16xf32>,
    %swap3A_41 = arith.constant 1 : i32
    %swap3A_42 = arith.index_cast %swap3A_41 : i32 to index
    %swap3A_43 = arith.constant 32 : index
    %swap3A_44 = tpu.vector_load %arg11[%swap3A_42, %swap3A_43] {strides = array<i32>} : memref<32x128xf32, #tpu.memory_space<vmem>>, vector<16xf32>,
    tpu.vector_store %arg11[%swap3A_42, %swap3A_43], %broadcast_in_dim3A_1 {strides = array<i32>} : memref<32x128xf32, #tpu.memory_space<vmem>>, vector<16xf32>,
    %swap3A_45 = arith.constant 1 : i32
    %swap3A_46 = arith.index_cast %swap3A_45 : i32 to index
    %swap3A_47 = arith.constant 48 : index
    %swap3A_48 = tpu.vector_load %arg11[%swap3A_46, %swap3A_47] {strides = array<i32>} : memref<32x128xf32, #tpu.memory_space<vmem>>, vector<16xf32>,
    tpu.vector_store %arg11[%swap3A_46, %swap3A_47], %broadcast_in_dim3A_1 {strides = array<i32>} : memref<32x128xf32, #tpu.memory_space<vmem>>, vector<16xf32>,
    %swap3A_49 = arith.constant 1 : i32
    %swap3A_50 = arith.index_cast %swap3A_49 : i32 to index
    %swap3A_51 = arith.constant 64 : index
    %swap3A_52 = tpu.vector_load %arg11[%swap3A_50, %swap3A_51] {strides = array<i32>} : memref<32x128xf32, #tpu.memory_space<vmem>>, vector<16xf32>,
    tpu.vector_store %arg11[%swap3A_50, %swap3A_51], %broadcast_in_dim3A_1 {strides = array<i32>} : memref<32x128xf32, #tpu.memory_space<vmem>>, vector<16xf32>,
    %swap3A_53 = arith.constant 1 : i32
    %swap3A_54 = arith.index_cast %swap3A_53 : i32 to index
    %swap3A_55 = arith.constant 80 : index
    %swap3A_56 = tpu.vector_load %arg11[%swap3A_54, %swap3A_55] {strides = array<i32>} : memref<32x128xf32, #tpu.memory_space<vmem>>, vector<16xf32>,
    tpu.vector_store %arg11[%swap3A_54, %swap3A_55], %broadcast_in_dim3A_1 {strides = array<i32>} : memref<32x128xf32, #tpu.memory_space<vmem>>, vector<16xf32>,
    %swap3A_57 = arith.constant 1 : i32
    %swap3A_58 = arith.index_cast %swap3A_57 : i32 to index
    %swap3A_59 = arith.constant 96 : index
    %swap3A_60 = tpu.vector_load %arg11[%swap3A_58, %swap3A_59] {strides = array<i32>} : memref<32x128xf32, #tpu.memory_space<vmem>>, vector<16xf32>,
    tpu.vector_store %arg11[%swap3A_58, %swap3A_59], %broadcast_in_dim3A_1 {strides = array<i32>} : memref<32x128xf32, #tpu.memory_space<vmem>>, vector<16xf32>,
    %swap3A_61 = arith.constant 1 : i32
    %swap3A_62 = arith.index_cast %swap3A_61 : i32 to index
    %swap3A_63 = arith.constant 112 : index
    %swap3A_64 = tpu.vector_load %arg11[%swap3A_62, %swap3A_63] {strides = array<i32>} : memref<32x128xf32, #tpu.memory_space<vmem>>, vector<16xf32>,
    tpu.vector_store %arg11[%swap3A_62, %swap3A_63], %broadcast_in_dim3A_1 {strides = array<i32>} : memref<32x128xf32, #tpu.memory_space<vmem>>, vector<16xf32>,
    %swap3A_65 = arith.constant 2 : i32
    %swap3A_66 = arith.index_cast %swap3A_65 : i32 to index
    %swap3A_67 = arith.constant 0 : index
    %swap3A_68 = tpu.vector_load %arg11[%swap3A_66, %swap3A_67] {strides = array<i32>} : memref<32x128xf32, #tpu.memory_space<vmem>>, vector<16xf32>,
    tpu.vector_store %arg11[%swap3A_66, %swap3A_67], %broadcast_in_dim3A_1 {strides = array<i32>} : memref<32x128xf32, #tpu.memory_space<vmem>>, vector<16xf32>,
    %swap3A_69 = arith.constant 2 : i32
    %swap3A_70 = arith.index_cast %swap3A_69 : i32 to index
    %swap3A_71 = arith.constant 16 : index
    %swap3A_72 = tpu.vector_load %arg11[%swap3A_70, %swap3A_71] {strides = array<i32>} : memref<32x128xf32, #tpu.memory_space<vmem>>, vector<16xf32>,
    tpu.vector_store %arg11[%swap3A_70, %swap3A_71], %broadcast_in_dim3A_1 {strides = array<i32>} : memref<32x128xf32, #tpu.memory_space<vmem>>, vector<16xf32>,
    %swap3A_73 = arith.constant 2 : i32
    %swap3A_74 = arith.index_cast %swap3A_73 : i32 to index
    %swap3A_75 = arith.constant 32 : index
    %swap3A_76 = tpu.vector_load %arg11[%swap3A_74, %swap3A_75] {strides = array<i32>} : memref<32x128xf32, #tpu.memory_space<vmem>>, vector<16xf32>,
    tpu.vector_store %arg11[%swap3A_74, %swap3A_75], %broadcast_in_dim3A_1 {strides = array<i32>} : memref<32x128xf32, #tpu.memory_space<vmem>>, vector<16xf32>,
    %swap3A_77 = arith.constant 2 : i32
    %swap3A_78 = arith.index_cast %swap3A_77 : i32 to index
    %swap3A_79 = arith.constant 48 : index
    %swap3A_80 = tpu.vector_load %arg11[%swap3A_78, %swap3A_79] {strides = array<i32>} : memref<32x128xf32, #tpu.memory_space<vmem>>, vector<16xf32>,
    tpu.vector_store %arg11[%swap3A_78, %swap3A_79], %broadcast_in_dim3A_1 {strides = array<i32>} : memref<32x128xf32, #tpu.memory_space<vmem>>, vector<16xf32>,
    %swap3A_81 = arith.constant 2 : i32
    %swap3A_82 = arith.index_cast %swap3A_81 : i32 to index
    %swap3A_83 = arith.constant 64 : index
    %swap3A_84 = tpu.vector_load %arg11[%swap3A_82, %swap3A_83] {strides = array<i32>} : memref<32x128xf32, #tpu.memory_space<vmem>>, vector<16xf32>,
    tpu.vector_store %arg11[%swap3A_82, %swap3A_83], %broadcast_in_dim3A_1 {strides = array<i32>} : memref<32x128xf32, #tpu.memory_space<vmem>>, vector<16xf32>,
    %swap3A_85 = arith.constant 2 : i32
    %swap3A_86 = arith.index_cast %swap3A_85 : i32 to index
    %swap3A_87 = arith.constant 80 : index
    %swap3A_88 = tpu.vector_load %arg11[%swap3A_86, %swap3A_87] {strides = array<i32>} : memref<32x128xf32, #tpu.memory_space<vmem>>, vector<16xf32>,
    tpu.vector_store %arg11[%swap3A_86, %swap3A_87], %broadcast_in_dim3A_1 {strides = array<i32>} : memref<32x128xf32, #tpu.memory_space<vmem>>, vector<16xf32>,
    %swap3A_89 = arith.constant 2 : i32
    %swap3A_90 = arith.index_cast %swap3A_89 : i32 to index
    %swap3A_91 = arith.constant 96 : index
    %swap3A_92 = tpu.vector_load %arg11[%swap3A_90, %swap3A_91] {strides = array<i32>} : memref<32x128xf32, #tpu.memory_space<vmem>>, vector<16xf32>,
    tpu.vector_store %arg11[%swap3A_90, %swap3A_91], %broadcast_in_dim3A_1 {strides = array<i32>} : memref<32x128xf32, #tpu.memory_space<vmem>>, vector<16xf32>,
    %swap3A_93 = arith.constant 2 : i32
    %swap3A_94 = arith.index_cast %swap3A_93 : i32 to index
    %swap3A_95 = arith.constant 112 : index
    %swap3A_96 = tpu.vector_load %arg11[%swap3A_94, %swap3A_95] {strides = array<i32>} : memref<32x128xf32, #tpu.memory_space<vmem>>, vector<16xf32>,
    tpu.vector_store %arg11[%swap3A_94, %swap3A_95], %broadcast_in_dim3A_1 {strides = array<i32>} : memref<32x128xf32, #tpu.memory_space<vmem>>, vector<16xf32>,
    %swap3A_97 = arith.constant 3 : i32
    %swap3A_98 = arith.index_cast %swap3A_97 : i32 to index
    %swap3A_99 = arith.constant 0 : index
    %swap3A_100 = tpu.vector_load %arg11[%swap3A_98, %swap3A_99] {strides = array<i32>} : memref<32x128xf32, #tpu.memory_space<vmem>>, vector<16xf32>,
    tpu.vector_store %arg11[%swap3A_98, %swap3A_99], %broadcast_in_dim3A_1 {strides = array<i32>} : memref<32x128xf32, #tpu.memory_space<vmem>>, vector<16xf32>,
    %swap3A_101 = arith.constant 3 : i32
    %swap3A_102 = arith.index_cast %swap3A_101 : i32 to index
    %swap3A_103 = arith.constant 16 : index
    %swap3A_104 = tpu.vector_load %arg11[%swap3A_102, %swap3A_103] {strides = array<i32>} : memref<32x128xf32, #tpu.memory_space<vmem>>, vector<16xf32>,
    tpu.vector_store %arg11[%swap3A_102, %swap3A_103], %broadcast_in_dim3A_1 {strides = array<i32>} : memref<32x128xf32, #tpu.memory_space<vmem>>, vector<16xf32>,
    %swap3A_105 = arith.constant 3 : i32
    %swap3A_106 = arith.index_cast %swap3A_105 : i32 to index
    %swap3A_107 = arith.constant 32 : index
    %swap3A_108 = tpu.vector_load %arg11[%swap3A_106, %swap3A_107] {strides = array<i32>} : memref<32x128xf32, #tpu.memory_space<vmem>>, vector<16xf32>,
    tpu.vector_store %arg11[%swap3A_106, %swap3A_107], %broadcast_in_dim3A_1 {strides = array<i32>} : memref<32x128xf32, #tpu.memory_space<vmem>>, vector<16xf32>,
    %swap3A_109 = arith.constant 3 : i32
    %swap3A_110 = arith.index_cast %swap3A_109 : i32 to index
    %swap3A_111 = arith.constant 48 : index
    %swap3A_112 = tpu.vector_load %arg11[%swap3A_110, %swap3A_111] {strides = array<i32>} : memref<32x128xf32, #tpu.memory_space<vmem>>, vector<16xf32>,
    tpu.vector_store %arg11[%swap3A_110, %swap3A_111], %broadcast_in_dim3A_1 {strides = array<i32>} : memref<32x128xf32, #tpu.memory_space<vmem>>, vector<16xf32>,
    %swap3A_113 = arith.constant 3 : i32
    %swap3A_114 = arith.index_cast %swap3A_113 : i32 to index
    %swap3A_115 = arith.constant 64 : index
    %swap3A_116 = tpu.vector_load %arg11[%swap3A_114, %swap3A_115] {strides = array<i32>} : memref<32x128xf32, #tpu.memory_space<vmem>>, vector<16xf32>,
    tpu.vector_store %arg11[%swap3A_114, %swap3A_115], %broadcast_in_dim3A_1 {strides = array<i32>} : memref<32x128xf32, #tpu.memory_space<vmem>>, vector<16xf32>,
    %swap3A_117 = arith.constant 3 : i32
    %swap3A_118 = arith.index_cast %swap3A_117 : i32 to index
    %swap3A_119 = arith.constant 80 : index
    %swap3A_120 = tpu.vector_load %arg11[%swap3A_118, %swap3A_119] {strides = array<i32>} : memref<32x128xf32, #tpu.memory_space<vmem>>, vector<16xf32>,
    tpu.vector_store %arg11[%swap3A_118, %swap3A_119], %broadcast_in_dim3A_1 {strides = array<i32>} : memref<32x128xf32, #tpu.memory_space<vmem>>, vector<16xf32>,
    %swap3A_121 = arith.constant 3 : i32
    %swap3A_122 = arith.index_cast %swap3A_121 : i32 to index
    %swap3A_123 = arith.constant 96 : index
    %swap3A_124 = tpu.vector_load %arg11[%swap3A_122, %swap3A_123] {strides = array<i32>} : memref<32x128xf32, #tpu.memory_space<vmem>>, vector<16xf32>,
    tpu.vector_store %arg11[%swap3A_122, %swap3A_123], %broadcast_in_dim3A_1 {strides = array<i32>} : memref<32x128xf32, #tpu.memory_space<vmem>>, vector<16xf32>,
    %swap3A_125 = arith.constant 3 : i32
    %swap3A_126 = arith.index_cast %swap3A_125 : i32 to index
    %swap3A_127 = arith.constant 112 : index
    %swap3A_128 = tpu.vector_load %arg11[%swap3A_126, %swap3A_127] {strides = array<i32>} : memref<32x128xf32, #tpu.memory_space<vmem>>, vector<16xf32>,
    tpu.vector_store %arg11[%swap3A_126, %swap3A_127], %broadcast_in_dim3A_1 {strides = array<i32>} : memref<32x128xf32, #tpu.memory_space<vmem>>, vector<16xf32>,
    %swap3A_129 = arith.constant 4 : i32
    %swap3A_130 = arith.index_cast %swap3A_129 : i32 to index
    %swap3A_131 = arith.constant 0 : index
    %swap3A_132 = tpu.vector_load %arg11[%swap3A_130, %swap3A_131] {strides = array<i32>} : memref<32x128xf32, #tpu.memory_space<vmem>>, vector<16xf32>,
    tpu.vector_store %arg11[%swap3A_130, %swap3A_131], %broadcast_in_dim3A_1 {strides = array<i32>} : memref<32x128xf32, #tpu.memory_space<vmem>>, vector<16xf32>,
    %swap3A_133 = arith.constant 4 : i32
    %swap3A_134 = arith.index_cast %swap3A_133 : i32 to index
    %swap3A_135 = arith.constant 16 : index
    %swap3A_136 = tpu.vector_load %arg11[%swap3A_134, %swap3A_135] {strides = array<i32>} : memref<32x128xf32, #tpu.memory_space<vmem>>, vector<16xf32>,
    tpu.vector_store %arg11[%swap3A_134, %swap3A_135], %broadcast_in_dim3A_1 {strides = array<i32>} : memref<32x128xf32, #tpu.memory_space<vmem>>, vector<16xf32>,
    %swap3A_137 = arith.constant 4 : i32
    %swap3A_138 = arith.index_cast %swap3A_137 : i32 to index
    %swap3A_139 = arith.constant 32 : index
    %swap3A_140 = tpu.vector_load %arg11[%swap3A_138, %swap3A_139] {strides = array<i32>} : memref<32x128xf32, #tpu.memory_space<vmem>>, vector<16xf32>,
    tpu.vector_store %arg11[%swap3A_138, %swap3A_139], %broadcast_in_dim3A_1 {strides = array<i32>} : memref<32x128xf32, #tpu.memory_space<vmem>>, vector<16xf32>,
    %swap3A_141 = arith.constant 4 : i32
    %swap3A_142 = arith.index_cast %swap3A_141 : i32 to index
    %swap3A_143 = arith.constant 48 : index
    %swap3A_144 = tpu.vector_load %arg11[%swap3A_142, %swap3A_143] {strides = array<i32>} : memref<32x128xf32, #tpu.memory_space<vmem>>, vector<16xf32>,
    tpu.vector_store %arg11[%swap3A_142, %swap3A_143], %broadcast_in_dim3A_1 {strides = array<i32>} : memref<32x128xf32, #tpu.memory_space<vmem>>, vector<16xf32>,
    %swap3A_145 = arith.constant 4 : i32
    %swap3A_146 = arith.index_cast %swap3A_145 : i32 to index
    %swap3A_147 = arith.constant 64 : index
    %swap3A_148 = tpu.vector_load %arg11[%swap3A_146, %swap3A_147] {strides = array<i32>} : memref<32x128xf32, #tpu.memory_space<vmem>>, vector<16xf32>,
    tpu.vector_store %arg11[%swap3A_146, %swap3A_147], %broadcast_in_dim3A_1 {strides = array<i32>} : memref<32x128xf32, #tpu.memory_space<vmem>>, vector<16xf32>,
    %swap3A_149 = arith.constant 4 : i32
    %swap3A_150 = arith.index_cast %swap3A_149 : i32 to index
    %swap3A_151 = arith.constant 80 : index
    %swap3A_152 = tpu.vector_load %arg11[%swap3A_150, %swap3A_151] {strides = array<i32>} : memref<32x128xf32, #tpu.memory_space<vmem>>, vector<16xf32>,
    tpu.vector_store %arg11[%swap3A_150, %swap3A_151], %broadcast_in_dim3A_1 {strides = array<i32>} : memref<32x128xf32, #tpu.memory_space<vmem>>, vector<16xf32>,
    %swap3A_153 = arith.constant 4 : i32
    %swap3A_154 = arith.index_cast %swap3A_153 : i32 to index
    %swap3A_155 = arith.constant 96 : index
    %swap3A_156 = tpu.vector_load %arg11[%swap3A_154, %swap3A_155] {strides = array<i32>} : memref<32x128xf32, #tpu.memory_space<vmem>>, vector<16xf32>,
    tpu.vector_store %arg11[%swap3A_154, %swap3A_155], %broadcast_in_dim3A_1 {strides = array<i32>} : memref<32x128xf32, #tpu.memory_space<vmem>>, vector<16xf32>,
    %swap3A_157 = arith.constant 4 : i32
    %swap3A_158 = arith.index_cast %swap3A_157 : i32 to index
    %swap3A_159 = arith.constant 112 : index
    %swap3A_160 = tpu.vector_load %arg11[%swap3A_158, %swap3A_159] {strides = array<i32>} : memref<32x128xf32, #tpu.memory_space<vmem>>, vector<16xf32>,
    tpu.vector_store %arg11[%swap3A_158, %swap3A_159], %broadcast_in_dim3A_1 {strides = array<i32>} : memref<32x128xf32, #tpu.memory_space<vmem>>, vector<16xf32>,
    %swap3A_161 = arith.constant 5 : i32
    %swap3A_162 = arith.index_cast %swap3A_161 : i32 to index
    %swap3A_163 = arith.constant 0 : index
    %swap3A_164 = tpu.vector_load %arg11[%swap3A_162, %swap3A_163] {strides = array<i32>} : memref<32x128xf32, #tpu.memory_space<vmem>>, vector<16xf32>,
    tpu.vector_store %arg11[%swap3A_162, %swap3A_163], %broadcast_in_dim3A_1 {strides = array<i32>} : memref<32x128xf32, #tpu.memory_space<vmem>>, vector<16xf32>,
    %swap3A_165 = arith.constant 5 : i32
    %swap3A_166 = arith.index_cast %swap3A_165 : i32 to index
    %swap3A_167 = arith.constant 16 : index
    %swap3A_168 = tpu.vector_load %arg11[%swap3A_166, %swap3A_167] {strides = array<i32>} : memref<32x128xf32, #tpu.memory_space<vmem>>, vector<16xf32>,
    tpu.vector_store %arg11[%swap3A_166, %swap3A_167], %broadcast_in_dim3A_1 {strides = array<i32>} : memref<32x128xf32, #tpu.memory_space<vmem>>, vector<16xf32>,
    %swap3A_169 = arith.constant 5 : i32
    %swap3A_170 = arith.index_cast %swap3A_169 : i32 to index
    %swap3A_171 = arith.constant 32 : index
    %swap3A_172 = tpu.vector_load %arg11[%swap3A_170, %swap3A_171] {strides = array<i32>} : memref<32x128xf32, #tpu.memory_space<vmem>>, vector<16xf32>,
    tpu.vector_store %arg11[%swap3A_170, %swap3A_171], %broadcast_in_dim3A_1 {strides = array<i32>} : memref<32x128xf32, #tpu.memory_space<vmem>>, vector<16xf32>,
    %swap3A_173 = arith.constant 5 : i32
    %swap3A_174 = arith.index_cast %swap3A_173 : i32 to index
    %swap3A_175 = arith.constant 48 : index
    %swap3A_176 = tpu.vector_load %arg11[%swap3A_174, %swap3A_175] {strides = array<i32>} : memref<32x128xf32, #tpu.memory_space<vmem>>, vector<16xf32>,
    tpu.vector_store %arg11[%swap3A_174, %swap3A_175], %broadcast_in_dim3A_1 {strides = array<i32>} : memref<32x128xf32, #tpu.memory_space<vmem>>, vector<16xf32>,
    %swap3A_177 = arith.constant 5 : i32
    %swap3A_178 = arith.index_cast %swap3A_177 : i32 to index
    %swap3A_179 = arith.constant 64 : index
    %swap3A_180 = tpu.vector_load %arg11[%swap3A_178, %swap3A_179] {strides = array<i32>} : memref<32x128xf32, #tpu.memory_space<vmem>>, vector<16xf32>,
    tpu.vector_store %arg11[%swap3A_178, %swap3A_179], %broadcast_in_dim3A_1 {strides = array<i32>} : memref<32x128xf32, #tpu.memory_space<vmem>>, vector<16xf32>,
    %swap3A_181 = arith.constant 5 : i32
    %swap3A_182 = arith.index_cast %swap3A_181 : i32 to index
    %swap3A_183 = arith.constant 80 : index
    %swap3A_184 = tpu.vector_load %arg11[%swap3A_182, %swap3A_183] {strides = array<i32>} : memref<32x128xf32, #tpu.memory_space<vmem>>, vector<16xf32>,
    tpu.vector_store %arg11[%swap3A_182, %swap3A_183], %broadcast_in_dim3A_1 {strides = array<i32>} : memref<32x128xf32, #tpu.memory_space<vmem>>, vector<16xf32>,
    %swap3A_185 = arith.constant 5 : i32
    %swap3A_186 = arith.index_cast %swap3A_185 : i32 to index
    %swap3A_187 = arith.constant 96 : index
    %swap3A_188 = tpu.vector_load %arg11[%swap3A_186, %swap3A_187] {strides = array<i32>} : memref<32x128xf32, #tpu.memory_space<vmem>>, vector<16xf32>,
    tpu.vector_store %arg11[%swap3A_186, %swap3A_187], %broadcast_in_dim3A_1 {strides = array<i32>} : memref<32x128xf32, #tpu.memory_space<vmem>>, vector<16xf32>,
    %swap3A_189 = arith.constant 5 : i32
    %swap3A_190 = arith.index_cast %swap3A_189 : i32 to index
    %swap3A_191 = arith.constant 112 : index
    %swap3A_192 = tpu.vector_load %arg11[%swap3A_190, %swap3A_191] {strides = array<i32>} : memref<32x128xf32, #tpu.memory_space<vmem>>, vector<16xf32>,
    tpu.vector_store %arg11[%swap3A_190, %swap3A_191], %broadcast_in_dim3A_1 {strides = array<i32>} : memref<32x128xf32, #tpu.memory_space<vmem>>, vector<16xf32>,
    %swap3A_193 = arith.constant 6 : i32
    %swap3A_194 = arith.index_cast %swap3A_193 : i32 to index
    %swap3A_195 = arith.constant 0 : index
    %swap3A_196 = tpu.vector_load %arg11[%swap3A_194, %swap3A_195] {strides = array<i32>} : memref<32x128xf32, #tpu.memory_space<vmem>>, vector<16xf32>,
    tpu.vector_store %arg11[%swap3A_194, %swap3A_195], %broadcast_in_dim3A_1 {strides = array<i32>} : memref<32x128xf32, #tpu.memory_space<vmem>>, vector<16xf32>,
    %swap3A_197 = arith.constant 6 : i32
    %swap3A_198 = arith.index_cast %swap3A_197 : i32 to index
    %swap3A_199 = arith.constant 16 : index
    %swap3A_200 = tpu.vector_load %arg11[%swap3A_198, %swap3A_199] {strides = array<i32>} : memref<32x128xf32, #tpu.memory_space<vmem>>, vector<16xf32>,
    tpu.vector_store %arg11[%swap3A_198, %swap3A_199], %broadcast_in_dim3A_1 {strides = array<i32>} : memref<32x128xf32, #tpu.memory_space<vmem>>, vector<16xf32>,
    %swap3A_201 = arith.constant 6 : i32
    %swap3A_202 = arith.index_cast %swap3A_201 : i32 to index
    %swap3A_203 = arith.constant 32 : index
    %swap3A_204 = tpu.vector_load %arg11[%swap3A_202, %swap3A_203] {strides = array<i32>} : memref<32x128xf32, #tpu.memory_space<vmem>>, vector<16xf32>,
    tpu.vector_store %arg11[%swap3A_202, %swap3A_203], %broadcast_in_dim3A_1 {strides = array<i32>} : memref<32x128xf32, #tpu.memory_space<vmem>>, vector<16xf32>,
    %swap3A_205 = arith.constant 6 : i32
    %swap3A_206 = arith.index_cast %swap3A_205 : i32 to index
    %swap3A_207 = arith.constant 48 : index
    %swap3A_208 = tpu.vector_load %arg11[%swap3A_206, %swap3A_207] {strides = array<i32>} : memref<32x128xf32, #tpu.memory_space<vmem>>, vector<16xf32>,
    tpu.vector_store %arg11[%swap3A_206, %swap3A_207], %broadcast_in_dim3A_1 {strides = array<i32>} : memref<32x128xf32, #tpu.memory_space<vmem>>, vector<16xf32>,
    %swap3A_209 = arith.constant 6 : i32
    %swap3A_210 = arith.index_cast %swap3A_209 : i32 to index
    %swap3A_211 = arith.constant 64 : index
    %swap3A_212 = tpu.vector_load %arg11[%swap3A_210, %swap3A_211] {strides = array<i32>} : memref<32x128xf32, #tpu.memory_space<vmem>>, vector<16xf32>,
    tpu.vector_store %arg11[%swap3A_210, %swap3A_211], %broadcast_in_dim3A_1 {strides = array<i32>} : memref<32x128xf32, #tpu.memory_space<vmem>>, vector<16xf32>,
    %swap3A_213 = arith.constant 6 : i32
    %swap3A_214 = arith.index_cast %swap3A_213 : i32 to index
    %swap3A_215 = arith.constant 80 : index
    %swap3A_216 = tpu.vector_load %arg11[%swap3A_214, %swap3A_215] {strides = array<i32>} : memref<32x128xf32, #tpu.memory_space<vmem>>, vector<16xf32>,
    tpu.vector_store %arg11[%swap3A_214, %swap3A_215], %broadcast_in_dim3A_1 {strides = array<i32>} : memref<32x128xf32, #tpu.memory_space<vmem>>, vector<16xf32>,
    %swap3A_217 = arith.constant 6 : i32
    %swap3A_218 = arith.index_cast %swap3A_217 : i32 to index
    %swap3A_219 = arith.constant 96 : index
    %swap3A_220 = tpu.vector_load %arg11[%swap3A_218, %swap3A_219] {strides = array<i32>} : memref<32x128xf32, #tpu.memory_space<vmem>>, vector<16xf32>,
    tpu.vector_store %arg11[%swap3A_218, %swap3A_219], %broadcast_in_dim3A_1 {strides = array<i32>} : memref<32x128xf32, #tpu.memory_space<vmem>>, vector<16xf32>,
    %swap3A_221 = arith.constant 6 : i32
    %swap3A_222 = arith.index_cast %swap3A_221 : i32 to index
    %swap3A_223 = arith.constant 112 : index
    %swap3A_224 = tpu.vector_load %arg11[%swap3A_222, %swap3A_223] {strides = array<i32>} : memref<32x128xf32, #tpu.memory_space<vmem>>, vector<16xf32>,
    tpu.vector_store %arg11[%swap3A_222, %swap3A_223], %broadcast_in_dim3A_1 {strides = array<i32>} : memref<32x128xf32, #tpu.memory_space<vmem>>, vector<16xf32>,
    %swap3A_225 = arith.constant 7 : i32
    %swap3A_226 = arith.index_cast %swap3A_225 : i32 to index
    %swap3A_227 = arith.constant 0 : index
    %swap3A_228 = tpu.vector_load %arg11[%swap3A_226, %swap3A_227] {strides = array<i32>} : memref<32x128xf32, #tpu.memory_space<vmem>>, vector<16xf32>,
    tpu.vector_store %arg11[%swap3A_226, %swap3A_227], %broadcast_in_dim3A_1 {strides = array<i32>} : memref<32x128xf32, #tpu.memory_space<vmem>>, vector<16xf32>,
    %swap3A_229 = arith.constant 7 : i32
    %swap3A_230 = arith.index_cast %swap3A_229 : i32 to index
    %swap3A_231 = arith.constant 16 : index
    %swap3A_232 = tpu.vector_load %arg11[%swap3A_230, %swap3A_231] {strides = array<i32>} : memref<32x128xf32, #tpu.memory_space<vmem>>, vector<16xf32>,
    tpu.vector_store %arg11[%swap3A_230, %swap3A_231], %broadcast_in_dim3A_1 {strides = array<i32>} : memref<32x128xf32, #tpu.memory_space<vmem>>, vector<16xf32>,
    %swap3A_233 = arith.constant 7 : i32
    %swap3A_234 = arith.index_cast %swap3A_233 : i32 to index
    %swap3A_235 = arith.constant 32 : index
    %swap3A_236 = tpu.vector_load %arg11[%swap3A_234, %swap3A_235] {strides = array<i32>} : memref<32x128xf32, #tpu.memory_space<vmem>>, vector<16xf32>,
    tpu.vector_store %arg11[%swap3A_234, %swap3A_235], %broadcast_in_dim3A_1 {strides = array<i32>} : memref<32x128xf32, #tpu.memory_space<vmem>>, vector<16xf32>,
    %swap3A_237 = arith.constant 7 : i32
    %swap3A_238 = arith.index_cast %swap3A_237 : i32 to index
    %swap3A_239 = arith.constant 48 : index
    %swap3A_240 = tpu.vector_load %arg11[%swap3A_238, %swap3A_239] {strides = array<i32>} : memref<32x128xf32, #tpu.memory_space<vmem>>, vector<16xf32>,
    tpu.vector_store %arg11[%swap3A_238, %swap3A_239], %broadcast_in_dim3A_1 {strides = array<i32>} : memref<32x128xf32, #tpu.memory_space<vmem>>, vector<16xf32>,
    %swap3A_241 = arith.constant 7 : i32
    %swap3A_242 = arith.index_cast %swap3A_241 : i32 to index
    %swap3A_243 = arith.constant 64 : index
    %swap3A_244 = tpu.vector_load %arg11[%swap3A_242, %swap3A_243] {strides = array<i32>} : memref<32x128xf32, #tpu.memory_space<vmem>>, vector<16xf32>,
    tpu.vector_store %arg11[%swap3A_242, %swap3A_243], %broadcast_in_dim3A_1 {strides = array<i32>} : memref<32x128xf32, #tpu.memory_space<vmem>>, vector<16xf32>,
    %swap3A_245 = arith.constant 7 : i32
    %swap3A_246 = arith.index_cast %swap3A_245 : i32 to index
    %swap3A_247 = arith.constant 80 : index
    %swap3A_248 = tpu.vector_load %arg11[%swap3A_246, %swap3A_247] {strides = array<i32>} : memref<32x128xf32, #tpu.memory_space<vmem>>, vector<16xf32>,
    tpu.vector_store %arg11[%swap3A_246, %swap3A_247], %broadcast_in_dim3A_1 {strides = array<i32>} : memref<32x128xf32, #tpu.memory_space<vmem>>, vector<16xf32>,
    %swap3A_249 = arith.constant 7 : i32
    %swap3A_250 = arith.index_cast %swap3A_249 : i32 to index
    %swap3A_251 = arith.constant 96 : index
    %swap3A_252 = tpu.vector_load %arg11[%swap3A_250, %swap3A_251] {strides = array<i32>} : memref<32x128xf32, #tpu.memory_space<vmem>>, vector<16xf32>,
    tpu.vector_store %arg11[%swap3A_250, %swap3A_251], %broadcast_in_dim3A_1 {strides = array<i32>} : memref<32x128xf32, #tpu.memory_space<vmem>>, vector<16xf32>,
    %swap3A_253 = arith.constant 7 : i32
    %swap3A_254 = arith.index_cast %swap3A_253 : i32 to index
    %swap3A_255 = arith.constant 112 : index
    %swap3A_256 = tpu.vector_load %arg11[%swap3A_254, %swap3A_255] {strides = array<i32>} : memref<32x128xf32, #tpu.memory_space<vmem>>, vector<16xf32>,
    tpu.vector_store %arg11[%swap3A_254, %swap3A_255], %broadcast_in_dim3A_1 {strides = array<i32>} : memref<32x128xf32, #tpu.memory_space<vmem>>, vector<16xf32>,
    %swap3A_257 = arith.constant 8 : i32
    %swap3A_258 = arith.index_cast %swap3A_257 : i32 to index
    %swap3A_259 = arith.constant 0 : index
    %swap3A_260 = tpu.vector_load %arg11[%swap3A_258, %swap3A_259] {strides = array<i32>} : memref<32x128xf32, #tpu.memory_space<vmem>>, vector<16xf32>,
    tpu.vector_store %arg11[%swap3A_258, %swap3A_259], %broadcast_in_dim3A_1 {strides = array<i32>} : memref<32x128xf32, #tpu.memory_space<vmem>>, vector<16xf32>,
    %swap3A_261 = arith.constant 8 : i32
    %swap3A_262 = arith.index_cast %swap3A_261 : i32 to index
    %swap3A_263 = arith.constant 16 : index
    %swap3A_264 = tpu.vector_load %arg11[%swap3A_262, %swap3A_263] {strides = array<i32>} : memref<32x128xf32, #tpu.memory_space<vmem>>, vector<16xf32>,
    tpu.vector_store %arg11[%swap3A_262, %swap3A_263], %broadcast_in_dim3A_1 {strides = array<i32>} : memref<32x128xf32, #tpu.memory_space<vmem>>, vector<16xf32>,
    %swap3A_265 = arith.constant 8 : i32
    %swap3A_266 = arith.index_cast %swap3A_265 : i32 to index
    %swap3A_267 = arith.constant 32 : index
    %swap3A_268 = tpu.vector_load %arg11[%swap3A_266, %swap3A_267] {strides = array<i32>} : memref<32x128xf32, #tpu.memory_space<vmem>>, vector<16xf32>,
    tpu.vector_store %arg11[%swap3A_266, %swap3A_267], %broadcast_in_dim3A_1 {strides = array<i32>} : memref<32x128xf32, #tpu.memory_space<vmem>>, vector<16xf32>,
    %swap3A_269 = arith.constant 8 : i32
    %swap3A_270 = arith.index_cast %swap3A_269 : i32 to index
    %swap3A_271 = arith.constant 48 : index
    %swap3A_272 = tpu.vector_load %arg11[%swap3A_270, %swap3A_271] {strides = array<i32>} : memref<32x128xf32, #tpu.memory_space<vmem>>, vector<16xf32>,
    tpu.vector_store %arg11[%swap3A_270, %swap3A_271], %broadcast_in_dim3A_1 {strides = array<i32>} : memref<32x128xf32, #tpu.memory_space<vmem>>, vector<16xf32>,
    %swap3A_273 = arith.constant 8 : i32
    %swap3A_274 = arith.index_cast %swap3A_273 : i32 to index
    %swap3A_275 = arith.constant 64 : index
    %swap3A_276 = tpu.vector_load %arg11[%swap3A_274, %swap3A_275] {strides = array<i32>} : memref<32x128xf32, #tpu.memory_space<vmem>>, vector<16xf32>,
    tpu.vector_store %arg11[%swap3A_274, %swap3A_275], %broadcast_in_dim3A_1 {strides = array<i32>} : memref<32x128xf32, #tpu.memory_space<vmem>>, vector<16xf32>,
    %swap3A_277 = arith.constant 8 : i32
    %swap3A_278 = arith.index_cast %swap3A_277 : i32 to index
    %swap3A_279 = arith.constant 80 : index
    %swap3A_280 = tpu.vector_load %arg11[%swap3A_278, %swap3A_279] {strides = array<i32>} : memref<32x128xf32, #tpu.memory_space<vmem>>, vector<16xf32>,
    tpu.vector_store %arg11[%swap3A_278, %swap3A_279], %broadcast_in_dim3A_1 {strides = array<i32>} : memref<32x128xf32, #tpu.memory_space<vmem>>, vector<16xf32>,
    %swap3A_281 = arith.constant 8 : i32
    %swap3A_282 = arith.index_cast %swap3A_281 : i32 to index
    %swap3A_283 = arith.constant 96 : index
    %swap3A_284 = tpu.vector_load %arg11[%swap3A_282, %swap3A_283] {strides = array<i32>} : memref<32x128xf32, #tpu.memory_space<vmem>>, vector<16xf32>,
    tpu.vector_store %arg11[%swap3A_282, %swap3A_283], %broadcast_in_dim3A_1 {strides = array<i32>} : memref<32x128xf32, #tpu.memory_space<vmem>>, vector<16xf32>,
    %swap3A_285 = arith.constant 8 : i32
    %swap3A_286 = arith.index_cast %swap3A_285 : i32 to index
    %swap3A_287 = arith.constant 112 : index
    %swap3A_288 = tpu.vector_load %arg11[%swap3A_286, %swap3A_287] {strides = array<i32>} : memref<32x128xf32, #tpu.memory_space<vmem>>, vector<16xf32>,
    tpu.vector_store %arg11[%swap3A_286, %swap3A_287], %broadcast_in_dim3A_1 {strides = array<i32>} : memref<32x128xf32, #tpu.memory_space<vmem>>, vector<16xf32>,
    %swap3A_289 = arith.constant 9 : i32
    %swap3A_290 = arith.index_cast %swap3A_289 : i32 to index
    %swap3A_291 = arith.constant 0 : index
    %swap3A_292 = tpu.vector_load %arg11[%swap3A_290, %swap3A_291] {strides = array<i32>} : memref<32x128xf32, #tpu.memory_space<vmem>>, vector<16xf32>,
    tpu.vector_store %arg11[%swap3A_290, %swap3A_291], %broadcast_in_dim3A_1 {strides = array<i32>} : memref<32x128xf32, #tpu.memory_space<vmem>>, vector<16xf32>,
    %swap3A_293 = arith.constant 9 : i32
    %swap3A_294 = arith.index_cast %swap3A_293 : i32 to index
    %swap3A_295 = arith.constant 16 : index
    %swap3A_296 = tpu.vector_load %arg11[%swap3A_294, %swap3A_295] {strides = array<i32>} : memref<32x128xf32, #tpu.memory_space<vmem>>, vector<16xf32>,
    tpu.vector_store %arg11[%swap3A_294, %swap3A_295], %broadcast_in_dim3A_1 {strides = array<i32>} : memref<32x128xf32, #tpu.memory_space<vmem>>, vector<16xf32>,
    %swap3A_297 = arith.constant 9 : i32
    %swap3A_298 = arith.index_cast %swap3A_297 : i32 to index
    %swap3A_299 = arith.constant 32 : index
    %swap3A_300 = tpu.vector_load %arg11[%swap3A_298, %swap3A_299] {strides = array<i32>} : memref<32x128xf32, #tpu.memory_space<vmem>>, vector<16xf32>,
    tpu.vector_store %arg11[%swap3A_298, %swap3A_299], %broadcast_in_dim3A_1 {strides = array<i32>} : memref<32x128xf32, #tpu.memory_space<vmem>>, vector<16xf32>,
    %swap3A_301 = arith.constant 9 : i32
    %swap3A_302 = arith.index_cast %swap3A_301 : i32 to index
    %swap3A_303 = arith.constant 48 : index
    %swap3A_304 = tpu.vector_load %arg11[%swap3A_302, %swap3A_303] {strides = array<i32>} : memref<32x128xf32, #tpu.memory_space<vmem>>, vector<16xf32>,
    tpu.vector_store %arg11[%swap3A_302, %swap3A_303], %broadcast_in_dim3A_1 {strides = array<i32>} : memref<32x128xf32, #tpu.memory_space<vmem>>, vector<16xf32>,
    %swap3A_305 = arith.constant 9 : i32
    %swap3A_306 = arith.index_cast %swap3A_305 : i32 to index
    %swap3A_307 = arith.constant 64 : index
    %swap3A_308 = tpu.vector_load %arg11[%swap3A_306, %swap3A_307] {strides = array<i32>} : memref<32x128xf32, #tpu.memory_space<vmem>>, vector<16xf32>,
    tpu.vector_store %arg11[%swap3A_306, %swap3A_307], %broadcast_in_dim3A_1 {strides = array<i32>} : memref<32x128xf32, #tpu.memory_space<vmem>>, vector<16xf32>,
    %swap3A_309 = arith.constant 9 : i32
    %swap3A_310 = arith.index_cast %swap3A_309 : i32 to index
    %swap3A_311 = arith.constant 80 : index
    %swap3A_312 = tpu.vector_load %arg11[%swap3A_310, %swap3A_311] {strides = array<i32>} : memref<32x128xf32, #tpu.memory_space<vmem>>, vector<16xf32>,
    tpu.vector_store %arg11[%swap3A_310, %swap3A_311], %broadcast_in_dim3A_1 {strides = array<i32>} : memref<32x128xf32, #tpu.memory_space<vmem>>, vector<16xf32>,
    %swap3A_313 = arith.constant 9 : i32
    %swap3A_314 = arith.index_cast %swap3A_313 : i32 to index
    %swap3A_315 = arith.constant 96 : index
    %swap3A_316 = tpu.vector_load %arg11[%swap3A_314, %swap3A_315] {strides = array<i32>} : memref<32x128xf32, #tpu.memory_space<vmem>>, vector<16xf32>,
    tpu.vector_store %arg11[%swap3A_314, %swap3A_315], %broadcast_in_dim3A_1 {strides = array<i32>} : memref<32x128xf32, #tpu.memory_space<vmem>>, vector<16xf32>,
    %swap3A_317 = arith.constant 9 : i32
    %swap3A_318 = arith.index_cast %swap3A_317 : i32 to index
    %swap3A_319 = arith.constant 112 : index
    %swap3A_320 = tpu.vector_load %arg11[%swap3A_318, %swap3A_319] {strides = array<i32>} : memref<32x128xf32, #tpu.memory_space<vmem>>, vector<16xf32>,
    tpu.vector_store %arg11[%swap3A_318, %swap3A_319], %broadcast_in_dim3A_1 {strides = array<i32>} : memref<32x128xf32, #tpu.memory_space<vmem>>, vector<16xf32>,
    %swap3A_321 = arith.constant 10 : i32
    %swap3A_322 = arith.index_cast %swap3A_321 : i32 to index
    %swap3A_323 = arith.constant 0 : index
    %swap3A_324 = tpu.vector_load %arg11[%swap3A_322, %swap3A_323] {strides = array<i32>} : memref<32x128xf32, #tpu.memory_space<vmem>>, vector<16xf32>,
    tpu.vector_store %arg11[%swap3A_322, %swap3A_323], %broadcast_in_dim3A_1 {strides = array<i32>} : memref<32x128xf32, #tpu.memory_space<vmem>>, vector<16xf32>,
    %swap3A_325 = arith.constant 10 : i32
    %swap3A_326 = arith.index_cast %swap3A_325 : i32 to index
    %swap3A_327 = arith.constant 16 : index
    %swap3A_328 = tpu.vector_load %arg11[%swap3A_326, %swap3A_327] {strides = array<i32>} : memref<32x128xf32, #tpu.memory_space<vmem>>, vector<16xf32>,
    tpu.vector_store %arg11[%swap3A_326, %swap3A_327], %broadcast_in_dim3A_1 {strides = array<i32>} : memref<32x128xf32, #tpu.memory_space<vmem>>, vector<16xf32>,
    %swap3A_329 = arith.constant 10 : i32
    %swap3A_330 = arith.index_cast %swap3A_329 : i32 to index
    %swap3A_331 = arith.constant 32 : index
    %swap3A_332 = tpu.vector_load %arg11[%swap3A_330, %swap3A_331] {strides = array<i32>} : memref<32x128xf32, #tpu.memory_space<vmem>>, vector<16xf32>,
    tpu.vector_store %arg11[%swap3A_330, %swap3A_331], %broadcast_in_dim3A_1 {strides = array<i32>} : memref<32x128xf32, #tpu.memory_space<vmem>>, vector<16xf32>,
    %swap3A_333 = arith.constant 10 : i32
    %swap3A_334 = arith.index_cast %swap3A_333 : i32 to index
    %swap3A_335 = arith.constant 48 : index
    %swap3A_336 = tpu.vector_load %arg11[%swap3A_334, %swap3A_335] {strides = array<i32>} : memref<32x128xf32, #tpu.memory_space<vmem>>, vector<16xf32>,
    tpu.vector_store %arg11[%swap3A_334, %swap3A_335], %broadcast_in_dim3A_1 {strides = array<i32>} : memref<32x128xf32, #tpu.memory_space<vmem>>, vector<16xf32>,
    %swap3A_337 = arith.constant 10 : i32
    %swap3A_338 = arith.index_cast %swap3A_337 : i32 to index
    %swap3A_339 = arith.constant 64 : index
    %swap3A_340 = tpu.vector_load %arg11[%swap3A_338, %swap3A_339] {strides = array<i32>} : memref<32x128xf32, #tpu.memory_space<vmem>>, vector<16xf32>,
    tpu.vector_store %arg11[%swap3A_338, %swap3A_339], %broadcast_in_dim3A_1 {strides = array<i32>} : memref<32x128xf32, #tpu.memory_space<vmem>>, vector<16xf32>,
    %swap3A_341 = arith.constant 10 : i32
    %swap3A_342 = arith.index_cast %swap3A_341 : i32 to index
    %swap3A_343 = arith.constant 80 : index
    %swap3A_344 = tpu.vector_load %arg11[%swap3A_342, %swap3A_343] {strides = array<i32>} : memref<32x128xf32, #tpu.memory_space<vmem>>, vector<16xf32>,
    tpu.vector_store %arg11[%swap3A_342, %swap3A_343], %broadcast_in_dim3A_1 {strides = array<i32>} : memref<32x128xf32, #tpu.memory_space<vmem>>, vector<16xf32>,
    %swap3A_345 = arith.constant 10 : i32
    %swap3A_346 = arith.index_cast %swap3A_345 : i32 to index
    %swap3A_347 = arith.constant 96 : index
    %swap3A_348 = tpu.vector_load %arg11[%swap3A_346, %swap3A_347] {strides = array<i32>} : memref<32x128xf32, #tpu.memory_space<vmem>>, vector<16xf32>,
    tpu.vector_store %arg11[%swap3A_346, %swap3A_347], %broadcast_in_dim3A_1 {strides = array<i32>} : memref<32x128xf32, #tpu.memory_space<vmem>>, vector<16xf32>,
    %swap3A_349 = arith.constant 10 : i32
    %swap3A_350 = arith.index_cast %swap3A_349 : i32 to index
    %swap3A_351 = arith.constant 112 : index
    %swap3A_352 = tpu.vector_load %arg11[%swap3A_350, %swap3A_351] {strides = array<i32>} : memref<32x128xf32, #tpu.memory_space<vmem>>, vector<16xf32>,
    tpu.vector_store %arg11[%swap3A_350, %swap3A_351], %broadcast_in_dim3A_1 {strides = array<i32>} : memref<32x128xf32, #tpu.memory_space<vmem>>, vector<16xf32>,
    %swap3A_353 = arith.constant 11 : i32
    %swap3A_354 = arith.index_cast %swap3A_353 : i32 to index
    %swap3A_355 = arith.constant 0 : index
    %swap3A_356 = tpu.vector_load %arg11[%swap3A_354, %swap3A_355] {strides = array<i32>} : memref<32x128xf32, #tpu.memory_space<vmem>>, vector<16xf32>,
    tpu.vector_store %arg11[%swap3A_354, %swap3A_355], %broadcast_in_dim3A_1 {strides = array<i32>} : memref<32x128xf32, #tpu.memory_space<vmem>>, vector<16xf32>,
    %swap3A_357 = arith.constant 11 : i32
    %swap3A_358 = arith.index_cast %swap3A_357 : i32 to index
    %swap3A_359 = arith.constant 16 : index
    %swap3A_360 = tpu.vector_load %arg11[%swap3A_358, %swap3A_359] {strides = array<i32>} : memref<32x128xf32, #tpu.memory_space<vmem>>, vector<16xf32>,
    tpu.vector_store %arg11[%swap3A_358, %swap3A_359], %broadcast_in_dim3A_1 {strides = array<i32>} : memref<32x128xf32, #tpu.memory_space<vmem>>, vector<16xf32>,
    %swap3A_361 = arith.constant 11 : i32
    %swap3A_362 = arith.index_cast %swap3A_361 : i32 to index
    %swap3A_363 = arith.constant 32 : index
    %swap3A_364 = tpu.vector_load %arg11[%swap3A_362, %swap3A_363] {strides = array<i32>} : memref<32x128xf32, #tpu.memory_space<vmem>>, vector<16xf32>,
    tpu.vector_store %arg11[%swap3A_362, %swap3A_363], %broadcast_in_dim3A_1 {strides = array<i32>} : memref<32x128xf32, #tpu.memory_space<vmem>>, vector<16xf32>,
    %swap3A_365 = arith.constant 11 : i32
    %swap3A_366 = arith.index_cast %swap3A_365 : i32 to index
    %swap3A_367 = arith.constant 48 : index
    %swap3A_368 = tpu.vector_load %arg11[%swap3A_366, %swap3A_367] {strides = array<i32>} : memref<32x128xf32, #tpu.memory_space<vmem>>, vector<16xf32>,
    tpu.vector_store %arg11[%swap3A_366, %swap3A_367], %broadcast_in_dim3A_1 {strides = array<i32>} : memref<32x128xf32, #tpu.memory_space<vmem>>, vector<16xf32>,
    %swap3A_369 = arith.constant 11 : i32
    %swap3A_370 = arith.index_cast %swap3A_369 : i32 to index
    %swap3A_371 = arith.constant 64 : index
    %swap3A_372 = tpu.vector_load %arg11[%swap3A_370, %swap3A_371] {strides = array<i32>} : memref<32x128xf32, #tpu.memory_space<vmem>>, vector<16xf32>,
    tpu.vector_store %arg11[%swap3A_370, %swap3A_371], %broadcast_in_dim3A_1 {strides = array<i32>} : memref<32x128xf32, #tpu.memory_space<vmem>>, vector<16xf32>,
    %swap3A_373 = arith.constant 11 : i32
    %swap3A_374 = arith.index_cast %swap3A_373 : i32 to index
    %swap3A_375 = arith.constant 80 : index
    %swap3A_376 = tpu.vector_load %arg11[%swap3A_374, %swap3A_375] {strides = array<i32>} : memref<32x128xf32, #tpu.memory_space<vmem>>, vector<16xf32>,
    tpu.vector_store %arg11[%swap3A_374, %swap3A_375], %broadcast_in_dim3A_1 {strides = array<i32>} : memref<32x128xf32, #tpu.memory_space<vmem>>, vector<16xf32>,
    %swap3A_377 = arith.constant 11 : i32
    %swap3A_378 = arith.index_cast %swap3A_377 : i32 to index
    %swap3A_379 = arith.constant 96 : index
    %swap3A_380 = tpu.vector_load %arg11[%swap3A_378, %swap3A_379] {strides = array<i32>} : memref<32x128xf32, #tpu.memory_space<vmem>>, vector<16xf32>,
    tpu.vector_store %arg11[%swap3A_378, %swap3A_379], %broadcast_in_dim3A_1 {strides = array<i32>} : memref<32x128xf32, #tpu.memory_space<vmem>>, vector<16xf32>,
    %swap3A_381 = arith.constant 11 : i32
    %swap3A_382 = arith.index_cast %swap3A_381 : i32 to index
    %swap3A_383 = arith.constant 112 : index
    %swap3A_384 = tpu.vector_load %arg11[%swap3A_382, %swap3A_383] {strides = array<i32>} : memref<32x128xf32, #tpu.memory_space<vmem>>, vector<16xf32>,
    tpu.vector_store %arg11[%swap3A_382, %swap3A_383], %broadcast_in_dim3A_1 {strides = array<i32>} : memref<32x128xf32, #tpu.memory_space<vmem>>, vector<16xf32>,
    %swap3A_385 = arith.constant 12 : i32
    %swap3A_386 = arith.index_cast %swap3A_385 : i32 to index
    %swap3A_387 = arith.constant 0 : index
    %swap3A_388 = tpu.vector_load %arg11[%swap3A_386, %swap3A_387] {strides = array<i32>} : memref<32x128xf32, #tpu.memory_space<vmem>>, vector<16xf32>,
    tpu.vector_store %arg11[%swap3A_386, %swap3A_387], %broadcast_in_dim3A_1 {strides = array<i32>} : memref<32x128xf32, #tpu.memory_space<vmem>>, vector<16xf32>,
    %swap3A_389 = arith.constant 12 : i32
    %swap3A_390 = arith.index_cast %swap3A_389 : i32 to index
    %swap3A_391 = arith.constant 16 : index
    %swap3A_392 = tpu.vector_load %arg11[%swap3A_390, %swap3A_391] {strides = array<i32>} : memref<32x128xf32, #tpu.memory_space<vmem>>, vector<16xf32>,
    tpu.vector_store %arg11[%swap3A_390, %swap3A_391], %broadcast_in_dim3A_1 {strides = array<i32>} : memref<32x128xf32, #tpu.memory_space<vmem>>, vector<16xf32>,
    %swap3A_393 = arith.constant 12 : i32
    %swap3A_394 = arith.index_cast %swap3A_393 : i32 to index
    %swap3A_395 = arith.constant 32 : index
    %swap3A_396 = tpu.vector_load %arg11[%swap3A_394, %swap3A_395] {strides = array<i32>} : memref<32x128xf32, #tpu.memory_space<vmem>>, vector<16xf32>,
    tpu.vector_store %arg11[%swap3A_394, %swap3A_395], %broadcast_in_dim3A_1 {strides = array<i32>} : memref<32x128xf32, #tpu.memory_space<vmem>>, vector<16xf32>,
    %swap3A_397 = arith.constant 12 : i32
    %swap3A_398 = arith.index_cast %swap3A_397 : i32 to index
    %swap3A_399 = arith.constant 48 : index
    %swap3A_400 = tpu.vector_load %arg11[%swap3A_398, %swap3A_399] {strides = array<i32>} : memref<32x128xf32, #tpu.memory_space<vmem>>, vector<16xf32>,
    tpu.vector_store %arg11[%swap3A_398, %swap3A_399], %broadcast_in_dim3A_1 {strides = array<i32>} : memref<32x128xf32, #tpu.memory_space<vmem>>, vector<16xf32>,
    %swap3A_401 = arith.constant 12 : i32
    %swap3A_402 = arith.index_cast %swap3A_401 : i32 to index
    %swap3A_403 = arith.constant 64 : index
    %swap3A_404 = tpu.vector_load %arg11[%swap3A_402, %swap3A_403] {strides = array<i32>} : memref<32x128xf32, #tpu.memory_space<vmem>>, vector<16xf32>,
    tpu.vector_store %arg11[%swap3A_402, %swap3A_403], %broadcast_in_dim3A_1 {strides = array<i32>} : memref<32x128xf32, #tpu.memory_space<vmem>>, vector<16xf32>,
    %swap3A_405 = arith.constant 12 : i32
    %swap3A_406 = arith.index_cast %swap3A_405 : i32 to index
    %swap3A_407 = arith.constant 80 : index
    %swap3A_408 = tpu.vector_load %arg11[%swap3A_406, %swap3A_407] {strides = array<i32>} : memref<32x128xf32, #tpu.memory_space<vmem>>, vector<16xf32>,
    tpu.vector_store %arg11[%swap3A_406, %swap3A_407], %broadcast_in_dim3A_1 {strides = array<i32>} : memref<32x128xf32, #tpu.memory_space<vmem>>, vector<16xf32>,
    %swap3A_409 = arith.constant 12 : i32
    %swap3A_410 = arith.index_cast %swap3A_409 : i32 to index
    %swap3A_411 = arith.constant 96 : index
    %swap3A_412 = tpu.vector_load %arg11[%swap3A_410, %swap3A_411] {strides = array<i32>} : memref<32x128xf32, #tpu.memory_space<vmem>>, vector<16xf32>,
    tpu.vector_store %arg11[%swap3A_410, %swap3A_411], %broadcast_in_dim3A_1 {strides = array<i32>} : memref<32x128xf32, #tpu.memory_space<vmem>>, vector<16xf32>,
    %swap3A_413 = arith.constant 12 : i32
    %swap3A_414 = arith.index_cast %swap3A_413 : i32 to index
    %swap3A_415 = arith.constant 112 : index
    %swap3A_416 = tpu.vector_load %arg11[%swap3A_414, %swap3A_415] {strides = array<i32>} : memref<32x128xf32, #tpu.memory_space<vmem>>, vector<16xf32>,
    tpu.vector_store %arg11[%swap3A_414, %swap3A_415], %broadcast_in_dim3A_1 {strides = array<i32>} : memref<32x128xf32, #tpu.memory_space<vmem>>, vector<16xf32>,
    %swap3A_417 = arith.constant 13 : i32
    %swap3A_418 = arith.index_cast %swap3A_417 : i32 to index
    %swap3A_419 = arith.constant 0 : index
    %swap3A_420 = tpu.vector_load %arg11[%swap3A_418, %swap3A_419] {strides = array<i32>} : memref<32x128xf32, #tpu.memory_space<vmem>>, vector<16xf32>,
    tpu.vector_store %arg11[%swap3A_418, %swap3A_419], %broadcast_in_dim3A_1 {strides = array<i32>} : memref<32x128xf32, #tpu.memory_space<vmem>>, vector<16xf32>,
    %swap3A_421 = arith.constant 13 : i32
    %swap3A_422 = arith.index_cast %swap3A_421 : i32 to index
    %swap3A_423 = arith.constant 16 : index
    %swap3A_424 = tpu.vector_load %arg11[%swap3A_422, %swap3A_423] {strides = array<i32>} : memref<32x128xf32, #tpu.memory_space<vmem>>, vector<16xf32>,
    tpu.vector_store %arg11[%swap3A_422, %swap3A_423], %broadcast_in_dim3A_1 {strides = array<i32>} : memref<32x128xf32, #tpu.memory_space<vmem>>, vector<16xf32>,
    %swap3A_425 = arith.constant 13 : i32
    %swap3A_426 = arith.index_cast %swap3A_425 : i32 to index
    %swap3A_427 = arith.constant 32 : index
    %swap3A_428 = tpu.vector_load %arg11[%swap3A_426, %swap3A_427] {strides = array<i32>} : memref<32x128xf32, #tpu.memory_space<vmem>>, vector<16xf32>,
    tpu.vector_store %arg11[%swap3A_426, %swap3A_427], %broadcast_in_dim3A_1 {strides = array<i32>} : memref<32x128xf32, #tpu.memory_space<vmem>>, vector<16xf32>,
    %swap3A_429 = arith.constant 13 : i32
    %swap3A_430 = arith.index_cast %swap3A_429 : i32 to index
    %swap3A_431 = arith.constant 48 : index
    %swap3A_432 = tpu.vector_load %arg11[%swap3A_430, %swap3A_431] {strides = array<i32>} : memref<32x128xf32, #tpu.memory_space<vmem>>, vector<16xf32>,
    tpu.vector_store %arg11[%swap3A_430, %swap3A_431], %broadcast_in_dim3A_1 {strides = array<i32>} : memref<32x128xf32, #tpu.memory_space<vmem>>, vector<16xf32>,
    %swap3A_433 = arith.constant 13 : i32
    %swap3A_434 = arith.index_cast %swap3A_433 : i32 to index
    %swap3A_435 = arith.constant 64 : index
    %swap3A_436 = tpu.vector_load %arg11[%swap3A_434, %swap3A_435] {strides = array<i32>} : memref<32x128xf32, #tpu.memory_space<vmem>>, vector<16xf32>,
    tpu.vector_store %arg11[%swap3A_434, %swap3A_435], %broadcast_in_dim3A_1 {strides = array<i32>} : memref<32x128xf32, #tpu.memory_space<vmem>>, vector<16xf32>,
    %swap3A_437 = arith.constant 13 : i32
    %swap3A_438 = arith.index_cast %swap3A_437 : i32 to index
    %swap3A_439 = arith.constant 80 : index
    %swap3A_440 = tpu.vector_load %arg11[%swap3A_438, %swap3A_439] {strides = array<i32>} : memref<32x128xf32, #tpu.memory_space<vmem>>, vector<16xf32>,
    tpu.vector_store %arg11[%swap3A_438, %swap3A_439], %broadcast_in_dim3A_1 {strides = array<i32>} : memref<32x128xf32, #tpu.memory_space<vmem>>, vector<16xf32>,
    %swap3A_441 = arith.constant 13 : i32
    %swap3A_442 = arith.index_cast %swap3A_441 : i32 to index
    %swap3A_443 = arith.constant 96 : index
    %swap3A_444 = tpu.vector_load %arg11[%swap3A_442, %swap3A_443] {strides = array<i32>} : memref<32x128xf32, #tpu.memory_space<vmem>>, vector<16xf32>,
    tpu.vector_store %arg11[%swap3A_442, %swap3A_443], %broadcast_in_dim3A_1 {strides = array<i32>} : memref<32x128xf32, #tpu.memory_space<vmem>>, vector<16xf32>,
    %swap3A_445 = arith.constant 13 : i32
    %swap3A_446 = arith.index_cast %swap3A_445 : i32 to index
    %swap3A_447 = arith.constant 112 : index
    %swap3A_448 = tpu.vector_load %arg11[%swap3A_446, %swap3A_447] {strides = array<i32>} : memref<32x128xf32, #tpu.memory_space<vmem>>, vector<16xf32>,
    tpu.vector_store %arg11[%swap3A_446, %swap3A_447], %broadcast_in_dim3A_1 {strides = array<i32>} : memref<32x128xf32, #tpu.memory_space<vmem>>, vector<16xf32>,
    %swap3A_449 = arith.constant 14 : i32
    %swap3A_450 = arith.index_cast %swap3A_449 : i32 to index
    %swap3A_451 = arith.constant 0 : index
    %swap3A_452 = tpu.vector_load %arg11[%swap3A_450, %swap3A_451] {strides = array<i32>} : memref<32x128xf32, #tpu.memory_space<vmem>>, vector<16xf32>,
    tpu.vector_store %arg11[%swap3A_450, %swap3A_451], %broadcast_in_dim3A_1 {strides = array<i32>} : memref<32x128xf32, #tpu.memory_space<vmem>>, vector<16xf32>,
    %swap3A_453 = arith.constant 14 : i32
    %swap3A_454 = arith.index_cast %swap3A_453 : i32 to index
    %swap3A_455 = arith.constant 16 : index
    %swap3A_456 = tpu.vector_load %arg11[%swap3A_454, %swap3A_455] {strides = array<i32>} : memref<32x128xf32, #tpu.memory_space<vmem>>, vector<16xf32>,
    tpu.vector_store %arg11[%swap3A_454, %swap3A_455], %broadcast_in_dim3A_1 {strides = array<i32>} : memref<32x128xf32, #tpu.memory_space<vmem>>, vector<16xf32>,
    %swap3A_457 = arith.constant 14 : i32
    %swap3A_458 = arith.index_cast %swap3A_457 : i32 to index
    %swap3A_459 = arith.constant 32 : index
    %swap3A_460 = tpu.vector_load %arg11[%swap3A_458, %swap3A_459] {strides = array<i32>} : memref<32x128xf32, #tpu.memory_space<vmem>>, vector<16xf32>,
    tpu.vector_store %arg11[%swap3A_458, %swap3A_459], %broadcast_in_dim3A_1 {strides = array<i32>} : memref<32x128xf32, #tpu.memory_space<vmem>>, vector<16xf32>,
    %swap3A_461 = arith.constant 14 : i32
    %swap3A_462 = arith.index_cast %swap3A_461 : i32 to index
    %swap3A_463 = arith.constant 48 : index
    %swap3A_464 = tpu.vector_load %arg11[%swap3A_462, %swap3A_463] {strides = array<i32>} : memref<32x128xf32, #tpu.memory_space<vmem>>, vector<16xf32>,
    tpu.vector_store %arg11[%swap3A_462, %swap3A_463], %broadcast_in_dim3A_1 {strides = array<i32>} : memref<32x128xf32, #tpu.memory_space<vmem>>, vector<16xf32>,
    %swap3A_465 = arith.constant 14 : i32
    %swap3A_466 = arith.index_cast %swap3A_465 : i32 to index
    %swap3A_467 = arith.constant 64 : index
    %swap3A_468 = tpu.vector_load %arg11[%swap3A_466, %swap3A_467] {strides = array<i32>} : memref<32x128xf32, #tpu.memory_space<vmem>>, vector<16xf32>,
    tpu.vector_store %arg11[%swap3A_466, %swap3A_467], %broadcast_in_dim3A_1 {strides = array<i32>} : memref<32x128xf32, #tpu.memory_space<vmem>>, vector<16xf32>,
    %swap3A_469 = arith.constant 14 : i32
    %swap3A_470 = arith.index_cast %swap3A_469 : i32 to index
    %swap3A_471 = arith.constant 80 : index
    %swap3A_472 = tpu.vector_load %arg11[%swap3A_470, %swap3A_471] {strides = array<i32>} : memref<32x128xf32, #tpu.memory_space<vmem>>, vector<16xf32>,
    tpu.vector_store %arg11[%swap3A_470, %swap3A_471], %broadcast_in_dim3A_1 {strides = array<i32>} : memref<32x128xf32, #tpu.memory_space<vmem>>, vector<16xf32>,
    %swap3A_473 = arith.constant 14 : i32
    %swap3A_474 = arith.index_cast %swap3A_473 : i32 to index
    %swap3A_475 = arith.constant 96 : index
    %swap3A_476 = tpu.vector_load %arg11[%swap3A_474, %swap3A_475] {strides = array<i32>} : memref<32x128xf32, #tpu.memory_space<vmem>>, vector<16xf32>,
    tpu.vector_store %arg11[%swap3A_474, %swap3A_475], %broadcast_in_dim3A_1 {strides = array<i32>} : memref<32x128xf32, #tpu.memory_space<vmem>>, vector<16xf32>,
    %swap3A_477 = arith.constant 14 : i32
    %swap3A_478 = arith.index_cast %swap3A_477 : i32 to index
    %swap3A_479 = arith.constant 112 : index
    %swap3A_480 = tpu.vector_load %arg11[%swap3A_478, %swap3A_479] {strides = array<i32>} : memref<32x128xf32, #tpu.memory_space<vmem>>, vector<16xf32>,
    tpu.vector_store %arg11[%swap3A_478, %swap3A_479], %broadcast_in_dim3A_1 {strides = array<i32>} : memref<32x128xf32, #tpu.memory_space<vmem>>, vector<16xf32>,
    %swap3A_481 = arith.constant 15 : i32
    %swap3A_482 = arith.index_cast %swap3A_481 : i32 to index
    %swap3A_483 = arith.constant 0 : index
    %swap3A_484 = tpu.vector_load %arg11[%swap3A_482, %swap3A_483] {strides = array<i32>} : memref<32x128xf32, #tpu.memory_space<vmem>>, vector<16xf32>,
    tpu.vector_store %arg11[%swap3A_482, %swap3A_483], %broadcast_in_dim3A_1 {strides = array<i32>} : memref<32x128xf32, #tpu.memory_space<vmem>>, vector<16xf32>,
    %swap3A_485 = arith.constant 15 : i32
    %swap3A_486 = arith.index_cast %swap3A_485 : i32 to index
    %swap3A_487 = arith.constant 16 : index
    %swap3A_488 = tpu.vector_load %arg11[%swap3A_486, %swap3A_487] {strides = array<i32>} : memref<32x128xf32, #tpu.memory_space<vmem>>, vector<16xf32>,
    tpu.vector_store %arg11[%swap3A_486, %swap3A_487], %broadcast_in_dim3A_1 {strides = array<i32>} : memref<32x128xf32, #tpu.memory_space<vmem>>, vector<16xf32>,
    %swap3A_489 = arith.constant 15 : i32
    %swap3A_490 = arith.index_cast %swap3A_489 : i32 to index
    %swap3A_491 = arith.constant 32 : index
    %swap3A_492 = tpu.vector_load %arg11[%swap3A_490, %swap3A_491] {strides = array<i32>} : memref<32x128xf32, #tpu.memory_space<vmem>>, vector<16xf32>,
    tpu.vector_store %arg11[%swap3A_490, %swap3A_491], %broadcast_in_dim3A_1 {strides = array<i32>} : memref<32x128xf32, #tpu.memory_space<vmem>>, vector<16xf32>,
    %swap3A_493 = arith.constant 15 : i32
    %swap3A_494 = arith.index_cast %swap3A_493 : i32 to index
    %swap3A_495 = arith.constant 48 : index
    %swap3A_496 = tpu.vector_load %arg11[%swap3A_494, %swap3A_495] {strides = array<i32>} : memref<32x128xf32, #tpu.memory_space<vmem>>, vector<16xf32>,
    tpu.vector_store %arg11[%swap3A_494, %swap3A_495], %broadcast_in_dim3A_1 {strides = array<i32>} : memref<32x128xf32, #tpu.memory_space<vmem>>, vector<16xf32>,
    %swap3A_497 = arith.constant 15 : i32
    %swap3A_498 = arith.index_cast %swap3A_497 : i32 to index
    %swap3A_499 = arith.constant 64 : index
    %swap3A_500 = tpu.vector_load %arg11[%swap3A_498, %swap3A_499] {strides = array<i32>} : memref<32x128xf32, #tpu.memory_space<vmem>>, vector<16xf32>,
    tpu.vector_store %arg11[%swap3A_498, %swap3A_499], %broadcast_in_dim3A_1 {strides = array<i32>} : memref<32x128xf32, #tpu.memory_space<vmem>>, vector<16xf32>,
    %swap3A_501 = arith.constant 15 : i32
    %swap3A_502 = arith.index_cast %swap3A_501 : i32 to index
    %swap3A_503 = arith.constant 80 : index
    %swap3A_504 = tpu.vector_load %arg11[%swap3A_502, %swap3A_503] {strides = array<i32>} : memref<32x128xf32, #tpu.memory_space<vmem>>, vector<16xf32>,
    tpu.vector_store %arg11[%swap3A_502, %swap3A_503], %broadcast_in_dim3A_1 {strides = array<i32>} : memref<32x128xf32, #tpu.memory_space<vmem>>, vector<16xf32>,
    %swap3A_505 = arith.constant 15 : i32
    %swap3A_506 = arith.index_cast %swap3A_505 : i32 to index
    %swap3A_507 = arith.constant 96 : index
    %swap3A_508 = tpu.vector_load %arg11[%swap3A_506, %swap3A_507] {strides = array<i32>} : memref<32x128xf32, #tpu.memory_space<vmem>>, vector<16xf32>,
    tpu.vector_store %arg11[%swap3A_506, %swap3A_507], %broadcast_in_dim3A_1 {strides = array<i32>} : memref<32x128xf32, #tpu.memory_space<vmem>>, vector<16xf32>,
    %swap3A_509 = arith.constant 15 : i32
    %swap3A_510 = arith.index_cast %swap3A_509 : i32 to index
    %swap3A_511 = arith.constant 112 : index
    %swap3A_512 = tpu.vector_load %arg11[%swap3A_510, %swap3A_511] {strides = array<i32>} : memref<32x128xf32, #tpu.memory_space<vmem>>, vector<16xf32>,
    tpu.vector_store %arg11[%swap3A_510, %swap3A_511], %broadcast_in_dim3A_1 {strides = array<i32>} : memref<32x128xf32, #tpu.memory_space<vmem>>, vector<16xf32>,
    %swap3A_513 = arith.constant 16 : i32
    %swap3A_514 = arith.index_cast %swap3A_513 : i32 to index
    %swap3A_515 = arith.constant 0 : index
    %swap3A_516 = tpu.vector_load %arg11[%swap3A_514, %swap3A_515] {strides = array<i32>} : memref<32x128xf32, #tpu.memory_space<vmem>>, vector<16xf32>,
    tpu.vector_store %arg11[%swap3A_514, %swap3A_515], %broadcast_in_dim3A_1 {strides = array<i32>} : memref<32x128xf32, #tpu.memory_space<vmem>>, vector<16xf32>,
    %swap3A_517 = arith.constant 16 : i32
    %swap3A_518 = arith.index_cast %swap3A_517 : i32 to index
    %swap3A_519 = arith.constant 16 : index
    %swap3A_520 = tpu.vector_load %arg11[%swap3A_518, %swap3A_519] {strides = array<i32>} : memref<32x128xf32, #tpu.memory_space<vmem>>, vector<16xf32>,
    tpu.vector_store %arg11[%swap3A_518, %swap3A_519], %broadcast_in_dim3A_1 {strides = array<i32>} : memref<32x128xf32, #tpu.memory_space<vmem>>, vector<16xf32>,
    %swap3A_521 = arith.constant 16 : i32
    %swap3A_522 = arith.index_cast %swap3A_521 : i32 to index
    %swap3A_523 = arith.constant 32 : index
    %swap3A_524 = tpu.vector_load %arg11[%swap3A_522, %swap3A_523] {strides = array<i32>} : memref<32x128xf32, #tpu.memory_space<vmem>>, vector<16xf32>,
    tpu.vector_store %arg11[%swap3A_522, %swap3A_523], %broadcast_in_dim3A_1 {strides = array<i32>} : memref<32x128xf32, #tpu.memory_space<vmem>>, vector<16xf32>,
    %swap3A_525 = arith.constant 16 : i32
    %swap3A_526 = arith.index_cast %swap3A_525 : i32 to index
    %swap3A_527 = arith.constant 48 : index
    %swap3A_528 = tpu.vector_load %arg11[%swap3A_526, %swap3A_527] {strides = array<i32>} : memref<32x128xf32, #tpu.memory_space<vmem>>, vector<16xf32>,
    tpu.vector_store %arg11[%swap3A_526, %swap3A_527], %broadcast_in_dim3A_1 {strides = array<i32>} : memref<32x128xf32, #tpu.memory_space<vmem>>, vector<16xf32>,
    %swap3A_529 = arith.constant 16 : i32
    %swap3A_530 = arith.index_cast %swap3A_529 : i32 to index
    %swap3A_531 = arith.constant 64 : index
    %swap3A_532 = tpu.vector_load %arg11[%swap3A_530, %swap3A_531] {strides = array<i32>} : memref<32x128xf32, #tpu.memory_space<vmem>>, vector<16xf32>,
    tpu.vector_store %arg11[%swap3A_530, %swap3A_531], %broadcast_in_dim3A_1 {strides = array<i32>} : memref<32x128xf32, #tpu.memory_space<vmem>>, vector<16xf32>,
    %swap3A_533 = arith.constant 16 : i32
    %swap3A_534 = arith.index_cast %swap3A_533 : i32 to index
    %swap3A_535 = arith.constant 80 : index
    %swap3A_536 = tpu.vector_load %arg11[%swap3A_534, %swap3A_535] {strides = array<i32>} : memref<32x128xf32, #tpu.memory_space<vmem>>, vector<16xf32>,
    tpu.vector_store %arg11[%swap3A_534, %swap3A_535], %broadcast_in_dim3A_1 {strides = array<i32>} : memref<32x128xf32, #tpu.memory_space<vmem>>, vector<16xf32>,
    %swap3A_537 = arith.constant 16 : i32
    %swap3A_538 = arith.index_cast %swap3A_537 : i32 to index
    %swap3A_539 = arith.constant 96 : index
    %swap3A_540 = tpu.vector_load %arg11[%swap3A_538, %swap3A_539] {strides = array<i32>} : memref<32x128xf32, #tpu.memory_space<vmem>>, vector<16xf32>,
    tpu.vector_store %arg11[%swap3A_538, %swap3A_539], %broadcast_in_dim3A_1 {strides = array<i32>} : memref<32x128xf32, #tpu.memory_space<vmem>>, vector<16xf32>,
    %swap3A_541 = arith.constant 16 : i32
    %swap3A_542 = arith.index_cast %swap3A_541 : i32 to index
    %swap3A_543 = arith.constant 112 : index
    %swap3A_544 = tpu.vector_load %arg11[%swap3A_542, %swap3A_543] {strides = array<i32>} : memref<32x128xf32, #tpu.memory_space<vmem>>, vector<16xf32>,
    tpu.vector_store %arg11[%swap3A_542, %swap3A_543], %broadcast_in_dim3A_1 {strides = array<i32>} : memref<32x128xf32, #tpu.memory_space<vmem>>, vector<16xf32>,
    %swap3A_545 = arith.constant 17 : i32
    %swap3A_546 = arith.index_cast %swap3A_545 : i32 to index
    %swap3A_547 = arith.constant 0 : index
    %swap3A_548 = tpu.vector_load %arg11[%swap3A_546, %swap3A_547] {strides = array<i32>} : memref<32x128xf32, #tpu.memory_space<vmem>>, vector<16xf32>,
    tpu.vector_store %arg11[%swap3A_546, %swap3A_547], %broadcast_in_dim3A_1 {strides = array<i32>} : memref<32x128xf32, #tpu.memory_space<vmem>>, vector<16xf32>,
    %swap3A_549 = arith.constant 17 : i32
    %swap3A_550 = arith.index_cast %swap3A_549 : i32 to index
    %swap3A_551 = arith.constant 16 : index
    %swap3A_552 = tpu.vector_load %arg11[%swap3A_550, %swap3A_551] {strides = array<i32>} : memref<32x128xf32, #tpu.memory_space<vmem>>, vector<16xf32>,
    tpu.vector_store %arg11[%swap3A_550, %swap3A_551], %broadcast_in_dim3A_1 {strides = array<i32>} : memref<32x128xf32, #tpu.memory_space<vmem>>, vector<16xf32>,
    %swap3A_553 = arith.constant 17 : i32
    %swap3A_554 = arith.index_cast %swap3A_553 : i32 to index
    %swap3A_555 = arith.constant 32 : index
    %swap3A_556 = tpu.vector_load %arg11[%swap3A_554, %swap3A_555] {strides = array<i32>} : memref<32x128xf32, #tpu.memory_space<vmem>>, vector<16xf32>,
    tpu.vector_store %arg11[%swap3A_554, %swap3A_555], %broadcast_in_dim3A_1 {strides = array<i32>} : memref<32x128xf32, #tpu.memory_space<vmem>>, vector<16xf32>,
    %swap3A_557 = arith.constant 17 : i32
    %swap3A_558 = arith.index_cast %swap3A_557 : i32 to index
    %swap3A_559 = arith.constant 48 : index
    %swap3A_560 = tpu.vector_load %arg11[%swap3A_558, %swap3A_559] {strides = array<i32>} : memref<32x128xf32, #tpu.memory_space<vmem>>, vector<16xf32>,
    tpu.vector_store %arg11[%swap3A_558, %swap3A_559], %broadcast_in_dim3A_1 {strides = array<i32>} : memref<32x128xf32, #tpu.memory_space<vmem>>, vector<16xf32>,
    %swap3A_561 = arith.constant 17 : i32
    %swap3A_562 = arith.index_cast %swap3A_561 : i32 to index
    %swap3A_563 = arith.constant 64 : index
    %swap3A_564 = tpu.vector_load %arg11[%swap3A_562, %swap3A_563] {strides = array<i32>} : memref<32x128xf32, #tpu.memory_space<vmem>>, vector<16xf32>,
    tpu.vector_store %arg11[%swap3A_562, %swap3A_563], %broadcast_in_dim3A_1 {strides = array<i32>} : memref<32x128xf32, #tpu.memory_space<vmem>>, vector<16xf32>,
    %swap3A_565 = arith.constant 17 : i32
    %swap3A_566 = arith.index_cast %swap3A_565 : i32 to index
    %swap3A_567 = arith.constant 80 : index
    %swap3A_568 = tpu.vector_load %arg11[%swap3A_566, %swap3A_567] {strides = array<i32>} : memref<32x128xf32, #tpu.memory_space<vmem>>, vector<16xf32>,
    tpu.vector_store %arg11[%swap3A_566, %swap3A_567], %broadcast_in_dim3A_1 {strides = array<i32>} : memref<32x128xf32, #tpu.memory_space<vmem>>, vector<16xf32>,
    %swap3A_569 = arith.constant 17 : i32
    %swap3A_570 = arith.index_cast %swap3A_569 : i32 to index
    %swap3A_571 = arith.constant 96 : index
    %swap3A_572 = tpu.vector_load %arg11[%swap3A_570, %swap3A_571] {strides = array<i32>} : memref<32x128xf32, #tpu.memory_space<vmem>>, vector<16xf32>,
    tpu.vector_store %arg11[%swap3A_570, %swap3A_571], %broadcast_in_dim3A_1 {strides = array<i32>} : memref<32x128xf32, #tpu.memory_space<vmem>>, vector<16xf32>,
    %swap3A_573 = arith.constant 17 : i32
    %swap3A_574 = arith.index_cast %swap3A_573 : i32 to index
    %swap3A_575 = arith.constant 112 : index
    %swap3A_576 = tpu.vector_load %arg11[%swap3A_574, %swap3A_575] {strides = array<i32>} : memref<32x128xf32, #tpu.memory_space<vmem>>, vector<16xf32>,
    tpu.vector_store %arg11[%swap3A_574, %swap3A_575], %broadcast_in_dim3A_1 {strides = array<i32>} : memref<32x128xf32, #tpu.memory_space<vmem>>, vector<16xf32>,
    %swap3A_577 = arith.constant 18 : i32
    %swap3A_578 = arith.index_cast %swap3A_577 : i32 to index
    %swap3A_579 = arith.constant 0 : index
    %swap3A_580 = tpu.vector_load %arg11[%swap3A_578, %swap3A_579] {strides = array<i32>} : memref<32x128xf32, #tpu.memory_space<vmem>>, vector<16xf32>,
    tpu.vector_store %arg11[%swap3A_578, %swap3A_579], %broadcast_in_dim3A_1 {strides = array<i32>} : memref<32x128xf32, #tpu.memory_space<vmem>>, vector<16xf32>,
    %swap3A_581 = arith.constant 18 : i32
    %swap3A_582 = arith.index_cast %swap3A_581 : i32 to index
    %swap3A_583 = arith.constant 16 : index
    %swap3A_584 = tpu.vector_load %arg11[%swap3A_582, %swap3A_583] {strides = array<i32>} : memref<32x128xf32, #tpu.memory_space<vmem>>, vector<16xf32>,
    tpu.vector_store %arg11[%swap3A_582, %swap3A_583], %broadcast_in_dim3A_1 {strides = array<i32>} : memref<32x128xf32, #tpu.memory_space<vmem>>, vector<16xf32>,
    %swap3A_585 = arith.constant 18 : i32
    %swap3A_586 = arith.index_cast %swap3A_585 : i32 to index
    %swap3A_587 = arith.constant 32 : index
    %swap3A_588 = tpu.vector_load %arg11[%swap3A_586, %swap3A_587] {strides = array<i32>} : memref<32x128xf32, #tpu.memory_space<vmem>>, vector<16xf32>,
    tpu.vector_store %arg11[%swap3A_586, %swap3A_587], %broadcast_in_dim3A_1 {strides = array<i32>} : memref<32x128xf32, #tpu.memory_space<vmem>>, vector<16xf32>,
    %swap3A_589 = arith.constant 18 : i32
    %swap3A_590 = arith.index_cast %swap3A_589 : i32 to index
    %swap3A_591 = arith.constant 48 : index
    %swap3A_592 = tpu.vector_load %arg11[%swap3A_590, %swap3A_591] {strides = array<i32>} : memref<32x128xf32, #tpu.memory_space<vmem>>, vector<16xf32>,
    tpu.vector_store %arg11[%swap3A_590, %swap3A_591], %broadcast_in_dim3A_1 {strides = array<i32>} : memref<32x128xf32, #tpu.memory_space<vmem>>, vector<16xf32>,
    %swap3A_593 = arith.constant 18 : i32
    %swap3A_594 = arith.index_cast %swap3A_593 : i32 to index
    %swap3A_595 = arith.constant 64 : index
    %swap3A_596 = tpu.vector_load %arg11[%swap3A_594, %swap3A_595] {strides = array<i32>} : memref<32x128xf32, #tpu.memory_space<vmem>>, vector<16xf32>,
    tpu.vector_store %arg11[%swap3A_594, %swap3A_595], %broadcast_in_dim3A_1 {strides = array<i32>} : memref<32x128xf32, #tpu.memory_space<vmem>>, vector<16xf32>,
    %swap3A_597 = arith.constant 18 : i32
    %swap3A_598 = arith.index_cast %swap3A_597 : i32 to index
    %swap3A_599 = arith.constant 80 : index
    %swap3A_600 = tpu.vector_load %arg11[%swap3A_598, %swap3A_599] {strides = array<i32>} : memref<32x128xf32, #tpu.memory_space<vmem>>, vector<16xf32>,
    tpu.vector_store %arg11[%swap3A_598, %swap3A_599], %broadcast_in_dim3A_1 {strides = array<i32>} : memref<32x128xf32, #tpu.memory_space<vmem>>, vector<16xf32>,
    %swap3A_601 = arith.constant 18 : i32
    %swap3A_602 = arith.index_cast %swap3A_601 : i32 to index
    %swap3A_603 = arith.constant 96 : index
    %swap3A_604 = tpu.vector_load %arg11[%swap3A_602, %swap3A_603] {strides = array<i32>} : memref<32x128xf32, #tpu.memory_space<vmem>>, vector<16xf32>,
    tpu.vector_store %arg11[%swap3A_602, %swap3A_603], %broadcast_in_dim3A_1 {strides = array<i32>} : memref<32x128xf32, #tpu.memory_space<vmem>>, vector<16xf32>,
    %swap3A_605 = arith.constant 18 : i32
    %swap3A_606 = arith.index_cast %swap3A_605 : i32 to index
    %swap3A_607 = arith.constant 112 : index
    %swap3A_608 = tpu.vector_load %arg11[%swap3A_606, %swap3A_607] {strides = array<i32>} : memref<32x128xf32, #tpu.memory_space<vmem>>, vector<16xf32>,
    tpu.vector_store %arg11[%swap3A_606, %swap3A_607], %broadcast_in_dim3A_1 {strides = array<i32>} : memref<32x128xf32, #tpu.memory_space<vmem>>, vector<16xf32>,
    %swap3A_609 = arith.constant 19 : i32
    %swap3A_610 = arith.index_cast %swap3A_609 : i32 to index
    %swap3A_611 = arith.constant 0 : index
    %swap3A_612 = tpu.vector_load %arg11[%swap3A_610, %swap3A_611] {strides = array<i32>} : memref<32x128xf32, #tpu.memory_space<vmem>>, vector<16xf32>,
    tpu.vector_store %arg11[%swap3A_610, %swap3A_611], %broadcast_in_dim3A_1 {strides = array<i32>} : memref<32x128xf32, #tpu.memory_space<vmem>>, vector<16xf32>,
    %swap3A_613 = arith.constant 19 : i32
    %swap3A_614 = arith.index_cast %swap3A_613 : i32 to index
    %swap3A_615 = arith.constant 16 : index
    %swap3A_616 = tpu.vector_load %arg11[%swap3A_614, %swap3A_615] {strides = array<i32>} : memref<32x128xf32, #tpu.memory_space<vmem>>, vector<16xf32>,
    tpu.vector_store %arg11[%swap3A_614, %swap3A_615], %broadcast_in_dim3A_1 {strides = array<i32>} : memref<32x128xf32, #tpu.memory_space<vmem>>, vector<16xf32>,
    %swap3A_617 = arith.constant 19 : i32
    %swap3A_618 = arith.index_cast %swap3A_617 : i32 to index
    %swap3A_619 = arith.constant 32 : index
    %swap3A_620 = tpu.vector_load %arg11[%swap3A_618, %swap3A_619] {strides = array<i32>} : memref<32x128xf32, #tpu.memory_space<vmem>>, vector<16xf32>,
    tpu.vector_store %arg11[%swap3A_618, %swap3A_619], %broadcast_in_dim3A_1 {strides = array<i32>} : memref<32x128xf32, #tpu.memory_space<vmem>>, vector<16xf32>,
    %swap3A_621 = arith.constant 19 : i32
    %swap3A_622 = arith.index_cast %swap3A_621 : i32 to index
    %swap3A_623 = arith.constant 48 : index
    %swap3A_624 = tpu.vector_load %arg11[%swap3A_622, %swap3A_623] {strides = array<i32>} : memref<32x128xf32, #tpu.memory_space<vmem>>, vector<16xf32>,
    tpu.vector_store %arg11[%swap3A_622, %swap3A_623], %broadcast_in_dim3A_1 {strides = array<i32>} : memref<32x128xf32, #tpu.memory_space<vmem>>, vector<16xf32>,
    %swap3A_625 = arith.constant 19 : i32
    %swap3A_626 = arith.index_cast %swap3A_625 : i32 to index
    %swap3A_627 = arith.constant 64 : index
    %swap3A_628 = tpu.vector_load %arg11[%swap3A_626, %swap3A_627] {strides = array<i32>} : memref<32x128xf32, #tpu.memory_space<vmem>>, vector<16xf32>,
    tpu.vector_store %arg11[%swap3A_626, %swap3A_627], %broadcast_in_dim3A_1 {strides = array<i32>} : memref<32x128xf32, #tpu.memory_space<vmem>>, vector<16xf32>,
    %swap3A_629 = arith.constant 19 : i32
    %swap3A_630 = arith.index_cast %swap3A_629 : i32 to index
    %swap3A_631 = arith.constant 80 : index
    %swap3A_632 = tpu.vector_load %arg11[%swap3A_630, %swap3A_631] {strides = array<i32>} : memref<32x128xf32, #tpu.memory_space<vmem>>, vector<16xf32>,
    tpu.vector_store %arg11[%swap3A_630, %swap3A_631], %broadcast_in_dim3A_1 {strides = array<i32>} : memref<32x128xf32, #tpu.memory_space<vmem>>, vector<16xf32>,
    %swap3A_633 = arith.constant 19 : i32
    %swap3A_634 = arith.index_cast %swap3A_633 : i32 to index
    %swap3A_635 = arith.constant 96 : index
    %swap3A_636 = tpu.vector_load %arg11[%swap3A_634, %swap3A_635] {strides = array<i32>} : memref<32x128xf32, #tpu.memory_space<vmem>>, vector<16xf32>,
    tpu.vector_store %arg11[%swap3A_634, %swap3A_635], %broadcast_in_dim3A_1 {strides = array<i32>} : memref<32x128xf32, #tpu.memory_space<vmem>>, vector<16xf32>,
    %swap3A_637 = arith.constant 19 : i32
    %swap3A_638 = arith.index_cast %swap3A_637 : i32 to index
    %swap3A_639 = arith.constant 112 : index
    %swap3A_640 = tpu.vector_load %arg11[%swap3A_638, %swap3A_639] {strides = array<i32>} : memref<32x128xf32, #tpu.memory_space<vmem>>, vector<16xf32>,
    tpu.vector_store %arg11[%swap3A_638, %swap3A_639], %broadcast_in_dim3A_1 {strides = array<i32>} : memref<32x128xf32, #tpu.memory_space<vmem>>, vector<16xf32>,
    %swap3A_641 = arith.constant 20 : i32
    %swap3A_642 = arith.index_cast %swap3A_641 : i32 to index
    %swap3A_643 = arith.constant 0 : index
    %swap3A_644 = tpu.vector_load %arg11[%swap3A_642, %swap3A_643] {strides = array<i32>} : memref<32x128xf32, #tpu.memory_space<vmem>>, vector<16xf32>,
    tpu.vector_store %arg11[%swap3A_642, %swap3A_643], %broadcast_in_dim3A_1 {strides = array<i32>} : memref<32x128xf32, #tpu.memory_space<vmem>>, vector<16xf32>,
    %swap3A_645 = arith.constant 20 : i32
    %swap3A_646 = arith.index_cast %swap3A_645 : i32 to index
    %swap3A_647 = arith.constant 16 : index
    %swap3A_648 = tpu.vector_load %arg11[%swap3A_646, %swap3A_647] {strides = array<i32>} : memref<32x128xf32, #tpu.memory_space<vmem>>, vector<16xf32>,
    tpu.vector_store %arg11[%swap3A_646, %swap3A_647], %broadcast_in_dim3A_1 {strides = array<i32>} : memref<32x128xf32, #tpu.memory_space<vmem>>, vector<16xf32>,
    %swap3A_649 = arith.constant 20 : i32
    %swap3A_650 = arith.index_cast %swap3A_649 : i32 to index
    %swap3A_651 = arith.constant 32 : index
    %swap3A_652 = tpu.vector_load %arg11[%swap3A_650, %swap3A_651] {strides = array<i32>} : memref<32x128xf32, #tpu.memory_space<vmem>>, vector<16xf32>,
    tpu.vector_store %arg11[%swap3A_650, %swap3A_651], %broadcast_in_dim3A_1 {strides = array<i32>} : memref<32x128xf32, #tpu.memory_space<vmem>>, vector<16xf32>,
    %swap3A_653 = arith.constant 20 : i32
    %swap3A_654 = arith.index_cast %swap3A_653 : i32 to index
    %swap3A_655 = arith.constant 48 : index
    %swap3A_656 = tpu.vector_load %arg11[%swap3A_654, %swap3A_655] {strides = array<i32>} : memref<32x128xf32, #tpu.memory_space<vmem>>, vector<16xf32>,
    tpu.vector_store %arg11[%swap3A_654, %swap3A_655], %broadcast_in_dim3A_1 {strides = array<i32>} : memref<32x128xf32, #tpu.memory_space<vmem>>, vector<16xf32>,
    %swap3A_657 = arith.constant 20 : i32
    %swap3A_658 = arith.index_cast %swap3A_657 : i32 to index
    %swap3A_659 = arith.constant 64 : index
    %swap3A_660 = tpu.vector_load %arg11[%swap3A_658, %swap3A_659] {strides = array<i32>} : memref<32x128xf32, #tpu.memory_space<vmem>>, vector<16xf32>,
    tpu.vector_store %arg11[%swap3A_658, %swap3A_659], %broadcast_in_dim3A_1 {strides = array<i32>} : memref<32x128xf32, #tpu.memory_space<vmem>>, vector<16xf32>,
    %swap3A_661 = arith.constant 20 : i32
    %swap3A_662 = arith.index_cast %swap3A_661 : i32 to index
    %swap3A_663 = arith.constant 80 : index
    %swap3A_664 = tpu.vector_load %arg11[%swap3A_662, %swap3A_663] {strides = array<i32>} : memref<32x128xf32, #tpu.memory_space<vmem>>, vector<16xf32>,
    tpu.vector_store %arg11[%swap3A_662, %swap3A_663], %broadcast_in_dim3A_1 {strides = array<i32>} : memref<32x128xf32, #tpu.memory_space<vmem>>, vector<16xf32>,
    %swap3A_665 = arith.constant 20 : i32
    %swap3A_666 = arith.index_cast %swap3A_665 : i32 to index
    %swap3A_667 = arith.constant 96 : index
    %swap3A_668 = tpu.vector_load %arg11[%swap3A_666, %swap3A_667] {strides = array<i32>} : memref<32x128xf32, #tpu.memory_space<vmem>>, vector<16xf32>,
    tpu.vector_store %arg11[%swap3A_666, %swap3A_667], %broadcast_in_dim3A_1 {strides = array<i32>} : memref<32x128xf32, #tpu.memory_space<vmem>>, vector<16xf32>,
    %swap3A_669 = arith.constant 20 : i32
    %swap3A_670 = arith.index_cast %swap3A_669 : i32 to index
    %swap3A_671 = arith.constant 112 : index
    %swap3A_672 = tpu.vector_load %arg11[%swap3A_670, %swap3A_671] {strides = array<i32>} : memref<32x128xf32, #tpu.memory_space<vmem>>, vector<16xf32>,
    tpu.vector_store %arg11[%swap3A_670, %swap3A_671], %broadcast_in_dim3A_1 {strides = array<i32>} : memref<32x128xf32, #tpu.memory_space<vmem>>, vector<16xf32>,
    %swap3A_673 = arith.constant 21 : i32
    %swap3A_674 = arith.index_cast %swap3A_673 : i32 to index
    %swap3A_675 = arith.constant 0 : index
    %swap3A_676 = tpu.vector_load %arg11[%swap3A_674, %swap3A_675] {strides = array<i32>} : memref<32x128xf32, #tpu.memory_space<vmem>>, vector<16xf32>,
    tpu.vector_store %arg11[%swap3A_674, %swap3A_675], %broadcast_in_dim3A_1 {strides = array<i32>} : memref<32x128xf32, #tpu.memory_space<vmem>>, vector<16xf32>,
    %swap3A_677 = arith.constant 21 : i32
    %swap3A_678 = arith.index_cast %swap3A_677 : i32 to index
    %swap3A_679 = arith.constant 16 : index
    %swap3A_680 = tpu.vector_load %arg11[%swap3A_678, %swap3A_679] {strides = array<i32>} : memref<32x128xf32, #tpu.memory_space<vmem>>, vector<16xf32>,
    tpu.vector_store %arg11[%swap3A_678, %swap3A_679], %broadcast_in_dim3A_1 {strides = array<i32>} : memref<32x128xf32, #tpu.memory_space<vmem>>, vector<16xf32>,
    %swap3A_681 = arith.constant 21 : i32
    %swap3A_682 = arith.index_cast %swap3A_681 : i32 to index
    %swap3A_683 = arith.constant 32 : index
    %swap3A_684 = tpu.vector_load %arg11[%swap3A_682, %swap3A_683] {strides = array<i32>} : memref<32x128xf32, #tpu.memory_space<vmem>>, vector<16xf32>,
    tpu.vector_store %arg11[%swap3A_682, %swap3A_683], %broadcast_in_dim3A_1 {strides = array<i32>} : memref<32x128xf32, #tpu.memory_space<vmem>>, vector<16xf32>,
    %swap3A_685 = arith.constant 21 : i32
    %swap3A_686 = arith.index_cast %swap3A_685 : i32 to index
    %swap3A_687 = arith.constant 48 : index
    %swap3A_688 = tpu.vector_load %arg11[%swap3A_686, %swap3A_687] {strides = array<i32>} : memref<32x128xf32, #tpu.memory_space<vmem>>, vector<16xf32>,
    tpu.vector_store %arg11[%swap3A_686, %swap3A_687], %broadcast_in_dim3A_1 {strides = array<i32>} : memref<32x128xf32, #tpu.memory_space<vmem>>, vector<16xf32>,
    %swap3A_689 = arith.constant 21 : i32
    %swap3A_690 = arith.index_cast %swap3A_689 : i32 to index
    %swap3A_691 = arith.constant 64 : index
    %swap3A_692 = tpu.vector_load %arg11[%swap3A_690, %swap3A_691] {strides = array<i32>} : memref<32x128xf32, #tpu.memory_space<vmem>>, vector<16xf32>,
    tpu.vector_store %arg11[%swap3A_690, %swap3A_691], %broadcast_in_dim3A_1 {strides = array<i32>} : memref<32x128xf32, #tpu.memory_space<vmem>>, vector<16xf32>,
    %swap3A_693 = arith.constant 21 : i32
    %swap3A_694 = arith.index_cast %swap3A_693 : i32 to index
    %swap3A_695 = arith.constant 80 : index
    %swap3A_696 = tpu.vector_load %arg11[%swap3A_694, %swap3A_695] {strides = array<i32>} : memref<32x128xf32, #tpu.memory_space<vmem>>, vector<16xf32>,
    tpu.vector_store %arg11[%swap3A_694, %swap3A_695], %broadcast_in_dim3A_1 {strides = array<i32>} : memref<32x128xf32, #tpu.memory_space<vmem>>, vector<16xf32>,
    %swap3A_697 = arith.constant 21 : i32
    %swap3A_698 = arith.index_cast %swap3A_697 : i32 to index
    %swap3A_699 = arith.constant 96 : index
    %swap3A_700 = tpu.vector_load %arg11[%swap3A_698, %swap3A_699] {strides = array<i32>} : memref<32x128xf32, #tpu.memory_space<vmem>>, vector<16xf32>,
    tpu.vector_store %arg11[%swap3A_698, %swap3A_699], %broadcast_in_dim3A_1 {strides = array<i32>} : memref<32x128xf32, #tpu.memory_space<vmem>>, vector<16xf32>,
    %swap3A_701 = arith.constant 21 : i32
    %swap3A_702 = arith.index_cast %swap3A_701 : i32 to index
    %swap3A_703 = arith.constant 112 : index
    %swap3A_704 = tpu.vector_load %arg11[%swap3A_702, %swap3A_703] {strides = array<i32>} : memref<32x128xf32, #tpu.memory_space<vmem>>, vector<16xf32>,
    tpu.vector_store %arg11[%swap3A_702, %swap3A_703], %broadcast_in_dim3A_1 {strides = array<i32>} : memref<32x128xf32, #tpu.memory_space<vmem>>, vector<16xf32>,
    %swap3A_705 = arith.constant 22 : i32
    %swap3A_706 = arith.index_cast %swap3A_705 : i32 to index
    %swap3A_707 = arith.constant 0 : index
    %swap3A_708 = tpu.vector_load %arg11[%swap3A_706, %swap3A_707] {strides = array<i32>} : memref<32x128xf32, #tpu.memory_space<vmem>>, vector<16xf32>,
    tpu.vector_store %arg11[%swap3A_706, %swap3A_707], %broadcast_in_dim3A_1 {strides = array<i32>} : memref<32x128xf32, #tpu.memory_space<vmem>>, vector<16xf32>,
    %swap3A_709 = arith.constant 22 : i32
    %swap3A_710 = arith.index_cast %swap3A_709 : i32 to index
    %swap3A_711 = arith.constant 16 : index
    %swap3A_712 = tpu.vector_load %arg11[%swap3A_710, %swap3A_711] {strides = array<i32>} : memref<32x128xf32, #tpu.memory_space<vmem>>, vector<16xf32>,
    tpu.vector_store %arg11[%swap3A_710, %swap3A_711], %broadcast_in_dim3A_1 {strides = array<i32>} : memref<32x128xf32, #tpu.memory_space<vmem>>, vector<16xf32>,
    %swap3A_713 = arith.constant 22 : i32
    %swap3A_714 = arith.index_cast %swap3A_713 : i32 to index
    %swap3A_715 = arith.constant 32 : index
    %swap3A_716 = tpu.vector_load %arg11[%swap3A_714, %swap3A_715] {strides = array<i32>} : memref<32x128xf32, #tpu.memory_space<vmem>>, vector<16xf32>,
    tpu.vector_store %arg11[%swap3A_714, %swap3A_715], %broadcast_in_dim3A_1 {strides = array<i32>} : memref<32x128xf32, #tpu.memory_space<vmem>>, vector<16xf32>,
    %swap3A_717 = arith.constant 22 : i32
    %swap3A_718 = arith.index_cast %swap3A_717 : i32 to index
    %swap3A_719 = arith.constant 48 : index
    %swap3A_720 = tpu.vector_load %arg11[%swap3A_718, %swap3A_719] {strides = array<i32>} : memref<32x128xf32, #tpu.memory_space<vmem>>, vector<16xf32>,
    tpu.vector_store %arg11[%swap3A_718, %swap3A_719], %broadcast_in_dim3A_1 {strides = array<i32>} : memref<32x128xf32, #tpu.memory_space<vmem>>, vector<16xf32>,
    %swap3A_721 = arith.constant 22 : i32
    %swap3A_722 = arith.index_cast %swap3A_721 : i32 to index
    %swap3A_723 = arith.constant 64 : index
    %swap3A_724 = tpu.vector_load %arg11[%swap3A_722, %swap3A_723] {strides = array<i32>} : memref<32x128xf32, #tpu.memory_space<vmem>>, vector<16xf32>,
    tpu.vector_store %arg11[%swap3A_722, %swap3A_723], %broadcast_in_dim3A_1 {strides = array<i32>} : memref<32x128xf32, #tpu.memory_space<vmem>>, vector<16xf32>,
    %swap3A_725 = arith.constant 22 : i32
    %swap3A_726 = arith.index_cast %swap3A_725 : i32 to index
    %swap3A_727 = arith.constant 80 : index
    %swap3A_728 = tpu.vector_load %arg11[%swap3A_726, %swap3A_727] {strides = array<i32>} : memref<32x128xf32, #tpu.memory_space<vmem>>, vector<16xf32>,
    tpu.vector_store %arg11[%swap3A_726, %swap3A_727], %broadcast_in_dim3A_1 {strides = array<i32>} : memref<32x128xf32, #tpu.memory_space<vmem>>, vector<16xf32>,
    %swap3A_729 = arith.constant 22 : i32
    %swap3A_730 = arith.index_cast %swap3A_729 : i32 to index
    %swap3A_731 = arith.constant 96 : index
    %swap3A_732 = tpu.vector_load %arg11[%swap3A_730, %swap3A_731] {strides = array<i32>} : memref<32x128xf32, #tpu.memory_space<vmem>>, vector<16xf32>,
    tpu.vector_store %arg11[%swap3A_730, %swap3A_731], %broadcast_in_dim3A_1 {strides = array<i32>} : memref<32x128xf32, #tpu.memory_space<vmem>>, vector<16xf32>,
    %swap3A_733 = arith.constant 22 : i32
    %swap3A_734 = arith.index_cast %swap3A_733 : i32 to index
    %swap3A_735 = arith.constant 112 : index
    %swap3A_736 = tpu.vector_load %arg11[%swap3A_734, %swap3A_735] {strides = array<i32>} : memref<32x128xf32, #tpu.memory_space<vmem>>, vector<16xf32>,
    tpu.vector_store %arg11[%swap3A_734, %swap3A_735], %broadcast_in_dim3A_1 {strides = array<i32>} : memref<32x128xf32, #tpu.memory_space<vmem>>, vector<16xf32>,
    %swap3A_737 = arith.constant 23 : i32
    %swap3A_738 = arith.index_cast %swap3A_737 : i32 to index
    %swap3A_739 = arith.constant 0 : index
    %swap3A_740 = tpu.vector_load %arg11[%swap3A_738, %swap3A_739] {strides = array<i32>} : memref<32x128xf32, #tpu.memory_space<vmem>>, vector<16xf32>,
    tpu.vector_store %arg11[%swap3A_738, %swap3A_739], %broadcast_in_dim3A_1 {strides = array<i32>} : memref<32x128xf32, #tpu.memory_space<vmem>>, vector<16xf32>,
    %swap3A_741 = arith.constant 23 : i32
    %swap3A_742 = arith.index_cast %swap3A_741 : i32 to index
    %swap3A_743 = arith.constant 16 : index
    %swap3A_744 = tpu.vector_load %arg11[%swap3A_742, %swap3A_743] {strides = array<i32>} : memref<32x128xf32, #tpu.memory_space<vmem>>, vector<16xf32>,
    tpu.vector_store %arg11[%swap3A_742, %swap3A_743], %broadcast_in_dim3A_1 {strides = array<i32>} : memref<32x128xf32, #tpu.memory_space<vmem>>, vector<16xf32>,
    %swap3A_745 = arith.constant 23 : i32
    %swap3A_746 = arith.index_cast %swap3A_745 : i32 to index
    %swap3A_747 = arith.constant 32 : index
    %swap3A_748 = tpu.vector_load %arg11[%swap3A_746, %swap3A_747] {strides = array<i32>} : memref<32x128xf32, #tpu.memory_space<vmem>>, vector<16xf32>,
    tpu.vector_store %arg11[%swap3A_746, %swap3A_747], %broadcast_in_dim3A_1 {strides = array<i32>} : memref<32x128xf32, #tpu.memory_space<vmem>>, vector<16xf32>,
    %swap3A_749 = arith.constant 23 : i32
    %swap3A_750 = arith.index_cast %swap3A_749 : i32 to index
    %swap3A_751 = arith.constant 48 : index
    %swap3A_752 = tpu.vector_load %arg11[%swap3A_750, %swap3A_751] {strides = array<i32>} : memref<32x128xf32, #tpu.memory_space<vmem>>, vector<16xf32>,
    tpu.vector_store %arg11[%swap3A_750, %swap3A_751], %broadcast_in_dim3A_1 {strides = array<i32>} : memref<32x128xf32, #tpu.memory_space<vmem>>, vector<16xf32>,
    %swap3A_753 = arith.constant 23 : i32
    %swap3A_754 = arith.index_cast %swap3A_753 : i32 to index
    %swap3A_755 = arith.constant 64 : index
    %swap3A_756 = tpu.vector_load %arg11[%swap3A_754, %swap3A_755] {strides = array<i32>} : memref<32x128xf32, #tpu.memory_space<vmem>>, vector<16xf32>,
    tpu.vector_store %arg11[%swap3A_754, %swap3A_755], %broadcast_in_dim3A_1 {strides = array<i32>} : memref<32x128xf32, #tpu.memory_space<vmem>>, vector<16xf32>,
    %swap3A_757 = arith.constant 23 : i32
    %swap3A_758 = arith.index_cast %swap3A_757 : i32 to index
    %swap3A_759 = arith.constant 80 : index
    %swap3A_760 = tpu.vector_load %arg11[%swap3A_758, %swap3A_759] {strides = array<i32>} : memref<32x128xf32, #tpu.memory_space<vmem>>, vector<16xf32>,
    tpu.vector_store %arg11[%swap3A_758, %swap3A_759], %broadcast_in_dim3A_1 {strides = array<i32>} : memref<32x128xf32, #tpu.memory_space<vmem>>, vector<16xf32>,
    %swap3A_761 = arith.constant 23 : i32
    %swap3A_762 = arith.index_cast %swap3A_761 : i32 to index
    %swap3A_763 = arith.constant 96 : index
    %swap3A_764 = tpu.vector_load %arg11[%swap3A_762, %swap3A_763] {strides = array<i32>} : memref<32x128xf32, #tpu.memory_space<vmem>>, vector<16xf32>,
    tpu.vector_store %arg11[%swap3A_762, %swap3A_763], %broadcast_in_dim3A_1 {strides = array<i32>} : memref<32x128xf32, #tpu.memory_space<vmem>>, vector<16xf32>,
    %swap3A_765 = arith.constant 23 : i32
    %swap3A_766 = arith.index_cast %swap3A_765 : i32 to index
    %swap3A_767 = arith.constant 112 : index
    %swap3A_768 = tpu.vector_load %arg11[%swap3A_766, %swap3A_767] {strides = array<i32>} : memref<32x128xf32, #tpu.memory_space<vmem>>, vector<16xf32>,
    tpu.vector_store %arg11[%swap3A_766, %swap3A_767], %broadcast_in_dim3A_1 {strides = array<i32>} : memref<32x128xf32, #tpu.memory_space<vmem>>, vector<16xf32>,
    %swap3A_769 = arith.constant 24 : i32
    %swap3A_770 = arith.index_cast %swap3A_769 : i32 to index
    %swap3A_771 = arith.constant 0 : index
    %swap3A_772 = tpu.vector_load %arg11[%swap3A_770, %swap3A_771] {strides = array<i32>} : memref<32x128xf32, #tpu.memory_space<vmem>>, vector<16xf32>,
    tpu.vector_store %arg11[%swap3A_770, %swap3A_771], %broadcast_in_dim3A_1 {strides = array<i32>} : memref<32x128xf32, #tpu.memory_space<vmem>>, vector<16xf32>,
    %swap3A_773 = arith.constant 24 : i32
    %swap3A_774 = arith.index_cast %swap3A_773 : i32 to index
    %swap3A_775 = arith.constant 16 : index
    %swap3A_776 = tpu.vector_load %arg11[%swap3A_774, %swap3A_775] {strides = array<i32>} : memref<32x128xf32, #tpu.memory_space<vmem>>, vector<16xf32>,
    tpu.vector_store %arg11[%swap3A_774, %swap3A_775], %broadcast_in_dim3A_1 {strides = array<i32>} : memref<32x128xf32, #tpu.memory_space<vmem>>, vector<16xf32>,
    %swap3A_777 = arith.constant 24 : i32
    %swap3A_778 = arith.index_cast %swap3A_777 : i32 to index
    %swap3A_779 = arith.constant 32 : index
    %swap3A_780 = tpu.vector_load %arg11[%swap3A_778, %swap3A_779] {strides = array<i32>} : memref<32x128xf32, #tpu.memory_space<vmem>>, vector<16xf32>,
    tpu.vector_store %arg11[%swap3A_778, %swap3A_779], %broadcast_in_dim3A_1 {strides = array<i32>} : memref<32x128xf32, #tpu.memory_space<vmem>>, vector<16xf32>,
    %swap3A_781 = arith.constant 24 : i32
    %swap3A_782 = arith.index_cast %swap3A_781 : i32 to index
    %swap3A_783 = arith.constant 48 : index
    %swap3A_784 = tpu.vector_load %arg11[%swap3A_782, %swap3A_783] {strides = array<i32>} : memref<32x128xf32, #tpu.memory_space<vmem>>, vector<16xf32>,
    tpu.vector_store %arg11[%swap3A_782, %swap3A_783], %broadcast_in_dim3A_1 {strides = array<i32>} : memref<32x128xf32, #tpu.memory_space<vmem>>, vector<16xf32>,
    %swap3A_785 = arith.constant 24 : i32
    %swap3A_786 = arith.index_cast %swap3A_785 : i32 to index
    %swap3A_787 = arith.constant 64 : index
    %swap3A_788 = tpu.vector_load %arg11[%swap3A_786, %swap3A_787] {strides = array<i32>} : memref<32x128xf32, #tpu.memory_space<vmem>>, vector<16xf32>,
    tpu.vector_store %arg11[%swap3A_786, %swap3A_787], %broadcast_in_dim3A_1 {strides = array<i32>} : memref<32x128xf32, #tpu.memory_space<vmem>>, vector<16xf32>,
    %swap3A_789 = arith.constant 24 : i32
    %swap3A_790 = arith.index_cast %swap3A_789 : i32 to index
    %swap3A_791 = arith.constant 80 : index
    %swap3A_792 = tpu.vector_load %arg11[%swap3A_790, %swap3A_791] {strides = array<i32>} : memref<32x128xf32, #tpu.memory_space<vmem>>, vector<16xf32>,
    tpu.vector_store %arg11[%swap3A_790, %swap3A_791], %broadcast_in_dim3A_1 {strides = array<i32>} : memref<32x128xf32, #tpu.memory_space<vmem>>, vector<16xf32>,
    %swap3A_793 = arith.constant 24 : i32
    %swap3A_794 = arith.index_cast %swap3A_793 : i32 to index
    %swap3A_795 = arith.constant 96 : index
    %swap3A_796 = tpu.vector_load %arg11[%swap3A_794, %swap3A_795] {strides = array<i32>} : memref<32x128xf32, #tpu.memory_space<vmem>>, vector<16xf32>,
    tpu.vector_store %arg11[%swap3A_794, %swap3A_795], %broadcast_in_dim3A_1 {strides = array<i32>} : memref<32x128xf32, #tpu.memory_space<vmem>>, vector<16xf32>,
    %swap3A_797 = arith.constant 24 : i32
    %swap3A_798 = arith.index_cast %swap3A_797 : i32 to index
    %swap3A_799 = arith.constant 112 : index
    %swap3A_800 = tpu.vector_load %arg11[%swap3A_798, %swap3A_799] {strides = array<i32>} : memref<32x128xf32, #tpu.memory_space<vmem>>, vector<16xf32>,
    tpu.vector_store %arg11[%swap3A_798, %swap3A_799], %broadcast_in_dim3A_1 {strides = array<i32>} : memref<32x128xf32, #tpu.memory_space<vmem>>, vector<16xf32>,
    %swap3A_801 = arith.constant 25 : i32
    %swap3A_802 = arith.index_cast %swap3A_801 : i32 to index
    %swap3A_803 = arith.constant 0 : index
    %swap3A_804 = tpu.vector_load %arg11[%swap3A_802, %swap3A_803] {strides = array<i32>} : memref<32x128xf32, #tpu.memory_space<vmem>>, vector<16xf32>,
    tpu.vector_store %arg11[%swap3A_802, %swap3A_803], %broadcast_in_dim3A_1 {strides = array<i32>} : memref<32x128xf32, #tpu.memory_space<vmem>>, vector<16xf32>,
    %swap3A_805 = arith.constant 25 : i32
    %swap3A_806 = arith.index_cast %swap3A_805 : i32 to index
    %swap3A_807 = arith.constant 16 : index
    %swap3A_808 = tpu.vector_load %arg11[%swap3A_806, %swap3A_807] {strides = array<i32>} : memref<32x128xf32, #tpu.memory_space<vmem>>, vector<16xf32>,
    tpu.vector_store %arg11[%swap3A_806, %swap3A_807], %broadcast_in_dim3A_1 {strides = array<i32>} : memref<32x128xf32, #tpu.memory_space<vmem>>, vector<16xf32>,
    %swap3A_809 = arith.constant 25 : i32
    %swap3A_810 = arith.index_cast %swap3A_809 : i32 to index
    %swap3A_811 = arith.constant 32 : index
    %swap3A_812 = tpu.vector_load %arg11[%swap3A_810, %swap3A_811] {strides = array<i32>} : memref<32x128xf32, #tpu.memory_space<vmem>>, vector<16xf32>,
    tpu.vector_store %arg11[%swap3A_810, %swap3A_811], %broadcast_in_dim3A_1 {strides = array<i32>} : memref<32x128xf32, #tpu.memory_space<vmem>>, vector<16xf32>,
    %swap3A_813 = arith.constant 25 : i32
    %swap3A_814 = arith.index_cast %swap3A_813 : i32 to index
    %swap3A_815 = arith.constant 48 : index
    %swap3A_816 = tpu.vector_load %arg11[%swap3A_814, %swap3A_815] {strides = array<i32>} : memref<32x128xf32, #tpu.memory_space<vmem>>, vector<16xf32>,
    tpu.vector_store %arg11[%swap3A_814, %swap3A_815], %broadcast_in_dim3A_1 {strides = array<i32>} : memref<32x128xf32, #tpu.memory_space<vmem>>, vector<16xf32>,
    %swap3A_817 = arith.constant 25 : i32
    %swap3A_818 = arith.index_cast %swap3A_817 : i32 to index
    %swap3A_819 = arith.constant 64 : index
    %swap3A_820 = tpu.vector_load %arg11[%swap3A_818, %swap3A_819] {strides = array<i32>} : memref<32x128xf32, #tpu.memory_space<vmem>>, vector<16xf32>,
    tpu.vector_store %arg11[%swap3A_818, %swap3A_819], %broadcast_in_dim3A_1 {strides = array<i32>} : memref<32x128xf32, #tpu.memory_space<vmem>>, vector<16xf32>,
    %swap3A_821 = arith.constant 25 : i32
    %swap3A_822 = arith.index_cast %swap3A_821 : i32 to index
    %swap3A_823 = arith.constant 80 : index
    %swap3A_824 = tpu.vector_load %arg11[%swap3A_822, %swap3A_823] {strides = array<i32>} : memref<32x128xf32, #tpu.memory_space<vmem>>, vector<16xf32>,
    tpu.vector_store %arg11[%swap3A_822, %swap3A_823], %broadcast_in_dim3A_1 {strides = array<i32>} : memref<32x128xf32, #tpu.memory_space<vmem>>, vector<16xf32>,
    %swap3A_825 = arith.constant 25 : i32
    %swap3A_826 = arith.index_cast %swap3A_825 : i32 to index
    %swap3A_827 = arith.constant 96 : index
    %swap3A_828 = tpu.vector_load %arg11[%swap3A_826, %swap3A_827] {strides = array<i32>} : memref<32x128xf32, #tpu.memory_space<vmem>>, vector<16xf32>,
    tpu.vector_store %arg11[%swap3A_826, %swap3A_827], %broadcast_in_dim3A_1 {strides = array<i32>} : memref<32x128xf32, #tpu.memory_space<vmem>>, vector<16xf32>,
    %swap3A_829 = arith.constant 25 : i32
    %swap3A_830 = arith.index_cast %swap3A_829 : i32 to index
    %swap3A_831 = arith.constant 112 : index
    %swap3A_832 = tpu.vector_load %arg11[%swap3A_830, %swap3A_831] {strides = array<i32>} : memref<32x128xf32, #tpu.memory_space<vmem>>, vector<16xf32>,
    tpu.vector_store %arg11[%swap3A_830, %swap3A_831], %broadcast_in_dim3A_1 {strides = array<i32>} : memref<32x128xf32, #tpu.memory_space<vmem>>, vector<16xf32>,
    %swap3A_833 = arith.constant 26 : i32
    %swap3A_834 = arith.index_cast %swap3A_833 : i32 to index
    %swap3A_835 = arith.constant 0 : index
    %swap3A_836 = tpu.vector_load %arg11[%swap3A_834, %swap3A_835] {strides = array<i32>} : memref<32x128xf32, #tpu.memory_space<vmem>>, vector<16xf32>,
    tpu.vector_store %arg11[%swap3A_834, %swap3A_835], %broadcast_in_dim3A_1 {strides = array<i32>} : memref<32x128xf32, #tpu.memory_space<vmem>>, vector<16xf32>,
    %swap3A_837 = arith.constant 26 : i32
    %swap3A_838 = arith.index_cast %swap3A_837 : i32 to index
    %swap3A_839 = arith.constant 16 : index
    %swap3A_840 = tpu.vector_load %arg11[%swap3A_838, %swap3A_839] {strides = array<i32>} : memref<32x128xf32, #tpu.memory_space<vmem>>, vector<16xf32>,
    tpu.vector_store %arg11[%swap3A_838, %swap3A_839], %broadcast_in_dim3A_1 {strides = array<i32>} : memref<32x128xf32, #tpu.memory_space<vmem>>, vector<16xf32>,
    %swap3A_841 = arith.constant 26 : i32
    %swap3A_842 = arith.index_cast %swap3A_841 : i32 to index
    %swap3A_843 = arith.constant 32 : index
    %swap3A_844 = tpu.vector_load %arg11[%swap3A_842, %swap3A_843] {strides = array<i32>} : memref<32x128xf32, #tpu.memory_space<vmem>>, vector<16xf32>,
    tpu.vector_store %arg11[%swap3A_842, %swap3A_843], %broadcast_in_dim3A_1 {strides = array<i32>} : memref<32x128xf32, #tpu.memory_space<vmem>>, vector<16xf32>,
    %swap3A_845 = arith.constant 26 : i32
    %swap3A_846 = arith.index_cast %swap3A_845 : i32 to index
    %swap3A_847 = arith.constant 48 : index
    %swap3A_848 = tpu.vector_load %arg11[%swap3A_846, %swap3A_847] {strides = array<i32>} : memref<32x128xf32, #tpu.memory_space<vmem>>, vector<16xf32>,
    tpu.vector_store %arg11[%swap3A_846, %swap3A_847], %broadcast_in_dim3A_1 {strides = array<i32>} : memref<32x128xf32, #tpu.memory_space<vmem>>, vector<16xf32>,
    %swap3A_849 = arith.constant 26 : i32
    %swap3A_850 = arith.index_cast %swap3A_849 : i32 to index
    %swap3A_851 = arith.constant 64 : index
    %swap3A_852 = tpu.vector_load %arg11[%swap3A_850, %swap3A_851] {strides = array<i32>} : memref<32x128xf32, #tpu.memory_space<vmem>>, vector<16xf32>,
    tpu.vector_store %arg11[%swap3A_850, %swap3A_851], %broadcast_in_dim3A_1 {strides = array<i32>} : memref<32x128xf32, #tpu.memory_space<vmem>>, vector<16xf32>,
    %swap3A_853 = arith.constant 26 : i32
    %swap3A_854 = arith.index_cast %swap3A_853 : i32 to index
    %swap3A_855 = arith.constant 80 : index
    %swap3A_856 = tpu.vector_load %arg11[%swap3A_854, %swap3A_855] {strides = array<i32>} : memref<32x128xf32, #tpu.memory_space<vmem>>, vector<16xf32>,
    tpu.vector_store %arg11[%swap3A_854, %swap3A_855], %broadcast_in_dim3A_1 {strides = array<i32>} : memref<32x128xf32, #tpu.memory_space<vmem>>, vector<16xf32>,
    %swap3A_857 = arith.constant 26 : i32
    %swap3A_858 = arith.index_cast %swap3A_857 : i32 to index
    %swap3A_859 = arith.constant 96 : index
    %swap3A_860 = tpu.vector_load %arg11[%swap3A_858, %swap3A_859] {strides = array<i32>} : memref<32x128xf32, #tpu.memory_space<vmem>>, vector<16xf32>,
    tpu.vector_store %arg11[%swap3A_858, %swap3A_859], %broadcast_in_dim3A_1 {strides = array<i32>} : memref<32x128xf32, #tpu.memory_space<vmem>>, vector<16xf32>,
    %swap3A_861 = arith.constant 26 : i32
    %swap3A_862 = arith.index_cast %swap3A_861 : i32 to index
    %swap3A_863 = arith.constant 112 : index
    %swap3A_864 = tpu.vector_load %arg11[%swap3A_862, %swap3A_863] {strides = array<i32>} : memref<32x128xf32, #tpu.memory_space<vmem>>, vector<16xf32>,
    tpu.vector_store %arg11[%swap3A_862, %swap3A_863], %broadcast_in_dim3A_1 {strides = array<i32>} : memref<32x128xf32, #tpu.memory_space<vmem>>, vector<16xf32>,
    %swap3A_865 = arith.constant 27 : i32
    %swap3A_866 = arith.index_cast %swap3A_865 : i32 to index
    %swap3A_867 = arith.constant 0 : index
    %swap3A_868 = tpu.vector_load %arg11[%swap3A_866, %swap3A_867] {strides = array<i32>} : memref<32x128xf32, #tpu.memory_space<vmem>>, vector<16xf32>,
    tpu.vector_store %arg11[%swap3A_866, %swap3A_867], %broadcast_in_dim3A_1 {strides = array<i32>} : memref<32x128xf32, #tpu.memory_space<vmem>>, vector<16xf32>,
    %swap3A_869 = arith.constant 27 : i32
    %swap3A_870 = arith.index_cast %swap3A_869 : i32 to index
    %swap3A_871 = arith.constant 16 : index
    %swap3A_872 = tpu.vector_load %arg11[%swap3A_870, %swap3A_871] {strides = array<i32>} : memref<32x128xf32, #tpu.memory_space<vmem>>, vector<16xf32>,
    tpu.vector_store %arg11[%swap3A_870, %swap3A_871], %broadcast_in_dim3A_1 {strides = array<i32>} : memref<32x128xf32, #tpu.memory_space<vmem>>, vector<16xf32>,
    %swap3A_873 = arith.constant 27 : i32
    %swap3A_874 = arith.index_cast %swap3A_873 : i32 to index
    %swap3A_875 = arith.constant 32 : index
    %swap3A_876 = tpu.vector_load %arg11[%swap3A_874, %swap3A_875] {strides = array<i32>} : memref<32x128xf32, #tpu.memory_space<vmem>>, vector<16xf32>,
    tpu.vector_store %arg11[%swap3A_874, %swap3A_875], %broadcast_in_dim3A_1 {strides = array<i32>} : memref<32x128xf32, #tpu.memory_space<vmem>>, vector<16xf32>,
    %swap3A_877 = arith.constant 27 : i32
    %swap3A_878 = arith.index_cast %swap3A_877 : i32 to index
    %swap3A_879 = arith.constant 48 : index
    %swap3A_880 = tpu.vector_load %arg11[%swap3A_878, %swap3A_879] {strides = array<i32>} : memref<32x128xf32, #tpu.memory_space<vmem>>, vector<16xf32>,
    tpu.vector_store %arg11[%swap3A_878, %swap3A_879], %broadcast_in_dim3A_1 {strides = array<i32>} : memref<32x128xf32, #tpu.memory_space<vmem>>, vector<16xf32>,
    %swap3A_881 = arith.constant 27 : i32
    %swap3A_882 = arith.index_cast %swap3A_881 : i32 to index
    %swap3A_883 = arith.constant 64 : index
    %swap3A_884 = tpu.vector_load %arg11[%swap3A_882, %swap3A_883] {strides = array<i32>} : memref<32x128xf32, #tpu.memory_space<vmem>>, vector<16xf32>,
    tpu.vector_store %arg11[%swap3A_882, %swap3A_883], %broadcast_in_dim3A_1 {strides = array<i32>} : memref<32x128xf32, #tpu.memory_space<vmem>>, vector<16xf32>,
    %swap3A_885 = arith.constant 27 : i32
    %swap3A_886 = arith.index_cast %swap3A_885 : i32 to index
    %swap3A_887 = arith.constant 80 : index
    %swap3A_888 = tpu.vector_load %arg11[%swap3A_886, %swap3A_887] {strides = array<i32>} : memref<32x128xf32, #tpu.memory_space<vmem>>, vector<16xf32>,
    tpu.vector_store %arg11[%swap3A_886, %swap3A_887], %broadcast_in_dim3A_1 {strides = array<i32>} : memref<32x128xf32, #tpu.memory_space<vmem>>, vector<16xf32>,
    %swap3A_889 = arith.constant 27 : i32
    %swap3A_890 = arith.index_cast %swap3A_889 : i32 to index
    %swap3A_891 = arith.constant 96 : index
    %swap3A_892 = tpu.vector_load %arg11[%swap3A_890, %swap3A_891] {strides = array<i32>} : memref<32x128xf32, #tpu.memory_space<vmem>>, vector<16xf32>,
    tpu.vector_store %arg11[%swap3A_890, %swap3A_891], %broadcast_in_dim3A_1 {strides = array<i32>} : memref<32x128xf32, #tpu.memory_space<vmem>>, vector<16xf32>,
    %swap3A_893 = arith.constant 27 : i32
    %swap3A_894 = arith.index_cast %swap3A_893 : i32 to index
    %swap3A_895 = arith.constant 112 : index
    %swap3A_896 = tpu.vector_load %arg11[%swap3A_894, %swap3A_895] {strides = array<i32>} : memref<32x128xf32, #tpu.memory_space<vmem>>, vector<16xf32>,
    tpu.vector_store %arg11[%swap3A_894, %swap3A_895], %broadcast_in_dim3A_1 {strides = array<i32>} : memref<32x128xf32, #tpu.memory_space<vmem>>, vector<16xf32>,
    %swap3A_897 = arith.constant 28 : i32
    %swap3A_898 = arith.index_cast %swap3A_897 : i32 to index
    %swap3A_899 = arith.constant 0 : index
    %swap3A_900 = tpu.vector_load %arg11[%swap3A_898, %swap3A_899] {strides = array<i32>} : memref<32x128xf32, #tpu.memory_space<vmem>>, vector<16xf32>,
    tpu.vector_store %arg11[%swap3A_898, %swap3A_899], %broadcast_in_dim3A_1 {strides = array<i32>} : memref<32x128xf32, #tpu.memory_space<vmem>>, vector<16xf32>,
    %swap3A_901 = arith.constant 28 : i32
    %swap3A_902 = arith.index_cast %swap3A_901 : i32 to index
    %swap3A_903 = arith.constant 16 : index
    %swap3A_904 = tpu.vector_load %arg11[%swap3A_902, %swap3A_903] {strides = array<i32>} : memref<32x128xf32, #tpu.memory_space<vmem>>, vector<16xf32>,
    tpu.vector_store %arg11[%swap3A_902, %swap3A_903], %broadcast_in_dim3A_1 {strides = array<i32>} : memref<32x128xf32, #tpu.memory_space<vmem>>, vector<16xf32>,
    %swap3A_905 = arith.constant 28 : i32
    %swap3A_906 = arith.index_cast %swap3A_905 : i32 to index
    %swap3A_907 = arith.constant 32 : index
    %swap3A_908 = tpu.vector_load %arg11[%swap3A_906, %swap3A_907] {strides = array<i32>} : memref<32x128xf32, #tpu.memory_space<vmem>>, vector<16xf32>,
    tpu.vector_store %arg11[%swap3A_906, %swap3A_907], %broadcast_in_dim3A_1 {strides = array<i32>} : memref<32x128xf32, #tpu.memory_space<vmem>>, vector<16xf32>,
    %swap3A_909 = arith.constant 28 : i32
    %swap3A_910 = arith.index_cast %swap3A_909 : i32 to index
    %swap3A_911 = arith.constant 48 : index
    %swap3A_912 = tpu.vector_load %arg11[%swap3A_910, %swap3A_911] {strides = array<i32>} : memref<32x128xf32, #tpu.memory_space<vmem>>, vector<16xf32>,
    tpu.vector_store %arg11[%swap3A_910, %swap3A_911], %broadcast_in_dim3A_1 {strides = array<i32>} : memref<32x128xf32, #tpu.memory_space<vmem>>, vector<16xf32>,
    %swap3A_913 = arith.constant 28 : i32
    %swap3A_914 = arith.index_cast %swap3A_913 : i32 to index
    %swap3A_915 = arith.constant 64 : index
    %swap3A_916 = tpu.vector_load %arg11[%swap3A_914, %swap3A_915] {strides = array<i32>} : memref<32x128xf32, #tpu.memory_space<vmem>>, vector<16xf32>,
    tpu.vector_store %arg11[%swap3A_914, %swap3A_915], %broadcast_in_dim3A_1 {strides = array<i32>} : memref<32x128xf32, #tpu.memory_space<vmem>>, vector<16xf32>,
    %swap3A_917 = arith.constant 28 : i32
    %swap3A_918 = arith.index_cast %swap3A_917 : i32 to index
    %swap3A_919 = arith.constant 80 : index
    %swap3A_920 = tpu.vector_load %arg11[%swap3A_918, %swap3A_919] {strides = array<i32>} : memref<32x128xf32, #tpu.memory_space<vmem>>, vector<16xf32>,
    tpu.vector_store %arg11[%swap3A_918, %swap3A_919], %broadcast_in_dim3A_1 {strides = array<i32>} : memref<32x128xf32, #tpu.memory_space<vmem>>, vector<16xf32>,
    %swap3A_921 = arith.constant 28 : i32
    %swap3A_922 = arith.index_cast %swap3A_921 : i32 to index
    %swap3A_923 = arith.constant 96 : index
    %swap3A_924 = tpu.vector_load %arg11[%swap3A_922, %swap3A_923] {strides = array<i32>} : memref<32x128xf32, #tpu.memory_space<vmem>>, vector<16xf32>,
    tpu.vector_store %arg11[%swap3A_922, %swap3A_923], %broadcast_in_dim3A_1 {strides = array<i32>} : memref<32x128xf32, #tpu.memory_space<vmem>>, vector<16xf32>,
    %swap3A_925 = arith.constant 28 : i32
    %swap3A_926 = arith.index_cast %swap3A_925 : i32 to index
    %swap3A_927 = arith.constant 112 : index
    %swap3A_928 = tpu.vector_load %arg11[%swap3A_926, %swap3A_927] {strides = array<i32>} : memref<32x128xf32, #tpu.memory_space<vmem>>, vector<16xf32>,
    tpu.vector_store %arg11[%swap3A_926, %swap3A_927], %broadcast_in_dim3A_1 {strides = array<i32>} : memref<32x128xf32, #tpu.memory_space<vmem>>, vector<16xf32>,
    %swap3A_929 = arith.constant 29 : i32
    %swap3A_930 = arith.index_cast %swap3A_929 : i32 to index
    %swap3A_931 = arith.constant 0 : index
    %swap3A_932 = tpu.vector_load %arg11[%swap3A_930, %swap3A_931] {strides = array<i32>} : memref<32x128xf32, #tpu.memory_space<vmem>>, vector<16xf32>,
    tpu.vector_store %arg11[%swap3A_930, %swap3A_931], %broadcast_in_dim3A_1 {strides = array<i32>} : memref<32x128xf32, #tpu.memory_space<vmem>>, vector<16xf32>,
    %swap3A_933 = arith.constant 29 : i32
    %swap3A_934 = arith.index_cast %swap3A_933 : i32 to index
    %swap3A_935 = arith.constant 16 : index
    %swap3A_936 = tpu.vector_load %arg11[%swap3A_934, %swap3A_935] {strides = array<i32>} : memref<32x128xf32, #tpu.memory_space<vmem>>, vector<16xf32>,
    tpu.vector_store %arg11[%swap3A_934, %swap3A_935], %broadcast_in_dim3A_1 {strides = array<i32>} : memref<32x128xf32, #tpu.memory_space<vmem>>, vector<16xf32>,
    %swap3A_937 = arith.constant 29 : i32
    %swap3A_938 = arith.index_cast %swap3A_937 : i32 to index
    %swap3A_939 = arith.constant 32 : index
    %swap3A_940 = tpu.vector_load %arg11[%swap3A_938, %swap3A_939] {strides = array<i32>} : memref<32x128xf32, #tpu.memory_space<vmem>>, vector<16xf32>,
    tpu.vector_store %arg11[%swap3A_938, %swap3A_939], %broadcast_in_dim3A_1 {strides = array<i32>} : memref<32x128xf32, #tpu.memory_space<vmem>>, vector<16xf32>,
    %swap3A_941 = arith.constant 29 : i32
    %swap3A_942 = arith.index_cast %swap3A_941 : i32 to index
    %swap3A_943 = arith.constant 48 : index
    %swap3A_944 = tpu.vector_load %arg11[%swap3A_942, %swap3A_943] {strides = array<i32>} : memref<32x128xf32, #tpu.memory_space<vmem>>, vector<16xf32>,
    tpu.vector_store %arg11[%swap3A_942, %swap3A_943], %broadcast_in_dim3A_1 {strides = array<i32>} : memref<32x128xf32, #tpu.memory_space<vmem>>, vector<16xf32>,
    %swap3A_945 = arith.constant 29 : i32
    %swap3A_946 = arith.index_cast %swap3A_945 : i32 to index
    %swap3A_947 = arith.constant 64 : index
    %swap3A_948 = tpu.vector_load %arg11[%swap3A_946, %swap3A_947] {strides = array<i32>} : memref<32x128xf32, #tpu.memory_space<vmem>>, vector<16xf32>,
    tpu.vector_store %arg11[%swap3A_946, %swap3A_947], %broadcast_in_dim3A_1 {strides = array<i32>} : memref<32x128xf32, #tpu.memory_space<vmem>>, vector<16xf32>,
    %swap3A_949 = arith.constant 29 : i32
    %swap3A_950 = arith.index_cast %swap3A_949 : i32 to index
    %swap3A_951 = arith.constant 80 : index
    %swap3A_952 = tpu.vector_load %arg11[%swap3A_950, %swap3A_951] {strides = array<i32>} : memref<32x128xf32, #tpu.memory_space<vmem>>, vector<16xf32>,
    tpu.vector_store %arg11[%swap3A_950, %swap3A_951], %broadcast_in_dim3A_1 {strides = array<i32>} : memref<32x128xf32, #tpu.memory_space<vmem>>, vector<16xf32>,
    %swap3A_953 = arith.constant 29 : i32
    %swap3A_954 = arith.index_cast %swap3A_953 : i32 to index
    %swap3A_955 = arith.constant 96 : index
    %swap3A_956 = tpu.vector_load %arg11[%swap3A_954, %swap3A_955] {strides = array<i32>} : memref<32x128xf32, #tpu.memory_space<vmem>>, vector<16xf32>,
    tpu.vector_store %arg11[%swap3A_954, %swap3A_955], %broadcast_in_dim3A_1 {strides = array<i32>} : memref<32x128xf32, #tpu.memory_space<vmem>>, vector<16xf32>,
    %swap3A_957 = arith.constant 29 : i32
    %swap3A_958 = arith.index_cast %swap3A_957 : i32 to index
    %swap3A_959 = arith.constant 112 : index
    %swap3A_960 = tpu.vector_load %arg11[%swap3A_958, %swap3A_959] {strides = array<i32>} : memref<32x128xf32, #tpu.memory_space<vmem>>, vector<16xf32>,
    tpu.vector_store %arg11[%swap3A_958, %swap3A_959], %broadcast_in_dim3A_1 {strides = array<i32>} : memref<32x128xf32, #tpu.memory_space<vmem>>, vector<16xf32>,
    %swap3A_961 = arith.constant 30 : i32
    %swap3A_962 = arith.index_cast %swap3A_961 : i32 to index
    %swap3A_963 = arith.constant 0 : index
    %swap3A_964 = tpu.vector_load %arg11[%swap3A_962, %swap3A_963] {strides = array<i32>} : memref<32x128xf32, #tpu.memory_space<vmem>>, vector<16xf32>,
    tpu.vector_store %arg11[%swap3A_962, %swap3A_963], %broadcast_in_dim3A_1 {strides = array<i32>} : memref<32x128xf32, #tpu.memory_space<vmem>>, vector<16xf32>,
    %swap3A_965 = arith.constant 30 : i32
    %swap3A_966 = arith.index_cast %swap3A_965 : i32 to index
    %swap3A_967 = arith.constant 16 : index
    %swap3A_968 = tpu.vector_load %arg11[%swap3A_966, %swap3A_967] {strides = array<i32>} : memref<32x128xf32, #tpu.memory_space<vmem>>, vector<16xf32>,
    tpu.vector_store %arg11[%swap3A_966, %swap3A_967], %broadcast_in_dim3A_1 {strides = array<i32>} : memref<32x128xf32, #tpu.memory_space<vmem>>, vector<16xf32>,
    %swap3A_969 = arith.constant 30 : i32
    %swap3A_970 = arith.index_cast %swap3A_969 : i32 to index
    %swap3A_971 = arith.constant 32 : index
    %swap3A_972 = tpu.vector_load %arg11[%swap3A_970, %swap3A_971] {strides = array<i32>} : memref<32x128xf32, #tpu.memory_space<vmem>>, vector<16xf32>,
    tpu.vector_store %arg11[%swap3A_970, %swap3A_971], %broadcast_in_dim3A_1 {strides = array<i32>} : memref<32x128xf32, #tpu.memory_space<vmem>>, vector<16xf32>,
    %swap3A_973 = arith.constant 30 : i32
    %swap3A_974 = arith.index_cast %swap3A_973 : i32 to index
    %swap3A_975 = arith.constant 48 : index
    %swap3A_976 = tpu.vector_load %arg11[%swap3A_974, %swap3A_975] {strides = array<i32>} : memref<32x128xf32, #tpu.memory_space<vmem>>, vector<16xf32>,
    tpu.vector_store %arg11[%swap3A_974, %swap3A_975], %broadcast_in_dim3A_1 {strides = array<i32>} : memref<32x128xf32, #tpu.memory_space<vmem>>, vector<16xf32>,
    %swap3A_977 = arith.constant 30 : i32
    %swap3A_978 = arith.index_cast %swap3A_977 : i32 to index
    %swap3A_979 = arith.constant 64 : index
    %swap3A_980 = tpu.vector_load %arg11[%swap3A_978, %swap3A_979] {strides = array<i32>} : memref<32x128xf32, #tpu.memory_space<vmem>>, vector<16xf32>,
    tpu.vector_store %arg11[%swap3A_978, %swap3A_979], %broadcast_in_dim3A_1 {strides = array<i32>} : memref<32x128xf32, #tpu.memory_space<vmem>>, vector<16xf32>,
    %swap3A_981 = arith.constant 30 : i32
    %swap3A_982 = arith.index_cast %swap3A_981 : i32 to index
    %swap3A_983 = arith.constant 80 : index
    %swap3A_984 = tpu.vector_load %arg11[%swap3A_982, %swap3A_983] {strides = array<i32>} : memref<32x128xf32, #tpu.memory_space<vmem>>, vector<16xf32>,
    tpu.vector_store %arg11[%swap3A_982, %swap3A_983], %broadcast_in_dim3A_1 {strides = array<i32>} : memref<32x128xf32, #tpu.memory_space<vmem>>, vector<16xf32>,
    %swap3A_985 = arith.constant 30 : i32
    %swap3A_986 = arith.index_cast %swap3A_985 : i32 to index
    %swap3A_987 = arith.constant 96 : index
    %swap3A_988 = tpu.vector_load %arg11[%swap3A_986, %swap3A_987] {strides = array<i32>} : memref<32x128xf32, #tpu.memory_space<vmem>>, vector<16xf32>,
    tpu.vector_store %arg11[%swap3A_986, %swap3A_987], %broadcast_in_dim3A_1 {strides = array<i32>} : memref<32x128xf32, #tpu.memory_space<vmem>>, vector<16xf32>,
    %swap3A_989 = arith.constant 30 : i32
    %swap3A_990 = arith.index_cast %swap3A_989 : i32 to index
    %swap3A_991 = arith.constant 112 : index
    %swap3A_992 = tpu.vector_load %arg11[%swap3A_990, %swap3A_991] {strides = array<i32>} : memref<32x128xf32, #tpu.memory_space<vmem>>, vector<16xf32>,
    tpu.vector_store %arg11[%swap3A_990, %swap3A_991], %broadcast_in_dim3A_1 {strides = array<i32>} : memref<32x128xf32, #tpu.memory_space<vmem>>, vector<16xf32>,
    %swap3A_993 = arith.constant 31 : i32
    %swap3A_994 = arith.index_cast %swap3A_993 : i32 to index
    %swap3A_995 = arith.constant 0 : index
    %swap3A_996 = tpu.vector_load %arg11[%swap3A_994, %swap3A_995] {strides = array<i32>} : memref<32x128xf32, #tpu.memory_space<vmem>>, vector<16xf32>,
    tpu.vector_store %arg11[%swap3A_994, %swap3A_995], %broadcast_in_dim3A_1 {strides = array<i32>} : memref<32x128xf32, #tpu.memory_space<vmem>>, vector<16xf32>,
    %swap3A_997 = arith.constant 31 : i32
    %swap3A_998 = arith.index_cast %swap3A_997 : i32 to index
    %swap3A_999 = arith.constant 16 : index
    %swap3A_1000 = tpu.vector_load %arg11[%swap3A_998, %swap3A_999] {strides = array<i32>} : memref<32x128xf32, #tpu.memory_space<vmem>>, vector<16xf32>,
    tpu.vector_store %arg11[%swap3A_998, %swap3A_999], %broadcast_in_dim3A_1 {strides = array<i32>} : memref<32x128xf32, #tpu.memory_space<vmem>>, vector<16xf32>,
    %swap3A_1001 = arith.constant 31 : i32
    %swap3A_1002 = arith.index_cast %swap3A_1001 : i32 to index
    %swap3A_1003 = arith.constant 32 : index
    %swap3A_1004 = tpu.vector_load %arg11[%swap3A_1002, %swap3A_1003] {strides = array<i32>} : memref<32x128xf32, #tpu.memory_space<vmem>>, vector<16xf32>,
    tpu.vector_store %arg11[%swap3A_1002, %swap3A_1003], %broadcast_in_dim3A_1 {strides = array<i32>} : memref<32x128xf32, #tpu.memory_space<vmem>>, vector<16xf32>,
    %swap3A_1005 = arith.constant 31 : i32
    %swap3A_1006 = arith.index_cast %swap3A_1005 : i32 to index
    %swap3A_1007 = arith.constant 48 : index
    %swap3A_1008 = tpu.vector_load %arg11[%swap3A_1006, %swap3A_1007] {strides = array<i32>} : memref<32x128xf32, #tpu.memory_space<vmem>>, vector<16xf32>,
    tpu.vector_store %arg11[%swap3A_1006, %swap3A_1007], %broadcast_in_dim3A_1 {strides = array<i32>} : memref<32x128xf32, #tpu.memory_space<vmem>>, vector<16xf32>,
    %swap3A_1009 = arith.constant 31 : i32
    %swap3A_1010 = arith.index_cast %swap3A_1009 : i32 to index
    %swap3A_1011 = arith.constant 64 : index
    %swap3A_1012 = tpu.vector_load %arg11[%swap3A_1010, %swap3A_1011] {strides = array<i32>} : memref<32x128xf32, #tpu.memory_space<vmem>>, vector<16xf32>,
    tpu.vector_store %arg11[%swap3A_1010, %swap3A_1011], %broadcast_in_dim3A_1 {strides = array<i32>} : memref<32x128xf32, #tpu.memory_space<vmem>>, vector<16xf32>,
    %swap3A_1013 = arith.constant 31 : i32
    %swap3A_1014 = arith.index_cast %swap3A_1013 : i32 to index
    %swap3A_1015 = arith.constant 80 : index
    %swap3A_1016 = tpu.vector_load %arg11[%swap3A_1014, %swap3A_1015] {strides = array<i32>} : memref<32x128xf32, #tpu.memory_space<vmem>>, vector<16xf32>,
    tpu.vector_store %arg11[%swap3A_1014, %swap3A_1015], %broadcast_in_dim3A_1 {strides = array<i32>} : memref<32x128xf32, #tpu.memory_space<vmem>>, vector<16xf32>,
    %swap3A_1017 = arith.constant 31 : i32
    %swap3A_1018 = arith.index_cast %swap3A_1017 : i32 to index
    %swap3A_1019 = arith.constant 96 : index
    %swap3A_1020 = tpu.vector_load %arg11[%swap3A_1018, %swap3A_1019] {strides = array<i32>} : memref<32x128xf32, #tpu.memory_space<vmem>>, vector<16xf32>,
    tpu.vector_store %arg11[%swap3A_1018, %swap3A_1019], %broadcast_in_dim3A_1 {strides = array<i32>} : memref<32x128xf32, #tpu.memory_space<vmem>>, vector<16xf32>,
    %swap3A_1021 = arith.constant 31 : i32
    %swap3A_1022 = arith.index_cast %swap3A_1021 : i32 to index
    %swap3A_1023 = arith.constant 112 : index
    %swap3A_1024 = tpu.vector_load %arg11[%swap3A_1022, %swap3A_1023] {strides = array<i32>} : memref<32x128xf32, #tpu.memory_space<vmem>>, vector<16xf32>,
    tpu.vector_store %arg11[%swap3A_1022, %swap3A_1023], %broadcast_in_dim3A_1 {strides = array<i32>} : memref<32x128xf32, #tpu.memory_space<vmem>>, vector<16xf32>,
    %scan3A = arith.constant 0 : i32
    %scan3A_1025 = arith.constant 0 : i32
    %scan3A_1026 = arith.constant 20 : i32
    %scan3A_1027 = arith.addi %scan3A_1025, %scan3A_1026 : i32
    %scan3A_1028 = arith.constant 1 : i32
    scf.for %scan3A_1041 = %scan3A_1025 to %scan3A_1027 step %scan3A_1028  : i32 {
      %mul3A_1042 = arith.constant 640 : i32
      %mul3A_1043 = arith.muli %arg1, %mul3A_1042 : i32
      %mul3A_1044 = arith.constant 32 : i32
      %mul3A_1045 = arith.muli %scan3A_1041, %mul3A_1044 : i32
      %add3A_1046 = arith.addi %mul3A_1043, %mul3A_1045 : i32
      "tpu.region"() ({
        %run_scoped3A = tpu.sem_alloc : memref<!tpu.dma_semaphore, #tpu.memory_space<semaphore_mem>>
        %dma_start3A = arith.constant 0 : i32
        %dma_start3A_1047 = tpu.memref_slice %arg12[%add3A_1046, %dma_start3A] : memref<10240x128xf32, #tpu.memory_space<vmem_shared>> -> memref<32x128xf32, #tpu.memory_space<vmem_shared>>
        %dma_start3A_1048 = arith.constant 0 : i32
        %dma_start3A_1049 = tpu.memref_slice %arg12[%add3A_1046, %dma_start3A_1048] : memref<10240x128xf32, #tpu.memory_space<vmem_shared>> -> memref<32x128xf32, #tpu.memory_space<vmem_shared>>
        tpu.enqueue_dma source(%arg11 : memref<32x128xf32, #tpu.memory_space<vmem>>) target(%dma_start3A_1049 : memref<32x128xf32, #tpu.memory_space<vmem_shared>>) target_semaphore(%run_scoped3A : memref<!tpu.dma_semaphore, #tpu.memory_space<semaphore_mem>>)
        %dma_wait3A = arith.constant 0 : i32
        %dma_wait3A_1050 = tpu.memref_slice %arg12[%add3A_1046, %dma_wait3A] : memref<10240x128xf32, #tpu.memory_space<vmem_shared>> -> memref<32x128xf32, #tpu.memory_space<vmem_shared>>
        %dma_wait3A_1051 = arith.constant 0 : i32
        %dma_wait3A_1052 = tpu.memref_slice %arg12[%add3A_1046, %dma_wait3A_1051] : memref<10240x128xf32, #tpu.memory_space<vmem_shared>> -> memref<32x128xf32, #tpu.memory_space<vmem_shared>>
        tpu.wait_dma2 semaphore(%run_scoped3A : memref<!tpu.dma_semaphore, #tpu.memory_space<semaphore_mem>>) src(%arg11 : memref<32x128xf32, #tpu.memory_space<vmem>>) dst(%dma_wait3A_1052 : memref<32x128xf32, #tpu.memory_space<vmem_shared>>)
        tpu.yield
      }) : () -> ()
    }
    %scan3A_1029 = arith.constant 20 : i32
    %barrier3A = arith.constant 0 : index
    tpu.barrier barrier_id(%barrier3A)
    %scan3A_1030 = arith.constant 0 : i32
    %scan3A_1031 = arith.constant 0 : i32
    %scan3A_1032 = arith.constant 125 : i32
    %scan3A_1033 = arith.addi %scan3A_1031, %scan3A_1032 : i32
    %scan3A_1034 = arith.constant 1 : i32
    scf.for %scan3A_1041 = %scan3A_1031 to %scan3A_1033 step %scan3A_1034  : i32 {
      %mul3A_1042 = arith.constant 10000 : i32
      %mul3A_1043 = arith.muli %add3A, %mul3A_1042 : i32
      %mul3A_1044 = arith.constant 80 : i32
      %mul3A_1045 = arith.muli %scan3A_1041, %mul3A_1044 : i32
      %add3A_1046 = arith.addi %mul3A_1043, %mul3A_1045 : i32
      "tpu.region"() ({
        %run_scoped3A = tpu.sem_alloc : memref<!tpu.dma_semaphore, #tpu.memory_space<semaphore_mem>>
        %dma_start3A_1057 = tpu.memref_slice %arg2[%add3A_1046] : memref<320000xi32, #tpu.memory_space<hbm>> -> memref<80xi32, #tpu.memory_space<hbm>>
        %dma_start3A_1058 = tpu.memref_slice %arg2[%add3A_1046] : memref<320000xi32, #tpu.memory_space<hbm>> -> memref<80xi32, #tpu.memory_space<hbm>>
        tpu.enqueue_dma source(%dma_start3A_1058 : memref<80xi32, #tpu.memory_space<hbm>>) target(%arg7 : memref<80xi32, #tpu.memory_space<vmem>>) target_semaphore(%run_scoped3A : memref<!tpu.dma_semaphore, #tpu.memory_space<semaphore_mem>>)
        %dma_wait3A_1059 = tpu.memref_slice %arg2[%add3A_1046] : memref<320000xi32, #tpu.memory_space<hbm>> -> memref<80xi32, #tpu.memory_space<hbm>>
        %dma_wait3A_1060 = tpu.memref_slice %arg2[%add3A_1046] : memref<320000xi32, #tpu.memory_space<hbm>> -> memref<80xi32, #tpu.memory_space<hbm>>
        tpu.wait_dma2 semaphore(%run_scoped3A : memref<!tpu.dma_semaphore, #tpu.memory_space<semaphore_mem>>) src(%dma_wait3A_1060 : memref<80xi32, #tpu.memory_space<hbm>>) dst(%arg7 : memref<80xi32, #tpu.memory_space<vmem>>)
        tpu.yield
      }) : () -> ()
      "tpu.region"() ({
        %run_scoped3A = tpu.sem_alloc : memref<!tpu.dma_semaphore, #tpu.memory_space<semaphore_mem>>
        %dma_start3A_1057 = tpu.memref_slice %arg3[%add3A_1046] : memref<320000xf32, #tpu.memory_space<hbm>> -> memref<80xf32, #tpu.memory_space<hbm>>
        %dma_start3A_1058 = tpu.memref_slice %arg3[%add3A_1046] : memref<320000xf32, #tpu.memory_space<hbm>> -> memref<80xf32, #tpu.memory_space<hbm>>
        tpu.enqueue_dma source(%dma_start3A_1058 : memref<80xf32, #tpu.memory_space<hbm>>) target(%arg10 : memref<80xf32, #tpu.memory_space<vmem>>) target_semaphore(%run_scoped3A : memref<!tpu.dma_semaphore, #tpu.memory_space<semaphore_mem>>)
        %dma_wait3A_1059 = tpu.memref_slice %arg3[%add3A_1046] : memref<320000xf32, #tpu.memory_space<hbm>> -> memref<80xf32, #tpu.memory_space<hbm>>
        %dma_wait3A_1060 = tpu.memref_slice %arg3[%add3A_1046] : memref<320000xf32, #tpu.memory_space<hbm>> -> memref<80xf32, #tpu.memory_space<hbm>>
        tpu.wait_dma2 semaphore(%run_scoped3A : memref<!tpu.dma_semaphore, #tpu.memory_space<semaphore_mem>>) src(%dma_wait3A_1060 : memref<80xf32, #tpu.memory_space<hbm>>) dst(%arg10 : memref<80xf32, #tpu.memory_space<vmem>>)
        tpu.yield
      }) : () -> ()
      "tpu.region"() ({
        %run_scoped3A = tpu.sem_alloc : memref<!tpu.dma_semaphore, #tpu.memory_space<semaphore_mem>>
        %dma_start3A_1057 = tpu.memref_slice %arg4[%add3A_1046] : memref<320000xi32, #tpu.memory_space<hbm>> -> memref<80xi32, #tpu.memory_space<hbm>>
        %dma_start3A_1058 = tpu.memref_slice %arg4[%add3A_1046] : memref<320000xi32, #tpu.memory_space<hbm>> -> memref<80xi32, #tpu.memory_space<hbm>>
        tpu.enqueue_dma source(%dma_start3A_1058 : memref<80xi32, #tpu.memory_space<hbm>>) target(%arg8 : memref<80xi32, #tpu.memory_space<vmem>>) target_semaphore(%run_scoped3A : memref<!tpu.dma_semaphore, #tpu.memory_space<semaphore_mem>>)
        %dma_wait3A_1059 = tpu.memref_slice %arg4[%add3A_1046] : memref<320000xi32, #tpu.memory_space<hbm>> -> memref<80xi32, #tpu.memory_space<hbm>>
        %dma_wait3A_1060 = tpu.memref_slice %arg4[%add3A_1046] : memref<320000xi32, #tpu.memory_space<hbm>> -> memref<80xi32, #tpu.memory_space<hbm>>
        tpu.wait_dma2 semaphore(%run_scoped3A : memref<!tpu.dma_semaphore, #tpu.memory_space<semaphore_mem>>) src(%dma_wait3A_1060 : memref<80xi32, #tpu.memory_space<hbm>>) dst(%arg8 : memref<80xi32, #tpu.memory_space<vmem>>)
        tpu.yield
      }) : () -> ()
      %dma_start3A = arith.constant 0 : i32
      %dma_start3A_1047 = arith.constant 0 : i32
      %dma_start3A_1048 = tpu.memref_slice %arg5[%dma_start3A, %dma_start3A_1047] : memref<80000x128xf32, #tpu.memory_space<hbm>> -> memref<80000x128xf32, #tpu.memory_space<hbm>>
      tpu.enqueue_indirect_dma source(%dma_start3A_1048 : memref<80000x128xf32, #tpu.memory_space<hbm>>) target(%arg9 : memref<80x128xf32, #tpu.memory_space<vmem>>) offsets(%arg7 : memref<80xi32, #tpu.memory_space<vmem>>) semaphore(%arg13 : memref<!tpu.dma_semaphore, #tpu.memory_space<semaphore_mem>>)
      %dma_wait3A = arith.constant 0 : i32
      %dma_wait3A_1049 = arith.constant 0 : i32
      %dma_wait3A_1050 = tpu.memref_slice %arg5[%dma_wait3A, %dma_wait3A_1049] : memref<80000x128xf32, #tpu.memory_space<hbm>> -> memref<80000x128xf32, #tpu.memory_space<hbm>>
      tpu.wait_indirect_dma semaphore(%arg13 : memref<!tpu.dma_semaphore, #tpu.memory_space<semaphore_mem>>) src(%dma_wait3A_1050 : memref<80000x128xf32, #tpu.memory_space<hbm>>) dst(%arg9 : memref<80x128xf32, #tpu.memory_space<vmem>>)
      %scan3A_1051 = arith.constant 0 : i32
      %scan3A_1052 = arith.constant 0 : i32
      %scan3A_1053 = arith.constant 80 : i32
      %scan3A_1054 = arith.addi %scan3A_1052, %scan3A_1053 : i32
      %scan3A_1055 = arith.constant 1 : i32
      scf.for %scan3A_1057 = %scan3A_1052 to %scan3A_1054 step %scan3A_1055  : i32 {
        %broadcast_in_dim3A_1058 = vector.broadcast %scan3A_1057 : i32 to vector<16xi32>
        %gather3A = tpu.vector_load_idx %arg10[%broadcast_in_dim3A_1058] : memref<80xf32, #tpu.memory_space<vmem>>[vector<16xi32>], vector<16xf32>,
        %get3A = arith.index_cast %scan3A_1057 : i32 to index
        %get3A_1059 = arith.constant 0 : index
        %get3A_1060 = tpu.vector_load %arg9[%get3A, %get3A_1059] {strides = array<i32>} : memref<80x128xf32, #tpu.memory_space<vmem>>, vector<16xf32>,
        %mul3A_1061 = arith.mulf %get3A_1060, %gather3A : vector<16xf32>
        %swap3A_1062 = arith.index_cast %scan3A_1057 : i32 to index
        %swap3A_1063 = arith.constant 0 : index
        %swap3A_1064 = tpu.vector_load %arg9[%swap3A_1062, %swap3A_1063] {strides = array<i32>} : memref<80x128xf32, #tpu.memory_space<vmem>>, vector<16xf32>,
        tpu.vector_store %arg9[%swap3A_1062, %swap3A_1063], %mul3A_1061 {strides = array<i32>} : memref<80x128xf32, #tpu.memory_space<vmem>>, vector<16xf32>,
        %get3A_1065 = arith.index_cast %scan3A_1057 : i32 to index
        %get3A_1066 = arith.constant 16 : index
        %get3A_1067 = tpu.vector_load %arg9[%get3A_1065, %get3A_1066] {strides = array<i32>} : memref<80x128xf32, #tpu.memory_space<vmem>>, vector<16xf32>,
        %mul3A_1068 = arith.mulf %get3A_1067, %gather3A : vector<16xf32>
        %swap3A_1069 = arith.index_cast %scan3A_1057 : i32 to index
        %swap3A_1070 = arith.constant 16 : index
        %swap3A_1071 = tpu.vector_load %arg9[%swap3A_1069, %swap3A_1070] {strides = array<i32>} : memref<80x128xf32, #tpu.memory_space<vmem>>, vector<16xf32>,
        tpu.vector_store %arg9[%swap3A_1069, %swap3A_1070], %mul3A_1068 {strides = array<i32>} : memref<80x128xf32, #tpu.memory_space<vmem>>, vector<16xf32>,
        %get3A_1072 = arith.index_cast %scan3A_1057 : i32 to index
        %get3A_1073 = arith.constant 32 : index
        %get3A_1074 = tpu.vector_load %arg9[%get3A_1072, %get3A_1073] {strides = array<i32>} : memref<80x128xf32, #tpu.memory_space<vmem>>, vector<16xf32>,
        %mul3A_1075 = arith.mulf %get3A_1074, %gather3A : vector<16xf32>
        %swap3A_1076 = arith.index_cast %scan3A_1057 : i32 to index
        %swap3A_1077 = arith.constant 32 : index
        %swap3A_1078 = tpu.vector_load %arg9[%swap3A_1076, %swap3A_1077] {strides = array<i32>} : memref<80x128xf32, #tpu.memory_space<vmem>>, vector<16xf32>,
        tpu.vector_store %arg9[%swap3A_1076, %swap3A_1077], %mul3A_1075 {strides = array<i32>} : memref<80x128xf32, #tpu.memory_space<vmem>>, vector<16xf32>,
        %get3A_1079 = arith.index_cast %scan3A_1057 : i32 to index
        %get3A_1080 = arith.constant 48 : index
        %get3A_1081 = tpu.vector_load %arg9[%get3A_1079, %get3A_1080] {strides = array<i32>} : memref<80x128xf32, #tpu.memory_space<vmem>>, vector<16xf32>,
        %mul3A_1082 = arith.mulf %get3A_1081, %gather3A : vector<16xf32>
        %swap3A_1083 = arith.index_cast %scan3A_1057 : i32 to index
        %swap3A_1084 = arith.constant 48 : index
        %swap3A_1085 = tpu.vector_load %arg9[%swap3A_1083, %swap3A_1084] {strides = array<i32>} : memref<80x128xf32, #tpu.memory_space<vmem>>, vector<16xf32>,
        tpu.vector_store %arg9[%swap3A_1083, %swap3A_1084], %mul3A_1082 {strides = array<i32>} : memref<80x128xf32, #tpu.memory_space<vmem>>, vector<16xf32>,
        %get3A_1086 = arith.index_cast %scan3A_1057 : i32 to index
        %get3A_1087 = arith.constant 64 : index
        %get3A_1088 = tpu.vector_load %arg9[%get3A_1086, %get3A_1087] {strides = array<i32>} : memref<80x128xf32, #tpu.memory_space<vmem>>, vector<16xf32>,
        %mul3A_1089 = arith.mulf %get3A_1088, %gather3A : vector<16xf32>
        %swap3A_1090 = arith.index_cast %scan3A_1057 : i32 to index
        %swap3A_1091 = arith.constant 64 : index
        %swap3A_1092 = tpu.vector_load %arg9[%swap3A_1090, %swap3A_1091] {strides = array<i32>} : memref<80x128xf32, #tpu.memory_space<vmem>>, vector<16xf32>,
        tpu.vector_store %arg9[%swap3A_1090, %swap3A_1091], %mul3A_1089 {strides = array<i32>} : memref<80x128xf32, #tpu.memory_space<vmem>>, vector<16xf32>,
        %get3A_1093 = arith.index_cast %scan3A_1057 : i32 to index
        %get3A_1094 = arith.constant 80 : index
        %get3A_1095 = tpu.vector_load %arg9[%get3A_1093, %get3A_1094] {strides = array<i32>} : memref<80x128xf32, #tpu.memory_space<vmem>>, vector<16xf32>,
        %mul3A_1096 = arith.mulf %get3A_1095, %gather3A : vector<16xf32>
        %swap3A_1097 = arith.index_cast %scan3A_1057 : i32 to index
        %swap3A_1098 = arith.constant 80 : index
        %swap3A_1099 = tpu.vector_load %arg9[%swap3A_1097, %swap3A_1098] {strides = array<i32>} : memref<80x128xf32, #tpu.memory_space<vmem>>, vector<16xf32>,
        tpu.vector_store %arg9[%swap3A_1097, %swap3A_1098], %mul3A_1096 {strides = array<i32>} : memref<80x128xf32, #tpu.memory_space<vmem>>, vector<16xf32>,
        %get3A_1100 = arith.index_cast %scan3A_1057 : i32 to index
        %get3A_1101 = arith.constant 96 : index
        %get3A_1102 = tpu.vector_load %arg9[%get3A_1100, %get3A_1101] {strides = array<i32>} : memref<80x128xf32, #tpu.memory_space<vmem>>, vector<16xf32>,
        %mul3A_1103 = arith.mulf %get3A_1102, %gather3A : vector<16xf32>
        %swap3A_1104 = arith.index_cast %scan3A_1057 : i32 to index
        %swap3A_1105 = arith.constant 96 : index
        %swap3A_1106 = tpu.vector_load %arg9[%swap3A_1104, %swap3A_1105] {strides = array<i32>} : memref<80x128xf32, #tpu.memory_space<vmem>>, vector<16xf32>,
        tpu.vector_store %arg9[%swap3A_1104, %swap3A_1105], %mul3A_1103 {strides = array<i32>} : memref<80x128xf32, #tpu.memory_space<vmem>>, vector<16xf32>,
        %get3A_1107 = arith.index_cast %scan3A_1057 : i32 to index
        %get3A_1108 = arith.constant 112 : index
        %get3A_1109 = tpu.vector_load %arg9[%get3A_1107, %get3A_1108] {strides = array<i32>} : memref<80x128xf32, #tpu.memory_space<vmem>>, vector<16xf32>,
        %mul3A_1110 = arith.mulf %get3A_1109, %gather3A : vector<16xf32>
        %swap3A_1111 = arith.index_cast %scan3A_1057 : i32 to index
        %swap3A_1112 = arith.constant 112 : index
        %swap3A_1113 = tpu.vector_load %arg9[%swap3A_1111, %swap3A_1112] {strides = array<i32>} : memref<80x128xf32, #tpu.memory_space<vmem>>, vector<16xf32>,
        tpu.vector_store %arg9[%swap3A_1111, %swap3A_1112], %mul3A_1110 {strides = array<i32>} : memref<80x128xf32, #tpu.memory_space<vmem>>, vector<16xf32>,
      }
      %scan3A_1056 = arith.constant 80 : i32
      "tpu.region"() ({
        %run_scoped3A = tpu.sem_alloc : memref<!tpu.dma_semaphore, #tpu.memory_space<semaphore_mem>>
        %dma_start3A_1057 = arith.constant 0 : i32
        %dma_start3A_1058 = arith.constant 0 : i32
        %dma_start3A_1059 = tpu.memref_slice %arg12[%dma_start3A_1057, %dma_start3A_1058] : memref<10240x128xf32, #tpu.memory_space<vmem_shared>> -> memref<10240x128xf32, #tpu.memory_space<vmem_shared>>
        tpu.enqueue_indirect_dma source(%arg9 : memref<80x128xf32, #tpu.memory_space<vmem>>) target(%dma_start3A_1059 : memref<10240x128xf32, #tpu.memory_space<vmem_shared>>) offsets(%arg8 : memref<80xi32, #tpu.memory_space<vmem>>) semaphore(%run_scoped3A : memref<!tpu.dma_semaphore, #tpu.memory_space<semaphore_mem>>) {add = true}
        %dma_wait3A_1060 = arith.constant 0 : i32
        %dma_wait3A_1061 = arith.constant 0 : i32
        %dma_wait3A_1062 = tpu.memref_slice %arg12[%dma_wait3A_1060, %dma_wait3A_1061] : memref<10240x128xf32, #tpu.memory_space<vmem_shared>> -> memref<10240x128xf32, #tpu.memory_space<vmem_shared>>
        tpu.wait_indirect_dma semaphore(%run_scoped3A : memref<!tpu.dma_semaphore, #tpu.memory_space<semaphore_mem>>) src(%arg9 : memref<80x128xf32, #tpu.memory_space<vmem>>) dst(%dma_wait3A_1062 : memref<10240x128xf32, #tpu.memory_space<vmem_shared>>)
        tpu.yield
      }) : () -> ()
    }
    %scan3A_1035 = arith.constant 125 : i32
    %barrier3A_1036 = arith.constant 0 : index
    tpu.barrier barrier_id(%barrier3A_1036)
    %mul3A_1037 = arith.constant 640 : i32
    %mul3A_1038 = arith.muli %arg1, %mul3A_1037 : i32
    %mul3A_1039 = arith.constant 640 : i32
    %mul3A_1040 = arith.muli %arg1, %mul3A_1039 : i32
    "tpu.region"() ({
      %run_scoped3A = tpu.sem_alloc : memref<!tpu.dma_semaphore, #tpu.memory_space<semaphore_mem>>
      %dma_start3A = arith.constant 0 : i32
      %dma_start3A_1041 = tpu.memref_slice %arg6[%arg0, %mul3A_1040, %dma_start3A] : memref<2x10240x128xf32, #tpu.memory_space<hbm>> -> memref<1x640x128xf32, #tpu.memory_space<hbm>>
      %dma_start3A_1042 = tpu.memref_squeeze %dma_start3A_1041 : memref<1x640x128xf32, #tpu.memory_space<hbm>> -> memref<640x128xf32, #tpu.memory_space<hbm>>
      %dma_start3A_1043 = arith.constant 0 : i32
      %dma_start3A_1044 = tpu.memref_slice %arg12[%mul3A_1038, %dma_start3A_1043] : memref<10240x128xf32, #tpu.memory_space<vmem_shared>> -> memref<640x128xf32, #tpu.memory_space<vmem_shared>>
      tpu.enqueue_dma source(%dma_start3A_1044 : memref<640x128xf32, #tpu.memory_space<vmem_shared>>) target(%dma_start3A_1042 : memref<640x128xf32, #tpu.memory_space<hbm>>) target_semaphore(%run_scoped3A : memref<!tpu.dma_semaphore, #tpu.memory_space<semaphore_mem>>)
      %dma_wait3A = arith.constant 0 : i32
      %dma_wait3A_1045 = tpu.memref_slice %arg6[%arg0, %mul3A_1040, %dma_wait3A] : memref<2x10240x128xf32, #tpu.memory_space<hbm>> -> memref<1x640x128xf32, #tpu.memory_space<hbm>>
      %dma_wait3A_1046 = tpu.memref_squeeze %dma_wait3A_1045 : memref<1x640x128xf32, #tpu.memory_space<hbm>> -> memref<640x128xf32, #tpu.memory_space<hbm>>
      %dma_wait3A_1047 = arith.constant 0 : i32
      %dma_wait3A_1048 = tpu.memref_slice %arg12[%mul3A_1038, %dma_wait3A_1047] : memref<10240x128xf32, #tpu.memory_space<vmem_shared>> -> memref<640x128xf32, #tpu.memory_space<vmem_shared>>
      tpu.wait_dma2 semaphore(%run_scoped3A : memref<!tpu.dma_semaphore, #tpu.memory_space<semaphore_mem>>) src(%dma_wait3A_1048 : memref<640x128xf32, #tpu.memory_space<vmem_shared>>) dst(%dma_wait3A_1046 : memref<640x128xf32, #tpu.memory_space<hbm>>)
      tpu.yield
    }) : () -> ()
    return
  }
}

module attributes {stable_mosaic.version = 14 : i64} {
  func.func @_recip_body(%arg0: memref<32x625x128xf32, #tpu.memory_space<vmem>>, %arg1: memref<625x128xf32, #tpu.memory_space<vmem>>) attributes {dimension_semantics = [], scalar_prefetch = 0 : i64, scratch_operands = 0 : i64, tpu.core_type = #tpu.core_type<tc>} {
    %get3A = arith.constant 0 : index
    %get3A_0 = arith.constant 0 : index
    %get3A_1 = arith.constant 0 : index
    %get3A_2 = vector.load %arg0[%get3A, %get3A_0, %get3A_1] : memref<32x625x128xf32, #tpu.memory_space<vmem>>, vector<32x625x128xf32>
    %reduce_sum3A = arith.constant dense<0.000000e+00> : vector<625x128xf32>
    %reduce_sum3A_3 = vector.multi_reduction <add>, %get3A_2, %reduce_sum3A [0] : vector<32x625x128xf32> to vector<625x128xf32>
    %max3A = arith.constant 1.000000e+00 : f32
    %max3A_4 = vector.broadcast %max3A : f32 to vector<625x128xf32>
    %max3A_5 = arith.maximumf %reduce_sum3A_3, %max3A_4 : vector<625x128xf32>
    %div3A = arith.constant 1.000000e+00 : f32
    %div3A_6 = vector.broadcast %div3A : f32 to vector<625x128xf32>
    %div3A_7 = arith.divf %div3A_6, %max3A_5 : vector<625x128xf32>
    %swap3A = arith.constant 0 : index
    %swap3A_8 = arith.constant 0 : index
    %swap3A_9 = vector.load %arg1[%swap3A, %swap3A_8] : memref<625x128xf32, #tpu.memory_space<vmem>>, vector<625x128xf32>
    tpu.vector_store %arg1[%swap3A, %swap3A_8], %div3A_7 {strides = array<i32>} : memref<625x128xf32, #tpu.memory_space<vmem>>, vector<625x128xf32>,
    return
  }
}

module attributes {stable_mosaic.version = 14 : i64} {
  func.func @_tca_body(%arg0: i32, %arg1: memref<1000x128xf32, #tpu.memory_space<vmem>>, %arg2: memref<128x128xf32, #tpu.memory_space<vmem>>, %arg3: memref<1x128xf32, #tpu.memory_space<vmem>>, %arg4: memref<128x1024xf32, #tpu.memory_space<vmem>>, %arg5: memref<128x128xf32, #tpu.memory_space<vmem>>, %arg6: memref<1x128xf32, #tpu.memory_space<vmem>>, %arg7: memref<1000x1024xf32, #tpu.memory_space<vmem>>, %arg8: memref<1000x128xf32, #tpu.memory_space<vmem>>) attributes {dimension_semantics = [#tpu.dimension_semantics<arbitrary>], iteration_bounds = array<i64: 10>, scalar_prefetch = 0 : i64, scratch_operands = 0 : i64, tpu.core_type = #tpu.core_type<tc>, window_params = [{transform_indices = @transform_0, window_bounds = array<i64: 1000, 128>}, {pipeline_mode = #tpu.pipeline_mode<synchronous>, transform_indices = @transform_1, window_bounds = array<i64: 128, 128>}, {pipeline_mode = #tpu.pipeline_mode<synchronous>, transform_indices = @transform_2, window_bounds = array<i64: 1, 128>}, {pipeline_mode = #tpu.pipeline_mode<synchronous>, transform_indices = @transform_3, window_bounds = array<i64: 128, 1024>}, {pipeline_mode = #tpu.pipeline_mode<synchronous>, transform_indices = @transform_4, window_bounds = array<i64: 128, 128>}, {pipeline_mode = #tpu.pipeline_mode<synchronous>, transform_indices = @transform_5, window_bounds = array<i64: 1, 128>}, {transform_indices = @transform_6, window_bounds = array<i64: 1000, 1024>}, {transform_indices = @transform_7, window_bounds = array<i64: 1000, 128>}]} {
    %get3A = arith.constant 0 : index
    %get3A_0 = arith.constant 0 : index
    %get3A_1 = vector.load %arg1[%get3A, %get3A_0] : memref<1000x128xf32, #tpu.memory_space<vmem>>, vector<1000x128xf32>
    %get3A_2 = arith.constant 0 : index
    %get3A_3 = arith.constant 0 : index
    %get3A_4 = vector.load %arg2[%get3A_2, %get3A_3] : memref<128x128xf32, #tpu.memory_space<vmem>>, vector<128x128xf32>
    %transpose3A = tpu.transpose %get3A_4, [1, 0] : vector<128x128xf32> -> vector<128x128xf32>
    %dot_general3A = arith.constant dense<0.000000e+00> : vector<1000x128xf32>
    %dot_general3A_5 = tpu.matmul %get3A_1, %transpose3A, %dot_general3A {dimension_numbers = #tpu.dot_dimension_numbers<[1], [0], [0], [1], [0, 0, 1, 1], [], []>, transpose_lhs_hint = false} : vector<1000x128xf32>, vector<128x128xf32>, vector<1000x128xf32> -> vector<1000x128xf32>
    %get3A_6 = arith.constant 0 : index
    %get3A_7 = arith.constant 0 : index
    %get3A_8 = vector.load %arg3[%get3A_6, %get3A_7] : memref<1x128xf32, #tpu.memory_space<vmem>>, vector<1x128xf32>
    %add3A = vector.broadcast %get3A_8 : vector<1x128xf32> to vector<1000x128xf32>
    %add3A_9 = arith.addf %dot_general3A_5, %add3A : vector<1000x128xf32>
    %ge3A = arith.constant 0.000000e+00 : f32
    %ge3A_10 = vector.broadcast %ge3A : f32 to vector<1000x128xf32>
    %ge3A_11 = arith.cmpf oge, %add3A_9, %ge3A_10 : vector<1000x128xf32>
    %mul3A = arith.constant 0.00999999977 : f32
    %mul3A_12 = vector.broadcast %mul3A : f32 to vector<1000x128xf32>
    %mul3A_13 = arith.mulf %mul3A_12, %add3A_9 : vector<1000x128xf32>
    %select_n3A = arith.select %ge3A_11, %add3A_9, %mul3A_13 : vector<1000x128xi1>, vector<1000x128xf32>
    %get3A_14 = arith.constant 0 : index
    %get3A_15 = arith.constant 0 : index
    %get3A_16 = vector.load %arg4[%get3A_14, %get3A_15] : memref<128x1024xf32, #tpu.memory_space<vmem>>, vector<128x1024xf32>
    %dot_general3A_17 = arith.constant dense<0.000000e+00> : vector<1000x1024xf32>
    %dot_general3A_18 = tpu.matmul %select_n3A, %get3A_16, %dot_general3A_17 {dimension_numbers = #tpu.dot_dimension_numbers<[1], [0], [0], [1], [0, 0, 1, 1], [], []>, transpose_lhs_hint = false} : vector<1000x128xf32>, vector<128x1024xf32>, vector<1000x1024xf32> -> vector<1000x1024xf32>
    %swap3A = arith.constant 0 : index
    %swap3A_19 = arith.constant 0 : index
    %swap3A_20 = vector.load %arg7[%swap3A, %swap3A_19] : memref<1000x1024xf32, #tpu.memory_space<vmem>>, vector<1000x1024xf32>
    tpu.vector_store %arg7[%swap3A, %swap3A_19], %dot_general3A_18 {strides = array<i32>} : memref<1000x1024xf32, #tpu.memory_space<vmem>>, vector<1000x1024xf32>,
    %get3A_21 = arith.constant 0 : index
    %get3A_22 = arith.constant 0 : index
    %get3A_23 = vector.load %arg5[%get3A_21, %get3A_22] : memref<128x128xf32, #tpu.memory_space<vmem>>, vector<128x128xf32>
    %dot_general3A_24 = arith.constant dense<0.000000e+00> : vector<1000x128xf32>
    %dot_general3A_25 = tpu.matmul %select_n3A, %get3A_23, %dot_general3A_24 {dimension_numbers = #tpu.dot_dimension_numbers<[1], [0], [0], [1], [0, 0, 1, 1], [], []>, transpose_lhs_hint = false} : vector<1000x128xf32>, vector<128x128xf32>, vector<1000x128xf32> -> vector<1000x128xf32>
    %get3A_26 = arith.constant 0 : index
    %get3A_27 = arith.constant 0 : index
    %get3A_28 = vector.load %arg6[%get3A_26, %get3A_27] : memref<1x128xf32, #tpu.memory_space<vmem>>, vector<1x128xf32>
    %add3A_29 = vector.broadcast %get3A_28 : vector<1x128xf32> to vector<1000x128xf32>
    %add3A_30 = arith.addf %dot_general3A_25, %add3A_29 : vector<1000x128xf32>
    %swap3A_31 = arith.constant 0 : index
    %swap3A_32 = arith.constant 0 : index
    %swap3A_33 = vector.load %arg8[%swap3A_31, %swap3A_32] : memref<1000x128xf32, #tpu.memory_space<vmem>>, vector<1000x128xf32>
    tpu.vector_store %arg8[%swap3A_31, %swap3A_32], %add3A_30 {strides = array<i32>} : memref<1000x128xf32, #tpu.memory_space<vmem>>, vector<1000x128xf32>,
    return
  }
  func.func @transform_0(%arg0: i32) -> (i32, i32) {
    %c0_i32 = arith.constant 0 : i32
    %c0_i32_0 = arith.constant 0 : i32
    return %arg0, %c0_i32 : i32, i32
  }
  func.func @transform_1(%arg0: i32) -> (i32, i32) {
    %c0_i32 = arith.constant 0 : i32
    %c0_i32_0 = arith.constant 0 : i32
    %c0_i32_1 = arith.constant 0 : i32
    return %c0_i32, %c0_i32_0 : i32, i32
  }
  func.func @transform_2(%arg0: i32) -> (i32, i32) {
    %c0_i32 = arith.constant 0 : i32
    %c0_i32_0 = arith.constant 0 : i32
    %c0_i32_1 = arith.constant 0 : i32
    return %c0_i32, %c0_i32_0 : i32, i32
  }
  func.func @transform_3(%arg0: i32) -> (i32, i32) {
    %c0_i32 = arith.constant 0 : i32
    %c0_i32_0 = arith.constant 0 : i32
    %c0_i32_1 = arith.constant 0 : i32
    return %c0_i32, %c0_i32_0 : i32, i32
  }
  func.func @transform_4(%arg0: i32) -> (i32, i32) {
    %c0_i32 = arith.constant 0 : i32
    %c0_i32_0 = arith.constant 0 : i32
    %c0_i32_1 = arith.constant 0 : i32
    return %c0_i32, %c0_i32_0 : i32, i32
  }
  func.func @transform_5(%arg0: i32) -> (i32, i32) {
    %c0_i32 = arith.constant 0 : i32
    %c0_i32_0 = arith.constant 0 : i32
    %c0_i32_1 = arith.constant 0 : i32
    return %c0_i32, %c0_i32_0 : i32, i32
  }
  func.func @transform_6(%arg0: i32) -> (i32, i32) {
    %c0_i32 = arith.constant 0 : i32
    %c0_i32_0 = arith.constant 0 : i32
    return %arg0, %c0_i32 : i32, i32
  }
  func.func @transform_7(%arg0: i32) -> (i32, i32) {
    %c0_i32 = arith.constant 0 : i32
    %c0_i32_0 = arith.constant 0 : i32
    return %arg0, %c0_i32 : i32, i32
  }
}

module attributes {stable_mosaic.version = 14 : i64} {
  func.func @_tcb_body(%arg0: i32, %arg1: memref<1000x128xf32, #tpu.memory_space<vmem>>, %arg2: memref<2x1000x128xf32, #tpu.memory_space<vmem>>, %arg3: memref<128x1024xf32, #tpu.memory_space<vmem>>, %arg4: memref<128x128xf32, #tpu.memory_space<vmem>>, %arg5: memref<1x128xf32, #tpu.memory_space<vmem>>, %arg6: memref<1000x1024xf32, #tpu.memory_space<vmem>>, %arg7: memref<1000x128xf32, #tpu.memory_space<vmem>>) attributes {dimension_semantics = [#tpu.dimension_semantics<arbitrary>], iteration_bounds = array<i64: 10>, scalar_prefetch = 0 : i64, scratch_operands = 0 : i64, tpu.core_type = #tpu.core_type<tc>, window_params = [{transform_indices = @transform_0, window_bounds = array<i64: 1000, 128>}, {transform_indices = @transform_1, window_bounds = array<i64: 2, 1000, 128>}, {pipeline_mode = #tpu.pipeline_mode<synchronous>, transform_indices = @transform_2, window_bounds = array<i64: 128, 1024>}, {pipeline_mode = #tpu.pipeline_mode<synchronous>, transform_indices = @transform_3, window_bounds = array<i64: 128, 128>}, {pipeline_mode = #tpu.pipeline_mode<synchronous>, transform_indices = @transform_4, window_bounds = array<i64: 1, 128>}, {transform_indices = @transform_5, window_bounds = array<i64: 1000, 1024>}, {transform_indices = @transform_6, window_bounds = array<i64: 1000, 128>}]} {
    %get3A = arith.constant 0 : index
    %get3A_0 = arith.constant 0 : index
    %get3A_1 = vector.load %arg1[%get3A, %get3A_0] : memref<1000x128xf32, #tpu.memory_space<vmem>>, vector<1000x128xf32>
    %get3A_2 = arith.constant 0 : index
    %get3A_3 = arith.constant 0 : index
    %get3A_4 = arith.constant 0 : index
    %get3A_5 = vector.load %arg2[%get3A_2, %get3A_3, %get3A_4] : memref<2x1000x128xf32, #tpu.memory_space<vmem>>, vector<1x1000x128xf32>
    %get3A_6 = vector.shape_cast %get3A_5 : vector<1x1000x128xf32> to vector<1000x128xf32>
    %add3A = arith.addf %get3A_1, %get3A_6 : vector<1000x128xf32>
    %get3A_7 = arith.constant 1 : index
    %get3A_8 = arith.constant 0 : index
    %get3A_9 = arith.constant 0 : index
    %get3A_10 = vector.load %arg2[%get3A_7, %get3A_8, %get3A_9] : memref<2x1000x128xf32, #tpu.memory_space<vmem>>, vector<1x1000x128xf32>
    %get3A_11 = vector.shape_cast %get3A_10 : vector<1x1000x128xf32> to vector<1000x128xf32>
    %add3A_12 = arith.addf %add3A, %get3A_11 : vector<1000x128xf32>
    %get3A_13 = arith.constant 0 : index
    %get3A_14 = arith.constant 0 : index
    %get3A_15 = vector.load %arg3[%get3A_13, %get3A_14] : memref<128x1024xf32, #tpu.memory_space<vmem>>, vector<128x1024xf32>
    %dot_general3A = arith.constant dense<0.000000e+00> : vector<1000x1024xf32>
    %dot_general3A_16 = tpu.matmul %add3A_12, %get3A_15, %dot_general3A {dimension_numbers = #tpu.dot_dimension_numbers<[1], [0], [0], [1], [0, 0, 1, 1], [], []>, transpose_lhs_hint = false} : vector<1000x128xf32>, vector<128x1024xf32>, vector<1000x1024xf32> -> vector<1000x1024xf32>
    %swap3A = arith.constant 0 : index
    %swap3A_17 = arith.constant 0 : index
    %swap3A_18 = vector.load %arg6[%swap3A, %swap3A_17] : memref<1000x1024xf32, #tpu.memory_space<vmem>>, vector<1000x1024xf32>
    tpu.vector_store %arg6[%swap3A, %swap3A_17], %dot_general3A_16 {strides = array<i32>} : memref<1000x1024xf32, #tpu.memory_space<vmem>>, vector<1000x1024xf32>,
    %get3A_19 = arith.constant 0 : index
    %get3A_20 = arith.constant 0 : index
    %get3A_21 = vector.load %arg4[%get3A_19, %get3A_20] : memref<128x128xf32, #tpu.memory_space<vmem>>, vector<128x128xf32>
    %dot_general3A_22 = arith.constant dense<0.000000e+00> : vector<1000x128xf32>
    %dot_general3A_23 = tpu.matmul %add3A_12, %get3A_21, %dot_general3A_22 {dimension_numbers = #tpu.dot_dimension_numbers<[1], [0], [0], [1], [0, 0, 1, 1], [], []>, transpose_lhs_hint = false} : vector<1000x128xf32>, vector<128x128xf32>, vector<1000x128xf32> -> vector<1000x128xf32>
    %get3A_24 = arith.constant 0 : index
    %get3A_25 = arith.constant 0 : index
    %get3A_26 = vector.load %arg5[%get3A_24, %get3A_25] : memref<1x128xf32, #tpu.memory_space<vmem>>, vector<1x128xf32>
    %add3A_27 = vector.broadcast %get3A_26 : vector<1x128xf32> to vector<1000x128xf32>
    %add3A_28 = arith.addf %dot_general3A_23, %add3A_27 : vector<1000x128xf32>
    %swap3A_29 = arith.constant 0 : index
    %swap3A_30 = arith.constant 0 : index
    %swap3A_31 = vector.load %arg7[%swap3A_29, %swap3A_30] : memref<1000x128xf32, #tpu.memory_space<vmem>>, vector<1000x128xf32>
    tpu.vector_store %arg7[%swap3A_29, %swap3A_30], %add3A_28 {strides = array<i32>} : memref<1000x128xf32, #tpu.memory_space<vmem>>, vector<1000x128xf32>,
    return
  }
  func.func @transform_0(%arg0: i32) -> (i32, i32) {
    %c0_i32 = arith.constant 0 : i32
    %c0_i32_0 = arith.constant 0 : i32
    return %arg0, %c0_i32 : i32, i32
  }
  func.func @transform_1(%arg0: i32) -> (i32, i32, i32) {
    %c0_i32 = arith.constant 0 : i32
    %c0_i32_0 = arith.constant 0 : i32
    %c0_i32_1 = arith.constant 0 : i32
    return %c0_i32, %arg0, %c0_i32_0 : i32, i32, i32
  }
  func.func @transform_2(%arg0: i32) -> (i32, i32) {
    %c0_i32 = arith.constant 0 : i32
    %c0_i32_0 = arith.constant 0 : i32
    %c0_i32_1 = arith.constant 0 : i32
    return %c0_i32, %c0_i32_0 : i32, i32
  }
  func.func @transform_3(%arg0: i32) -> (i32, i32) {
    %c0_i32 = arith.constant 0 : i32
    %c0_i32_0 = arith.constant 0 : i32
    %c0_i32_1 = arith.constant 0 : i32
    return %c0_i32, %c0_i32_0 : i32, i32
  }
  func.func @transform_4(%arg0: i32) -> (i32, i32) {
    %c0_i32 = arith.constant 0 : i32
    %c0_i32_0 = arith.constant 0 : i32
    %c0_i32_1 = arith.constant 0 : i32
    return %c0_i32, %c0_i32_0 : i32, i32
  }
  func.func @transform_5(%arg0: i32) -> (i32, i32) {
    %c0_i32 = arith.constant 0 : i32
    %c0_i32_0 = arith.constant 0 : i32
    return %arg0, %c0_i32 : i32, i32
  }
  func.func @transform_6(%arg0: i32) -> (i32, i32) {
    %c0_i32 = arith.constant 0 : i32
    %c0_i32_0 = arith.constant 0 : i32
    return %arg0, %c0_i32 : i32, i32
  }
}

module attributes {stable_mosaic.version = 14 : i64} {
  func.func @_tcc_body(%arg0: i32, %arg1: memref<1000x128xf32, #tpu.memory_space<vmem>>, %arg2: memref<2x1000x128xf32, #tpu.memory_space<vmem>>, %arg3: memref<128x128xf32, #tpu.memory_space<vmem>>, %arg4: memref<1x128xf32, #tpu.memory_space<vmem>>, %arg5: memref<1000x128xf32, #tpu.memory_space<vmem>>) attributes {dimension_semantics = [#tpu.dimension_semantics<arbitrary>], iteration_bounds = array<i64: 10>, scalar_prefetch = 0 : i64, scratch_operands = 0 : i64, tpu.core_type = #tpu.core_type<tc>, window_params = [{transform_indices = @transform_0, window_bounds = array<i64: 1000, 128>}, {transform_indices = @transform_1, window_bounds = array<i64: 2, 1000, 128>}, {pipeline_mode = #tpu.pipeline_mode<synchronous>, transform_indices = @transform_2, window_bounds = array<i64: 128, 128>}, {pipeline_mode = #tpu.pipeline_mode<synchronous>, transform_indices = @transform_3, window_bounds = array<i64: 1, 128>}, {transform_indices = @transform_4, window_bounds = array<i64: 1000, 128>}]} {
    %get3A = arith.constant 0 : index
    %get3A_0 = arith.constant 0 : index
    %get3A_1 = vector.load %arg1[%get3A, %get3A_0] : memref<1000x128xf32, #tpu.memory_space<vmem>>, vector<1000x128xf32>
    %get3A_2 = arith.constant 0 : index
    %get3A_3 = arith.constant 0 : index
    %get3A_4 = arith.constant 0 : index
    %get3A_5 = vector.load %arg2[%get3A_2, %get3A_3, %get3A_4] : memref<2x1000x128xf32, #tpu.memory_space<vmem>>, vector<1x1000x128xf32>
    %get3A_6 = vector.shape_cast %get3A_5 : vector<1x1000x128xf32> to vector<1000x128xf32>
    %add3A = arith.addf %get3A_1, %get3A_6 : vector<1000x128xf32>
    %get3A_7 = arith.constant 1 : index
    %get3A_8 = arith.constant 0 : index
    %get3A_9 = arith.constant 0 : index
    %get3A_10 = vector.load %arg2[%get3A_7, %get3A_8, %get3A_9] : memref<2x1000x128xf32, #tpu.memory_space<vmem>>, vector<1x1000x128xf32>
    %get3A_11 = vector.shape_cast %get3A_10 : vector<1x1000x128xf32> to vector<1000x128xf32>
    %add3A_12 = arith.addf %add3A, %get3A_11 : vector<1000x128xf32>
    %get3A_13 = arith.constant 0 : index
    %get3A_14 = arith.constant 0 : index
    %get3A_15 = vector.load %arg3[%get3A_13, %get3A_14] : memref<128x128xf32, #tpu.memory_space<vmem>>, vector<128x128xf32>
    %transpose3A = tpu.transpose %get3A_15, [1, 0] : vector<128x128xf32> -> vector<128x128xf32>
    %dot_general3A = arith.constant dense<0.000000e+00> : vector<1000x128xf32>
    %dot_general3A_16 = tpu.matmul %add3A_12, %transpose3A, %dot_general3A {dimension_numbers = #tpu.dot_dimension_numbers<[1], [0], [0], [1], [0, 0, 1, 1], [], []>, transpose_lhs_hint = false} : vector<1000x128xf32>, vector<128x128xf32>, vector<1000x128xf32> -> vector<1000x128xf32>
    %get3A_17 = arith.constant 0 : index
    %get3A_18 = arith.constant 0 : index
    %get3A_19 = vector.load %arg4[%get3A_17, %get3A_18] : memref<1x128xf32, #tpu.memory_space<vmem>>, vector<1x128xf32>
    %add3A_20 = vector.broadcast %get3A_19 : vector<1x128xf32> to vector<1000x128xf32>
    %add3A_21 = arith.addf %dot_general3A_16, %add3A_20 : vector<1000x128xf32>
    %ge3A = arith.constant 0.000000e+00 : f32
    %ge3A_22 = vector.broadcast %ge3A : f32 to vector<1000x128xf32>
    %ge3A_23 = arith.cmpf oge, %add3A_21, %ge3A_22 : vector<1000x128xf32>
    %mul3A = arith.constant 0.00999999977 : f32
    %mul3A_24 = vector.broadcast %mul3A : f32 to vector<1000x128xf32>
    %mul3A_25 = arith.mulf %mul3A_24, %add3A_21 : vector<1000x128xf32>
    %select_n3A = arith.select %ge3A_23, %add3A_21, %mul3A_25 : vector<1000x128xi1>, vector<1000x128xf32>
    %swap3A = arith.constant 0 : index
    %swap3A_26 = arith.constant 0 : index
    %swap3A_27 = vector.load %arg5[%swap3A, %swap3A_26] : memref<1000x128xf32, #tpu.memory_space<vmem>>, vector<1000x128xf32>
    tpu.vector_store %arg5[%swap3A, %swap3A_26], %select_n3A {strides = array<i32>} : memref<1000x128xf32, #tpu.memory_space<vmem>>, vector<1000x128xf32>,
    return
  }
  func.func @transform_0(%arg0: i32) -> (i32, i32) {
    %c0_i32 = arith.constant 0 : i32
    %c0_i32_0 = arith.constant 0 : i32
    return %arg0, %c0_i32 : i32, i32
  }
  func.func @transform_1(%arg0: i32) -> (i32, i32, i32) {
    %c0_i32 = arith.constant 0 : i32
    %c0_i32_0 = arith.constant 0 : i32
    %c0_i32_1 = arith.constant 0 : i32
    return %c0_i32, %arg0, %c0_i32_0 : i32, i32, i32
  }
  func.func @transform_2(%arg0: i32) -> (i32, i32) {
    %c0_i32 = arith.constant 0 : i32
    %c0_i32_0 = arith.constant 0 : i32
    %c0_i32_1 = arith.constant 0 : i32
    return %c0_i32, %c0_i32_0 : i32, i32
  }
  func.func @transform_3(%arg0: i32) -> (i32, i32) {
    %c0_i32 = arith.constant 0 : i32
    %c0_i32_0 = arith.constant 0 : i32
    %c0_i32_1 = arith.constant 0 : i32
    return %c0_i32, %c0_i32_0 : i32, i32
  }
  func.func @transform_4(%arg0: i32) -> (i32, i32) {
    %c0_i32 = arith.constant 0 : i32
    %c0_i32_0 = arith.constant 0 : i32
    return %arg0, %c0_i32 : i32, i32
  }
}

</mosaic_0001>

<sc_bundles>
// kernel: kernel.10.cloned.1.call-start
scs
__scs_entry_jumppad:
0x0: {  	(pc) =	sbr.rel $0x88, $3  }
0x1: {  	(tag) =	ssettag $0x0;
	lr =	simm.s32 $0x1  }
0x2: {  	[smem:$0x3F94] =	sst lr;
	_ =	strace $0xD0000000  }
0x3: {  	_ = 	snop  }
0x4: {  	_ = 	snop  }
0x5: {  	_ = 	snop  }
0x6: {  	_ = 	snop  }
0x7: {  	_ = 	snop  }
__scs_overlays_trampoline_lowered:
0x8: {  	[smem:$0x3FA3] =	sst s0  }
0x9: {  	[smem:$0x3FA4] =	sst s1  }
0xa: {  	[smem:$0x3FA5] =	sst s2  }
0xb: {  	[smem:$0x3FA6] =	sst s3  }
0xc: {  	[smem:$0x3FA7] =	sst s4  }
0xd: {  	[smem:$0x3FA8] =	sst s5  }
0xe: {  	[smem:$0x3FA9] =	sst s6  }
0xf: {  	[smem:$0x3FAA] =	sst s7  }
0x10: {  	[smem:$0x3FAB] =	sst s8  }
0x11: {  	[smem:$0x3FAC] =	sst s9;
	s0 =	simm.s32 @!p0 $0x0  }
0x12: {  	s1 =	sld [smem:$0x3F92];
	s0 =	simm.s32 @p0 $0x1  }
0x13: {  	[smem:$0x3FAD] =	sst s0;
	s0 =	simm.s32 @!p1 $0x0  }
0x14: {  	s2 =	sld [smem:$0x3F91];
	s0 =	simm.s32 @p1 $0x1  }
0x15: {  	[smem:$0x3FAE] =	sst s0;
	s0 =	simm.s32 @!p2 $0x0  }
0x16: {  	s3 =	sld [smem:$0x3FDB];
	s0 =	simm.s32 @p2 $0x1  }
0x17: {  	s4 =	simm.s32 $0x1BF5;
	[smem:$0x3FB0] =	sst s0  }
0x18: {  	s0 =	sld [smem:$0x3F93];
	_ =	swait.ge [sflag:s4], $0x0  }
0x19: {  	s7 =	sld [smem:$0x3F94]  }
0x1a: {  	s8 =	sadd.s32 $0xFFFFE003, lr  }
0x1b: {  	s9 =	sadd.s32 $0xFFFFFEF7, lr;
	s5 =	simm.s32 $0xFFFFFFFF;
	p2 =	slt.u32 s8, $0xFFFFF086  }
0x1c: {  	p1 =	slt.u32 s9, $0xF7A;
	s5 =	simm.s32 @!p2 $0x0  }
0x1d: {  	s5 =	simm.s32 @p1 $0x1;
	p0 =	seq.s32 s7, s2  }
0x1e: {  	s7 =	smul.u32 @!p0 $0xF7A, s2;
	p2 =	seq.s32 @!p0 s5, $0x0  }
0x1f: {  	s9 =	smul.u32 $0xF7A, s1;
	s8 =	simm.s32 @!p0 $0x1BF5;
	p2 =	por !p2, p0  }
0x20: {  	[sflag:s8] =	ssyncset.s32 @!p0 $0xFFFFF086;
	s6 =	sadd.s32 @!p0 s3, s7;
	s7 =	simm.s32 @!p0 $0x108  }
0x21: {  	s3 =	sadd.s32 s3, s9;
	s6 =	sadd.s32 @!p0 $0x88, s6;
	s7 =	simm.s32 @p2 $0x1082  }
0x22: {  	[simem:s7], [sflag:s8] =	dma.local @!p0 [hbm:s6], $0xF7A  }
0x23: {  	s9 =	sor.u32 $0xD0000000, s2;
	s6 =	simm.s32 $0x108;
	_ =	swait.ge @!p0 [sflag:s8], $0x0  }
0x24: {  	s3 =	sadd.s32 $0x88, s3;
	s6 =	simm.s32 @!p1 $0x1082;
	[sflag:s4] =	ssyncset.s32 $0xFFFFF086  }
0x25: {  	[simem:s6], [sflag:s4] =	dma.local [hbm:s3], $0xF7A  }
0x26: {  	[smem:$0x3F94] =	sst s1;
	(tag) =	ssettag s2;
	_ =	strace s9  }
0x27: {  	s1 =	sld [smem:$0x3FA4]  }
0x28: {  	s2 =	sld [smem:$0x3FA5]  }
0x29: {  	s4 =	sld [smem:$0x3FA7]  }
0x2a: {  	p0 =	seq.s32 s5, $0x0;
	s5 =	sld [smem:$0x3FA8]  }
0x2b: {  	s6 =	sld [smem:$0x3FA9]  }
0x2c: {  	s7 =	sld [smem:$0x3FAA]  }
0x2d: {  	s3 =	simm.s32 $0x108;
	s8 =	sld [smem:$0x3FAB]  }
0x2e: {  	s3 =	simm.s32 @!p0 $0x1082;
	s9 =	sld [smem:$0x3FAC]  }
0x2f: {  	lr =	sadd.s32 s0, s3;
	s0 =	sld [smem:$0x3FA3]  }
0x30: {  	s3 =	sld [smem:$0x3FA6]  }
0x31: {  	[smem:$0x3FAF] =	sst s10  }
0x32: {  	s10 =	sld [smem:$0x3FAD];
	_ =	sdelay $0x3  }
0x33: {  	p0 =	seq.s32 s10, $0x1;
	s10 =	sld [smem:$0x3FAF];
	_ =	sdelay $0x3  }
0x34: {  	[smem:$0x3FAF] =	sst s10  }
0x35: {  	s10 =	sld [smem:$0x3FAE];
	_ =	sdelay $0x3  }
0x36: {  	p1 =	seq.s32 s10, $0x1;
	s10 =	sld [smem:$0x3FAF];
	_ =	sdelay $0x3  }
0x37: {  	[smem:$0x3FAF] =	sst s10  }
0x38: {  	s10 =	sld [smem:$0x3FB0]  }
0x39: {  	_ = 	snop;
	(pc) =	sbr.ind lr, $3  }
0x3a: {  	_ = 	snop  }
0x3b: {  	_ = 	snop  }
0x3c: {  	p2 =	seq.s32 s10, $0x1;
	s10 =	sld [smem:$0x3FAF]  }
0x3d: {  	_ =	shalt  }
0x3e: {  	_ =	shalt  }
0x3f: {  	_ =	shalt  }
0x40: {  	_ =	shalt  }
0x41: {  	_ =	shalt  }
0x42: {  	_ =	shalt  }
0x43: {  	_ =	shalt  }
0x44: {  	_ =	shalt  }
0x45: {  	_ =	shalt  }
0x46: {  	_ =	shalt  }
0x47: {  	_ =	shalt  }
0x48: {  	_ =	shalt  }
0x49: {  	_ =	shalt  }
0x4a: {  	_ =	shalt  }
0x4b: {  	_ =	shalt  }
0x4c: {  	_ =	shalt  }
0x4d: {  	_ =	shalt  }
0x4e: {  	_ =	shalt  }
0x4f: {  	_ =	shalt  }
0x50: {  	_ =	shalt  }
0x51: {  	_ =	shalt  }
0x52: {  	_ =	shalt  }
0x53: {  	_ =	shalt  }
0x54: {  	_ =	shalt  }
0x55: {  	_ =	shalt  }
0x56: {  	_ =	shalt  }
0x57: {  	_ =	shalt  }
0x58: {  	_ =	shalt  }
0x59: {  	_ =	shalt  }
0x5a: {  	_ =	shalt  }
0x5b: {  	_ =	shalt  }
0x5c: {  	_ =	shalt  }
0x5d: {  	_ =	shalt  }
0x5e: {  	_ =	shalt  }
0x5f: {  	_ =	shalt  }
0x60: {  	_ =	shalt  }
0x61: {  	_ =	shalt  }
0x62: {  	_ =	shalt  }
0x63: {  	_ =	shalt  }
0x64: {  	_ =	shalt  }
0x65: {  	_ =	shalt  }
0x66: {  	_ =	shalt  }
0x67: {  	_ =	shalt  }
0x68: {  	_ =	shalt  }
0x69: {  	_ =	shalt  }
0x6a: {  	_ =	shalt  }
0x6b: {  	_ =	shalt  }
0x6c: {  	_ =	shalt  }
0x6d: {  	_ =	shalt  }
0x6e: {  	_ =	shalt  }
0x6f: {  	_ =	shalt  }
0x70: {  	_ =	shalt  }
0x71: {  	_ =	shalt  }
0x72: {  	_ =	shalt  }
0x73: {  	_ =	shalt  }
0x74: {  	_ =	shalt  }
0x75: {  	_ =	shalt  }
0x76: {  	_ =	shalt  }
0x77: {  	_ =	shalt  }
0x78: {  	_ =	shalt  }
0x79: {  	_ =	shalt  }
0x7a: {  	_ =	shalt  }
0x7b: {  	_ =	shalt  }
0x7c: {  	_ =	shalt  }
0x7d: {  	_ =	shalt  }
0x7e: {  	_ =	shalt  }
0x7f: {  	_ =	shalt  }
0x80: {  	_ =	shalt  }
0x81: {  	_ =	shalt  }
0x82: {  	_ =	shalt  }
0x83: {  	_ =	shalt  }
0x84: {  	_ =	shalt  }
0x85: {  	_ =	shalt  }
0x86: {  	_ =	shalt  }
0x87: {  	_ =	shalt  }
.Lfunc_end0:
.L_simem_size_0:
called_computation_lowered:
.L_overlay_start_0:
0x88: {  	s2 =	sld [smem:$0x3FD9]  }
0x89: {  	s3 =	sld [smem:$0x3FFE];
	_ =	sdelay $0x1  }
0x8a: {  	s1 =	srdreg.scid  }
0x8b: {  	s0 =	sand.u32 $0x1, s1  }
0x8c: {  	s17 =	sshll.u32 s0, $0xA;
	s2 =	sadd.s32 s3, s2  }
0x8d: {  	s2 =	sadd.s32 s2, s17  }
0x8e: {  	[smem:$0x3FBB] =	sst s2  }
0x8f: {  	_ = 	snop  }
0x90: {  	s2 =	sld [smem:$0x3FC7]  }
0x91: {  	s18 =	sld [smem:$0x3FD0];
	(tm) =	ssettm $0x1  }
0x92: {  	s4 =	sld [smem:$0x3FFB];
	_ =	sdelay $0x3  }
0x93: {  	_ =	strace s4  }
0x94: {  	s4 =	sld [smem:$0x3FFC];
	_ =	sdelay $0x3  }
0x95: {  	_ =	strace s4  }
0x96: {  	s4 =	sld [smem:$0x3FFD];
	_ =	sdelay $0x3  }
0x97: {  	_ =	strace s4  }
0x98: {  	_ =	strace $0x8FFFFFFF  }
0x99: {  	s19 =	sld [smem:$0x3FDB];
	_ =	sdelay $0x1  }
0x9a: {  	s5 =	simm.s32 $_scs_section_size  }
0x9b: {  	s6 =	simm.s32 $_size__tile_overlayer_lowered;
	s7 =	simm.s32 $_tile_overlayer_lowered  }
0x9c: {  	s22 =	simm.s32 $0x1BFF;
	s21 =	sshll.u32 s7, $0x1;
	s4 =	sadd.s32 s5, s19  }
0x9d: {  	s8 =	simm.s32 $0x0;
	s20 =	sshll.u32 s6, $0x1;
	s6 =	sadd.s32 s21, s4  }
0x9e: {  	[timem:s8], [sflag:s22] =	dma.local [hbm:s6], s20  }
0x9f: {  	_ =	swait.ge [sflag:s22], s20  }
0xa0: {  	s5 =	ssub.s32 $0x0, s20;
	[sflag:s22] =	ssyncset.done $0x0  }
0xa1: {  	[sflag:s22] =	ssyncadd.s32 s5;
	_ =	sdelay $0x1  }
0xa2: {  	s23 =	simm.s32 $0x1B8B  }
0xa3: {  	_ =	swait.ge [sflag:s23], $0x1  }
0xa4: {  	[sflag:s23] =	ssyncset.done $0x0  }
0xa5: {  	s25 =	simm.s32 $0x1B8E;
	s24 =	sld [smem:$0x3FFE];
	[sflag:s23] =	ssyncadd.s32 $0xFFFFFFFF  }
0xa6: {  	s26 =	simm.s32 $execute0_lowered;
	[smem:$0x3FD2] =	sst s25  }
0xa7: {  	s6 =	sshll.u32 s26, $0x1;
	_ =	strace $0x80000046;
	[dreg:$0x1] =	wrdreg $0xFFFFFFFF  }
0xa8: {  	s28 =	simm.s32 $_size_execute0_lowered;
	s4 =	sadd.s32 s4, s6;
	[dreg:$0x0] =	wrdreg $0x0  }
0xa9: {  	s6 =	sshll.u32 s28, $0x1;
	[dreg:$0x2] =	wrdreg s4  }
0xaa: {  	[dreg:$0x3] =	wrdreg s6  }
0xab: {  	[dreg:$0x4] =	wrdreg $0xC0  }
0xac: {  	_ =	task [dreg:s8], $0x5FFFF  }
0xad: {  	[dreg:$0x1] =	wrdreg $0xFFFFFFFF  }
0xae: {  	[dreg:$0x0] =	wrdreg $0x60  }
0xaf: {  	[dreg:$0x2] =	wrdreg s24  }
0xb0: {  	[dreg:$0x3] =	wrdreg s18  }
0xb1: {  	[dreg:$0x4] =	wrdreg s2  }
0xb2: {  	[dreg:$0x5] =	wrdreg $0x9  }
0xb3: {  	_ =	task.clear_ibuf [dreg:s8], $0x6FFFF;
	_ =	strace $0x90000046  }
0xb4: {  	s29 =	simm.s32 $0x9;
	_ =	strace $0x80000048  }
0xb5: {  	_ =	swait.ge [sflag:s29], $0x1  }
0xb6: {  	[sflag:s29] =	ssyncadd.s32 $0xFFFFFFFF  }
0xb7: {  	_ =	strace $0x90000048  }
0xb8: {  	_ =	sfence  }
0xb9: {  	s30 =	sld [smem:$0x0];
	_ =	sdelay $0x2  }
0xba: {  	s31 =	sshll.u32 s1, $0xD;
	s1 =	sshrl.u32 s1, $0x2  }
0xbb: {  	s3 =	sand.u32 $0x4000, s31;
	s1 =	sadd.s32 s1, s30  }
0xbc: {  	s0 =	sor.u32 s3, s0;
	s1 =	sshll.u32 s1, $0x11  }
0xbd: {  	s0 =	sor.u32 s1, s0  }
0xbe: {  	s0 =	sadd.s32 $0x8F2B, s0  }
0xbf: {  	[sflag:s0] =	ssyncadd.remote.s32 $0x1  }
0xc0: {  	_ =	sfence.sel $0xFFFF  }
0xc1: {  	[dreg:$0x0] =	wrdreg $0xFFFFFFFF;
	(pc) =	sbr.abs _section_cstart, $3  }
0xc2: {  	[dreg:$0x1] =	wrdreg $0xFFFFFFFF  }
0xc3: {  	_ =	task.clear_ibuf [dreg:s8], $0x2FFFF;
	_ =	strace $0x9FFFFFFF  }
0xc4: {  	(tm) =	ssettm $0x7FFFFFFF  }
0xc5: {  	_ =	shalt  }
tec
execute0_lowered:
.L_overlay_start_1:
0x0: {  	(tag) =	ssettag $0x1  }
0x1: {  	s3 =	rddreg [dreg:$0x0]  }
0x2: {  	s8 =	rddreg [dreg:$0x1]  }
0x3: {  	s7 =	rddreg [dreg:$0x2]  }
0x4: {  	s0 =	rddreg [dreg:$0x3]  }
0x5: {  	s2 =	srdreg.scid;
	s1 =	stileid.u32  }
0x6: {  	s11 =	simm.s32 $0x1;
	s12 =	simm.s32 $0x13900;
	s13 =	simm.s32 $0x13980  }
0x7: {  	s14 =	simm.s32 $0x13A00;
	s15 =	simm.s32 $0x13A80;
	s16 =	simm.s32 $0x0  }
0x8: {  	s4 =	sand.u32 $0x1, s2;
	s5 =	smul.u32 $0x4E20, s1;
	s6 =	sshll.u32 s1, $0x1  }
0x9: {  	s2 =	simm.s32 $0x0;
	s9 =	smul.u32 $0x2710, s4;
	s6 =	sor.u32 s4, s6  }
0xa: {  	[smem:$0x7FF] =	sst s2;
	s4 =	ssub.s32 $0x2, s4;
	s6 =	smul.u32 $0x2710, s6  }
0xb: {  	_ =	strace $0x80000047;
	s29 =	sshrl.u32 s4, $0x1;
	s5 =	sadd.s32 s9, s5  }
0xc: {  	s4 =	ssub.s32 s4, s29;
	s10 =	sshrl.u32 s5, $0x3;
	s30 =	sadd.s32 s6, s3  }
0xd: {  	s4 =	smax.u32 s4, $0x1;
	s31 =	sadd.s32 s10, s3;
	s3 =	sadd.s32 $0xCE00, s30  }
0xe: {  	s7 =	sadd.s32 s10, s7;
	s8 =	sadd.s32 s10, s8;
	s10 =	simm.s32 $0x13880  }
0xf: {  	v0 =	vimm.f32 $0.0e+00;
	v1 =	vimm.f32 $1.000000000e+00;
	s5 =	sadd.s32 $0x5B000, s31;
	s6 =	sadd.s32 $0x64E00, s31;
	s9 =	sadd.s32 $0x3000, s31  }
.LBB2_1:
0x10: {  	s17 =	simm.s32 $0x0  }
.LBB2_2:
0x11: {  	p0 =	sne.s32 s17, $0x4E100  }
.Ltmp0:
0x12: {  	s18 =	sshra.s32 s17, $0x2;
	(pc) =	sbr.rel @p0 .LBB2_2-.Ltmp0, $4  }
0x13: {  	[tilespmem:s18+$0x0] =	vst v0  }
0x14: {  	[tilespmem:s18+$0x10] =	vst v0  }
0x15: {  	[tilespmem:s18+$0x20] =	vst v0  }
0x16: {  	s17 =	sadd.s32 $0x100, s17;
	[tilespmem:s18+$0x30] =	vst v0  }
0x17: {  	s17 =	sadd.s32 $0x0, s9  }
0x18: {  	[tilespmem:s10], [sflag:$0x1] =	stream.linear.gather [hbm4b:s17+s2], $0x50, $0x38;
	[tilespmem:$0x13B00] =	vst v63  }
0x19: {  	_ =	swait.ge [sflag:s11], $0x50  }
0x1a: {  	[sflag:s11] =	ssyncset.done $0x0  }
0x1b: {  	s28 =	sadd.s32 $0x0, s8;
	[sflag:s11] =	ssyncadd.s32 $0xFFFFFFB0  }
0x1c: {  	[tilespmem:s12], [sflag:$0x1] =	stream.linear.gather [hbm4b:s28+s2], $0x50, $0x38;
	[tilespmem:$0x13B00] =	vst v63  }
0x1d: {  	_ =	swait.ge [sflag:s11], $0x50  }
0x1e: {  	[sflag:s11] =	ssyncset.done $0x0  }
0x1f: {  	s29 =	sadd.s32 $0x0, s7;
	[sflag:s11] =	ssyncadd.s32 $0xFFFFFFB0  }
0x20: {  	[tilespmem:s13], [sflag:$0x1] =	stream.linear.gather [hbm4b:s29+s2], $0x50, $0x38;
	[tilespmem:$0x13B00] =	vst v63  }
0x21: {  	_ =	swait.ge [sflag:s11], $0x50  }
0x22: {  	[sflag:s11] =	ssyncset.done $0x0  }
0x23: {  	[sflag:s11] =	ssyncadd.s32 $0xFFFFFFB0  }
0x24: {  	v2 =	vld [tilespmem:$0x13900]  }
0x25: {  	v3 =	vld [tilespmem:$0x13980];
	_ =	sdelay $0x1  }
0x26: {  	v4 =	vld [tilespmem:$0x13880];
	_ =	sdelay $0x1  }
0x27: {  	v2 =	vshll.u32 v2, $0x3  }
0x28: {  	v2 =	vadd.s32 v3, v2;
	_ =	sdelay $0x1  }
0x29: {  	v4 =	vshll.u32 v4, $0x3  }
0x2a: {  	v3 =	vadd.s32 v3, v4;
	[tilespmem:$0x13A80] =	vst v2  }
0x2b: {  	[tilespmem:$0x13A00] =	vst v3  }
0x2c: {  	[tilespmem:v2+s2+$0x0] =	vst.idx.add.f32.msk $0xffff, v1  }
0x2d: {  	v2 =	vld [tilespmem:$0x13910]  }
0x2e: {  	v3 =	vld [tilespmem:$0x13990];
	_ =	sdelay $0x1  }
0x2f: {  	v60 =	vld [tilespmem:$0x13890];
	_ =	sdelay $0x1  }
0x30: {  	v2 =	vshll.u32 v2, $0x3  }
0x31: {  	v2 =	vadd.s32 v3, v2;
	_ =	sdelay $0x1  }
0x32: {  	v4 =	vshll.u32 v60, $0x3  }
0x33: {  	v3 =	vadd.s32 v3, v4;
	[tilespmem:$0x13A90] =	vst v2  }
0x34: {  	[tilespmem:$0x13A10] =	vst v3  }
0x35: {  	[tilespmem:v2+s2+$0x0] =	vst.idx.add.f32.msk $0xffff, v1  }
0x36: {  	v2 =	vld [tilespmem:$0x13920]  }
0x37: {  	v3 =	vld [tilespmem:$0x139A0];
	_ =	sdelay $0x1  }
0x38: {  	v61 =	vld [tilespmem:$0x138A0];
	_ =	sdelay $0x1  }
0x39: {  	v2 =	vshll.u32 v2, $0x3  }
0x3a: {  	v2 =	vadd.s32 v3, v2;
	_ =	sdelay $0x1  }
0x3b: {  	v4 =	vshll.u32 v61, $0x3  }
0x3c: {  	v3 =	vadd.s32 v3, v4;
	[tilespmem:$0x13AA0] =	vst v2  }
0x3d: {  	[tilespmem:$0x13A20] =	vst v3  }
0x3e: {  	[tilespmem:v2+s2+$0x0] =	vst.idx.add.f32.msk $0xffff, v1  }
0x3f: {  	v2 =	vld [tilespmem:$0x13930]  }
0x40: {  	v3 =	vld [tilespmem:$0x139B0];
	_ =	sdelay $0x1  }
0x41: {  	v62 =	vld [tilespmem:$0x138B0];
	_ =	sdelay $0x1  }
0x42: {  	v2 =	vshll.u32 v2, $0x3  }
0x43: {  	v2 =	vadd.s32 v3, v2;
	_ =	sdelay $0x1  }
0x44: {  	v4 =	vshll.u32 v62, $0x3  }
0x45: {  	v3 =	vadd.s32 v3, v4;
	[tilespmem:$0x13AB0] =	vst v2  }
0x46: {  	[tilespmem:$0x13A30] =	vst v3  }
0x47: {  	[tilespmem:v2+s2+$0x0] =	vst.idx.add.f32.msk $0xffff, v1  }
0x48: {  	v2 =	vld [tilespmem:$0x13940]  }
0x49: {  	v3 =	vld [tilespmem:$0x139C0];
	_ =	sdelay $0x1  }
0x4a: {  	v63 =	vld [tilespmem:$0x138C0];
	_ =	sdelay $0x1  }
0x4b: {  	v2 =	vshll.u32 v2, $0x3  }
0x4c: {  	v2 =	vadd.s32 v3, v2;
	_ =	sdelay $0x1  }
0x4d: {  	v4 =	vshll.u32 v63, $0x3  }
0x4e: {  	v3 =	vadd.s32 v3, v4;
	[tilespmem:$0x13AC0] =	vst v2  }
0x4f: {  	[tilespmem:$0x13A40] =	vst v3  }
0x50: {  	s30 =	sadd.s32 $0x0, s6;
	[tilespmem:v2+s2+$0x0] =	vst.idx.add.f32.msk $0xffff, v1  }
0x51: {  	[hbm4b:s30+s2] =	stream.linear.scatter [tilespmem:s14], [sflag:$0x1], $0x50, $0x38;
	[tilespmem:$0x13B00] =	vst v63  }
0x52: {  	_ =	swait.ge [sflag:s11], $0x50  }
0x53: {  	[sflag:s11] =	ssyncset.done $0x0  }
0x54: {  	s31 =	sadd.s32 $0x0, s5;
	[sflag:s11] =	ssyncadd.s32 $0xFFFFFFB0  }
0x55: {  	[hbm4b:s31+s2] =	stream.linear.scatter [tilespmem:s15], [sflag:$0x1], $0x50, $0x38;
	[tilespmem:$0x13B00] =	vst v63  }
0x56: {  	_ =	swait.ge [sflag:s11], $0x50  }
0x57: {  	s20 =	simm.s32 $0x14;
	s17 =	simm.s32 $0xA;
	[sflag:s11] =	ssyncset.done $0x0  }
.LBB2_4:
0x58: {  	s21 =	sadd.s32 s17, s9  }
0x59: {  	[sflag:s11] =	ssyncadd.s32 $0xFFFFFFB0;
	s19 =	smov.u32 s20;
	s18 =	sadd.s32 $0xA, s20  }
0x5a: {  	[tilespmem:s10], [sflag:$0x1] =	stream.linear.gather [hbm4b:s21+s2], $0x50, $0x38;
	[tilespmem:$0x13B00] =	vst v63  }
0x5b: {  	p0 =	sne.s32 s20, $0x4D8;
	_ =	swait.ge [sflag:s11], $0x50  }
0x5c: {  	[sflag:s11] =	ssyncset.done $0x0  }
0x5d: {  	s20 =	sadd.s32 s17, s8;
	[sflag:s11] =	ssyncadd.s32 $0xFFFFFFB0  }
0x5e: {  	[tilespmem:s12], [sflag:$0x1] =	stream.linear.gather [hbm4b:s20+s2], $0x50, $0x38;
	[tilespmem:$0x13B00] =	vst v63  }
0x5f: {  	_ =	swait.ge [sflag:s11], $0x50  }
0x60: {  	[sflag:s11] =	ssyncset.done $0x0  }
0x61: {  	s20 =	sadd.s32 s17, s7;
	[sflag:s11] =	ssyncadd.s32 $0xFFFFFFB0  }
0x62: {  	[tilespmem:s13], [sflag:$0x1] =	stream.linear.gather [hbm4b:s20+s2], $0x50, $0x38;
	[tilespmem:$0x13B00] =	vst v63  }
0x63: {  	_ =	swait.ge [sflag:s11], $0x50  }
0x64: {  	[sflag:s11] =	ssyncset.done $0x0  }
0x65: {  	[sflag:s11] =	ssyncadd.s32 $0xFFFFFFB0  }
0x66: {  	v2 =	vld [tilespmem:$0x13900]  }
0x67: {  	v3 =	vld [tilespmem:$0x13980];
	_ =	sdelay $0x1  }
0x68: {  	v4 =	vld [tilespmem:$0x13880];
	_ =	sdelay $0x1  }
0x69: {  	v2 =	vshll.u32 v2, $0x3  }
0x6a: {  	v2 =	vadd.s32 v3, v2;
	_ =	sdelay $0x1  }
0x6b: {  	v4 =	vshll.u32 v4, $0x3  }
0x6c: {  	v3 =	vadd.s32 v3, v4;
	[tilespmem:$0x13A80] =	vst v2  }
0x6d: {  	[tilespmem:$0x13A00] =	vst v3  }
0x6e: {  	[tilespmem:v2+s2+$0x0] =	vst.idx.add.f32.msk $0xffff, v1  }
0x6f: {  	v2 =	vld [tilespmem:$0x13910]  }
0x70: {  	v3 =	vld [tilespmem:$0x13990];
	_ =	sdelay $0x1  }
0x71: {  	v4 =	vld [tilespmem:$0x13890];
	_ =	sdelay $0x1  }
0x72: {  	v2 =	vshll.u32 v2, $0x3  }
0x73: {  	v2 =	vadd.s32 v3, v2;
	_ =	sdelay $0x1  }
0x74: {  	v4 =	vshll.u32 v4, $0x3  }
0x75: {  	v3 =	vadd.s32 v3, v4;
	[tilespmem:$0x13A90] =	vst v2  }
0x76: {  	[tilespmem:$0x13A10] =	vst v3  }
0x77: {  	[tilespmem:v2+s2+$0x0] =	vst.idx.add.f32.msk $0xffff, v1  }
0x78: {  	v2 =	vld [tilespmem:$0x13920]  }
0x79: {  	v3 =	vld [tilespmem:$0x139A0];
	_ =	sdelay $0x1  }
0x7a: {  	v4 =	vld [tilespmem:$0x138A0];
	_ =	sdelay $0x1  }
0x7b: {  	v2 =	vshll.u32 v2, $0x3  }
0x7c: {  	v2 =	vadd.s32 v3, v2  }
0x7d: {  	[tilespmem:$0x13AA0] =	vst v2  }
0x7e: {  	v4 =	vshll.u32 v4, $0x3  }
0x7f: {  	v3 =	vadd.s32 v3, v4  }
0x80: {  	[tilespmem:$0x13A20] =	vst v3  }
0x81: {  	[tilespmem:v2+s2+$0x0] =	vst.idx.add.f32.msk $0xffff, v1  }
0x82: {  	v2 =	vld [tilespmem:$0x13930]  }
0x83: {  	v3 =	vld [tilespmem:$0x139B0]  }
0x84: {  	v4 =	vld [tilespmem:$0x138B0];
	_ =	sdelay $0x2  }
0x85: {  	v2 =	vshll.u32 v2, $0x3  }
0x86: {  	v2 =	vadd.s32 v3, v2  }
0x87: {  	v4 =	vshll.u32 v4, $0x3;
	[tilespmem:$0x13AB0] =	vst v2  }
0x88: {  	v3 =	vadd.s32 v3, v4  }
0x89: {  	[tilespmem:$0x13A30] =	vst v3;
	_ =	sdelay $0x1  }
0x8a: {  	[tilespmem:v2+s2+$0x0] =	vst.idx.add.f32.msk $0xffff, v1  }
0x8b: {  	v2 =	vld [tilespmem:$0x13940]  }
0x8c: {  	v3 =	vld [tilespmem:$0x139C0]  }
0x8d: {  	v4 =	vld [tilespmem:$0x138C0];
	_ =	sdelay $0x2  }
0x8e: {  	v2 =	vshll.u32 v2, $0x3  }
0x8f: {  	v2 =	vadd.s32 v3, v2  }
0x90: {  	v4 =	vshll.u32 v4, $0x3;
	[tilespmem:$0x13AC0] =	vst v2  }
0x91: {  	v3 =	vadd.s32 v3, v4  }
0x92: {  	[tilespmem:$0x13A40] =	vst v3;
	_ =	sdelay $0x1  }
0x93: {  	s20 =	sadd.s32 s17, s6;
	[tilespmem:v2+s2+$0x0] =	vst.idx.add.f32.msk $0xffff, v1  }
0x94: {  	[hbm4b:s20+s2] =	stream.linear.scatter [tilespmem:s14], [sflag:$0x1], $0x50, $0x38;
	[tilespmem:$0x13B00] =	vst v63  }
0x95: {  	_ =	swait.ge [sflag:s11], $0x50  }
.Ltmp1:
0x96: {  	[sflag:s11] =	ssyncset.done $0x0;
	(pc) =	sbr.rel @p0 .LBB2_4-.Ltmp1, $4  }
0x97: {  	s20 =	sadd.s32 s17, s5;
	s17 =	smov.u32 s19;
	[sflag:s11] =	ssyncadd.s32 $0xFFFFFFB0  }
0x98: {  	[hbm4b:s20+s2] =	stream.linear.scatter [tilespmem:s15], [sflag:$0x1], $0x50, $0x38;
	[tilespmem:$0x13B00] =	vst v63  }
0x99: {  	_ =	swait.ge [sflag:s11], $0x50  }
0x9a: {  	s20 =	smov.u32 s18;
	[sflag:s11] =	ssyncset.done $0x0  }
0x9b: {  	s18 =	sadd.s32 s17, s9;
	[sflag:s11] =	ssyncadd.s32 $0xFFFFFFB0  }
0x9c: {  	[tilespmem:s10], [sflag:$0x1] =	stream.linear.gather [hbm4b:s18+s2], $0x50, $0x38;
	[tilespmem:$0x13B00] =	vst v63  }
0x9d: {  	_ =	swait.ge [sflag:s11], $0x50  }
0x9e: {  	[sflag:s11] =	ssyncset.done $0x0  }
0x9f: {  	s28 =	sadd.s32 s17, s8;
	[sflag:s11] =	ssyncadd.s32 $0xFFFFFFB0  }
0xa0: {  	[tilespmem:s12], [sflag:$0x1] =	stream.linear.gather [hbm4b:s28+s2], $0x50, $0x38;
	[tilespmem:$0x13B00] =	vst v63  }
0xa1: {  	_ =	swait.ge [sflag:s11], $0x50  }
0xa2: {  	[sflag:s11] =	ssyncset.done $0x0  }
0xa3: {  	s29 =	sadd.s32 s17, s7;
	[sflag:s11] =	ssyncadd.s32 $0xFFFFFFB0  }
0xa4: {  	[tilespmem:s13], [sflag:$0x1] =	stream.linear.gather [hbm4b:s29+s2], $0x50, $0x38;
	[tilespmem:$0x13B00] =	vst v63  }
0xa5: {  	_ =	swait.ge [sflag:s11], $0x50  }
0xa6: {  	[sflag:s11] =	ssyncset.done $0x0  }
0xa7: {  	[sflag:s11] =	ssyncadd.s32 $0xFFFFFFB0  }
0xa8: {  	v2 =	vld [tilespmem:$0x13900]  }
0xa9: {  	v3 =	vld [tilespmem:$0x13980];
	_ =	sdelay $0x1  }
0xaa: {  	v4 =	vld [tilespmem:$0x13880];
	_ =	sdelay $0x1  }
0xab: {  	v2 =	vshll.u32 v2, $0x3  }
0xac: {  	v2 =	vadd.s32 v3, v2;
	_ =	sdelay $0x1  }
0xad: {  	v4 =	vshll.u32 v4, $0x3  }
0xae: {  	v3 =	vadd.s32 v3, v4;
	[tilespmem:$0x13A80] =	vst v2  }
0xaf: {  	[tilespmem:$0x13A00] =	vst v3  }
0xb0: {  	[tilespmem:v2+s2+$0x0] =	vst.idx.add.f32.msk $0xffff, v1  }
0xb1: {  	v2 =	vld [tilespmem:$0x13910]  }
0xb2: {  	v3 =	vld [tilespmem:$0x13990];
	_ =	sdelay $0x1  }
0xb3: {  	v60 =	vld [tilespmem:$0x13890];
	_ =	sdelay $0x1  }
0xb4: {  	v2 =	vshll.u32 v2, $0x3  }
0xb5: {  	v2 =	vadd.s32 v3, v2;
	_ =	sdelay $0x1  }
0xb6: {  	v4 =	vshll.u32 v60, $0x3  }
0xb7: {  	v3 =	vadd.s32 v3, v4;
	[tilespmem:$0x13A90] =	vst v2  }
0xb8: {  	[tilespmem:$0x13A10] =	vst v3  }
0xb9: {  	[tilespmem:v2+s2+$0x0] =	vst.idx.add.f32.msk $0xffff, v1  }
0xba: {  	v2 =	vld [tilespmem:$0x13920]  }
0xbb: {  	v3 =	vld [tilespmem:$0x139A0];
	_ =	sdelay $0x1  }
0xbc: {  	v61 =	vld [tilespmem:$0x138A0];
	_ =	sdelay $0x1  }
0xbd: {  	v2 =	vshll.u32 v2, $0x3  }
0xbe: {  	v2 =	vadd.s32 v3, v2;
	_ =	sdelay $0x1  }
0xbf: {  	v4 =	vshll.u32 v61, $0x3  }
0xc0: {  	v3 =	vadd.s32 v3, v4;
	[tilespmem:$0x13AA0] =	vst v2  }
0xc1: {  	[tilespmem:$0x13A20] =	vst v3  }
0xc2: {  	[tilespmem:v2+s2+$0x0] =	vst.idx.add.f32.msk $0xffff, v1  }
0xc3: {  	v2 =	vld [tilespmem:$0x13930]  }
0xc4: {  	v3 =	vld [tilespmem:$0x139B0];
	_ =	sdelay $0x1  }
0xc5: {  	v62 =	vld [tilespmem:$0x138B0];
	_ =	sdelay $0x1  }
0xc6: {  	v2 =	vshll.u32 v2, $0x3  }
0xc7: {  	v2 =	vadd.s32 v3, v2;
	_ =	sdelay $0x1  }
0xc8: {  	v4 =	vshll.u32 v62, $0x3  }
0xc9: {  	v3 =	vadd.s32 v3, v4;
	[tilespmem:$0x13AB0] =	vst v2  }
0xca: {  	[tilespmem:$0x13A30] =	vst v3  }
0xcb: {  	[tilespmem:v2+s2+$0x0] =	vst.idx.add.f32.msk $0xffff, v1  }
0xcc: {  	v2 =	vld [tilespmem:$0x13940]  }
0xcd: {  	v3 =	vld [tilespmem:$0x139C0];
	_ =	sdelay $0x1  }
0xce: {  	v63 =	vld [tilespmem:$0x138C0];
	_ =	sdelay $0x1  }
0xcf: {  	v2 =	vshll.u32 v2, $0x3  }
0xd0: {  	v2 =	vadd.s32 v3, v2;
	_ =	sdelay $0x1  }
0xd1: {  	v4 =	vshll.u32 v63, $0x3  }
0xd2: {  	v3 =	vadd.s32 v3, v4;
	[tilespmem:$0x13AC0] =	vst v2  }
0xd3: {  	[tilespmem:$0x13A40] =	vst v3  }
0xd4: {  	s30 =	sadd.s32 s17, s6;
	[tilespmem:v2+s2+$0x0] =	vst.idx.add.f32.msk $0xffff, v1  }
0xd5: {  	[hbm4b:s30+s2] =	stream.linear.scatter [tilespmem:s14], [sflag:$0x1], $0x50, $0x38;
	[tilespmem:$0x13B00] =	vst v63  }
0xd6: {  	_ =	swait.ge [sflag:s11], $0x50  }
0xd7: {  	[sflag:s11] =	ssyncset.done $0x0  }
0xd8: {  	s31 =	sadd.s32 s17, s5;
	[sflag:s11] =	ssyncadd.s32 $0xFFFFFFB0  }
0xd9: {  	[hbm4b:s31+s2] =	stream.linear.scatter [tilespmem:s15], [sflag:$0x1], $0x50, $0x38;
	[tilespmem:$0x13B00] =	vst v63  }
0xda: {  	s16 =	sadd.s32 $0x1, s16;
	_ =	swait.ge [sflag:s11], $0x50  }
0xdb: {  	p0 =	sne.s32 s16, s4;
	[sflag:s11] =	ssyncset.done $0x0  }
.Ltmp2:
0xdc: {  	[sflag:s11] =	ssyncadd.s32 $0xFFFFFFB0;
	(pc) =	sbr.rel @p0 .LBB2_1-.Ltmp2, $4  }
0xdd: {  	[hbm4b:s3+s2] =	stream.linear.scatter [tilespmem:s2], [sflag:$0x1], $0x13880, $0x38;
	[tilespmem:$0x13B00] =	vst v63  }
0xde: {  	_ =	swait.ge [sflag:s11], $0x13880  }
0xdf: {  	[sflag:s11] =	ssyncset.done $0x0  }
0xe0: {  	[sflag:s11] =	ssyncadd.s32 $0xFFFEC780  }
0xe1: {  	_ =	sfence.sel $0x180000  }
0xe2: {  	[bflag:$0x0] =	sbarrier.arrive $0xFFFF  }
0xe3: {  	p0 =	sne.s32 s1, $0x0;
	_ =	strace $0x90000047  }
0xe4: {  	s0 =	sadd.s32 @!p0 $0x100000, s0;
	[bflag:$0x2] =	sbarrier.arrive $0xFFFF  }
0xe5: {  	[sflag:s0] =	ssyncadd.tile.s32 @!p0 $0x1;
	_ =	shalt  }
.Lfunc_end2:
_tile_overlayer_lowered:
.L_overlay_start_2:
0xe6: {  	(tag) =	ssettag $0x2  }
0xe7: {  	s0 =	rddreg [dreg:$0x0];
	s2 =	stileid.u32  }
0xe8: {  	s1 =	rddreg [dreg:$0x1];
	p0 =	sne.s32 s2, $0x0  }
0xe9: {  	s3 =	rddreg [dreg:$0x2];
	[bflag:$0x3] =	sbarrier.arrive $0xFFFF;
	s2 =	simm.s32 @!p0 $0x1C01  }
0xea: {  	[timem:s3], [sflag:s2] =	dma.local @!p0 [hbm:s0], s1  }
0xeb: {  	s0 =	simm.s32 @!p0 $0x1  }
0xec: {  	_ =	swait.ge @!p0 [sflag:s0], s1  }
0xed: {  	s1 =	ssub.s32 @!p0 $0x0, s1;
	[sflag:s0] =	ssyncset.done @!p0 $0x0  }
0xee: {  	[sflag:s0] =	ssyncadd.s32 @!p0 s1  }
0xef: {  	[bflag:$0x3] =	sbarrier.arrive $0xFFFF  }
0xf0: {  	_ =	shalt  }

// kernel: kernel.13.cloned.1.call-start
scs
__scs_entry_jumppad:
0x0: {  	(pc) =	sbr.rel $0x88, $3  }
0x1: {  	(tag) =	ssettag $0x0;
	lr =	simm.s32 $0x1  }
0x2: {  	[smem:$0x3F94] =	sst lr;
	_ =	strace $0xD0000000  }
0x3: {  	_ = 	snop  }
0x4: {  	_ = 	snop  }
0x5: {  	_ = 	snop  }
0x6: {  	_ = 	snop  }
0x7: {  	_ = 	snop  }
__scs_overlays_trampoline_lowered:
0x8: {  	[smem:$0x3FA3] =	sst s0  }
0x9: {  	[smem:$0x3FA4] =	sst s1  }
0xa: {  	[smem:$0x3FA5] =	sst s2  }
0xb: {  	[smem:$0x3FA6] =	sst s3  }
0xc: {  	[smem:$0x3FA7] =	sst s4  }
0xd: {  	[smem:$0x3FA8] =	sst s5  }
0xe: {  	[smem:$0x3FA9] =	sst s6  }
0xf: {  	[smem:$0x3FAA] =	sst s7  }
0x10: {  	[smem:$0x3FAB] =	sst s8  }
0x11: {  	[smem:$0x3FAC] =	sst s9;
	s0 =	simm.s32 @!p0 $0x0  }
0x12: {  	s1 =	sld [smem:$0x3F92];
	s0 =	simm.s32 @p0 $0x1  }
0x13: {  	[smem:$0x3FAD] =	sst s0;
	s0 =	simm.s32 @!p1 $0x0  }
0x14: {  	s2 =	sld [smem:$0x3F91];
	s0 =	simm.s32 @p1 $0x1  }
0x15: {  	[smem:$0x3FAE] =	sst s0;
	s0 =	simm.s32 @!p2 $0x0  }
0x16: {  	s3 =	sld [smem:$0x3FDB];
	s0 =	simm.s32 @p2 $0x1  }
0x17: {  	s4 =	simm.s32 $0x1BF5;
	[smem:$0x3FB0] =	sst s0  }
0x18: {  	s0 =	sld [smem:$0x3F93];
	_ =	swait.ge [sflag:s4], $0x0  }
0x19: {  	s7 =	sld [smem:$0x3F94]  }
0x1a: {  	s8 =	sadd.s32 $0xFFFFE003, lr  }
0x1b: {  	s9 =	sadd.s32 $0xFFFFFEF7, lr;
	s5 =	simm.s32 $0xFFFFFFFF;
	p2 =	slt.u32 s8, $0xFFFFF086  }
0x1c: {  	p1 =	slt.u32 s9, $0xF7A;
	s5 =	simm.s32 @!p2 $0x0  }
0x1d: {  	s5 =	simm.s32 @p1 $0x1;
	p0 =	seq.s32 s7, s2  }
0x1e: {  	s7 =	smul.u32 @!p0 $0xF7A, s2;
	p2 =	seq.s32 @!p0 s5, $0x0  }
0x1f: {  	s9 =	smul.u32 $0xF7A, s1;
	s8 =	simm.s32 @!p0 $0x1BF5;
	p2 =	por !p2, p0  }
0x20: {  	[sflag:s8] =	ssyncset.s32 @!p0 $0xFFFFF086;
	s6 =	sadd.s32 @!p0 s3, s7;
	s7 =	simm.s32 @!p0 $0x108  }
0x21: {  	s3 =	sadd.s32 s3, s9;
	s6 =	sadd.s32 @!p0 $0x88, s6;
	s7 =	simm.s32 @p2 $0x1082  }
0x22: {  	[simem:s7], [sflag:s8] =	dma.local @!p0 [hbm:s6], $0xF7A  }
0x23: {  	s9 =	sor.u32 $0xD0000000, s2;
	s6 =	simm.s32 $0x108;
	_ =	swait.ge @!p0 [sflag:s8], $0x0  }
0x24: {  	s3 =	sadd.s32 $0x88, s3;
	s6 =	simm.s32 @!p1 $0x1082;
	[sflag:s4] =	ssyncset.s32 $0xFFFFF086  }
0x25: {  	[simem:s6], [sflag:s4] =	dma.local [hbm:s3], $0xF7A  }
0x26: {  	[smem:$0x3F94] =	sst s1;
	(tag) =	ssettag s2;
	_ =	strace s9  }
0x27: {  	s1 =	sld [smem:$0x3FA4]  }
0x28: {  	s2 =	sld [smem:$0x3FA5]  }
0x29: {  	s4 =	sld [smem:$0x3FA7]  }
0x2a: {  	p0 =	seq.s32 s5, $0x0;
	s5 =	sld [smem:$0x3FA8]  }
0x2b: {  	s6 =	sld [smem:$0x3FA9]  }
0x2c: {  	s7 =	sld [smem:$0x3FAA]  }
0x2d: {  	s3 =	simm.s32 $0x108;
	s8 =	sld [smem:$0x3FAB]  }
0x2e: {  	s3 =	simm.s32 @!p0 $0x1082;
	s9 =	sld [smem:$0x3FAC]  }
0x2f: {  	lr =	sadd.s32 s0, s3;
	s0 =	sld [smem:$0x3FA3]  }
0x30: {  	s3 =	sld [smem:$0x3FA6]  }
0x31: {  	[smem:$0x3FAF] =	sst s10  }
0x32: {  	s10 =	sld [smem:$0x3FAD];
	_ =	sdelay $0x3  }
0x33: {  	p0 =	seq.s32 s10, $0x1;
	s10 =	sld [smem:$0x3FAF];
	_ =	sdelay $0x3  }
0x34: {  	[smem:$0x3FAF] =	sst s10  }
0x35: {  	s10 =	sld [smem:$0x3FAE];
	_ =	sdelay $0x3  }
0x36: {  	p1 =	seq.s32 s10, $0x1;
	s10 =	sld [smem:$0x3FAF];
	_ =	sdelay $0x3  }
0x37: {  	[smem:$0x3FAF] =	sst s10  }
0x38: {  	s10 =	sld [smem:$0x3FB0]  }
0x39: {  	_ = 	snop;
	(pc) =	sbr.ind lr, $3  }
0x3a: {  	_ = 	snop  }
0x3b: {  	_ = 	snop  }
0x3c: {  	p2 =	seq.s32 s10, $0x1;
	s10 =	sld [smem:$0x3FAF]  }
0x3d: {  	_ =	shalt  }
0x3e: {  	_ =	shalt  }
0x3f: {  	_ =	shalt  }
0x40: {  	_ =	shalt  }
0x41: {  	_ =	shalt  }
0x42: {  	_ =	shalt  }
0x43: {  	_ =	shalt  }
0x44: {  	_ =	shalt  }
0x45: {  	_ =	shalt  }
0x46: {  	_ =	shalt  }
0x47: {  	_ =	shalt  }
0x48: {  	_ =	shalt  }
0x49: {  	_ =	shalt  }
0x4a: {  	_ =	shalt  }
0x4b: {  	_ =	shalt  }
0x4c: {  	_ =	shalt  }
0x4d: {  	_ =	shalt  }
0x4e: {  	_ =	shalt  }
0x4f: {  	_ =	shalt  }
0x50: {  	_ =	shalt  }
0x51: {  	_ =	shalt  }
0x52: {  	_ =	shalt  }
0x53: {  	_ =	shalt  }
0x54: {  	_ =	shalt  }
0x55: {  	_ =	shalt  }
0x56: {  	_ =	shalt  }
0x57: {  	_ =	shalt  }
0x58: {  	_ =	shalt  }
0x59: {  	_ =	shalt  }
0x5a: {  	_ =	shalt  }
0x5b: {  	_ =	shalt  }
0x5c: {  	_ =	shalt  }
0x5d: {  	_ =	shalt  }
0x5e: {  	_ =	shalt  }
0x5f: {  	_ =	shalt  }
0x60: {  	_ =	shalt  }
0x61: {  	_ =	shalt  }
0x62: {  	_ =	shalt  }
0x63: {  	_ =	shalt  }
0x64: {  	_ =	shalt  }
0x65: {  	_ =	shalt  }
0x66: {  	_ =	shalt  }
0x67: {  	_ =	shalt  }
0x68: {  	_ =	shalt  }
0x69: {  	_ =	shalt  }
0x6a: {  	_ =	shalt  }
0x6b: {  	_ =	shalt  }
0x6c: {  	_ =	shalt  }
0x6d: {  	_ =	shalt  }
0x6e: {  	_ =	shalt  }
0x6f: {  	_ =	shalt  }
0x70: {  	_ =	shalt  }
0x71: {  	_ =	shalt  }
0x72: {  	_ =	shalt  }
0x73: {  	_ =	shalt  }
0x74: {  	_ =	shalt  }
0x75: {  	_ =	shalt  }
0x76: {  	_ =	shalt  }
0x77: {  	_ =	shalt  }
0x78: {  	_ =	shalt  }
0x79: {  	_ =	shalt  }
0x7a: {  	_ =	shalt  }
0x7b: {  	_ =	shalt  }
0x7c: {  	_ =	shalt  }
0x7d: {  	_ =	shalt  }
0x7e: {  	_ =	shalt  }
0x7f: {  	_ =	shalt  }
0x80: {  	_ =	shalt  }
0x81: {  	_ =	shalt  }
0x82: {  	_ =	shalt  }
0x83: {  	_ =	shalt  }
0x84: {  	_ =	shalt  }
0x85: {  	_ =	shalt  }
0x86: {  	_ =	shalt  }
0x87: {  	_ =	shalt  }
.Lfunc_end0:
.L_simem_size_0:
called_computation.1_lowered:
.L_overlay_start_0:
0x88: {  	s2 =	sld [smem:$0x3FD9]  }
0x89: {  	s3 =	sld [smem:$0x3FFE];
	_ =	sdelay $0x1  }
0x8a: {  	s1 =	srdreg.scid  }
0x8b: {  	s0 =	sand.u32 $0x1, s1  }
0x8c: {  	s16 =	sshll.u32 s0, $0xA;
	s2 =	sadd.s32 s3, s2  }
0x8d: {  	s2 =	sadd.s32 s2, s16  }
0x8e: {  	[smem:$0x3FBB] =	sst s2  }
0x8f: {  	_ = 	snop  }
0x90: {  	(tm) =	ssettm $0x1  }
0x91: {  	s17 =	sld [smem:$0x3FFB];
	_ =	sdelay $0x3  }
0x92: {  	_ =	strace s17  }
0x93: {  	s2 =	sld [smem:$0x3FFC];
	_ =	sdelay $0x3  }
0x94: {  	_ =	strace s2  }
0x95: {  	s2 =	sld [smem:$0x3FFD];
	_ =	sdelay $0x3  }
0x96: {  	_ =	strace s2  }
0x97: {  	_ =	strace $0x8FFFFFFF  }
0x98: {  	s18 =	sld [smem:$0x3FDB];
	_ =	sdelay $0x1  }
0x99: {  	s19 =	simm.s32 $_scs_section_size  }
0x9a: {  	s4 =	simm.s32 $_size__tile_overlayer_lowered;
	s5 =	simm.s32 $_tile_overlayer_lowered  }
0x9b: {  	s22 =	simm.s32 $0x1BFF;
	s21 =	sshll.u32 s5, $0x1;
	s2 =	sadd.s32 s19, s18  }
0x9c: {  	s6 =	simm.s32 $0x0;
	s20 =	sshll.u32 s4, $0x1;
	s4 =	sadd.s32 s21, s2  }
0x9d: {  	[timem:s6], [sflag:s22] =	dma.local [hbm:s4], s20  }
0x9e: {  	_ =	swait.ge [sflag:s22], s20  }
0x9f: {  	s3 =	ssub.s32 $0x0, s20;
	[sflag:s22] =	ssyncset.done $0x0  }
0xa0: {  	[sflag:s22] =	ssyncadd.s32 s3;
	_ =	sdelay $0x1  }
0xa1: {  	s23 =	simm.s32 $0x1B8B  }
0xa2: {  	_ =	swait.ge [sflag:s23], $0x1  }
0xa3: {  	[sflag:s23] =	ssyncset.done $0x0  }
0xa4: {  	s25 =	simm.s32 $0x1B8E;
	s24 =	sld [smem:$0x3FFE];
	[sflag:s23] =	ssyncadd.s32 $0xFFFFFFFF  }
0xa5: {  	s26 =	simm.s32 $execute0_lowered;
	[smem:$0x3FD2] =	sst s25  }
0xa6: {  	s4 =	sshll.u32 s26, $0x1;
	_ =	strace $0x80000049;
	[dreg:$0x1] =	wrdreg $0xFFFFFFFF  }
0xa7: {  	s28 =	simm.s32 $_size_execute0_lowered;
	s2 =	sadd.s32 s2, s4;
	[dreg:$0x0] =	wrdreg $0x0  }
0xa8: {  	s4 =	sshll.u32 s28, $0x1;
	[dreg:$0x2] =	wrdreg s2  }
0xa9: {  	[dreg:$0x3] =	wrdreg s4  }
0xaa: {  	[dreg:$0x4] =	wrdreg $0xC0  }
0xab: {  	_ =	task [dreg:s6], $0x5FFFF  }
0xac: {  	[dreg:$0x1] =	wrdreg $0xFFFFFFFF  }
0xad: {  	[dreg:$0x0] =	wrdreg $0x60  }
0xae: {  	[dreg:$0x2] =	wrdreg s24  }
0xaf: {  	[dreg:$0x3] =	wrdreg $0x9  }
0xb0: {  	_ =	task.clear_ibuf [dreg:s6], $0x4FFFF;
	_ =	strace $0x90000049  }
0xb1: {  	s29 =	simm.s32 $0x9;
	_ =	strace $0x8000004B  }
0xb2: {  	_ =	swait.ge [sflag:s29], $0x1  }
0xb3: {  	[sflag:s29] =	ssyncadd.s32 $0xFFFFFFFF  }
0xb4: {  	_ =	strace $0x9000004B  }
0xb5: {  	_ =	sfence  }
0xb6: {  	s30 =	sld [smem:$0x0];
	_ =	sdelay $0x2  }
0xb7: {  	s31 =	sshll.u32 s1, $0xD;
	s1 =	sshrl.u32 s1, $0x2  }
0xb8: {  	s3 =	sand.u32 $0x4000, s31;
	s1 =	sadd.s32 s1, s30  }
0xb9: {  	s0 =	sor.u32 s3, s0;
	s1 =	sshll.u32 s1, $0x11  }
0xba: {  	s0 =	sor.u32 s1, s0  }
0xbb: {  	s0 =	sadd.s32 $0x8F2B, s0  }
0xbc: {  	[sflag:s0] =	ssyncadd.remote.s32 $0x1  }
0xbd: {  	_ =	sfence.sel $0xFFFF  }
0xbe: {  	[dreg:$0x0] =	wrdreg $0xFFFFFFFF;
	(pc) =	sbr.abs _section_cstart, $3  }
0xbf: {  	[dreg:$0x1] =	wrdreg $0xFFFFFFFF  }
0xc0: {  	_ =	task.clear_ibuf [dreg:s6], $0x2FFFF;
	_ =	strace $0x9FFFFFFF  }
0xc1: {  	(tm) =	ssettm $0x7FFFFFFF  }
tec
execute0_lowered:
.L_overlay_start_1:
0x0: {  	(tag) =	ssettag $0x1  }
0x1: {  	s1 =	srdreg.scid  }
0x2: {  	s0 =	stileid.u32;
	s5 =	rddreg [dreg:$0x0]  }
0x3: {  	s2 =	simm.s32 $0x0;
	s3 =	sand.u32 $0x1, s1;
	s4 =	smul.u32 $0x4E20, s0  }
0x4: {  	s8 =	simm.s32 $0x13880;
	s9 =	simm.s32 $0x13A80;
	s6 =	smul.u32 $0x2710, s3  }
0x5: {  	s10 =	simm.s32 $0x0;
	s1 =	rddreg [dreg:$0x1];
	s3 =	ssub.s32 $0x2, s3  }
0x6: {  	[smem:$0x7FF] =	sst s2;
	s31 =	sshrl.u32 s3, $0x1;
	s4 =	sadd.s32 s6, s4  }
0x7: {  	_ =	strace $0x8000004A;
	s6 =	ssub.s32 s3, s31;
	s4 =	sshrl.u32 s4, $0x3  }
0x8: {  	s3 =	sadd.s32 $0x3000, s5;
	s7 =	sadd.s32 s4, s5;
	s4 =	smax.u32 s6, $0x1  }
0x9: {  	s5 =	sadd.s32 $0x5800, s7;
	s6 =	sadd.s32 $0x5B000, s7;
	s7 =	simm.s32 $0x1  }
.LBB2_1:
0xa: {  	[tilespmem:s2], [sflag:$0x1] =	stream.linear.gather [hbm4b:s3+s2], $0x13880, $0x38;
	[tilespmem:$0x13C80] =	vst v63  }
0xb: {  	_ =	swait.ge [sflag:s7], $0x13880  }
0xc: {  	[sflag:s7] =	ssyncset.done $0x0  }
0xd: {  	s11 =	sadd.s32 $0x0, s6;
	[sflag:s7] =	ssyncadd.s32 $0xFFFEC780  }
0xe: {  	[tilespmem:s8], [sflag:$0x1] =	stream.linear.gather [hbm4b:s11+s2], $0x190, $0x38;
	[tilespmem:$0x13C80] =	vst v63  }
0xf: {  	_ =	swait.ge [sflag:s7], $0x190  }
0x10: {  	[sflag:s7] =	ssyncset.done $0x0  }
0x11: {  	[sflag:s7] =	ssyncadd.s32 $0xFFFFFE70  }
0x12: {  	v0 =	vld [tilespmem:$0x13880];
	_ =	sdelay $0x5  }
0x13: {  	v1 =	vld [tilespmem:$0x13890];
	_ =	sdelay $0x1  }
0x14: {  	v0 =	vld.idx.msk [tilespmem:v0+s2+$0x0], $0xffff;
	_ =	sdelay $0x3  }
0x15: {  	v2 =	vld [tilespmem:$0x138A0]  }
0x16: {  	[tilespmem:$0x13A80] =	vst v0  }
0x17: {  	v0 =	vld.idx.msk [tilespmem:v1+s2+$0x0], $0xffff;
	_ =	sdelay $0x3  }
0x18: {  	v42 =	vld [tilespmem:$0x138B0]  }
0x19: {  	[tilespmem:$0x13A90] =	vst v0  }
0x1a: {  	v0 =	vld.idx.msk [tilespmem:v2+s2+$0x0], $0xffff;
	_ =	sdelay $0x3  }
0x1b: {  	v43 =	vld [tilespmem:$0x138C0]  }
0x1c: {  	[tilespmem:$0x13AA0] =	vst v0  }
0x1d: {  	v0 =	vld.idx.msk [tilespmem:v42+s2+$0x0], $0xffff;
	_ =	sdelay $0x3  }
0x1e: {  	v44 =	vld [tilespmem:$0x138D0]  }
0x1f: {  	[tilespmem:$0x13AB0] =	vst v0  }
0x20: {  	v0 =	vld.idx.msk [tilespmem:v43+s2+$0x0], $0xffff;
	_ =	sdelay $0x3  }
0x21: {  	v45 =	vld [tilespmem:$0x138E0]  }
0x22: {  	[tilespmem:$0x13AC0] =	vst v0  }
0x23: {  	v0 =	vld.idx.msk [tilespmem:v44+s2+$0x0], $0xffff;
	_ =	sdelay $0x3  }
0x24: {  	v46 =	vld [tilespmem:$0x138F0]  }
0x25: {  	[tilespmem:$0x13AD0] =	vst v0  }
0x26: {  	v0 =	vld.idx.msk [tilespmem:v45+s2+$0x0], $0xffff;
	_ =	sdelay $0x3  }
0x27: {  	v47 =	vld [tilespmem:$0x13900]  }
0x28: {  	[tilespmem:$0x13AE0] =	vst v0  }
0x29: {  	v0 =	vld.idx.msk [tilespmem:v46+s2+$0x0], $0xffff;
	_ =	sdelay $0x3  }
0x2a: {  	v48 =	vld [tilespmem:$0x13910]  }
0x2b: {  	[tilespmem:$0x13AF0] =	vst v0  }
0x2c: {  	v0 =	vld.idx.msk [tilespmem:v47+s2+$0x0], $0xffff;
	_ =	sdelay $0x3  }
0x2d: {  	v49 =	vld [tilespmem:$0x13920]  }
0x2e: {  	[tilespmem:$0x13B00] =	vst v0  }
0x2f: {  	v0 =	vld.idx.msk [tilespmem:v48+s2+$0x0], $0xffff;
	_ =	sdelay $0x3  }
0x30: {  	v50 =	vld [tilespmem:$0x13930]  }
0x31: {  	[tilespmem:$0x13B10] =	vst v0  }
0x32: {  	v0 =	vld.idx.msk [tilespmem:v49+s2+$0x0], $0xffff;
	_ =	sdelay $0x3  }
0x33: {  	v51 =	vld [tilespmem:$0x13940]  }
0x34: {  	[tilespmem:$0x13B20] =	vst v0  }
0x35: {  	v0 =	vld.idx.msk [tilespmem:v50+s2+$0x0], $0xffff;
	_ =	sdelay $0x3  }
0x36: {  	v52 =	vld [tilespmem:$0x13950]  }
0x37: {  	[tilespmem:$0x13B30] =	vst v0  }
0x38: {  	v0 =	vld.idx.msk [tilespmem:v51+s2+$0x0], $0xffff;
	_ =	sdelay $0x3  }
0x39: {  	v53 =	vld [tilespmem:$0x13960]  }
0x3a: {  	[tilespmem:$0x13B40] =	vst v0  }
0x3b: {  	v0 =	vld.idx.msk [tilespmem:v52+s2+$0x0], $0xffff;
	_ =	sdelay $0x3  }
0x3c: {  	v54 =	vld [tilespmem:$0x13970]  }
0x3d: {  	[tilespmem:$0x13B50] =	vst v0  }
0x3e: {  	v0 =	vld.idx.msk [tilespmem:v53+s2+$0x0], $0xffff;
	_ =	sdelay $0x3  }
0x3f: {  	v55 =	vld [tilespmem:$0x13980]  }
0x40: {  	[tilespmem:$0x13B60] =	vst v0  }
0x41: {  	v0 =	vld.idx.msk [tilespmem:v54+s2+$0x0], $0xffff;
	_ =	sdelay $0x3  }
0x42: {  	v56 =	vld [tilespmem:$0x13990]  }
0x43: {  	[tilespmem:$0x13B70] =	vst v0  }
0x44: {  	v0 =	vld.idx.msk [tilespmem:v55+s2+$0x0], $0xffff;
	_ =	sdelay $0x3  }
0x45: {  	v57 =	vld [tilespmem:$0x139A0]  }
0x46: {  	[tilespmem:$0x13B80] =	vst v0  }
0x47: {  	v0 =	vld.idx.msk [tilespmem:v56+s2+$0x0], $0xffff;
	_ =	sdelay $0x3  }
0x48: {  	v58 =	vld [tilespmem:$0x139B0]  }
0x49: {  	[tilespmem:$0x13B90] =	vst v0  }
0x4a: {  	v0 =	vld.idx.msk [tilespmem:v57+s2+$0x0], $0xffff;
	_ =	sdelay $0x3  }
0x4b: {  	v59 =	vld [tilespmem:$0x139C0]  }
0x4c: {  	[tilespmem:$0x13BA0] =	vst v0  }
0x4d: {  	v0 =	vld.idx.msk [tilespmem:v58+s2+$0x0], $0xffff;
	_ =	sdelay $0x3  }
0x4e: {  	v60 =	vld [tilespmem:$0x139D0]  }
0x4f: {  	[tilespmem:$0x13BB0] =	vst v0  }
0x50: {  	v0 =	vld.idx.msk [tilespmem:v59+s2+$0x0], $0xffff;
	_ =	sdelay $0x3  }
0x51: {  	v61 =	vld [tilespmem:$0x139E0]  }
0x52: {  	[tilespmem:$0x13BC0] =	vst v0  }
0x53: {  	v0 =	vld.idx.msk [tilespmem:v60+s2+$0x0], $0xffff;
	_ =	sdelay $0x3  }
0x54: {  	v62 =	vld [tilespmem:$0x139F0]  }
0x55: {  	[tilespmem:$0x13BD0] =	vst v0  }
0x56: {  	v0 =	vld.idx.msk [tilespmem:v61+s2+$0x0], $0xffff;
	_ =	sdelay $0x3  }
0x57: {  	v63 =	vld [tilespmem:$0x13A00]  }
0x58: {  	[tilespmem:$0x13BE0] =	vst v0  }
0x59: {  	v0 =	vld.idx.msk [tilespmem:v62+s2+$0x0], $0xffff;
	_ =	sdelay $0x4  }
0x5a: {  	[tilespmem:$0x13BF0] =	vst v0  }
0x5b: {  	v0 =	vld.idx.msk [tilespmem:v63+s2+$0x0], $0xffff;
	_ =	sdelay $0x4  }
0x5c: {  	s31 =	sadd.s32 $0x0, s5;
	[tilespmem:$0x13C00] =	vst v0  }
0x5d: {  	[hbm4b:s31+s2] =	stream.linear.scatter [tilespmem:s9], [sflag:$0x1], $0x190, $0x38;
	[tilespmem:$0x13C80] =	vst v63  }
0x5e: {  	_ =	swait.ge [sflag:s7], $0x190  }
0x5f: {  	s14 =	simm.s32 $0x64;
	s11 =	simm.s32 $0x32;
	[sflag:s7] =	ssyncset.done $0x0  }
.LBB2_2:
0x60: {  	s15 =	sadd.s32 s11, s6  }
0x61: {  	[sflag:s7] =	ssyncadd.s32 $0xFFFFFE70;
	s13 =	smov.u32 s14;
	s12 =	sadd.s32 $0x32, s14  }
0x62: {  	[tilespmem:s8], [sflag:$0x1] =	stream.linear.gather [hbm4b:s15+s2], $0x190, $0x38;
	[tilespmem:$0x13C80] =	vst v63  }
0x63: {  	p0 =	sne.s32 s14, $0x4B0;
	_ =	swait.ge [sflag:s7], $0x190  }
0x64: {  	[sflag:s7] =	ssyncset.done $0x0  }
0x65: {  	[sflag:s7] =	ssyncadd.s32 $0xFFFFFE70  }
0x66: {  	v0 =	vld [tilespmem:$0x13880];
	_ =	sdelay $0x6  }
0x67: {  	v1 =	vld [tilespmem:$0x13890]  }
0x68: {  	v0 =	vld.idx.msk [tilespmem:v0+s2+$0x0], $0xffff;
	_ =	sdelay $0x5  }
0x69: {  	[tilespmem:$0x13A80] =	vst v0;
	v0 =	vld [tilespmem:$0x138A0]  }
0x6a: {  	v1 =	vld.idx.msk [tilespmem:v1+s2+$0x0], $0xffff;
	_ =	sdelay $0x5  }
0x6b: {  	[tilespmem:$0x13A90] =	vst v1;
	v1 =	vld [tilespmem:$0x138B0]  }
0x6c: {  	v0 =	vld.idx.msk [tilespmem:v0+s2+$0x0], $0xffff;
	_ =	sdelay $0x5  }
0x6d: {  	[tilespmem:$0x13AA0] =	vst v0;
	v0 =	vld [tilespmem:$0x138C0]  }
0x6e: {  	v1 =	vld.idx.msk [tilespmem:v1+s2+$0x0], $0xffff;
	_ =	sdelay $0x5  }
0x6f: {  	[tilespmem:$0x13AB0] =	vst v1;
	v1 =	vld [tilespmem:$0x138D0]  }
0x70: {  	v0 =	vld.idx.msk [tilespmem:v0+s2+$0x0], $0xffff;
	_ =	sdelay $0x5  }
0x71: {  	[tilespmem:$0x13AC0] =	vst v0;
	v0 =	vld [tilespmem:$0x138E0]  }
0x72: {  	v1 =	vld.idx.msk [tilespmem:v1+s2+$0x0], $0xffff;
	_ =	sdelay $0x5  }
0x73: {  	[tilespmem:$0x13AD0] =	vst v1;
	v1 =	vld [tilespmem:$0x138F0]  }
0x74: {  	v0 =	vld.idx.msk [tilespmem:v0+s2+$0x0], $0xffff;
	_ =	sdelay $0x5  }
0x75: {  	[tilespmem:$0x13AE0] =	vst v0;
	v0 =	vld [tilespmem:$0x13900]  }
0x76: {  	v1 =	vld.idx.msk [tilespmem:v1+s2+$0x0], $0xffff;
	_ =	sdelay $0x5  }
0x77: {  	[tilespmem:$0x13AF0] =	vst v1;
	v1 =	vld [tilespmem:$0x13910]  }
0x78: {  	v0 =	vld.idx.msk [tilespmem:v0+s2+$0x0], $0xffff;
	_ =	sdelay $0x5  }
0x79: {  	[tilespmem:$0x13B00] =	vst v0;
	v0 =	vld [tilespmem:$0x13920]  }
0x7a: {  	v1 =	vld.idx.msk [tilespmem:v1+s2+$0x0], $0xffff;
	_ =	sdelay $0x5  }
0x7b: {  	[tilespmem:$0x13B10] =	vst v1;
	v1 =	vld [tilespmem:$0x13930]  }
0x7c: {  	v0 =	vld.idx.msk [tilespmem:v0+s2+$0x0], $0xffff;
	_ =	sdelay $0x5  }
0x7d: {  	[tilespmem:$0x13B20] =	vst v0;
	v0 =	vld [tilespmem:$0x13940]  }
0x7e: {  	v1 =	vld.idx.msk [tilespmem:v1+s2+$0x0], $0xffff;
	_ =	sdelay $0x5  }
0x7f: {  	[tilespmem:$0x13B30] =	vst v1;
	v1 =	vld [tilespmem:$0x13950]  }
0x80: {  	v0 =	vld.idx.msk [tilespmem:v0+s2+$0x0], $0xffff;
	_ =	sdelay $0x5  }
0x81: {  	[tilespmem:$0x13B40] =	vst v0;
	v0 =	vld [tilespmem:$0x13960]  }
0x82: {  	v1 =	vld.idx.msk [tilespmem:v1+s2+$0x0], $0xffff;
	_ =	sdelay $0x5  }
0x83: {  	[tilespmem:$0x13B50] =	vst v1;
	v1 =	vld [tilespmem:$0x13970]  }
0x84: {  	v0 =	vld.idx.msk [tilespmem:v0+s2+$0x0], $0xffff;
	_ =	sdelay $0x5  }
0x85: {  	[tilespmem:$0x13B60] =	vst v0;
	v0 =	vld [tilespmem:$0x13980]  }
0x86: {  	v1 =	vld.idx.msk [tilespmem:v1+s2+$0x0], $0xffff;
	_ =	sdelay $0x5  }
0x87: {  	[tilespmem:$0x13B70] =	vst v1;
	v1 =	vld [tilespmem:$0x13990]  }
0x88: {  	v0 =	vld.idx.msk [tilespmem:v0+s2+$0x0], $0xffff;
	_ =	sdelay $0x5  }
0x89: {  	[tilespmem:$0x13B80] =	vst v0;
	v0 =	vld [tilespmem:$0x139A0]  }
0x8a: {  	v1 =	vld.idx.msk [tilespmem:v1+s2+$0x0], $0xffff;
	_ =	sdelay $0x5  }
0x8b: {  	[tilespmem:$0x13B90] =	vst v1;
	v1 =	vld [tilespmem:$0x139B0]  }
0x8c: {  	v0 =	vld.idx.msk [tilespmem:v0+s2+$0x0], $0xffff;
	_ =	sdelay $0x5  }
0x8d: {  	[tilespmem:$0x13BA0] =	vst v0;
	v0 =	vld [tilespmem:$0x139C0]  }
0x8e: {  	v1 =	vld.idx.msk [tilespmem:v1+s2+$0x0], $0xffff;
	_ =	sdelay $0x5  }
0x8f: {  	[tilespmem:$0x13BB0] =	vst v1;
	v1 =	vld [tilespmem:$0x139D0]  }
0x90: {  	v0 =	vld.idx.msk [tilespmem:v0+s2+$0x0], $0xffff;
	_ =	sdelay $0x5  }
0x91: {  	[tilespmem:$0x13BC0] =	vst v0;
	v0 =	vld [tilespmem:$0x139E0]  }
0x92: {  	v1 =	vld.idx.msk [tilespmem:v1+s2+$0x0], $0xffff;
	_ =	sdelay $0x5  }
0x93: {  	[tilespmem:$0x13BD0] =	vst v1;
	v1 =	vld [tilespmem:$0x139F0]  }
0x94: {  	v0 =	vld.idx.msk [tilespmem:v0+s2+$0x0], $0xffff;
	_ =	sdelay $0x5  }
0x95: {  	[tilespmem:$0x13BE0] =	vst v0;
	v0 =	vld [tilespmem:$0x13A00]  }
0x96: {  	v1 =	vld.idx.msk [tilespmem:v1+s2+$0x0], $0xffff;
	_ =	sdelay $0x5  }
0x97: {  	[tilespmem:$0x13BF0] =	vst v1  }
0x98: {  	v0 =	vld.idx.msk [tilespmem:v0+s2+$0x0], $0xffff;
	_ =	sdelay $0x4  }
.Ltmp0:
0x99: {  	(pc) =	sbr.rel @p0 .LBB2_2-.Ltmp0, $4  }
0x9a: {  	s14 =	sadd.s32 s11, s5;
	s11 =	smov.u32 s13;
	[tilespmem:$0x13C00] =	vst v0  }
0x9b: {  	[hbm4b:s14+s2] =	stream.linear.scatter [tilespmem:s9], [sflag:$0x1], $0x190, $0x38;
	[tilespmem:$0x13C80] =	vst v63  }
0x9c: {  	_ =	swait.ge [sflag:s7], $0x190  }
0x9d: {  	s14 =	smov.u32 s12;
	[sflag:s7] =	ssyncset.done $0x0  }
0x9e: {  	s12 =	sadd.s32 s11, s6;
	[sflag:s7] =	ssyncadd.s32 $0xFFFFFE70  }
0x9f: {  	[tilespmem:s8], [sflag:$0x1] =	stream.linear.gather [hbm4b:s12+s2], $0x190, $0x38;
	[tilespmem:$0x13C80] =	vst v63  }
0xa0: {  	_ =	swait.ge [sflag:s7], $0x190  }
0xa1: {  	[sflag:s7] =	ssyncset.done $0x0  }
0xa2: {  	[sflag:s7] =	ssyncadd.s32 $0xFFFFFE70  }
0xa3: {  	v0 =	vld [tilespmem:$0x13880];
	_ =	sdelay $0x5  }
0xa4: {  	v1 =	vld [tilespmem:$0x13890];
	_ =	sdelay $0x1  }
0xa5: {  	v0 =	vld.idx.msk [tilespmem:v0+s2+$0x0], $0xffff;
	_ =	sdelay $0x3  }
0xa6: {  	v2 =	vld [tilespmem:$0x138A0]  }
0xa7: {  	[tilespmem:$0x13A80] =	vst v0  }
0xa8: {  	v0 =	vld.idx.msk [tilespmem:v1+s2+$0x0], $0xffff;
	_ =	sdelay $0x3  }
0xa9: {  	v42 =	vld [tilespmem:$0x138B0]  }
0xaa: {  	[tilespmem:$0x13A90] =	vst v0  }
0xab: {  	v0 =	vld.idx.msk [tilespmem:v2+s2+$0x0], $0xffff;
	_ =	sdelay $0x3  }
0xac: {  	v43 =	vld [tilespmem:$0x138C0]  }
0xad: {  	[tilespmem:$0x13AA0] =	vst v0  }
0xae: {  	v0 =	vld.idx.msk [tilespmem:v42+s2+$0x0], $0xffff;
	_ =	sdelay $0x3  }
0xaf: {  	v44 =	vld [tilespmem:$0x138D0]  }
0xb0: {  	[tilespmem:$0x13AB0] =	vst v0  }
0xb1: {  	v0 =	vld.idx.msk [tilespmem:v43+s2+$0x0], $0xffff;
	_ =	sdelay $0x3  }
0xb2: {  	v45 =	vld [tilespmem:$0x138E0]  }
0xb3: {  	[tilespmem:$0x13AC0] =	vst v0  }
0xb4: {  	v0 =	vld.idx.msk [tilespmem:v44+s2+$0x0], $0xffff;
	_ =	sdelay $0x3  }
0xb5: {  	v46 =	vld [tilespmem:$0x138F0]  }
0xb6: {  	[tilespmem:$0x13AD0] =	vst v0  }
0xb7: {  	v0 =	vld.idx.msk [tilespmem:v45+s2+$0x0], $0xffff;
	_ =	sdelay $0x3  }
0xb8: {  	v47 =	vld [tilespmem:$0x13900]  }
0xb9: {  	[tilespmem:$0x13AE0] =	vst v0  }
0xba: {  	v0 =	vld.idx.msk [tilespmem:v46+s2+$0x0], $0xffff;
	_ =	sdelay $0x3  }
0xbb: {  	v48 =	vld [tilespmem:$0x13910]  }
0xbc: {  	[tilespmem:$0x13AF0] =	vst v0  }
0xbd: {  	v0 =	vld.idx.msk [tilespmem:v47+s2+$0x0], $0xffff;
	_ =	sdelay $0x3  }
0xbe: {  	v49 =	vld [tilespmem:$0x13920]  }
0xbf: {  	[tilespmem:$0x13B00] =	vst v0  }
0xc0: {  	v0 =	vld.idx.msk [tilespmem:v48+s2+$0x0], $0xffff;
	_ =	sdelay $0x3  }
0xc1: {  	v50 =	vld [tilespmem:$0x13930]  }
0xc2: {  	[tilespmem:$0x13B10] =	vst v0  }
0xc3: {  	v0 =	vld.idx.msk [tilespmem:v49+s2+$0x0], $0xffff;
	_ =	sdelay $0x3  }
0xc4: {  	v51 =	vld [tilespmem:$0x13940]  }
0xc5: {  	[tilespmem:$0x13B20] =	vst v0  }
0xc6: {  	v0 =	vld.idx.msk [tilespmem:v50+s2+$0x0], $0xffff;
	_ =	sdelay $0x3  }
0xc7: {  	v52 =	vld [tilespmem:$0x13950]  }
0xc8: {  	[tilespmem:$0x13B30] =	vst v0  }
0xc9: {  	v0 =	vld.idx.msk [tilespmem:v51+s2+$0x0], $0xffff;
	_ =	sdelay $0x3  }
0xca: {  	v53 =	vld [tilespmem:$0x13960]  }
0xcb: {  	[tilespmem:$0x13B40] =	vst v0  }
0xcc: {  	v0 =	vld.idx.msk [tilespmem:v52+s2+$0x0], $0xffff;
	_ =	sdelay $0x3  }
0xcd: {  	v54 =	vld [tilespmem:$0x13970]  }
0xce: {  	[tilespmem:$0x13B50] =	vst v0  }
0xcf: {  	v0 =	vld.idx.msk [tilespmem:v53+s2+$0x0], $0xffff;
	_ =	sdelay $0x3  }
0xd0: {  	v55 =	vld [tilespmem:$0x13980]  }
0xd1: {  	[tilespmem:$0x13B60] =	vst v0  }
0xd2: {  	v0 =	vld.idx.msk [tilespmem:v54+s2+$0x0], $0xffff;
	_ =	sdelay $0x3  }
0xd3: {  	v56 =	vld [tilespmem:$0x13990]  }
0xd4: {  	[tilespmem:$0x13B70] =	vst v0  }
0xd5: {  	v0 =	vld.idx.msk [tilespmem:v55+s2+$0x0], $0xffff;
	_ =	sdelay $0x3  }
0xd6: {  	v57 =	vld [tilespmem:$0x139A0]  }
0xd7: {  	[tilespmem:$0x13B80] =	vst v0  }
0xd8: {  	v0 =	vld.idx.msk [tilespmem:v56+s2+$0x0], $0xffff;
	_ =	sdelay $0x3  }
0xd9: {  	v58 =	vld [tilespmem:$0x139B0]  }
0xda: {  	[tilespmem:$0x13B90] =	vst v0  }
0xdb: {  	v0 =	vld.idx.msk [tilespmem:v57+s2+$0x0], $0xffff;
	_ =	sdelay $0x3  }
0xdc: {  	v59 =	vld [tilespmem:$0x139C0]  }
0xdd: {  	[tilespmem:$0x13BA0] =	vst v0  }
0xde: {  	v0 =	vld.idx.msk [tilespmem:v58+s2+$0x0], $0xffff;
	_ =	sdelay $0x3  }
0xdf: {  	v60 =	vld [tilespmem:$0x139D0]  }
0xe0: {  	[tilespmem:$0x13BB0] =	vst v0  }
0xe1: {  	v0 =	vld.idx.msk [tilespmem:v59+s2+$0x0], $0xffff;
	_ =	sdelay $0x3  }
0xe2: {  	v61 =	vld [tilespmem:$0x139E0]  }
0xe3: {  	[tilespmem:$0x13BC0] =	vst v0  }
0xe4: {  	v0 =	vld.idx.msk [tilespmem:v60+s2+$0x0], $0xffff;
	_ =	sdelay $0x3  }
0xe5: {  	v62 =	vld [tilespmem:$0x139F0]  }
0xe6: {  	[tilespmem:$0x13BD0] =	vst v0  }
0xe7: {  	v0 =	vld.idx.msk [tilespmem:v61+s2+$0x0], $0xffff;
	_ =	sdelay $0x3  }
0xe8: {  	v63 =	vld [tilespmem:$0x13A00]  }
0xe9: {  	[tilespmem:$0x13BE0] =	vst v0  }
0xea: {  	v0 =	vld.idx.msk [tilespmem:v62+s2+$0x0], $0xffff;
	_ =	sdelay $0x4  }
0xeb: {  	[tilespmem:$0x13BF0] =	vst v0  }
0xec: {  	v0 =	vld.idx.msk [tilespmem:v63+s2+$0x0], $0xffff;
	_ =	sdelay $0x2  }
0xed: {  	s10 =	sadd.s32 $0x1, s10  }
0xee: {  	p0 =	sne.s32 s10, s4  }
.Ltmp1:
0xef: {  	s31 =	sadd.s32 s11, s5;
	[tilespmem:$0x13C00] =	vst v0;
	(pc) =	sbr.rel @p0 .LBB2_1-.Ltmp1, $4  }
0xf0: {  	[hbm4b:s31+s2] =	stream.linear.scatter [tilespmem:s9], [sflag:$0x1], $0x190, $0x38;
	[tilespmem:$0x13C80] =	vst v63  }
0xf1: {  	_ =	swait.ge [sflag:s7], $0x190  }
0xf2: {  	[sflag:s7] =	ssyncset.done $0x0  }
0xf3: {  	[sflag:s7] =	ssyncadd.s32 $0xFFFFFE70  }
0xf4: {  	_ =	sfence.sel $0x180000  }
0xf5: {  	[bflag:$0x0] =	sbarrier.arrive $0xFFFF  }
0xf6: {  	p0 =	sne.s32 s0, $0x0;
	_ =	strace $0x9000004A  }
0xf7: {  	s0 =	sadd.s32 @!p0 $0x100000, s1;
	[bflag:$0x2] =	sbarrier.arrive $0xFFFF  }
0xf8: {  	[sflag:s0] =	ssyncadd.tile.s32 @!p0 $0x1;
	_ =	shalt  }
.Lfunc_end2:
_tile_overlayer_lowered:
.L_overlay_start_2:
0xf9: {  	(tag) =	ssettag $0x2  }
0xfa: {  	s0 =	rddreg [dreg:$0x0];
	s2 =	stileid.u32  }
0xfb: {  	s1 =	rddreg [dreg:$0x1];
	p0 =	sne.s32 s2, $0x0  }
0xfc: {  	s3 =	rddreg [dreg:$0x2];
	[bflag:$0x3] =	sbarrier.arrive $0xFFFF;
	s2 =	simm.s32 @!p0 $0x1C01  }
0xfd: {  	[timem:s3], [sflag:s2] =	dma.local @!p0 [hbm:s0], s1  }
0xfe: {  	s0 =	simm.s32 @!p0 $0x1  }
0xff: {  	_ =	swait.ge @!p0 [sflag:s0], s1  }
0x100: {  	s1 =	ssub.s32 @!p0 $0x0, s1;
	[sflag:s0] =	ssyncset.done @!p0 $0x0  }
0x101: {  	[sflag:s0] =	ssyncadd.s32 @!p0 s1  }
0x102: {  	[bflag:$0x3] =	sbarrier.arrive $0xFFFF  }
0x103: {  	_ =	shalt  }

// kernel: kernel.16.cloned.1.call-start
scs
__scs_entry_jumppad:
0x0: {  	(pc) =	sbr.rel $0x88, $3  }
0x1: {  	(tag) =	ssettag $0x0;
	lr =	simm.s32 $0x1  }
0x2: {  	[smem:$0x3F94] =	sst lr;
	_ =	strace $0xD0000000  }
0x3: {  	_ = 	snop  }
0x4: {  	_ = 	snop  }
0x5: {  	_ = 	snop  }
0x6: {  	_ = 	snop  }
0x7: {  	_ = 	snop  }
__scs_overlays_trampoline_lowered:
0x8: {  	[smem:$0x3FA3] =	sst s0  }
0x9: {  	[smem:$0x3FA4] =	sst s1  }
0xa: {  	[smem:$0x3FA5] =	sst s2  }
0xb: {  	[smem:$0x3FA6] =	sst s3  }
0xc: {  	[smem:$0x3FA7] =	sst s4  }
0xd: {  	[smem:$0x3FA8] =	sst s5  }
0xe: {  	[smem:$0x3FA9] =	sst s6  }
0xf: {  	[smem:$0x3FAA] =	sst s7  }
0x10: {  	[smem:$0x3FAB] =	sst s8  }
0x11: {  	[smem:$0x3FAC] =	sst s9;
	s0 =	simm.s32 @!p0 $0x0  }
0x12: {  	s1 =	sld [smem:$0x3F92];
	s0 =	simm.s32 @p0 $0x1  }
0x13: {  	[smem:$0x3FAD] =	sst s0;
	s0 =	simm.s32 @!p1 $0x0  }
0x14: {  	s2 =	sld [smem:$0x3F91];
	s0 =	simm.s32 @p1 $0x1  }
0x15: {  	[smem:$0x3FAE] =	sst s0;
	s0 =	simm.s32 @!p2 $0x0  }
0x16: {  	s3 =	sld [smem:$0x3FDB];
	s0 =	simm.s32 @p2 $0x1  }
0x17: {  	s4 =	simm.s32 $0x1BF5;
	[smem:$0x3FB0] =	sst s0  }
0x18: {  	s0 =	sld [smem:$0x3F93];
	_ =	swait.ge [sflag:s4], $0x0  }
0x19: {  	s7 =	sld [smem:$0x3F94]  }
0x1a: {  	s8 =	sadd.s32 $0xFFFFE003, lr  }
0x1b: {  	s9 =	sadd.s32 $0xFFFFFEF7, lr;
	s5 =	simm.s32 $0xFFFFFFFF;
	p2 =	slt.u32 s8, $0xFFFFF086  }
0x1c: {  	p1 =	slt.u32 s9, $0xF7A;
	s5 =	simm.s32 @!p2 $0x0  }
0x1d: {  	s5 =	simm.s32 @p1 $0x1;
	p0 =	seq.s32 s7, s2  }
0x1e: {  	s7 =	smul.u32 @!p0 $0xF7A, s2;
	p2 =	seq.s32 @!p0 s5, $0x0  }
0x1f: {  	s9 =	smul.u32 $0xF7A, s1;
	s8 =	simm.s32 @!p0 $0x1BF5;
	p2 =	por !p2, p0  }
0x20: {  	[sflag:s8] =	ssyncset.s32 @!p0 $0xFFFFF086;
	s6 =	sadd.s32 @!p0 s3, s7;
	s7 =	simm.s32 @!p0 $0x108  }
0x21: {  	s3 =	sadd.s32 s3, s9;
	s6 =	sadd.s32 @!p0 $0x88, s6;
	s7 =	simm.s32 @p2 $0x1082  }
0x22: {  	[simem:s7], [sflag:s8] =	dma.local @!p0 [hbm:s6], $0xF7A  }
0x23: {  	s9 =	sor.u32 $0xD0000000, s2;
	s6 =	simm.s32 $0x108;
	_ =	swait.ge @!p0 [sflag:s8], $0x0  }
0x24: {  	s3 =	sadd.s32 $0x88, s3;
	s6 =	simm.s32 @!p1 $0x1082;
	[sflag:s4] =	ssyncset.s32 $0xFFFFF086  }
0x25: {  	[simem:s6], [sflag:s4] =	dma.local [hbm:s3], $0xF7A  }
0x26: {  	[smem:$0x3F94] =	sst s1;
	(tag) =	ssettag s2;
	_ =	strace s9  }
0x27: {  	s1 =	sld [smem:$0x3FA4]  }
0x28: {  	s2 =	sld [smem:$0x3FA5]  }
0x29: {  	s4 =	sld [smem:$0x3FA7]  }
0x2a: {  	p0 =	seq.s32 s5, $0x0;
	s5 =	sld [smem:$0x3FA8]  }
0x2b: {  	s6 =	sld [smem:$0x3FA9]  }
0x2c: {  	s7 =	sld [smem:$0x3FAA]  }
0x2d: {  	s3 =	simm.s32 $0x108;
	s8 =	sld [smem:$0x3FAB]  }
0x2e: {  	s3 =	simm.s32 @!p0 $0x1082;
	s9 =	sld [smem:$0x3FAC]  }
0x2f: {  	lr =	sadd.s32 s0, s3;
	s0 =	sld [smem:$0x3FA3]  }
0x30: {  	s3 =	sld [smem:$0x3FA6]  }
0x31: {  	[smem:$0x3FAF] =	sst s10  }
0x32: {  	s10 =	sld [smem:$0x3FAD];
	_ =	sdelay $0x3  }
0x33: {  	p0 =	seq.s32 s10, $0x1;
	s10 =	sld [smem:$0x3FAF];
	_ =	sdelay $0x3  }
0x34: {  	[smem:$0x3FAF] =	sst s10  }
0x35: {  	s10 =	sld [smem:$0x3FAE];
	_ =	sdelay $0x3  }
0x36: {  	p1 =	seq.s32 s10, $0x1;
	s10 =	sld [smem:$0x3FAF];
	_ =	sdelay $0x3  }
0x37: {  	[smem:$0x3FAF] =	sst s10  }
0x38: {  	s10 =	sld [smem:$0x3FB0]  }
0x39: {  	_ = 	snop;
	(pc) =	sbr.ind lr, $3  }
0x3a: {  	_ = 	snop  }
0x3b: {  	_ = 	snop  }
0x3c: {  	p2 =	seq.s32 s10, $0x1;
	s10 =	sld [smem:$0x3FAF]  }
0x3d: {  	_ =	shalt  }
0x3e: {  	_ =	shalt  }
0x3f: {  	_ =	shalt  }
0x40: {  	_ =	shalt  }
0x41: {  	_ =	shalt  }
0x42: {  	_ =	shalt  }
0x43: {  	_ =	shalt  }
0x44: {  	_ =	shalt  }
0x45: {  	_ =	shalt  }
0x46: {  	_ =	shalt  }
0x47: {  	_ =	shalt  }
0x48: {  	_ =	shalt  }
0x49: {  	_ =	shalt  }
0x4a: {  	_ =	shalt  }
0x4b: {  	_ =	shalt  }
0x4c: {  	_ =	shalt  }
0x4d: {  	_ =	shalt  }
0x4e: {  	_ =	shalt  }
0x4f: {  	_ =	shalt  }
0x50: {  	_ =	shalt  }
0x51: {  	_ =	shalt  }
0x52: {  	_ =	shalt  }
0x53: {  	_ =	shalt  }
0x54: {  	_ =	shalt  }
0x55: {  	_ =	shalt  }
0x56: {  	_ =	shalt  }
0x57: {  	_ =	shalt  }
0x58: {  	_ =	shalt  }
0x59: {  	_ =	shalt  }
0x5a: {  	_ =	shalt  }
0x5b: {  	_ =	shalt  }
0x5c: {  	_ =	shalt  }
0x5d: {  	_ =	shalt  }
0x5e: {  	_ =	shalt  }
0x5f: {  	_ =	shalt  }
0x60: {  	_ =	shalt  }
0x61: {  	_ =	shalt  }
0x62: {  	_ =	shalt  }
0x63: {  	_ =	shalt  }
0x64: {  	_ =	shalt  }
0x65: {  	_ =	shalt  }
0x66: {  	_ =	shalt  }
0x67: {  	_ =	shalt  }
0x68: {  	_ =	shalt  }
0x69: {  	_ =	shalt  }
0x6a: {  	_ =	shalt  }
0x6b: {  	_ =	shalt  }
0x6c: {  	_ =	shalt  }
0x6d: {  	_ =	shalt  }
0x6e: {  	_ =	shalt  }
0x6f: {  	_ =	shalt  }
0x70: {  	_ =	shalt  }
0x71: {  	_ =	shalt  }
0x72: {  	_ =	shalt  }
0x73: {  	_ =	shalt  }
0x74: {  	_ =	shalt  }
0x75: {  	_ =	shalt  }
0x76: {  	_ =	shalt  }
0x77: {  	_ =	shalt  }
0x78: {  	_ =	shalt  }
0x79: {  	_ =	shalt  }
0x7a: {  	_ =	shalt  }
0x7b: {  	_ =	shalt  }
0x7c: {  	_ =	shalt  }
0x7d: {  	_ =	shalt  }
0x7e: {  	_ =	shalt  }
0x7f: {  	_ =	shalt  }
0x80: {  	_ =	shalt  }
0x81: {  	_ =	shalt  }
0x82: {  	_ =	shalt  }
0x83: {  	_ =	shalt  }
0x84: {  	_ =	shalt  }
0x85: {  	_ =	shalt  }
0x86: {  	_ =	shalt  }
0x87: {  	_ =	shalt  }
.Lfunc_end0:
.L_simem_size_0:
called_computation.2_lowered:
.L_overlay_start_0:
0x88: {  	s2 =	sld [smem:$0x3FD9]  }
0x89: {  	s3 =	sld [smem:$0x3FFE];
	_ =	sdelay $0x1  }
0x8a: {  	s1 =	srdreg.scid  }
0x8b: {  	s0 =	sand.u32 $0x1, s1  }
0x8c: {  	s17 =	sshll.u32 s0, $0xA;
	s2 =	sadd.s32 s3, s2  }
0x8d: {  	s2 =	sadd.s32 s2, s17  }
0x8e: {  	[smem:$0x3FBB] =	sst s2  }
0x8f: {  	_ = 	snop  }
0x90: {  	s2 =	sld [smem:$0x3FD0];
	(tm) =	ssettm $0x1  }
0x91: {  	s18 =	sld [smem:$0x3FFB];
	_ =	sdelay $0x3  }
0x92: {  	_ =	strace s18  }
0x93: {  	s3 =	sld [smem:$0x3FFC];
	_ =	sdelay $0x3  }
0x94: {  	_ =	strace s3  }
0x95: {  	s3 =	sld [smem:$0x3FFD];
	_ =	sdelay $0x3  }
0x96: {  	_ =	strace s3  }
0x97: {  	_ =	strace $0x8FFFFFFF  }
0x98: {  	s19 =	sld [smem:$0x3FDB];
	_ =	sdelay $0x1  }
0x99: {  	s4 =	simm.s32 $_scs_section_size  }
0x9a: {  	s5 =	simm.s32 $_size__tile_overlayer_lowered;
	s6 =	simm.s32 $_tile_overlayer_lowered  }
0x9b: {  	s22 =	simm.s32 $0x1BFF;
	s21 =	sshll.u32 s6, $0x1;
	s3 =	sadd.s32 s4, s19  }
0x9c: {  	s7 =	simm.s32 $0x0;
	s20 =	sshll.u32 s5, $0x1;
	s5 =	sadd.s32 s21, s3  }
0x9d: {  	[timem:s7], [sflag:s22] =	dma.local [hbm:s5], s20  }
0x9e: {  	_ =	swait.ge [sflag:s22], s20  }
0x9f: {  	s4 =	ssub.s32 $0x0, s20;
	[sflag:s22] =	ssyncset.done $0x0  }
0xa0: {  	[sflag:s22] =	ssyncadd.s32 s4;
	_ =	sdelay $0x1  }
0xa1: {  	s23 =	simm.s32 $0x1B8B  }
0xa2: {  	_ =	swait.ge [sflag:s23], $0x1  }
0xa3: {  	[sflag:s23] =	ssyncset.done $0x0  }
0xa4: {  	s25 =	simm.s32 $0x1B8E;
	s24 =	sld [smem:$0x3FFE];
	[sflag:s23] =	ssyncadd.s32 $0xFFFFFFFF  }
0xa5: {  	s26 =	simm.s32 $execute0_lowered;
	[smem:$0x3FD2] =	sst s25  }
0xa6: {  	s5 =	sshll.u32 s26, $0x1;
	_ =	strace $0x8000004C;
	[dreg:$0x1] =	wrdreg $0xFFFFFFFF  }
0xa7: {  	s28 =	simm.s32 $_size_execute0_lowered;
	s3 =	sadd.s32 s3, s5;
	[dreg:$0x0] =	wrdreg $0x0  }
0xa8: {  	s5 =	sshll.u32 s28, $0x1;
	[dreg:$0x2] =	wrdreg s3  }
0xa9: {  	[dreg:$0x3] =	wrdreg s5  }
0xaa: {  	[dreg:$0x4] =	wrdreg $0xC0  }
0xab: {  	_ =	task [dreg:s7], $0x5FFFF  }
0xac: {  	[dreg:$0x1] =	wrdreg $0xFFFFFFFF  }
0xad: {  	[dreg:$0x0] =	wrdreg $0x60  }
0xae: {  	[dreg:$0x2] =	wrdreg s24  }
0xaf: {  	[dreg:$0x3] =	wrdreg s2  }
0xb0: {  	[dreg:$0x4] =	wrdreg $0x39800  }
0xb1: {  	[dreg:$0x5] =	wrdreg $0x9  }
0xb2: {  	_ =	task.clear_ibuf [dreg:s7], $0x6FFFF;
	_ =	strace $0x9000004C  }
0xb3: {  	s29 =	simm.s32 $0x9;
	_ =	strace $0x8000004E  }
0xb4: {  	_ =	swait.ge [sflag:s29], $0x1  }
0xb5: {  	[sflag:s29] =	ssyncadd.s32 $0xFFFFFFFF  }
0xb6: {  	_ =	strace $0x9000004E  }
0xb7: {  	_ =	sfence  }
0xb8: {  	s30 =	sld [smem:$0x0];
	_ =	sdelay $0x2  }
0xb9: {  	s31 =	sshll.u32 s1, $0xD;
	s1 =	sshrl.u32 s1, $0x2  }
0xba: {  	s3 =	sand.u32 $0x4000, s31;
	s1 =	sadd.s32 s1, s30  }
0xbb: {  	s0 =	sor.u32 s3, s0;
	s1 =	sshll.u32 s1, $0x11  }
0xbc: {  	s0 =	sor.u32 s1, s0  }
0xbd: {  	s0 =	sadd.s32 $0x8F2B, s0  }
0xbe: {  	[sflag:s0] =	ssyncadd.remote.s32 $0x1  }
0xbf: {  	_ =	sfence.sel $0xFFFF  }
0xc0: {  	[dreg:$0x0] =	wrdreg $0xFFFFFFFF;
	(pc) =	sbr.abs _section_cstart, $3  }
0xc1: {  	[dreg:$0x1] =	wrdreg $0xFFFFFFFF  }
0xc2: {  	_ =	task.clear_ibuf [dreg:s7], $0x2FFFF;
	_ =	strace $0x9FFFFFFF  }
0xc3: {  	(tm) =	ssettm $0x7FFFFFFF  }
tec
execute0_lowered:
.L_overlay_start_1:
0x0: {  	(tag) =	ssettag $0x1  }
0x1: {  	s0 =	rddreg [dreg:$0x0]  }
0x2: {  	s1 =	rddreg [dreg:$0x1]  }
0x3: {  	s2 =	rddreg [dreg:$0x2];
	s3 =	srdreg.scid  }
0x4: {  	s4 =	simm.s32 $0x0;
	s11 =	stileid.u32;
	s13 =	simm.s32 $0x100  }
0x5: {  	s14 =	simm.s32 $0x1;
	s3 =	sand.u32 $0x1, s3;
	s9 =	smul.u32 $0x14000, s11  }
0x6: {  	[smem:$0x7FF] =	sst s4;
	s5 =	sadd.s32 $0x64E00, s0;
	s10 =	smul.u32 $0x50000, s11  }
0x7: {  	s6 =	sadd.s32 $0x5800, s0;
	s7 =	sadd.s32 $0x1A7400, s0;
	s8 =	smul.u32 $0x140000, s3  }
0x8: {  	s11 =	sshll.u32 s11, $0x1;
	_ =	strace $0x8000004D;
	s15 =	ssub.s32 $0x2, s3  }
0x9: {  	s3 =	sor.u32 s3, s11;
	s16 =	sshrl.u32 s15, $0x1;
	s8 =	sadd.s32 s9, s8  }
0xa: {  	s11 =	simm.s32 $0x80;
	s12 =	ssub.s32 s15, s16;
	s8 =	sshrl.u32 s8, $0x3  }
0xb: {  	s17 =	sshrl.u32 s10, $0x2;
	s18 =	smax.u32 s12, $0x1;
	s0 =	sadd.s32 s8, s0  }
0xc: {  	s8 =	sadd.s32 s17, s2;
	[dreg:$0x5] =	wrdreg s18;
	s0 =	sadd.s32 $0xF600, s0  }
0xd: {  	s10 =	simm.s32 $0x2900;
	s19 =	sadd.s32 $0x1000, s8;
	[dreg:$0x4] =	wrdreg s0  }
0xe: {  	s9 =	smul.u32 $0x2710, s3;
	s20 =	sadd.s32 $0x2000, s8;
	[dreg:$0x6] =	wrdreg s19  }
0xf: {  	s3 =	simm.s32 $0x2;
	s21 =	sadd.s32 $0x3000, s8;
	[dreg:$0x7] =	wrdreg s20  }
0x10: {  	s12 =	simm.s32 $0x50;
	s22 =	sadd.s32 $0x4000, s8;
	[dreg:$0x8] =	wrdreg s21  }
0x11: {  	s23 =	sadd.s32 $0x5000, s8;
	s24 =	sadd.s32 $0x6000, s8;
	[dreg:$0x9] =	wrdreg s22  }
0x12: {  	s25 =	sadd.s32 $0x7000, s8;
	s26 =	sadd.s32 $0x8000, s8;
	[dreg:$0xa] =	wrdreg s23  }
0x13: {  	s28 =	sadd.s32 $0x10000, s8;
	s29 =	sadd.s32 $0x11000, s8;
	[dreg:$0xb] =	wrdreg s24  }
0x14: {  	s30 =	sadd.s32 $0x12000, s8;
	s31 =	sadd.s32 $0x13000, s8;
	[dreg:$0xc] =	wrdreg s25  }
0x15: {  	[dreg:$0xd] =	wrdreg s26;
	s20 =	sadd.s32 $0x9000, s8;
	s21 =	sadd.s32 $0xA000, s8  }
0x16: {  	s22 =	sadd.s32 $0xB000, s8;
	s23 =	sadd.s32 $0xC000, s8;
	s24 =	sadd.s32 $0xD000, s8  }
0x17: {  	v0 =	vimm.f32 $0.0e+00;
	s25 =	sadd.s32 $0xE000, s8;
	s26 =	sadd.s32 $0xF000, s8;
	s0 =	simm.s32 $0x2980  }
.LBB2_1:
0x18: {  	[tilespmem:$0x2980] =	vst v0  }
0x19: {  	[tilespmem:$0x2990] =	vst v0  }
0x1a: {  	[tilespmem:$0x29A0] =	vst v0  }
0x1b: {  	[tilespmem:$0x29B0] =	vst v0  }
0x1c: {  	[tilespmem:$0x29C0] =	vst v0  }
0x1d: {  	[tilespmem:$0x29D0] =	vst v0  }
0x1e: {  	[tilespmem:$0x29E0] =	vst v0  }
0x1f: {  	[tilespmem:$0x29F0] =	vst v0  }
0x20: {  	[tilespmem:$0x2A00] =	vst v0  }
0x21: {  	[tilespmem:$0x2A10] =	vst v0  }
0x22: {  	[tilespmem:$0x2A20] =	vst v0  }
0x23: {  	[tilespmem:$0x2A30] =	vst v0  }
0x24: {  	[tilespmem:$0x2A40] =	vst v0  }
0x25: {  	[tilespmem:$0x2A50] =	vst v0  }
0x26: {  	[tilespmem:$0x2A60] =	vst v0  }
0x27: {  	[tilespmem:$0x2A70] =	vst v0  }
0x28: {  	[tilespmem:$0x2A80] =	vst v0  }
0x29: {  	[tilespmem:$0x2A90] =	vst v0  }
0x2a: {  	[tilespmem:$0x2AA0] =	vst v0  }
0x2b: {  	[tilespmem:$0x2AB0] =	vst v0  }
0x2c: {  	[tilespmem:$0x2AC0] =	vst v0  }
0x2d: {  	[tilespmem:$0x2AD0] =	vst v0  }
0x2e: {  	[tilespmem:$0x2AE0] =	vst v0  }
0x2f: {  	[tilespmem:$0x2AF0] =	vst v0  }
0x30: {  	[tilespmem:$0x2B00] =	vst v0  }
0x31: {  	[tilespmem:$0x2B10] =	vst v0  }
0x32: {  	[tilespmem:$0x2B20] =	vst v0  }
0x33: {  	[tilespmem:$0x2B30] =	vst v0  }
0x34: {  	[tilespmem:$0x2B40] =	vst v0  }
0x35: {  	[tilespmem:$0x2B50] =	vst v0  }
0x36: {  	[tilespmem:$0x2B60] =	vst v0  }
0x37: {  	[tilespmem:$0x2B70] =	vst v0  }
0x38: {  	[tilespmem:$0x2B80] =	vst v0  }
0x39: {  	[tilespmem:$0x2B90] =	vst v0  }
0x3a: {  	[tilespmem:$0x2BA0] =	vst v0  }
0x3b: {  	[tilespmem:$0x2BB0] =	vst v0  }
0x3c: {  	[tilespmem:$0x2BC0] =	vst v0  }
0x3d: {  	[tilespmem:$0x2BD0] =	vst v0  }
0x3e: {  	[tilespmem:$0x2BE0] =	vst v0  }
0x3f: {  	[tilespmem:$0x2BF0] =	vst v0  }
0x40: {  	[tilespmem:$0x2C00] =	vst v0  }
0x41: {  	[tilespmem:$0x2C10] =	vst v0  }
0x42: {  	[tilespmem:$0x2C20] =	vst v0  }
0x43: {  	[tilespmem:$0x2C30] =	vst v0  }
0x44: {  	[tilespmem:$0x2C40] =	vst v0  }
0x45: {  	[tilespmem:$0x2C50] =	vst v0  }
0x46: {  	[tilespmem:$0x2C60] =	vst v0  }
0x47: {  	[tilespmem:$0x2C70] =	vst v0  }
0x48: {  	[tilespmem:$0x2C80] =	vst v0  }
0x49: {  	[tilespmem:$0x2C90] =	vst v0  }
0x4a: {  	[tilespmem:$0x2CA0] =	vst v0  }
0x4b: {  	[tilespmem:$0x2CB0] =	vst v0  }
0x4c: {  	[tilespmem:$0x2CC0] =	vst v0  }
0x4d: {  	[tilespmem:$0x2CD0] =	vst v0  }
0x4e: {  	[tilespmem:$0x2CE0] =	vst v0  }
0x4f: {  	[tilespmem:$0x2CF0] =	vst v0  }
0x50: {  	[tilespmem:$0x2D00] =	vst v0  }
0x51: {  	[tilespmem:$0x2D10] =	vst v0  }
0x52: {  	[tilespmem:$0x2D20] =	vst v0  }
0x53: {  	[tilespmem:$0x2D30] =	vst v0  }
0x54: {  	[tilespmem:$0x2D40] =	vst v0  }
0x55: {  	[tilespmem:$0x2D50] =	vst v0  }
0x56: {  	[tilespmem:$0x2D60] =	vst v0  }
0x57: {  	[tilespmem:$0x2D70] =	vst v0  }
0x58: {  	[tilespmem:$0x2D80] =	vst v0  }
0x59: {  	[tilespmem:$0x2D90] =	vst v0  }
0x5a: {  	[tilespmem:$0x2DA0] =	vst v0  }
0x5b: {  	[tilespmem:$0x2DB0] =	vst v0  }
0x5c: {  	[tilespmem:$0x2DC0] =	vst v0  }
0x5d: {  	[tilespmem:$0x2DD0] =	vst v0  }
0x5e: {  	[tilespmem:$0x2DE0] =	vst v0  }
0x5f: {  	[tilespmem:$0x2DF0] =	vst v0  }
0x60: {  	[tilespmem:$0x2E00] =	vst v0  }
0x61: {  	[tilespmem:$0x2E10] =	vst v0  }
0x62: {  	[tilespmem:$0x2E20] =	vst v0  }
0x63: {  	[tilespmem:$0x2E30] =	vst v0  }
0x64: {  	[tilespmem:$0x2E40] =	vst v0  }
0x65: {  	[tilespmem:$0x2E50] =	vst v0  }
0x66: {  	[tilespmem:$0x2E60] =	vst v0  }
0x67: {  	[tilespmem:$0x2E70] =	vst v0  }
0x68: {  	[tilespmem:$0x2E80] =	vst v0  }
0x69: {  	[tilespmem:$0x2E90] =	vst v0  }
0x6a: {  	[tilespmem:$0x2EA0] =	vst v0  }
0x6b: {  	[tilespmem:$0x2EB0] =	vst v0  }
0x6c: {  	[tilespmem:$0x2EC0] =	vst v0  }
0x6d: {  	[tilespmem:$0x2ED0] =	vst v0  }
0x6e: {  	[tilespmem:$0x2EE0] =	vst v0  }
0x6f: {  	[tilespmem:$0x2EF0] =	vst v0  }
0x70: {  	[tilespmem:$0x2F00] =	vst v0  }
0x71: {  	[tilespmem:$0x2F10] =	vst v0  }
0x72: {  	[tilespmem:$0x2F20] =	vst v0  }
0x73: {  	[tilespmem:$0x2F30] =	vst v0  }
0x74: {  	[tilespmem:$0x2F40] =	vst v0  }
0x75: {  	[tilespmem:$0x2F50] =	vst v0  }
0x76: {  	[tilespmem:$0x2F60] =	vst v0  }
0x77: {  	[tilespmem:$0x2F70] =	vst v0  }
0x78: {  	[tilespmem:$0x2F80] =	vst v0  }
0x79: {  	[tilespmem:$0x2F90] =	vst v0  }
0x7a: {  	[tilespmem:$0x2FA0] =	vst v0  }
0x7b: {  	[tilespmem:$0x2FB0] =	vst v0  }
0x7c: {  	[tilespmem:$0x2FC0] =	vst v0  }
0x7d: {  	[tilespmem:$0x2FD0] =	vst v0  }
0x7e: {  	[tilespmem:$0x2FE0] =	vst v0  }
0x7f: {  	[tilespmem:$0x2FF0] =	vst v0  }
0x80: {  	[tilespmem:$0x3000] =	vst v0  }
0x81: {  	[tilespmem:$0x3010] =	vst v0  }
0x82: {  	[tilespmem:$0x3020] =	vst v0  }
0x83: {  	[tilespmem:$0x3030] =	vst v0  }
0x84: {  	[tilespmem:$0x3040] =	vst v0  }
0x85: {  	[tilespmem:$0x3050] =	vst v0  }
0x86: {  	[tilespmem:$0x3060] =	vst v0  }
0x87: {  	[tilespmem:$0x3070] =	vst v0  }
0x88: {  	[tilespmem:$0x3080] =	vst v0  }
0x89: {  	[tilespmem:$0x3090] =	vst v0  }
0x8a: {  	[tilespmem:$0x30A0] =	vst v0  }
0x8b: {  	[tilespmem:$0x30B0] =	vst v0  }
0x8c: {  	[tilespmem:$0x30C0] =	vst v0  }
0x8d: {  	[tilespmem:$0x30D0] =	vst v0  }
0x8e: {  	[tilespmem:$0x30E0] =	vst v0  }
0x8f: {  	[tilespmem:$0x30F0] =	vst v0  }
0x90: {  	[tilespmem:$0x3100] =	vst v0  }
0x91: {  	[tilespmem:$0x3110] =	vst v0  }
0x92: {  	[tilespmem:$0x3120] =	vst v0  }
0x93: {  	[tilespmem:$0x3130] =	vst v0  }
0x94: {  	[tilespmem:$0x3140] =	vst v0  }
0x95: {  	[tilespmem:$0x3150] =	vst v0  }
0x96: {  	[tilespmem:$0x3160] =	vst v0  }
0x97: {  	[tilespmem:$0x3170] =	vst v0  }
0x98: {  	[tilespmem:$0x3180] =	vst v0  }
0x99: {  	[tilespmem:$0x3190] =	vst v0  }
0x9a: {  	[tilespmem:$0x31A0] =	vst v0  }
0x9b: {  	[tilespmem:$0x31B0] =	vst v0  }
0x9c: {  	[tilespmem:$0x31C0] =	vst v0  }
0x9d: {  	[tilespmem:$0x31D0] =	vst v0  }
0x9e: {  	[tilespmem:$0x31E0] =	vst v0  }
0x9f: {  	[tilespmem:$0x31F0] =	vst v0  }
0xa0: {  	[tilespmem:$0x3200] =	vst v0  }
0xa1: {  	[tilespmem:$0x3210] =	vst v0  }
0xa2: {  	[tilespmem:$0x3220] =	vst v0  }
0xa3: {  	[tilespmem:$0x3230] =	vst v0  }
0xa4: {  	[tilespmem:$0x3240] =	vst v0  }
0xa5: {  	[tilespmem:$0x3250] =	vst v0  }
0xa6: {  	[tilespmem:$0x3260] =	vst v0  }
0xa7: {  	[tilespmem:$0x3270] =	vst v0  }
0xa8: {  	[tilespmem:$0x3280] =	vst v0  }
0xa9: {  	[tilespmem:$0x3290] =	vst v0  }
0xaa: {  	[tilespmem:$0x32A0] =	vst v0  }
0xab: {  	[tilespmem:$0x32B0] =	vst v0  }
0xac: {  	[tilespmem:$0x32C0] =	vst v0  }
0xad: {  	[tilespmem:$0x32D0] =	vst v0  }
0xae: {  	[tilespmem:$0x32E0] =	vst v0  }
0xaf: {  	[tilespmem:$0x32F0] =	vst v0  }
0xb0: {  	[tilespmem:$0x3300] =	vst v0  }
0xb1: {  	[tilespmem:$0x3310] =	vst v0  }
0xb2: {  	[tilespmem:$0x3320] =	vst v0  }
0xb3: {  	[tilespmem:$0x3330] =	vst v0  }
0xb4: {  	[tilespmem:$0x3340] =	vst v0  }
0xb5: {  	[tilespmem:$0x3350] =	vst v0  }
0xb6: {  	[tilespmem:$0x3360] =	vst v0  }
0xb7: {  	[tilespmem:$0x3370] =	vst v0  }
0xb8: {  	[tilespmem:$0x3380] =	vst v0  }
0xb9: {  	[tilespmem:$0x3390] =	vst v0  }
0xba: {  	[tilespmem:$0x33A0] =	vst v0  }
0xbb: {  	[tilespmem:$0x33B0] =	vst v0  }
0xbc: {  	[tilespmem:$0x33C0] =	vst v0  }
0xbd: {  	[tilespmem:$0x33D0] =	vst v0  }
0xbe: {  	[tilespmem:$0x33E0] =	vst v0  }
0xbf: {  	[tilespmem:$0x33F0] =	vst v0  }
0xc0: {  	[tilespmem:$0x3400] =	vst v0  }
0xc1: {  	[tilespmem:$0x3410] =	vst v0  }
0xc2: {  	[tilespmem:$0x3420] =	vst v0  }
0xc3: {  	[tilespmem:$0x3430] =	vst v0  }
0xc4: {  	[tilespmem:$0x3440] =	vst v0  }
0xc5: {  	[tilespmem:$0x3450] =	vst v0  }
0xc6: {  	[tilespmem:$0x3460] =	vst v0  }
0xc7: {  	[tilespmem:$0x3470] =	vst v0  }
0xc8: {  	[tilespmem:$0x3480] =	vst v0  }
0xc9: {  	[tilespmem:$0x3490] =	vst v0  }
0xca: {  	[tilespmem:$0x34A0] =	vst v0  }
0xcb: {  	[tilespmem:$0x34B0] =	vst v0  }
0xcc: {  	[tilespmem:$0x34C0] =	vst v0  }
0xcd: {  	[tilespmem:$0x34D0] =	vst v0  }
0xce: {  	[tilespmem:$0x34E0] =	vst v0  }
0xcf: {  	[tilespmem:$0x34F0] =	vst v0  }
0xd0: {  	[tilespmem:$0x3500] =	vst v0  }
0xd1: {  	[tilespmem:$0x3510] =	vst v0  }
0xd2: {  	[tilespmem:$0x3520] =	vst v0  }
0xd3: {  	[tilespmem:$0x3530] =	vst v0  }
0xd4: {  	[tilespmem:$0x3540] =	vst v0  }
0xd5: {  	[tilespmem:$0x3550] =	vst v0  }
0xd6: {  	[tilespmem:$0x3560] =	vst v0  }
0xd7: {  	[tilespmem:$0x3570] =	vst v0  }
0xd8: {  	[tilespmem:$0x3580] =	vst v0  }
0xd9: {  	[tilespmem:$0x3590] =	vst v0  }
0xda: {  	[tilespmem:$0x35A0] =	vst v0  }
0xdb: {  	[tilespmem:$0x35B0] =	vst v0  }
0xdc: {  	[tilespmem:$0x35C0] =	vst v0  }
0xdd: {  	[tilespmem:$0x35D0] =	vst v0  }
0xde: {  	[tilespmem:$0x35E0] =	vst v0  }
0xdf: {  	[tilespmem:$0x35F0] =	vst v0  }
0xe0: {  	[tilespmem:$0x3600] =	vst v0  }
0xe1: {  	[tilespmem:$0x3610] =	vst v0  }
0xe2: {  	[tilespmem:$0x3620] =	vst v0  }
0xe3: {  	[tilespmem:$0x3630] =	vst v0  }
0xe4: {  	[tilespmem:$0x3640] =	vst v0  }
0xe5: {  	[tilespmem:$0x3650] =	vst v0  }
0xe6: {  	[tilespmem:$0x3660] =	vst v0  }
0xe7: {  	[tilespmem:$0x3670] =	vst v0  }
0xe8: {  	[tilespmem:$0x3680] =	vst v0  }
0xe9: {  	[tilespmem:$0x3690] =	vst v0  }
0xea: {  	[tilespmem:$0x36A0] =	vst v0  }
0xeb: {  	[tilespmem:$0x36B0] =	vst v0  }
0xec: {  	[tilespmem:$0x36C0] =	vst v0  }
0xed: {  	[tilespmem:$0x36D0] =	vst v0  }
0xee: {  	[tilespmem:$0x36E0] =	vst v0  }
0xef: {  	[tilespmem:$0x36F0] =	vst v0  }
0xf0: {  	[tilespmem:$0x3700] =	vst v0  }
0xf1: {  	[tilespmem:$0x3710] =	vst v0  }
0xf2: {  	[tilespmem:$0x3720] =	vst v0  }
0xf3: {  	[tilespmem:$0x3730] =	vst v0  }
0xf4: {  	[tilespmem:$0x3740] =	vst v0  }
0xf5: {  	[tilespmem:$0x3750] =	vst v0  }
0xf6: {  	[tilespmem:$0x3760] =	vst v0  }
0xf7: {  	[tilespmem:$0x3770] =	vst v0  }
0xf8: {  	[tilespmem:$0x3780] =	vst v0  }
0xf9: {  	[tilespmem:$0x3790] =	vst v0  }
0xfa: {  	[tilespmem:$0x37A0] =	vst v0  }
0xfb: {  	[tilespmem:$0x37B0] =	vst v0  }
0xfc: {  	[tilespmem:$0x37C0] =	vst v0  }
0xfd: {  	[tilespmem:$0x37D0] =	vst v0  }
0xfe: {  	[tilespmem:$0x37E0] =	vst v0  }
0xff: {  	[tilespmem:$0x37F0] =	vst v0  }
0x100: {  	[tilespmem:$0x3800] =	vst v0  }
0x101: {  	[tilespmem:$0x3810] =	vst v0  }
0x102: {  	[tilespmem:$0x3820] =	vst v0  }
0x103: {  	[tilespmem:$0x3830] =	vst v0  }
0x104: {  	[tilespmem:$0x3840] =	vst v0  }
0x105: {  	[tilespmem:$0x3850] =	vst v0  }
0x106: {  	[tilespmem:$0x3860] =	vst v0  }
0x107: {  	[tilespmem:$0x3870] =	vst v0  }
0x108: {  	[tilespmem:$0x3880] =	vst v0  }
0x109: {  	[tilespmem:$0x3890] =	vst v0  }
0x10a: {  	[tilespmem:$0x38A0] =	vst v0  }
0x10b: {  	[tilespmem:$0x38B0] =	vst v0  }
0x10c: {  	[tilespmem:$0x38C0] =	vst v0  }
0x10d: {  	[tilespmem:$0x38D0] =	vst v0  }
0x10e: {  	[tilespmem:$0x38E0] =	vst v0  }
0x10f: {  	[tilespmem:$0x38F0] =	vst v0  }
0x110: {  	[tilespmem:$0x3900] =	vst v0  }
0x111: {  	[tilespmem:$0x3910] =	vst v0  }
0x112: {  	[tilespmem:$0x3920] =	vst v0  }
0x113: {  	[tilespmem:$0x3930] =	vst v0  }
0x114: {  	[tilespmem:$0x3940] =	vst v0  }
0x115: {  	[tilespmem:$0x3950] =	vst v0  }
0x116: {  	[tilespmem:$0x3960] =	vst v0  }
0x117: {  	[tilespmem:$0x3970] =	vst v0  }
0x118: {  	[spmem:s8] =	stream.linear.scatter [tilespmem:s0], [sflag:$0x2], $0x1000, $0x38;
	[tilespmem:$0x17980] =	vst v63  }
0x119: {  	_ =	swait.ge [sflag:s3], $0x1000  }
0x11a: {  	[sflag:s3] =	ssyncset.done $0x0  }
0x11b: {  	s15 =	rddreg [dreg:$0x6];
	[sflag:s3] =	ssyncadd.s32 $0xFFFFF000  }
0x11c: {  	[spmem:s15] =	stream.linear.scatter [tilespmem:s0], [sflag:$0x2], $0x1000, $0x38;
	[tilespmem:$0x17980] =	vst v63  }
0x11d: {  	_ =	swait.ge [sflag:s3], $0x1000  }
0x11e: {  	[sflag:s3] =	ssyncset.done $0x0  }
0x11f: {  	s17 =	rddreg [dreg:$0x7];
	[sflag:s3] =	ssyncadd.s32 $0xFFFFF000  }
0x120: {  	[spmem:s17] =	stream.linear.scatter [tilespmem:s0], [sflag:$0x2], $0x1000, $0x38;
	[tilespmem:$0x17980] =	vst v63  }
0x121: {  	_ =	swait.ge [sflag:s3], $0x1000  }
0x122: {  	[sflag:s3] =	ssyncset.done $0x0  }
0x123: {  	s18 =	rddreg [dreg:$0x8];
	[sflag:s3] =	ssyncadd.s32 $0xFFFFF000  }
0x124: {  	[spmem:s18] =	stream.linear.scatter [tilespmem:s0], [sflag:$0x2], $0x1000, $0x38;
	[tilespmem:$0x17980] =	vst v63  }
0x125: {  	_ =	swait.ge [sflag:s3], $0x1000  }
0x126: {  	[sflag:s3] =	ssyncset.done $0x0  }
0x127: {  	s19 =	rddreg [dreg:$0x9];
	[sflag:s3] =	ssyncadd.s32 $0xFFFFF000  }
0x128: {  	[spmem:s19] =	stream.linear.scatter [tilespmem:s0], [sflag:$0x2], $0x1000, $0x38;
	[tilespmem:$0x17980] =	vst v63  }
0x129: {  	_ =	swait.ge [sflag:s3], $0x1000  }
0x12a: {  	[sflag:s3] =	ssyncset.done $0x0  }
0x12b: {  	s16 =	rddreg [dreg:$0xa];
	[sflag:s3] =	ssyncadd.s32 $0xFFFFF000  }
0x12c: {  	[spmem:s16] =	stream.linear.scatter [tilespmem:s0], [sflag:$0x2], $0x1000, $0x38;
	[tilespmem:$0x17980] =	vst v63  }
0x12d: {  	_ =	swait.ge [sflag:s3], $0x1000  }
0x12e: {  	[sflag:s3] =	ssyncset.done $0x0  }
0x12f: {  	s17 =	rddreg [dreg:$0xb];
	[sflag:s3] =	ssyncadd.s32 $0xFFFFF000  }
0x130: {  	[spmem:s17] =	stream.linear.scatter [tilespmem:s0], [sflag:$0x2], $0x1000, $0x38;
	[tilespmem:$0x17980] =	vst v63  }
0x131: {  	_ =	swait.ge [sflag:s3], $0x1000  }
0x132: {  	[sflag:s3] =	ssyncset.done $0x0  }
0x133: {  	s18 =	rddreg [dreg:$0xc];
	[sflag:s3] =	ssyncadd.s32 $0xFFFFF000  }
0x134: {  	[spmem:s18] =	stream.linear.scatter [tilespmem:s0], [sflag:$0x2], $0x1000, $0x38;
	[tilespmem:$0x17980] =	vst v63  }
0x135: {  	_ =	swait.ge [sflag:s3], $0x1000  }
0x136: {  	[sflag:s3] =	ssyncset.done $0x0  }
0x137: {  	s19 =	rddreg [dreg:$0xd];
	[sflag:s3] =	ssyncadd.s32 $0xFFFFF000  }
0x138: {  	[spmem:s19] =	stream.linear.scatter [tilespmem:s0], [sflag:$0x2], $0x1000, $0x38;
	[tilespmem:$0x17980] =	vst v63  }
0x139: {  	_ =	swait.ge [sflag:s3], $0x1000  }
0x13a: {  	[sflag:s3] =	ssyncset.done $0x0  }
0x13b: {  	[sflag:s3] =	ssyncadd.s32 $0xFFFFF000  }
0x13c: {  	[spmem:s20] =	stream.linear.scatter [tilespmem:s0], [sflag:$0x2], $0x1000, $0x38;
	[tilespmem:$0x17980] =	vst v63  }
0x13d: {  	_ =	swait.ge [sflag:s3], $0x1000  }
0x13e: {  	[sflag:s3] =	ssyncset.done $0x0  }
0x13f: {  	[sflag:s3] =	ssyncadd.s32 $0xFFFFF000  }
0x140: {  	[spmem:s21] =	stream.linear.scatter [tilespmem:s0], [sflag:$0x2], $0x1000, $0x38;
	[tilespmem:$0x17980] =	vst v63  }
0x141: {  	_ =	swait.ge [sflag:s3], $0x1000  }
0x142: {  	[sflag:s3] =	ssyncset.done $0x0  }
0x143: {  	[sflag:s3] =	ssyncadd.s32 $0xFFFFF000  }
0x144: {  	[spmem:s22] =	stream.linear.scatter [tilespmem:s0], [sflag:$0x2], $0x1000, $0x38;
	[tilespmem:$0x17980] =	vst v63  }
0x145: {  	_ =	swait.ge [sflag:s3], $0x1000  }
0x146: {  	[sflag:s3] =	ssyncset.done $0x0  }
0x147: {  	[sflag:s3] =	ssyncadd.s32 $0xFFFFF000  }
0x148: {  	[spmem:s23] =	stream.linear.scatter [tilespmem:s0], [sflag:$0x2], $0x1000, $0x38;
	[tilespmem:$0x17980] =	vst v63  }
0x149: {  	_ =	swait.ge [sflag:s3], $0x1000  }
0x14a: {  	[sflag:s3] =	ssyncset.done $0x0  }
0x14b: {  	[sflag:s3] =	ssyncadd.s32 $0xFFFFF000  }
0x14c: {  	[spmem:s24] =	stream.linear.scatter [tilespmem:s0], [sflag:$0x2], $0x1000, $0x38;
	[tilespmem:$0x17980] =	vst v63  }
0x14d: {  	_ =	swait.ge [sflag:s3], $0x1000  }
0x14e: {  	[sflag:s3] =	ssyncset.done $0x0  }
0x14f: {  	[sflag:s3] =	ssyncadd.s32 $0xFFFFF000  }
0x150: {  	[spmem:s25] =	stream.linear.scatter [tilespmem:s0], [sflag:$0x2], $0x1000, $0x38;
	[tilespmem:$0x17980] =	vst v63  }
0x151: {  	_ =	swait.ge [sflag:s3], $0x1000  }
0x152: {  	[sflag:s3] =	ssyncset.done $0x0  }
0x153: {  	[sflag:s3] =	ssyncadd.s32 $0xFFFFF000  }
0x154: {  	[spmem:s26] =	stream.linear.scatter [tilespmem:s0], [sflag:$0x2], $0x1000, $0x38;
	[tilespmem:$0x17980] =	vst v63  }
0x155: {  	_ =	swait.ge [sflag:s3], $0x1000  }
0x156: {  	[sflag:s3] =	ssyncset.done $0x0  }
0x157: {  	[sflag:s3] =	ssyncadd.s32 $0xFFFFF000  }
0x158: {  	[spmem:s28] =	stream.linear.scatter [tilespmem:s0], [sflag:$0x2], $0x1000, $0x38;
	[tilespmem:$0x17980] =	vst v63  }
0x159: {  	_ =	swait.ge [sflag:s3], $0x1000  }
0x15a: {  	[sflag:s3] =	ssyncset.done $0x0  }
0x15b: {  	[sflag:s3] =	ssyncadd.s32 $0xFFFFF000  }
0x15c: {  	[spmem:s29] =	stream.linear.scatter [tilespmem:s0], [sflag:$0x2], $0x1000, $0x38;
	[tilespmem:$0x17980] =	vst v63  }
0x15d: {  	_ =	swait.ge [sflag:s3], $0x1000  }
0x15e: {  	[sflag:s3] =	ssyncset.done $0x0  }
0x15f: {  	[sflag:s3] =	ssyncadd.s32 $0xFFFFF000  }
0x160: {  	[spmem:s30] =	stream.linear.scatter [tilespmem:s0], [sflag:$0x2], $0x1000, $0x38;
	[tilespmem:$0x17980] =	vst v63  }
0x161: {  	_ =	swait.ge [sflag:s3], $0x1000  }
0x162: {  	[sflag:s3] =	ssyncset.done $0x0  }
0x163: {  	[sflag:s3] =	ssyncadd.s32 $0xFFFFF000  }
0x164: {  	[spmem:s31] =	stream.linear.scatter [tilespmem:s0], [sflag:$0x2], $0x1000, $0x38;
	[tilespmem:$0x17980] =	vst v63  }
0x165: {  	_ =	swait.ge [sflag:s3], $0x1000  }
0x166: {  	[sflag:s3] =	ssyncset.done $0x0  }
0x167: {  	[sflag:s3] =	ssyncadd.s32 $0xFFFFF000  }
0x168: {  	s15 =	simm.s32 $0x0;
	[bflag:$0x0] =	sbarrier.arrive $0xFFFF  }
.LBB2_2:
0x169: {  	s16 =	smul.u32 $0x50, s15;
	_ =	sdelay $0x1  }
0x16a: {  	s16 =	sadd.s32 s9, s16  }
0x16b: {  	s16 =	sshrl.u32 s16, $0x3  }
0x16c: {  	s18 =	simm.s32 $0x0;
	s17 =	sadd.s32 s5, s16  }
0x16d: {  	[tilespmem:s18], [sflag:$0x2] =	stream.linear.gather [hbm4b:s17+s18], $0x50, $0x38;
	[tilespmem:$0x17980] =	vst v63  }
0x16e: {  	_ =	swait.ge [sflag:s3], $0x50  }
0x16f: {  	[sflag:s3] =	ssyncset.done $0x0  }
0x170: {  	s19 =	sadd.s32 s6, s16;
	[sflag:s3] =	ssyncadd.s32 $0xFFFFFFB0  }
0x171: {  	[tilespmem:s10], [sflag:$0x2] =	stream.linear.gather [hbm4b:s19+s18], $0x50, $0x38;
	[tilespmem:$0x17980] =	vst v63  }
0x172: {  	_ =	swait.ge [sflag:s3], $0x50  }
0x173: {  	[sflag:s3] =	ssyncset.done $0x0  }
0x174: {  	s16 =	sadd.s32 s1, s16;
	[sflag:s3] =	ssyncadd.s32 $0xFFFFFFB0  }
0x175: {  	[tilespmem:s11], [sflag:$0x2] =	stream.linear.gather [hbm4b:s16+s18], $0x50, $0x38;
	[tilespmem:$0x17980] =	vst v63  }
0x176: {  	_ =	swait.ge [sflag:s3], $0x50  }
0x177: {  	[sflag:s3] =	ssyncset.done $0x0  }
0x178: {  	[sflag:s3] =	ssyncadd.s32 $0xFFFFFFB0  }
0x179: {  	[tilespmem:s13], [sflag:$0x1] =	stream.indirect.gather [hbm4b:s7+s12], $0x80, s18, s12, $0xb8;
	[tilespmem:$0x17980] =	vst v63  }
0x17a: {  	_ =	swait.ge [sflag:s14], $0x2800  }
0x17b: {  	v1 =	vmov s18;
	[sflag:s14] =	ssyncset.done $0x0  }
0x17c: {  	s16 =	simm.s32 $0x140;
	[sflag:s14] =	ssyncadd.s32 $0xFFFFD800  }
0x17d: {  	v5 =	vld [tilespmem:s16+$0x30]  }
0x17e: {  	v8 =	vld [tilespmem:s16+$0x10]  }
0x17f: {  	v6 =	vld [tilespmem:s16+$0xFFFFFFC0]  }
0x180: {  	v2 =	vld.idx.msk [tilespmem:v1+s10+$0x0], $0xffff  }
0x181: {  	v10 =	vld [tilespmem:s16+$0xFFFFFFE0]  }
0x182: {  	v1 =	vld [tilespmem:s16+$0xFFFFFFF0]  }
0x183: {  	v3 =	vld [tilespmem:s16+$0x20]  }
0x184: {  	v4 =	vld [tilespmem:s16+$0xFFFFFFD0]  }
0x185: {  	v9 =	vmul.f32 v5, v2;
	v5 =	vld [tilespmem:s16+$0x0]  }
0x186: {  	v7 =	vmul.f32 v6, v2  }
0x187: {  	s17 =	simm.s32 $0x1;
	s18 =	simm.s32 $0x140;
	v6 =	vmul.f32 v10, v2;
	v8 =	vmul.f32 v8, v2  }
.LBB2_3:
0x188: {  	p0 =	sne.s32 s17, $0x4F  }
0x189: {  	v4 =	vmul.f32 v4, v2;
	v3 =	vmul.f32 v3, v2;
	[tilespmem:s16+$0x30] =	vst v9;
	s18 =	sadd.s32 $0x80, s18;
	s19 =	smov.u32 s17;
	s17 =	sadd.s32 $0x1, s17  }
0x18a: {  	[tilespmem:s16+$0xFFFFFFC0] =	vst v7;
	v7 =	vmul.f32 v1, v2;
	v2 =	vmul.f32 v5, v2  }
0x18b: {  	[tilespmem:s16+$0x10] =	vst v8  }
0x18c: {  	v5 =	vmov s19;
	[tilespmem:s16+$0xFFFFFFE0] =	vst v6  }
0x18d: {  	v1 =	vld [tilespmem:s18+$0xFFFFFFF0];
	[tilespmem:s16+$0xFFFFFFF0] =	vst v7  }
0x18e: {  	v6 =	vld [tilespmem:s18+$0x30];
	[tilespmem:s16+$0x0] =	vst v2  }
0x18f: {  	v8 =	vld [tilespmem:s18+$0x10];
	[tilespmem:s16+$0x20] =	vst v3  }
0x190: {  	v7 =	vld [tilespmem:s18+$0xFFFFFFC0];
	[tilespmem:s16+$0xFFFFFFD0] =	vst v4;
	s16 =	smov.u32 s18  }
0x191: {  	v2 =	vld.idx.msk [tilespmem:v5+s10+$0x0], $0xffff  }
0x192: {  	v10 =	vld [tilespmem:s18+$0xFFFFFFE0]  }
0x193: {  	v3 =	vld [tilespmem:s18+$0x20]  }
.Ltmp0:
0x194: {  	v4 =	vld [tilespmem:s18+$0xFFFFFFD0];
	(pc) =	sbr.rel @p0 .LBB2_3-.Ltmp0, $3  }
0x195: {  	v5 =	vld [tilespmem:s18+$0x0];
	_ =	sdelay $0x1  }
0x196: {  	v7 =	vmul.f32 v7, v2;
	v9 =	vmul.f32 v6, v2  }
0x197: {  	v8 =	vmul.f32 v8, v2;
	v6 =	vmul.f32 v10, v2  }
0x198: {  	[tilespmem:s16+$0x30] =	vst v9  }
0x199: {  	[tilespmem:s16+$0xFFFFFFC0] =	vst v7  }
0x19a: {  	v1 =	vmul.f32 v1, v2;
	[tilespmem:s16+$0x10] =	vst v8  }
0x19b: {  	v3 =	vmul.f32 v3, v2;
	[tilespmem:s16+$0xFFFFFFE0] =	vst v6  }
0x19c: {  	v5 =	vmul.f32 v5, v2;
	[tilespmem:s16+$0xFFFFFFF0] =	vst v1  }
0x19d: {  	s15 =	sadd.s32 $0x1, s15;
	v1 =	vmul.f32 v4, v2;
	[tilespmem:s16+$0x20] =	vst v3  }
0x19e: {  	p0 =	sne.s32 s15, $0x7D;
	[tilespmem:s16+$0x0] =	vst v5  }
.Ltmp1:
0x19f: {  	[tilespmem:s16+$0xFFFFFFD0] =	vst v1;
	(pc) =	sbr.rel @p0 .LBB2_2-.Ltmp1, $4  }
0x1a0: {  	[spmem:s2] =	stream.indirect.scatter.add.f32 [tilespmem:s13], [sflag:$0x2], $0x80, s11, s12, $0xb8;
	[tilespmem:$0x17980] =	vst v63  }
0x1a1: {  	_ =	swait.ge [sflag:s3], $0x2800  }
0x1a2: {  	[sflag:s3] =	ssyncset.done $0x0  }
0x1a3: {  	[sflag:s3] =	ssyncadd.s32 $0xFFFFD800  }
0x1a4: {  	s15 =	stileid.u32  }
0x1a5: {  	[bflag:$0x0] =	sbarrier.arrive $0xFFFF;
	s15 =	sshll.u32 s15, $0x6  }
0x1a6: {  	s16 =	sshrl.u32 s8, $0x3;
	s17 =	rddreg [dreg:$0x4];
	s15 =	sor.u32 $0x1C02, s15  }
0x1a7: {  	[hbm:s17], [sflag:s15] =	dma.local [spmem:s16], $0x2800  }
0x1a8: {  	_ =	swait.ge [sflag:s3], $0x2800  }
0x1a9: {  	s4 =	sadd.s32 $0x1, s4;
	s19 =	rddreg [dreg:$0x5]  }
0x1aa: {  	p0 =	sne.s32 s4, s19  }
.Ltmp2:
0x1ab: {  	_ = 	snop;
	(pc) =	sbr.rel @p0 .LBB2_1-.Ltmp2, $3  }
0x1ac: {  	_ =	sdelay $0x1  }
0x1ad: {  	[sflag:s3] =	ssyncset.done $0x0  }
0x1ae: {  	[sflag:s3] =	ssyncadd.s32 $0xFFFFD800  }
0x1af: {  	_ =	sfence.sel $0x180000  }
0x1b0: {  	[bflag:$0x0] =	sbarrier.arrive $0xFFFF  }
0x1b1: {  	_ =	strace $0x9000004D  }
0x1b2: {  	s0 =	stileid.u32;
	[bflag:$0x2] =	sbarrier.arrive $0xFFFF  }
0x1b3: {  	p0 =	sne.s32 s0, $0x0;
	s0 =	rddreg [dreg:$0x3]  }
0x1b4: {  	s0 =	sadd.s32 @!p0 $0x100000, s0  }
0x1b5: {  	[sflag:s0] =	ssyncadd.tile.s32 @!p0 $0x1;
	_ =	shalt  }
.Lfunc_end2:
_tile_overlayer_lowered:
.L_overlay_start_2:
0x1b6: {  	(tag) =	ssettag $0x2  }
0x1b7: {  	s0 =	rddreg [dreg:$0x0];
	s2 =	stileid.u32  }
0x1b8: {  	s1 =	rddreg [dreg:$0x1];
	p0 =	sne.s32 s2, $0x0  }
0x1b9: {  	s3 =	rddreg [dreg:$0x2];
	[bflag:$0x3] =	sbarrier.arrive $0xFFFF;
	s2 =	simm.s32 @!p0 $0x1C02  }
0x1ba: {  	[timem:s3], [sflag:s2] =	dma.local @!p0 [hbm:s0], s1  }
0x1bb: {  	s0 =	simm.s32 @!p0 $0x2  }
0x1bc: {  	_ =	swait.ge @!p0 [sflag:s0], s1  }
0x1bd: {  	s1 =	ssub.s32 @!p0 $0x0, s1;
	[sflag:s0] =	ssyncset.done @!p0 $0x0  }
0x1be: {  	[sflag:s0] =	ssyncadd.s32 @!p0 s1  }
0x1bf: {  	[bflag:$0x3] =	sbarrier.arrive $0xFFFF  }
0x1c0: {  	_ =	shalt  }

// kernel: kernel.19.cloned.1.call-start
scs
__scs_entry_jumppad:
0x0: {  	(pc) =	sbr.rel $0x88, $3  }
0x1: {  	(tag) =	ssettag $0x0;
	lr =	simm.s32 $0x1  }
0x2: {  	[smem:$0x3F94] =	sst lr;
	_ =	strace $0xD0000000  }
0x3: {  	_ = 	snop  }
0x4: {  	_ = 	snop  }
0x5: {  	_ = 	snop  }
0x6: {  	_ = 	snop  }
0x7: {  	_ = 	snop  }
__scs_overlays_trampoline_lowered:
0x8: {  	[smem:$0x3FA3] =	sst s0  }
0x9: {  	[smem:$0x3FA4] =	sst s1  }
0xa: {  	[smem:$0x3FA5] =	sst s2  }
0xb: {  	[smem:$0x3FA6] =	sst s3  }
0xc: {  	[smem:$0x3FA7] =	sst s4  }
0xd: {  	[smem:$0x3FA8] =	sst s5  }
0xe: {  	[smem:$0x3FA9] =	sst s6  }
0xf: {  	[smem:$0x3FAA] =	sst s7  }
0x10: {  	[smem:$0x3FAB] =	sst s8  }
0x11: {  	[smem:$0x3FAC] =	sst s9;
	s0 =	simm.s32 @!p0 $0x0  }
0x12: {  	s1 =	sld [smem:$0x3F92];
	s0 =	simm.s32 @p0 $0x1  }
0x13: {  	[smem:$0x3FAD] =	sst s0;
	s0 =	simm.s32 @!p1 $0x0  }
0x14: {  	s2 =	sld [smem:$0x3F91];
	s0 =	simm.s32 @p1 $0x1  }
0x15: {  	[smem:$0x3FAE] =	sst s0;
	s0 =	simm.s32 @!p2 $0x0  }
0x16: {  	s3 =	sld [smem:$0x3FDB];
	s0 =	simm.s32 @p2 $0x1  }
0x17: {  	s4 =	simm.s32 $0x1BF5;
	[smem:$0x3FB0] =	sst s0  }
0x18: {  	s0 =	sld [smem:$0x3F93];
	_ =	swait.ge [sflag:s4], $0x0  }
0x19: {  	s7 =	sld [smem:$0x3F94]  }
0x1a: {  	s8 =	sadd.s32 $0xFFFFE003, lr  }
0x1b: {  	s9 =	sadd.s32 $0xFFFFFEF7, lr;
	s5 =	simm.s32 $0xFFFFFFFF;
	p2 =	slt.u32 s8, $0xFFFFF086  }
0x1c: {  	p1 =	slt.u32 s9, $0xF7A;
	s5 =	simm.s32 @!p2 $0x0  }
0x1d: {  	s5 =	simm.s32 @p1 $0x1;
	p0 =	seq.s32 s7, s2  }
0x1e: {  	s7 =	smul.u32 @!p0 $0xF7A, s2;
	p2 =	seq.s32 @!p0 s5, $0x0  }
0x1f: {  	s9 =	smul.u32 $0xF7A, s1;
	s8 =	simm.s32 @!p0 $0x1BF5;
	p2 =	por !p2, p0  }
0x20: {  	[sflag:s8] =	ssyncset.s32 @!p0 $0xFFFFF086;
	s6 =	sadd.s32 @!p0 s3, s7;
	s7 =	simm.s32 @!p0 $0x108  }
0x21: {  	s3 =	sadd.s32 s3, s9;
	s6 =	sadd.s32 @!p0 $0x88, s6;
	s7 =	simm.s32 @p2 $0x1082  }
0x22: {  	[simem:s7], [sflag:s8] =	dma.local @!p0 [hbm:s6], $0xF7A  }
0x23: {  	s9 =	sor.u32 $0xD0000000, s2;
	s6 =	simm.s32 $0x108;
	_ =	swait.ge @!p0 [sflag:s8], $0x0  }
0x24: {  	s3 =	sadd.s32 $0x88, s3;
	s6 =	simm.s32 @!p1 $0x1082;
	[sflag:s4] =	ssyncset.s32 $0xFFFFF086  }
0x25: {  	[simem:s6], [sflag:s4] =	dma.local [hbm:s3], $0xF7A  }
0x26: {  	[smem:$0x3F94] =	sst s1;
	(tag) =	ssettag s2;
	_ =	strace s9  }
0x27: {  	s1 =	sld [smem:$0x3FA4]  }
0x28: {  	s2 =	sld [smem:$0x3FA5]  }
0x29: {  	s4 =	sld [smem:$0x3FA7]  }
0x2a: {  	p0 =	seq.s32 s5, $0x0;
	s5 =	sld [smem:$0x3FA8]  }
0x2b: {  	s6 =	sld [smem:$0x3FA9]  }
0x2c: {  	s7 =	sld [smem:$0x3FAA]  }
0x2d: {  	s3 =	simm.s32 $0x108;
	s8 =	sld [smem:$0x3FAB]  }
0x2e: {  	s3 =	simm.s32 @!p0 $0x1082;
	s9 =	sld [smem:$0x3FAC]  }
0x2f: {  	lr =	sadd.s32 s0, s3;
	s0 =	sld [smem:$0x3FA3]  }
0x30: {  	s3 =	sld [smem:$0x3FA6]  }
0x31: {  	[smem:$0x3FAF] =	sst s10  }
0x32: {  	s10 =	sld [smem:$0x3FAD];
	_ =	sdelay $0x3  }
0x33: {  	p0 =	seq.s32 s10, $0x1;
	s10 =	sld [smem:$0x3FAF];
	_ =	sdelay $0x3  }
0x34: {  	[smem:$0x3FAF] =	sst s10  }
0x35: {  	s10 =	sld [smem:$0x3FAE];
	_ =	sdelay $0x3  }
0x36: {  	p1 =	seq.s32 s10, $0x1;
	s10 =	sld [smem:$0x3FAF];
	_ =	sdelay $0x3  }
0x37: {  	[smem:$0x3FAF] =	sst s10  }
0x38: {  	s10 =	sld [smem:$0x3FB0]  }
0x39: {  	_ = 	snop;
	(pc) =	sbr.ind lr, $3  }
0x3a: {  	_ = 	snop  }
0x3b: {  	_ = 	snop  }
0x3c: {  	p2 =	seq.s32 s10, $0x1;
	s10 =	sld [smem:$0x3FAF]  }
0x3d: {  	_ =	shalt  }
0x3e: {  	_ =	shalt  }
0x3f: {  	_ =	shalt  }
0x40: {  	_ =	shalt  }
0x41: {  	_ =	shalt  }
0x42: {  	_ =	shalt  }
0x43: {  	_ =	shalt  }
0x44: {  	_ =	shalt  }
0x45: {  	_ =	shalt  }
0x46: {  	_ =	shalt  }
0x47: {  	_ =	shalt  }
0x48: {  	_ =	shalt  }
0x49: {  	_ =	shalt  }
0x4a: {  	_ =	shalt  }
0x4b: {  	_ =	shalt  }
0x4c: {  	_ =	shalt  }
0x4d: {  	_ =	shalt  }
0x4e: {  	_ =	shalt  }
0x4f: {  	_ =	shalt  }
0x50: {  	_ =	shalt  }
0x51: {  	_ =	shalt  }
0x52: {  	_ =	shalt  }
0x53: {  	_ =	shalt  }
0x54: {  	_ =	shalt  }
0x55: {  	_ =	shalt  }
0x56: {  	_ =	shalt  }
0x57: {  	_ =	shalt  }
0x58: {  	_ =	shalt  }
0x59: {  	_ =	shalt  }
0x5a: {  	_ =	shalt  }
0x5b: {  	_ =	shalt  }
0x5c: {  	_ =	shalt  }
0x5d: {  	_ =	shalt  }
0x5e: {  	_ =	shalt  }
0x5f: {  	_ =	shalt  }
0x60: {  	_ =	shalt  }
0x61: {  	_ =	shalt  }
0x62: {  	_ =	shalt  }
0x63: {  	_ =	shalt  }
0x64: {  	_ =	shalt  }
0x65: {  	_ =	shalt  }
0x66: {  	_ =	shalt  }
0x67: {  	_ =	shalt  }
0x68: {  	_ =	shalt  }
0x69: {  	_ =	shalt  }
0x6a: {  	_ =	shalt  }
0x6b: {  	_ =	shalt  }
0x6c: {  	_ =	shalt  }
0x6d: {  	_ =	shalt  }
0x6e: {  	_ =	shalt  }
0x6f: {  	_ =	shalt  }
0x70: {  	_ =	shalt  }
0x71: {  	_ =	shalt  }
0x72: {  	_ =	shalt  }
0x73: {  	_ =	shalt  }
0x74: {  	_ =	shalt  }
0x75: {  	_ =	shalt  }
0x76: {  	_ =	shalt  }
0x77: {  	_ =	shalt  }
0x78: {  	_ =	shalt  }
0x79: {  	_ =	shalt  }
0x7a: {  	_ =	shalt  }
0x7b: {  	_ =	shalt  }
0x7c: {  	_ =	shalt  }
0x7d: {  	_ =	shalt  }
0x7e: {  	_ =	shalt  }
0x7f: {  	_ =	shalt  }
0x80: {  	_ =	shalt  }
0x81: {  	_ =	shalt  }
0x82: {  	_ =	shalt  }
0x83: {  	_ =	shalt  }
0x84: {  	_ =	shalt  }
0x85: {  	_ =	shalt  }
0x86: {  	_ =	shalt  }
0x87: {  	_ =	shalt  }
.Lfunc_end0:
.L_simem_size_0:
called_computation.3_lowered:
.L_overlay_start_0:
0x88: {  	s2 =	sld [smem:$0x3FD9]  }
0x89: {  	s3 =	sld [smem:$0x3FFE];
	_ =	sdelay $0x1  }
0x8a: {  	s1 =	srdreg.scid  }
0x8b: {  	s0 =	sand.u32 $0x1, s1  }
0x8c: {  	s17 =	sshll.u32 s0, $0xA;
	s2 =	sadd.s32 s3, s2  }
0x8d: {  	s2 =	sadd.s32 s2, s17  }
0x8e: {  	[smem:$0x3FBB] =	sst s2  }
0x8f: {  	_ = 	snop  }
0x90: {  	s2 =	sld [smem:$0x3FD0];
	(tm) =	ssettm $0x1  }
0x91: {  	s18 =	sld [smem:$0x3FFB];
	_ =	sdelay $0x3  }
0x92: {  	_ =	strace s18  }
0x93: {  	s3 =	sld [smem:$0x3FFC];
	_ =	sdelay $0x3  }
0x94: {  	_ =	strace s3  }
0x95: {  	s3 =	sld [smem:$0x3FFD];
	_ =	sdelay $0x3  }
0x96: {  	_ =	strace s3  }
0x97: {  	_ =	strace $0x8FFFFFFF  }
0x98: {  	s19 =	sld [smem:$0x3FDB];
	_ =	sdelay $0x1  }
0x99: {  	s4 =	simm.s32 $_scs_section_size  }
0x9a: {  	s5 =	simm.s32 $_size__tile_overlayer_lowered;
	s6 =	simm.s32 $_tile_overlayer_lowered  }
0x9b: {  	s22 =	simm.s32 $0x1BFF;
	s21 =	sshll.u32 s6, $0x1;
	s3 =	sadd.s32 s4, s19  }
0x9c: {  	s7 =	simm.s32 $0x0;
	s20 =	sshll.u32 s5, $0x1;
	s5 =	sadd.s32 s21, s3  }
0x9d: {  	[timem:s7], [sflag:s22] =	dma.local [hbm:s5], s20  }
0x9e: {  	_ =	swait.ge [sflag:s22], s20  }
0x9f: {  	s4 =	ssub.s32 $0x0, s20;
	[sflag:s22] =	ssyncset.done $0x0  }
0xa0: {  	[sflag:s22] =	ssyncadd.s32 s4;
	_ =	sdelay $0x1  }
0xa1: {  	s23 =	simm.s32 $0x1B8B  }
0xa2: {  	_ =	swait.ge [sflag:s23], $0x1  }
0xa3: {  	[sflag:s23] =	ssyncset.done $0x0  }
0xa4: {  	s25 =	simm.s32 $0x1B8E;
	s24 =	sld [smem:$0x3FFE];
	[sflag:s23] =	ssyncadd.s32 $0xFFFFFFFF  }
0xa5: {  	s26 =	simm.s32 $execute0_lowered;
	[smem:$0x3FD2] =	sst s25  }
0xa6: {  	s5 =	sshll.u32 s26, $0x1;
	_ =	strace $0x8000004F;
	[dreg:$0x1] =	wrdreg $0xFFFFFFFF  }
0xa7: {  	s28 =	simm.s32 $_size_execute0_lowered;
	s3 =	sadd.s32 s3, s5;
	[dreg:$0x0] =	wrdreg $0x0  }
0xa8: {  	s5 =	sshll.u32 s28, $0x1;
	[dreg:$0x2] =	wrdreg s3  }
0xa9: {  	[dreg:$0x3] =	wrdreg s5  }
0xaa: {  	[dreg:$0x4] =	wrdreg $0xC0  }
0xab: {  	_ =	task [dreg:s7], $0x5FFFF  }
0xac: {  	[dreg:$0x1] =	wrdreg $0xFFFFFFFF  }
0xad: {  	[dreg:$0x0] =	wrdreg $0x60  }
0xae: {  	[dreg:$0x2] =	wrdreg s24  }
0xaf: {  	[dreg:$0x3] =	wrdreg s2  }
0xb0: {  	[dreg:$0x4] =	wrdreg $0x39800  }
0xb1: {  	[dreg:$0x5] =	wrdreg $0x9  }
0xb2: {  	_ =	task.clear_ibuf [dreg:s7], $0x6FFFF;
	_ =	strace $0x9000004F  }
0xb3: {  	s29 =	simm.s32 $0x9;
	_ =	strace $0x80000051  }
0xb4: {  	_ =	swait.ge [sflag:s29], $0x1  }
0xb5: {  	[sflag:s29] =	ssyncadd.s32 $0xFFFFFFFF  }
0xb6: {  	_ =	strace $0x90000051  }
0xb7: {  	_ =	sfence  }
0xb8: {  	s30 =	sld [smem:$0x0];
	_ =	sdelay $0x2  }
0xb9: {  	s31 =	sshll.u32 s1, $0xD;
	s1 =	sshrl.u32 s1, $0x2  }
0xba: {  	s3 =	sand.u32 $0x4000, s31;
	s1 =	sadd.s32 s1, s30  }
0xbb: {  	s0 =	sor.u32 s3, s0;
	s1 =	sshll.u32 s1, $0x11  }
0xbc: {  	s0 =	sor.u32 s1, s0  }
0xbd: {  	s0 =	sadd.s32 $0x8F2B, s0  }
0xbe: {  	[sflag:s0] =	ssyncadd.remote.s32 $0x1  }
0xbf: {  	_ =	sfence.sel $0xFFFF  }
0xc0: {  	[dreg:$0x0] =	wrdreg $0xFFFFFFFF;
	(pc) =	sbr.abs _section_cstart, $3  }
0xc1: {  	[dreg:$0x1] =	wrdreg $0xFFFFFFFF  }
0xc2: {  	_ =	task.clear_ibuf [dreg:s7], $0x2FFFF;
	_ =	strace $0x9FFFFFFF  }
0xc3: {  	(tm) =	ssettm $0x7FFFFFFF  }
tec
execute0_lowered:
.L_overlay_start_1:
0x0: {  	(tag) =	ssettag $0x1  }
0x1: {  	s0 =	rddreg [dreg:$0x0]  }
0x2: {  	s1 =	rddreg [dreg:$0x1]  }
0x3: {  	s2 =	rddreg [dreg:$0x2];
	s3 =	srdreg.scid  }
0x4: {  	s4 =	simm.s32 $0x0;
	s11 =	stileid.u32;
	s13 =	simm.s32 $0x100  }
0x5: {  	s14 =	simm.s32 $0x1;
	s3 =	sand.u32 $0x1, s3;
	s9 =	smul.u32 $0x14000, s11  }
0x6: {  	[smem:$0x7FF] =	sst s4;
	s5 =	sadd.s32 $0x64E00, s0;
	s10 =	smul.u32 $0x50000, s11  }
0x7: {  	s6 =	sadd.s32 $0x5800, s0;
	s7 =	sadd.s32 $0x1A7400, s0;
	s8 =	smul.u32 $0x140000, s3  }
0x8: {  	s11 =	sshll.u32 s11, $0x1;
	_ =	strace $0x80000050;
	s15 =	ssub.s32 $0x2, s3  }
0x9: {  	s3 =	sor.u32 s3, s11;
	s16 =	sshrl.u32 s15, $0x1;
	s8 =	sadd.s32 s9, s8  }
0xa: {  	s11 =	simm.s32 $0x80;
	s12 =	ssub.s32 s15, s16;
	s8 =	sshrl.u32 s8, $0x3  }
0xb: {  	s17 =	sshrl.u32 s10, $0x2;
	s18 =	smax.u32 s12, $0x1;
	s0 =	sadd.s32 s8, s0  }
0xc: {  	s8 =	sadd.s32 s17, s2;
	[dreg:$0x5] =	wrdreg s18;
	s0 =	sadd.s32 $0xF600, s0  }
0xd: {  	s10 =	simm.s32 $0x2900;
	s19 =	sadd.s32 $0x1000, s8;
	[dreg:$0x4] =	wrdreg s0  }
0xe: {  	s9 =	smul.u32 $0x2710, s3;
	s20 =	sadd.s32 $0x2000, s8;
	[dreg:$0x6] =	wrdreg s19  }
0xf: {  	s3 =	simm.s32 $0x2;
	s21 =	sadd.s32 $0x3000, s8;
	[dreg:$0x7] =	wrdreg s20  }
0x10: {  	s12 =	simm.s32 $0x50;
	s22 =	sadd.s32 $0x4000, s8;
	[dreg:$0x8] =	wrdreg s21  }
0x11: {  	s23 =	sadd.s32 $0x5000, s8;
	s24 =	sadd.s32 $0x6000, s8;
	[dreg:$0x9] =	wrdreg s22  }
0x12: {  	s25 =	sadd.s32 $0x7000, s8;
	s26 =	sadd.s32 $0x8000, s8;
	[dreg:$0xa] =	wrdreg s23  }
0x13: {  	s28 =	sadd.s32 $0x10000, s8;
	s29 =	sadd.s32 $0x11000, s8;
	[dreg:$0xb] =	wrdreg s24  }
0x14: {  	s30 =	sadd.s32 $0x12000, s8;
	s31 =	sadd.s32 $0x13000, s8;
	[dreg:$0xc] =	wrdreg s25  }
0x15: {  	[dreg:$0xd] =	wrdreg s26;
	s20 =	sadd.s32 $0x9000, s8;
	s21 =	sadd.s32 $0xA000, s8  }
0x16: {  	s22 =	sadd.s32 $0xB000, s8;
	s23 =	sadd.s32 $0xC000, s8;
	s24 =	sadd.s32 $0xD000, s8  }
0x17: {  	v0 =	vimm.f32 $0.0e+00;
	s25 =	sadd.s32 $0xE000, s8;
	s26 =	sadd.s32 $0xF000, s8;
	s0 =	simm.s32 $0x2980  }
.LBB2_1:
0x18: {  	[tilespmem:$0x2980] =	vst v0  }
0x19: {  	[tilespmem:$0x2990] =	vst v0  }
0x1a: {  	[tilespmem:$0x29A0] =	vst v0  }
0x1b: {  	[tilespmem:$0x29B0] =	vst v0  }
0x1c: {  	[tilespmem:$0x29C0] =	vst v0  }
0x1d: {  	[tilespmem:$0x29D0] =	vst v0  }
0x1e: {  	[tilespmem:$0x29E0] =	vst v0  }
0x1f: {  	[tilespmem:$0x29F0] =	vst v0  }
0x20: {  	[tilespmem:$0x2A00] =	vst v0  }
0x21: {  	[tilespmem:$0x2A10] =	vst v0  }
0x22: {  	[tilespmem:$0x2A20] =	vst v0  }
0x23: {  	[tilespmem:$0x2A30] =	vst v0  }
0x24: {  	[tilespmem:$0x2A40] =	vst v0  }
0x25: {  	[tilespmem:$0x2A50] =	vst v0  }
0x26: {  	[tilespmem:$0x2A60] =	vst v0  }
0x27: {  	[tilespmem:$0x2A70] =	vst v0  }
0x28: {  	[tilespmem:$0x2A80] =	vst v0  }
0x29: {  	[tilespmem:$0x2A90] =	vst v0  }
0x2a: {  	[tilespmem:$0x2AA0] =	vst v0  }
0x2b: {  	[tilespmem:$0x2AB0] =	vst v0  }
0x2c: {  	[tilespmem:$0x2AC0] =	vst v0  }
0x2d: {  	[tilespmem:$0x2AD0] =	vst v0  }
0x2e: {  	[tilespmem:$0x2AE0] =	vst v0  }
0x2f: {  	[tilespmem:$0x2AF0] =	vst v0  }
0x30: {  	[tilespmem:$0x2B00] =	vst v0  }
0x31: {  	[tilespmem:$0x2B10] =	vst v0  }
0x32: {  	[tilespmem:$0x2B20] =	vst v0  }
0x33: {  	[tilespmem:$0x2B30] =	vst v0  }
0x34: {  	[tilespmem:$0x2B40] =	vst v0  }
0x35: {  	[tilespmem:$0x2B50] =	vst v0  }
0x36: {  	[tilespmem:$0x2B60] =	vst v0  }
0x37: {  	[tilespmem:$0x2B70] =	vst v0  }
0x38: {  	[tilespmem:$0x2B80] =	vst v0  }
0x39: {  	[tilespmem:$0x2B90] =	vst v0  }
0x3a: {  	[tilespmem:$0x2BA0] =	vst v0  }
0x3b: {  	[tilespmem:$0x2BB0] =	vst v0  }
0x3c: {  	[tilespmem:$0x2BC0] =	vst v0  }
0x3d: {  	[tilespmem:$0x2BD0] =	vst v0  }
0x3e: {  	[tilespmem:$0x2BE0] =	vst v0  }
0x3f: {  	[tilespmem:$0x2BF0] =	vst v0  }
0x40: {  	[tilespmem:$0x2C00] =	vst v0  }
0x41: {  	[tilespmem:$0x2C10] =	vst v0  }
0x42: {  	[tilespmem:$0x2C20] =	vst v0  }
0x43: {  	[tilespmem:$0x2C30] =	vst v0  }
0x44: {  	[tilespmem:$0x2C40] =	vst v0  }
0x45: {  	[tilespmem:$0x2C50] =	vst v0  }
0x46: {  	[tilespmem:$0x2C60] =	vst v0  }
0x47: {  	[tilespmem:$0x2C70] =	vst v0  }
0x48: {  	[tilespmem:$0x2C80] =	vst v0  }
0x49: {  	[tilespmem:$0x2C90] =	vst v0  }
0x4a: {  	[tilespmem:$0x2CA0] =	vst v0  }
0x4b: {  	[tilespmem:$0x2CB0] =	vst v0  }
0x4c: {  	[tilespmem:$0x2CC0] =	vst v0  }
0x4d: {  	[tilespmem:$0x2CD0] =	vst v0  }
0x4e: {  	[tilespmem:$0x2CE0] =	vst v0  }
0x4f: {  	[tilespmem:$0x2CF0] =	vst v0  }
0x50: {  	[tilespmem:$0x2D00] =	vst v0  }
0x51: {  	[tilespmem:$0x2D10] =	vst v0  }
0x52: {  	[tilespmem:$0x2D20] =	vst v0  }
0x53: {  	[tilespmem:$0x2D30] =	vst v0  }
0x54: {  	[tilespmem:$0x2D40] =	vst v0  }
0x55: {  	[tilespmem:$0x2D50] =	vst v0  }
0x56: {  	[tilespmem:$0x2D60] =	vst v0  }
0x57: {  	[tilespmem:$0x2D70] =	vst v0  }
0x58: {  	[tilespmem:$0x2D80] =	vst v0  }
0x59: {  	[tilespmem:$0x2D90] =	vst v0  }
0x5a: {  	[tilespmem:$0x2DA0] =	vst v0  }
0x5b: {  	[tilespmem:$0x2DB0] =	vst v0  }
0x5c: {  	[tilespmem:$0x2DC0] =	vst v0  }
0x5d: {  	[tilespmem:$0x2DD0] =	vst v0  }
0x5e: {  	[tilespmem:$0x2DE0] =	vst v0  }
0x5f: {  	[tilespmem:$0x2DF0] =	vst v0  }
0x60: {  	[tilespmem:$0x2E00] =	vst v0  }
0x61: {  	[tilespmem:$0x2E10] =	vst v0  }
0x62: {  	[tilespmem:$0x2E20] =	vst v0  }
0x63: {  	[tilespmem:$0x2E30] =	vst v0  }
0x64: {  	[tilespmem:$0x2E40] =	vst v0  }
0x65: {  	[tilespmem:$0x2E50] =	vst v0  }
0x66: {  	[tilespmem:$0x2E60] =	vst v0  }
0x67: {  	[tilespmem:$0x2E70] =	vst v0  }
0x68: {  	[tilespmem:$0x2E80] =	vst v0  }
0x69: {  	[tilespmem:$0x2E90] =	vst v0  }
0x6a: {  	[tilespmem:$0x2EA0] =	vst v0  }
0x6b: {  	[tilespmem:$0x2EB0] =	vst v0  }
0x6c: {  	[tilespmem:$0x2EC0] =	vst v0  }
0x6d: {  	[tilespmem:$0x2ED0] =	vst v0  }
0x6e: {  	[tilespmem:$0x2EE0] =	vst v0  }
0x6f: {  	[tilespmem:$0x2EF0] =	vst v0  }
0x70: {  	[tilespmem:$0x2F00] =	vst v0  }
0x71: {  	[tilespmem:$0x2F10] =	vst v0  }
0x72: {  	[tilespmem:$0x2F20] =	vst v0  }
0x73: {  	[tilespmem:$0x2F30] =	vst v0  }
0x74: {  	[tilespmem:$0x2F40] =	vst v0  }
0x75: {  	[tilespmem:$0x2F50] =	vst v0  }
0x76: {  	[tilespmem:$0x2F60] =	vst v0  }
0x77: {  	[tilespmem:$0x2F70] =	vst v0  }
0x78: {  	[tilespmem:$0x2F80] =	vst v0  }
0x79: {  	[tilespmem:$0x2F90] =	vst v0  }
0x7a: {  	[tilespmem:$0x2FA0] =	vst v0  }
0x7b: {  	[tilespmem:$0x2FB0] =	vst v0  }
0x7c: {  	[tilespmem:$0x2FC0] =	vst v0  }
0x7d: {  	[tilespmem:$0x2FD0] =	vst v0  }
0x7e: {  	[tilespmem:$0x2FE0] =	vst v0  }
0x7f: {  	[tilespmem:$0x2FF0] =	vst v0  }
0x80: {  	[tilespmem:$0x3000] =	vst v0  }
0x81: {  	[tilespmem:$0x3010] =	vst v0  }
0x82: {  	[tilespmem:$0x3020] =	vst v0  }
0x83: {  	[tilespmem:$0x3030] =	vst v0  }
0x84: {  	[tilespmem:$0x3040] =	vst v0  }
0x85: {  	[tilespmem:$0x3050] =	vst v0  }
0x86: {  	[tilespmem:$0x3060] =	vst v0  }
0x87: {  	[tilespmem:$0x3070] =	vst v0  }
0x88: {  	[tilespmem:$0x3080] =	vst v0  }
0x89: {  	[tilespmem:$0x3090] =	vst v0  }
0x8a: {  	[tilespmem:$0x30A0] =	vst v0  }
0x8b: {  	[tilespmem:$0x30B0] =	vst v0  }
0x8c: {  	[tilespmem:$0x30C0] =	vst v0  }
0x8d: {  	[tilespmem:$0x30D0] =	vst v0  }
0x8e: {  	[tilespmem:$0x30E0] =	vst v0  }
0x8f: {  	[tilespmem:$0x30F0] =	vst v0  }
0x90: {  	[tilespmem:$0x3100] =	vst v0  }
0x91: {  	[tilespmem:$0x3110] =	vst v0  }
0x92: {  	[tilespmem:$0x3120] =	vst v0  }
0x93: {  	[tilespmem:$0x3130] =	vst v0  }
0x94: {  	[tilespmem:$0x3140] =	vst v0  }
0x95: {  	[tilespmem:$0x3150] =	vst v0  }
0x96: {  	[tilespmem:$0x3160] =	vst v0  }
0x97: {  	[tilespmem:$0x3170] =	vst v0  }
0x98: {  	[tilespmem:$0x3180] =	vst v0  }
0x99: {  	[tilespmem:$0x3190] =	vst v0  }
0x9a: {  	[tilespmem:$0x31A0] =	vst v0  }
0x9b: {  	[tilespmem:$0x31B0] =	vst v0  }
0x9c: {  	[tilespmem:$0x31C0] =	vst v0  }
0x9d: {  	[tilespmem:$0x31D0] =	vst v0  }
0x9e: {  	[tilespmem:$0x31E0] =	vst v0  }
0x9f: {  	[tilespmem:$0x31F0] =	vst v0  }
0xa0: {  	[tilespmem:$0x3200] =	vst v0  }
0xa1: {  	[tilespmem:$0x3210] =	vst v0  }
0xa2: {  	[tilespmem:$0x3220] =	vst v0  }
0xa3: {  	[tilespmem:$0x3230] =	vst v0  }
0xa4: {  	[tilespmem:$0x3240] =	vst v0  }
0xa5: {  	[tilespmem:$0x3250] =	vst v0  }
0xa6: {  	[tilespmem:$0x3260] =	vst v0  }
0xa7: {  	[tilespmem:$0x3270] =	vst v0  }
0xa8: {  	[tilespmem:$0x3280] =	vst v0  }
0xa9: {  	[tilespmem:$0x3290] =	vst v0  }
0xaa: {  	[tilespmem:$0x32A0] =	vst v0  }
0xab: {  	[tilespmem:$0x32B0] =	vst v0  }
0xac: {  	[tilespmem:$0x32C0] =	vst v0  }
0xad: {  	[tilespmem:$0x32D0] =	vst v0  }
0xae: {  	[tilespmem:$0x32E0] =	vst v0  }
0xaf: {  	[tilespmem:$0x32F0] =	vst v0  }
0xb0: {  	[tilespmem:$0x3300] =	vst v0  }
0xb1: {  	[tilespmem:$0x3310] =	vst v0  }
0xb2: {  	[tilespmem:$0x3320] =	vst v0  }
0xb3: {  	[tilespmem:$0x3330] =	vst v0  }
0xb4: {  	[tilespmem:$0x3340] =	vst v0  }
0xb5: {  	[tilespmem:$0x3350] =	vst v0  }
0xb6: {  	[tilespmem:$0x3360] =	vst v0  }
0xb7: {  	[tilespmem:$0x3370] =	vst v0  }
0xb8: {  	[tilespmem:$0x3380] =	vst v0  }
0xb9: {  	[tilespmem:$0x3390] =	vst v0  }
0xba: {  	[tilespmem:$0x33A0] =	vst v0  }
0xbb: {  	[tilespmem:$0x33B0] =	vst v0  }
0xbc: {  	[tilespmem:$0x33C0] =	vst v0  }
0xbd: {  	[tilespmem:$0x33D0] =	vst v0  }
0xbe: {  	[tilespmem:$0x33E0] =	vst v0  }
0xbf: {  	[tilespmem:$0x33F0] =	vst v0  }
0xc0: {  	[tilespmem:$0x3400] =	vst v0  }
0xc1: {  	[tilespmem:$0x3410] =	vst v0  }
0xc2: {  	[tilespmem:$0x3420] =	vst v0  }
0xc3: {  	[tilespmem:$0x3430] =	vst v0  }
0xc4: {  	[tilespmem:$0x3440] =	vst v0  }
0xc5: {  	[tilespmem:$0x3450] =	vst v0  }
0xc6: {  	[tilespmem:$0x3460] =	vst v0  }
0xc7: {  	[tilespmem:$0x3470] =	vst v0  }
0xc8: {  	[tilespmem:$0x3480] =	vst v0  }
0xc9: {  	[tilespmem:$0x3490] =	vst v0  }
0xca: {  	[tilespmem:$0x34A0] =	vst v0  }
0xcb: {  	[tilespmem:$0x34B0] =	vst v0  }
0xcc: {  	[tilespmem:$0x34C0] =	vst v0  }
0xcd: {  	[tilespmem:$0x34D0] =	vst v0  }
0xce: {  	[tilespmem:$0x34E0] =	vst v0  }
0xcf: {  	[tilespmem:$0x34F0] =	vst v0  }
0xd0: {  	[tilespmem:$0x3500] =	vst v0  }
0xd1: {  	[tilespmem:$0x3510] =	vst v0  }
0xd2: {  	[tilespmem:$0x3520] =	vst v0  }
0xd3: {  	[tilespmem:$0x3530] =	vst v0  }
0xd4: {  	[tilespmem:$0x3540] =	vst v0  }
0xd5: {  	[tilespmem:$0x3550] =	vst v0  }
0xd6: {  	[tilespmem:$0x3560] =	vst v0  }
0xd7: {  	[tilespmem:$0x3570] =	vst v0  }
0xd8: {  	[tilespmem:$0x3580] =	vst v0  }
0xd9: {  	[tilespmem:$0x3590] =	vst v0  }
0xda: {  	[tilespmem:$0x35A0] =	vst v0  }
0xdb: {  	[tilespmem:$0x35B0] =	vst v0  }
0xdc: {  	[tilespmem:$0x35C0] =	vst v0  }
0xdd: {  	[tilespmem:$0x35D0] =	vst v0  }
0xde: {  	[tilespmem:$0x35E0] =	vst v0  }
0xdf: {  	[tilespmem:$0x35F0] =	vst v0  }
0xe0: {  	[tilespmem:$0x3600] =	vst v0  }
0xe1: {  	[tilespmem:$0x3610] =	vst v0  }
0xe2: {  	[tilespmem:$0x3620] =	vst v0  }
0xe3: {  	[tilespmem:$0x3630] =	vst v0  }
0xe4: {  	[tilespmem:$0x3640] =	vst v0  }
0xe5: {  	[tilespmem:$0x3650] =	vst v0  }
0xe6: {  	[tilespmem:$0x3660] =	vst v0  }
0xe7: {  	[tilespmem:$0x3670] =	vst v0  }
0xe8: {  	[tilespmem:$0x3680] =	vst v0  }
0xe9: {  	[tilespmem:$0x3690] =	vst v0  }
0xea: {  	[tilespmem:$0x36A0] =	vst v0  }
0xeb: {  	[tilespmem:$0x36B0] =	vst v0  }
0xec: {  	[tilespmem:$0x36C0] =	vst v0  }
0xed: {  	[tilespmem:$0x36D0] =	vst v0  }
0xee: {  	[tilespmem:$0x36E0] =	vst v0  }
0xef: {  	[tilespmem:$0x36F0] =	vst v0  }
0xf0: {  	[tilespmem:$0x3700] =	vst v0  }
0xf1: {  	[tilespmem:$0x3710] =	vst v0  }
0xf2: {  	[tilespmem:$0x3720] =	vst v0  }
0xf3: {  	[tilespmem:$0x3730] =	vst v0  }
0xf4: {  	[tilespmem:$0x3740] =	vst v0  }
0xf5: {  	[tilespmem:$0x3750] =	vst v0  }
0xf6: {  	[tilespmem:$0x3760] =	vst v0  }
0xf7: {  	[tilespmem:$0x3770] =	vst v0  }
0xf8: {  	[tilespmem:$0x3780] =	vst v0  }
0xf9: {  	[tilespmem:$0x3790] =	vst v0  }
0xfa: {  	[tilespmem:$0x37A0] =	vst v0  }
0xfb: {  	[tilespmem:$0x37B0] =	vst v0  }
0xfc: {  	[tilespmem:$0x37C0] =	vst v0  }
0xfd: {  	[tilespmem:$0x37D0] =	vst v0  }
0xfe: {  	[tilespmem:$0x37E0] =	vst v0  }
0xff: {  	[tilespmem:$0x37F0] =	vst v0  }
0x100: {  	[tilespmem:$0x3800] =	vst v0  }
0x101: {  	[tilespmem:$0x3810] =	vst v0  }
0x102: {  	[tilespmem:$0x3820] =	vst v0  }
0x103: {  	[tilespmem:$0x3830] =	vst v0  }
0x104: {  	[tilespmem:$0x3840] =	vst v0  }
0x105: {  	[tilespmem:$0x3850] =	vst v0  }
0x106: {  	[tilespmem:$0x3860] =	vst v0  }
0x107: {  	[tilespmem:$0x3870] =	vst v0  }
0x108: {  	[tilespmem:$0x3880] =	vst v0  }
0x109: {  	[tilespmem:$0x3890] =	vst v0  }
0x10a: {  	[tilespmem:$0x38A0] =	vst v0  }
0x10b: {  	[tilespmem:$0x38B0] =	vst v0  }
0x10c: {  	[tilespmem:$0x38C0] =	vst v0  }
0x10d: {  	[tilespmem:$0x38D0] =	vst v0  }
0x10e: {  	[tilespmem:$0x38E0] =	vst v0  }
0x10f: {  	[tilespmem:$0x38F0] =	vst v0  }
0x110: {  	[tilespmem:$0x3900] =	vst v0  }
0x111: {  	[tilespmem:$0x3910] =	vst v0  }
0x112: {  	[tilespmem:$0x3920] =	vst v0  }
0x113: {  	[tilespmem:$0x3930] =	vst v0  }
0x114: {  	[tilespmem:$0x3940] =	vst v0  }
0x115: {  	[tilespmem:$0x3950] =	vst v0  }
0x116: {  	[tilespmem:$0x3960] =	vst v0  }
0x117: {  	[tilespmem:$0x3970] =	vst v0  }
0x118: {  	[spmem:s8] =	stream.linear.scatter [tilespmem:s0], [sflag:$0x2], $0x1000, $0x38;
	[tilespmem:$0x17980] =	vst v63  }
0x119: {  	_ =	swait.ge [sflag:s3], $0x1000  }
0x11a: {  	[sflag:s3] =	ssyncset.done $0x0  }
0x11b: {  	s15 =	rddreg [dreg:$0x6];
	[sflag:s3] =	ssyncadd.s32 $0xFFFFF000  }
0x11c: {  	[spmem:s15] =	stream.linear.scatter [tilespmem:s0], [sflag:$0x2], $0x1000, $0x38;
	[tilespmem:$0x17980] =	vst v63  }
0x11d: {  	_ =	swait.ge [sflag:s3], $0x1000  }
0x11e: {  	[sflag:s3] =	ssyncset.done $0x0  }
0x11f: {  	s17 =	rddreg [dreg:$0x7];
	[sflag:s3] =	ssyncadd.s32 $0xFFFFF000  }
0x120: {  	[spmem:s17] =	stream.linear.scatter [tilespmem:s0], [sflag:$0x2], $0x1000, $0x38;
	[tilespmem:$0x17980] =	vst v63  }
0x121: {  	_ =	swait.ge [sflag:s3], $0x1000  }
0x122: {  	[sflag:s3] =	ssyncset.done $0x0  }
0x123: {  	s18 =	rddreg [dreg:$0x8];
	[sflag:s3] =	ssyncadd.s32 $0xFFFFF000  }
0x124: {  	[spmem:s18] =	stream.linear.scatter [tilespmem:s0], [sflag:$0x2], $0x1000, $0x38;
	[tilespmem:$0x17980] =	vst v63  }
0x125: {  	_ =	swait.ge [sflag:s3], $0x1000  }
0x126: {  	[sflag:s3] =	ssyncset.done $0x0  }
0x127: {  	s19 =	rddreg [dreg:$0x9];
	[sflag:s3] =	ssyncadd.s32 $0xFFFFF000  }
0x128: {  	[spmem:s19] =	stream.linear.scatter [tilespmem:s0], [sflag:$0x2], $0x1000, $0x38;
	[tilespmem:$0x17980] =	vst v63  }
0x129: {  	_ =	swait.ge [sflag:s3], $0x1000  }
0x12a: {  	[sflag:s3] =	ssyncset.done $0x0  }
0x12b: {  	s16 =	rddreg [dreg:$0xa];
	[sflag:s3] =	ssyncadd.s32 $0xFFFFF000  }
0x12c: {  	[spmem:s16] =	stream.linear.scatter [tilespmem:s0], [sflag:$0x2], $0x1000, $0x38;
	[tilespmem:$0x17980] =	vst v63  }
0x12d: {  	_ =	swait.ge [sflag:s3], $0x1000  }
0x12e: {  	[sflag:s3] =	ssyncset.done $0x0  }
0x12f: {  	s17 =	rddreg [dreg:$0xb];
	[sflag:s3] =	ssyncadd.s32 $0xFFFFF000  }
0x130: {  	[spmem:s17] =	stream.linear.scatter [tilespmem:s0], [sflag:$0x2], $0x1000, $0x38;
	[tilespmem:$0x17980] =	vst v63  }
0x131: {  	_ =	swait.ge [sflag:s3], $0x1000  }
0x132: {  	[sflag:s3] =	ssyncset.done $0x0  }
0x133: {  	s18 =	rddreg [dreg:$0xc];
	[sflag:s3] =	ssyncadd.s32 $0xFFFFF000  }
0x134: {  	[spmem:s18] =	stream.linear.scatter [tilespmem:s0], [sflag:$0x2], $0x1000, $0x38;
	[tilespmem:$0x17980] =	vst v63  }
0x135: {  	_ =	swait.ge [sflag:s3], $0x1000  }
0x136: {  	[sflag:s3] =	ssyncset.done $0x0  }
0x137: {  	s19 =	rddreg [dreg:$0xd];
	[sflag:s3] =	ssyncadd.s32 $0xFFFFF000  }
0x138: {  	[spmem:s19] =	stream.linear.scatter [tilespmem:s0], [sflag:$0x2], $0x1000, $0x38;
	[tilespmem:$0x17980] =	vst v63  }
0x139: {  	_ =	swait.ge [sflag:s3], $0x1000  }
0x13a: {  	[sflag:s3] =	ssyncset.done $0x0  }
0x13b: {  	[sflag:s3] =	ssyncadd.s32 $0xFFFFF000  }
0x13c: {  	[spmem:s20] =	stream.linear.scatter [tilespmem:s0], [sflag:$0x2], $0x1000, $0x38;
	[tilespmem:$0x17980] =	vst v63  }
0x13d: {  	_ =	swait.ge [sflag:s3], $0x1000  }
0x13e: {  	[sflag:s3] =	ssyncset.done $0x0  }
0x13f: {  	[sflag:s3] =	ssyncadd.s32 $0xFFFFF000  }
0x140: {  	[spmem:s21] =	stream.linear.scatter [tilespmem:s0], [sflag:$0x2], $0x1000, $0x38;
	[tilespmem:$0x17980] =	vst v63  }
0x141: {  	_ =	swait.ge [sflag:s3], $0x1000  }
0x142: {  	[sflag:s3] =	ssyncset.done $0x0  }
0x143: {  	[sflag:s3] =	ssyncadd.s32 $0xFFFFF000  }
0x144: {  	[spmem:s22] =	stream.linear.scatter [tilespmem:s0], [sflag:$0x2], $0x1000, $0x38;
	[tilespmem:$0x17980] =	vst v63  }
0x145: {  	_ =	swait.ge [sflag:s3], $0x1000  }
0x146: {  	[sflag:s3] =	ssyncset.done $0x0  }
0x147: {  	[sflag:s3] =	ssyncadd.s32 $0xFFFFF000  }
0x148: {  	[spmem:s23] =	stream.linear.scatter [tilespmem:s0], [sflag:$0x2], $0x1000, $0x38;
	[tilespmem:$0x17980] =	vst v63  }
0x149: {  	_ =	swait.ge [sflag:s3], $0x1000  }
0x14a: {  	[sflag:s3] =	ssyncset.done $0x0  }
0x14b: {  	[sflag:s3] =	ssyncadd.s32 $0xFFFFF000  }
0x14c: {  	[spmem:s24] =	stream.linear.scatter [tilespmem:s0], [sflag:$0x2], $0x1000, $0x38;
	[tilespmem:$0x17980] =	vst v63  }
0x14d: {  	_ =	swait.ge [sflag:s3], $0x1000  }
0x14e: {  	[sflag:s3] =	ssyncset.done $0x0  }
0x14f: {  	[sflag:s3] =	ssyncadd.s32 $0xFFFFF000  }
0x150: {  	[spmem:s25] =	stream.linear.scatter [tilespmem:s0], [sflag:$0x2], $0x1000, $0x38;
	[tilespmem:$0x17980] =	vst v63  }
0x151: {  	_ =	swait.ge [sflag:s3], $0x1000  }
0x152: {  	[sflag:s3] =	ssyncset.done $0x0  }
0x153: {  	[sflag:s3] =	ssyncadd.s32 $0xFFFFF000  }
0x154: {  	[spmem:s26] =	stream.linear.scatter [tilespmem:s0], [sflag:$0x2], $0x1000, $0x38;
	[tilespmem:$0x17980] =	vst v63  }
0x155: {  	_ =	swait.ge [sflag:s3], $0x1000  }
0x156: {  	[sflag:s3] =	ssyncset.done $0x0  }
0x157: {  	[sflag:s3] =	ssyncadd.s32 $0xFFFFF000  }
0x158: {  	[spmem:s28] =	stream.linear.scatter [tilespmem:s0], [sflag:$0x2], $0x1000, $0x38;
	[tilespmem:$0x17980] =	vst v63  }
0x159: {  	_ =	swait.ge [sflag:s3], $0x1000  }
0x15a: {  	[sflag:s3] =	ssyncset.done $0x0  }
0x15b: {  	[sflag:s3] =	ssyncadd.s32 $0xFFFFF000  }
0x15c: {  	[spmem:s29] =	stream.linear.scatter [tilespmem:s0], [sflag:$0x2], $0x1000, $0x38;
	[tilespmem:$0x17980] =	vst v63  }
0x15d: {  	_ =	swait.ge [sflag:s3], $0x1000  }
0x15e: {  	[sflag:s3] =	ssyncset.done $0x0  }
0x15f: {  	[sflag:s3] =	ssyncadd.s32 $0xFFFFF000  }
0x160: {  	[spmem:s30] =	stream.linear.scatter [tilespmem:s0], [sflag:$0x2], $0x1000, $0x38;
	[tilespmem:$0x17980] =	vst v63  }
0x161: {  	_ =	swait.ge [sflag:s3], $0x1000  }
0x162: {  	[sflag:s3] =	ssyncset.done $0x0  }
0x163: {  	[sflag:s3] =	ssyncadd.s32 $0xFFFFF000  }
0x164: {  	[spmem:s31] =	stream.linear.scatter [tilespmem:s0], [sflag:$0x2], $0x1000, $0x38;
	[tilespmem:$0x17980] =	vst v63  }
0x165: {  	_ =	swait.ge [sflag:s3], $0x1000  }
0x166: {  	[sflag:s3] =	ssyncset.done $0x0  }
0x167: {  	[sflag:s3] =	ssyncadd.s32 $0xFFFFF000  }
0x168: {  	s15 =	simm.s32 $0x0;
	[bflag:$0x0] =	sbarrier.arrive $0xFFFF  }
.LBB2_2:
0x169: {  	s16 =	smul.u32 $0x50, s15;
	_ =	sdelay $0x1  }
0x16a: {  	s16 =	sadd.s32 s9, s16  }
0x16b: {  	s16 =	sshrl.u32 s16, $0x3  }
0x16c: {  	s18 =	simm.s32 $0x0;
	s17 =	sadd.s32 s5, s16  }
0x16d: {  	[tilespmem:s18], [sflag:$0x2] =	stream.linear.gather [hbm4b:s17+s18], $0x50, $0x38;
	[tilespmem:$0x17980] =	vst v63  }
0x16e: {  	_ =	swait.ge [sflag:s3], $0x50  }
0x16f: {  	[sflag:s3] =	ssyncset.done $0x0  }
0x170: {  	s19 =	sadd.s32 s6, s16;
	[sflag:s3] =	ssyncadd.s32 $0xFFFFFFB0  }
0x171: {  	[tilespmem:s10], [sflag:$0x2] =	stream.linear.gather [hbm4b:s19+s18], $0x50, $0x38;
	[tilespmem:$0x17980] =	vst v63  }
0x172: {  	_ =	swait.ge [sflag:s3], $0x50  }
0x173: {  	[sflag:s3] =	ssyncset.done $0x0  }
0x174: {  	s16 =	sadd.s32 s1, s16;
	[sflag:s3] =	ssyncadd.s32 $0xFFFFFFB0  }
0x175: {  	[tilespmem:s11], [sflag:$0x2] =	stream.linear.gather [hbm4b:s16+s18], $0x50, $0x38;
	[tilespmem:$0x17980] =	vst v63  }
0x176: {  	_ =	swait.ge [sflag:s3], $0x50  }
0x177: {  	[sflag:s3] =	ssyncset.done $0x0  }
0x178: {  	[sflag:s3] =	ssyncadd.s32 $0xFFFFFFB0  }
0x179: {  	[tilespmem:s13], [sflag:$0x1] =	stream.indirect.gather [hbm4b:s7+s12], $0x80, s18, s12, $0xb8;
	[tilespmem:$0x17980] =	vst v63  }
0x17a: {  	_ =	swait.ge [sflag:s14], $0x2800  }
0x17b: {  	v1 =	vmov s18;
	[sflag:s14] =	ssyncset.done $0x0  }
0x17c: {  	s16 =	simm.s32 $0x140;
	[sflag:s14] =	ssyncadd.s32 $0xFFFFD800  }
0x17d: {  	v5 =	vld [tilespmem:s16+$0x30]  }
0x17e: {  	v8 =	vld [tilespmem:s16+$0x10]  }
0x17f: {  	v6 =	vld [tilespmem:s16+$0xFFFFFFC0]  }
0x180: {  	v2 =	vld.idx.msk [tilespmem:v1+s10+$0x0], $0xffff  }
0x181: {  	v10 =	vld [tilespmem:s16+$0xFFFFFFE0]  }
0x182: {  	v1 =	vld [tilespmem:s16+$0xFFFFFFF0]  }
0x183: {  	v3 =	vld [tilespmem:s16+$0x20]  }
0x184: {  	v4 =	vld [tilespmem:s16+$0xFFFFFFD0]  }
0x185: {  	v9 =	vmul.f32 v5, v2;
	v5 =	vld [tilespmem:s16+$0x0]  }
0x186: {  	v7 =	vmul.f32 v6, v2  }
0x187: {  	s17 =	simm.s32 $0x1;
	s18 =	simm.s32 $0x140;
	v6 =	vmul.f32 v10, v2;
	v8 =	vmul.f32 v8, v2  }
.LBB2_3:
0x188: {  	p0 =	sne.s32 s17, $0x4F  }
0x189: {  	v4 =	vmul.f32 v4, v2;
	v3 =	vmul.f32 v3, v2;
	[tilespmem:s16+$0x30] =	vst v9;
	s18 =	sadd.s32 $0x80, s18;
	s19 =	smov.u32 s17;
	s17 =	sadd.s32 $0x1, s17  }
0x18a: {  	[tilespmem:s16+$0xFFFFFFC0] =	vst v7;
	v7 =	vmul.f32 v1, v2;
	v2 =	vmul.f32 v5, v2  }
0x18b: {  	[tilespmem:s16+$0x10] =	vst v8  }
0x18c: {  	v5 =	vmov s19;
	[tilespmem:s16+$0xFFFFFFE0] =	vst v6  }
0x18d: {  	v1 =	vld [tilespmem:s18+$0xFFFFFFF0];
	[tilespmem:s16+$0xFFFFFFF0] =	vst v7  }
0x18e: {  	v6 =	vld [tilespmem:s18+$0x30];
	[tilespmem:s16+$0x0] =	vst v2  }
0x18f: {  	v8 =	vld [tilespmem:s18+$0x10];
	[tilespmem:s16+$0x20] =	vst v3  }
0x190: {  	v7 =	vld [tilespmem:s18+$0xFFFFFFC0];
	[tilespmem:s16+$0xFFFFFFD0] =	vst v4;
	s16 =	smov.u32 s18  }
0x191: {  	v2 =	vld.idx.msk [tilespmem:v5+s10+$0x0], $0xffff  }
0x192: {  	v10 =	vld [tilespmem:s18+$0xFFFFFFE0]  }
0x193: {  	v3 =	vld [tilespmem:s18+$0x20]  }
.Ltmp0:
0x194: {  	v4 =	vld [tilespmem:s18+$0xFFFFFFD0];
	(pc) =	sbr.rel @p0 .LBB2_3-.Ltmp0, $3  }
0x195: {  	v5 =	vld [tilespmem:s18+$0x0];
	_ =	sdelay $0x1  }
0x196: {  	v7 =	vmul.f32 v7, v2;
	v9 =	vmul.f32 v6, v2  }
0x197: {  	v8 =	vmul.f32 v8, v2;
	v6 =	vmul.f32 v10, v2  }
0x198: {  	[tilespmem:s16+$0x30] =	vst v9  }
0x199: {  	[tilespmem:s16+$0xFFFFFFC0] =	vst v7  }
0x19a: {  	v1 =	vmul.f32 v1, v2;
	[tilespmem:s16+$0x10] =	vst v8  }
0x19b: {  	v3 =	vmul.f32 v3, v2;
	[tilespmem:s16+$0xFFFFFFE0] =	vst v6  }
0x19c: {  	v5 =	vmul.f32 v5, v2;
	[tilespmem:s16+$0xFFFFFFF0] =	vst v1  }
0x19d: {  	s15 =	sadd.s32 $0x1, s15;
	v1 =	vmul.f32 v4, v2;
	[tilespmem:s16+$0x20] =	vst v3  }
0x19e: {  	p0 =	sne.s32 s15, $0x7D;
	[tilespmem:s16+$0x0] =	vst v5  }
.Ltmp1:
0x19f: {  	[tilespmem:s16+$0xFFFFFFD0] =	vst v1;
	(pc) =	sbr.rel @p0 .LBB2_2-.Ltmp1, $4  }
0x1a0: {  	[spmem:s2] =	stream.indirect.scatter.add.f32 [tilespmem:s13], [sflag:$0x2], $0x80, s11, s12, $0xb8;
	[tilespmem:$0x17980] =	vst v63  }
0x1a1: {  	_ =	swait.ge [sflag:s3], $0x2800  }
0x1a2: {  	[sflag:s3] =	ssyncset.done $0x0  }
0x1a3: {  	[sflag:s3] =	ssyncadd.s32 $0xFFFFD800  }
0x1a4: {  	s15 =	stileid.u32  }
0x1a5: {  	[bflag:$0x0] =	sbarrier.arrive $0xFFFF;
	s15 =	sshll.u32 s15, $0x6  }
0x1a6: {  	s16 =	sshrl.u32 s8, $0x3;
	s17 =	rddreg [dreg:$0x4];
	s15 =	sor.u32 $0x1C02, s15  }
0x1a7: {  	[hbm:s17], [sflag:s15] =	dma.local [spmem:s16], $0x2800  }
0x1a8: {  	_ =	swait.ge [sflag:s3], $0x2800  }
0x1a9: {  	s4 =	sadd.s32 $0x1, s4;
	s19 =	rddreg [dreg:$0x5]  }
0x1aa: {  	p0 =	sne.s32 s4, s19  }
.Ltmp2:
0x1ab: {  	_ = 	snop;
	(pc) =	sbr.rel @p0 .LBB2_1-.Ltmp2, $3  }
0x1ac: {  	_ =	sdelay $0x1  }
0x1ad: {  	[sflag:s3] =	ssyncset.done $0x0  }
0x1ae: {  	[sflag:s3] =	ssyncadd.s32 $0xFFFFD800  }
0x1af: {  	_ =	sfence.sel $0x180000  }
0x1b0: {  	[bflag:$0x0] =	sbarrier.arrive $0xFFFF  }
0x1b1: {  	_ =	strace $0x90000050  }
0x1b2: {  	s0 =	stileid.u32;
	[bflag:$0x2] =	sbarrier.arrive $0xFFFF  }
0x1b3: {  	p0 =	sne.s32 s0, $0x0;
	s0 =	rddreg [dreg:$0x3]  }
0x1b4: {  	s0 =	sadd.s32 @!p0 $0x100000, s0  }
0x1b5: {  	[sflag:s0] =	ssyncadd.tile.s32 @!p0 $0x1;
	_ =	shalt  }
.Lfunc_end2:
_tile_overlayer_lowered:
.L_overlay_start_2:
0x1b6: {  	(tag) =	ssettag $0x2  }
0x1b7: {  	s0 =	rddreg [dreg:$0x0];
	s2 =	stileid.u32  }
0x1b8: {  	s1 =	rddreg [dreg:$0x1];
	p0 =	sne.s32 s2, $0x0  }
0x1b9: {  	s3 =	rddreg [dreg:$0x2];
	[bflag:$0x3] =	sbarrier.arrive $0xFFFF;
	s2 =	simm.s32 @!p0 $0x1C02  }
0x1ba: {  	[timem:s3], [sflag:s2] =	dma.local @!p0 [hbm:s0], s1  }
0x1bb: {  	s0 =	simm.s32 @!p0 $0x2  }
0x1bc: {  	_ =	swait.ge @!p0 [sflag:s0], s1  }
0x1bd: {  	s1 =	ssub.s32 @!p0 $0x0, s1;
	[sflag:s0] =	ssyncset.done @!p0 $0x0  }
0x1be: {  	[sflag:s0] =	ssyncadd.s32 @!p0 s1  }
0x1bf: {  	[bflag:$0x3] =	sbarrier.arrive $0xFFFF  }
0x1c0: {  	_ =	shalt  }

</sc_bundles>
